<compile_context>
chip_gen: v7x
topology: tpu7x:2x2x1
jax: 0.10.2.dev20260603
libtpu: 0.0.44.dev20260713+nightly
codegen_flags: <defaults>
</compile_context>

<pallas_src>
import functools

import jax
import jax.numpy as jnp
from jax import lax
from jax.experimental import pallas as pl
from jax.experimental.pallas import tpu as pltpu
from jax.experimental.pallas import tpu_sc as plsc

_NC = 2
_NS = 16
_NW = _NC * _NS


def _silu(v):
    return v * jax.nn.sigmoid(v)


def _dot_t(a, b):
    return jax.lax.dot_general(a, b, (((1,), (1,)), ((), ())),
                               preferred_element_type=jnp.float32)



def _router_shared_body(x_ref, wg_ref, ws1_ref, ws2_ref,
                        eid_ref, w_ref, rank_ref, counts_ref, sh_ref,
                        carry_ref):
    t = pl.program_id(0)
    E = wg_ref.shape[0]
    TB = x_ref.shape[0]
    xb = x_ref[...]
    s = jax.nn.sigmoid(_dot_t(xb, wg_ref[...]))
    m = jnp.max(s, axis=1)
    ii = jax.lax.broadcasted_iota(jnp.int32, s.shape, 1)
    eid = jnp.min(jnp.where(s >= m[:, None], ii, E), axis=1)
    eid_ref[...] = eid
    w_ref[...] = m / (m + 1e-20)

    @pl.when(t == 0)
    def _():
        carry_ref[...] = jnp.zeros_like(carry_ref)

    oh = (eid[:, None] == ii).astype(jnp.float32)
    ri = jax.lax.broadcasted_iota(jnp.int32, (TB, TB), 0)
    ci = jax.lax.broadcasted_iota(jnp.int32, (TB, TB), 1)
    tril = (ci < ri).astype(jnp.float32)
    local = jax.lax.dot_general(tril, oh, (((1,), (0,)), ((), ())),
                                preferred_element_type=jnp.float32)
    rank = jnp.sum((local + carry_ref[0, :][None, :]) * oh, axis=1)
    rank_ref[...] = rank.astype(jnp.int32)
    carry_ref[...] = carry_ref[...] + jnp.sum(oh, axis=0)[None, :]
    counts_ref[...] = carry_ref[...]

    sh_ref[...] = _dot_t(_silu(_dot_t(xb, ws1_ref[...])), ws2_ref[...])


def _router_shared(xf, Wg, Ws1, Ws2):
    T, D = xf.shape
    E = Wg.shape[0]
    FS = Ws1.shape[0]
    TB = 256
    nt = T // TB
    return pl.pallas_call(
        _router_shared_body,
        grid=(nt,),
        in_specs=[
            pl.BlockSpec((TB, D), lambda t: (t, 0)),
            pl.BlockSpec((E, D), lambda t: (0, 0)),
            pl.BlockSpec((FS, D), lambda t: (0, 0)),
            pl.BlockSpec((D, FS), lambda t: (0, 0)),
        ],
        out_specs=(
            pl.BlockSpec((TB,), lambda t: (t,)),
            pl.BlockSpec((TB,), lambda t: (t,)),
            pl.BlockSpec((TB,), lambda t: (t,)),
            pl.BlockSpec((1, E), lambda t: (0, 0)),
            pl.BlockSpec((TB, D), lambda t: (t, 0)),
        ),
        out_shape=(jax.ShapeDtypeStruct((T,), jnp.int32),
                   jax.ShapeDtypeStruct((T,), jnp.float32),
                   jax.ShapeDtypeStruct((T,), jnp.int32),
                   jax.ShapeDtypeStruct((1, E), jnp.float32),
                   jax.ShapeDtypeStruct((T, D), jnp.float32)),
        scratch_shapes=[pltpu.VMEM((1, E), jnp.float32)],
        compiler_params=pltpu.CompilerParams(
            dimension_semantics=("arbitrary",)),
    )(xf, Wg, Ws1, Ws2)



def _make_sc_scatter(n_tok, n_slot, d, chunk):
    assert n_tok % (_NW * chunk) == 0
    n_chunks = n_tok // (_NW * chunk)
    mesh = plsc.VectorSubcoreMesh(core_axis_name="c", subcore_axis_name="s")

    @functools.partial(
        pl.kernel, mesh=mesh,
        out_type=jax.ShapeDtypeStruct((n_slot, d), jnp.float32),
        scratch_types=[
            pltpu.VMEM((chunk,), jnp.int32),
            pltpu.VMEM((chunk, d), jnp.float32),
            pltpu.SemaphoreType.DMA,
        ],
    )
    def k(q_hbm, rows_hbm, out_hbm, idx_v, rows_v, sem):
        wid = lax.axis_index("s") * _NC + lax.axis_index("c")
        base0 = wid * (n_chunks * chunk)
        for c in range(n_chunks):
            base = base0 + c * chunk
            pltpu.sync_copy(q_hbm.at[pl.ds(base, chunk)], idx_v)
            pltpu.sync_copy(rows_hbm.at[pl.ds(base, chunk)], rows_v)
            pltpu.async_copy(rows_v, out_hbm.at[idx_v], sem).wait()

    return k



def _make_sc_combine(n_tok, n_slot, d, chunk):
    assert n_tok % (_NW * chunk) == 0
    n_chunks = n_tok // (_NW * chunk)
    nd16 = d // 16
    mesh = plsc.VectorSubcoreMesh(core_axis_name="c", subcore_axis_name="s")

    @functools.partial(
        pl.kernel, mesh=mesh,
        out_type=jax.ShapeDtypeStruct((n_tok, d), jnp.float32),
        scratch_types=[
            pltpu.VMEM((chunk,), jnp.int32),
            pltpu.VMEM((chunk, d), jnp.float32),
            pltpu.VMEM((chunk, d), jnp.float32),
            pltpu.SemaphoreType.DMA,
            pltpu.SemaphoreType.DMA,
        ],
    )
    def k(q_hbm, ypad_hbm, sh_hbm, out_hbm, idx_v, y2, s2, sem, sem2):
        wid = lax.axis_index("s") * _NC + lax.axis_index("c")
        base0 = wid * (n_chunks * chunk)
        for c in range(n_chunks):
            base = base0 + c * chunk
            pltpu.sync_copy(q_hbm.at[pl.ds(base, chunk)], idx_v)
            d_sh = pltpu.async_copy(sh_hbm.at[pl.ds(base, chunk)], s2, sem2)
            pltpu.async_copy(ypad_hbm.at[idx_v], y2, sem).wait()
            d_sh.wait()

            def body(r, carry):
                for j in range(nd16):
                    sl = pl.ds(j * 16, 16)
                    y2[r, sl] = y2[r, sl] + s2[r, sl]
                return carry

            plsc.parallel_loop(0, chunk, 1, unroll=1,
                               carry=jnp.int32(0))(body)
            pltpu.sync_copy(y2, out_hbm.at[pl.ds(base, chunk)])

    return k



def _group_body(be_ref, nba_ref, x_ref, wsl_ref, w1_ref, w2_ref, out_ref):
    g = pl.program_id(0)

    @pl.when(g < nba_ref[0])
    def _():
        xb = x_ref[...]
        h = _silu(_dot_t(xb, w1_ref[0]))
        y = _dot_t(h, w2_ref[0])
        out_ref[...] = wsl_ref[0, 0, :][:, None] * y


def _grouped_mlp(x_pad, w_slot3, W1, W2, block_expert, nb_act, blk):
    nslot, D = x_pad.shape
    E, F, _ = W1.shape
    nb = nslot // blk
    grid_spec = pltpu.PrefetchScalarGridSpec(
        num_scalar_prefetch=2,
        grid=(nb,),
        in_specs=[
            pl.BlockSpec((blk, D), lambda g, be, nba: (g, 0)),
            pl.BlockSpec((1, 1, blk), lambda g, be, nba: (g, 0, 0)),
            pl.BlockSpec((1, F, D), lambda g, be, nba: (be[g], 0, 0)),
            pl.BlockSpec((1, D, F), lambda g, be, nba: (be[g], 0, 0)),
        ],
        out_specs=pl.BlockSpec((blk, D), lambda g, be, nba: (g, 0)),
    )
    return pl.pallas_call(
        _group_body,
        grid_spec=grid_spec,
        out_shape=jax.ShapeDtypeStruct((nslot, D), jnp.float32),
        compiler_params=pltpu.CompilerParams(
            dimension_semantics=("arbitrary",)),
    )(block_expert, nb_act, x_pad, w_slot3, W1, W2)



_BLK = 128


def kernel(x, Wg, Ws1, Ws2, W1, W2):
    B, T, D = x.shape
    E, F, _ = W1.shape
    xf = x.reshape(T, D)
    blk = _BLK
    nb = T // blk + E
    nslot = nb * blk

    eid, w, rank, counts_f, shared = _router_shared(xf, Wg, Ws1, Ws2)

    counts = counts_f[0].astype(jnp.int32)
    nblocks_e = (counts + blk - 1) // blk
    cum_blocks = jnp.cumsum(nblocks_e)
    pad_offs = (cum_blocks - nblocks_e) * blk
    nb_act = cum_blocks[E - 1].astype(jnp.int32)
    gi = jnp.arange(nb, dtype=jnp.int32)
    block_expert = jnp.sum(
        (gi[:, None] >= cum_blocks[None, :]).astype(jnp.int32), axis=1)
    block_expert = jnp.minimum(block_expert, E - 1)
    last_e = block_expert[jnp.maximum(nb_act - 1, 0)]
    block_expert = jnp.where(gi < nb_act, block_expert, last_e)

    q = pad_offs[eid] + rank
    w_slot = jnp.zeros((nslot,), jnp.float32).at[q].set(w)

    x_pad = _make_sc_scatter(T, nslot, D, 64)(q, xf)
    y_pad = _grouped_mlp(x_pad, w_slot.reshape(nb, 1, blk), W1, W2,
                         block_expert, nb_act[None], blk)
    out = _make_sc_combine(T, nslot, D, 32)(q, y_pad, shared)
    return out.reshape(B, T, D)

# --- scband reference (transcript-rebuilt; emitter-appended) ---
"""Pipeline reference for scband-qwen-style-mo-e-52424370815198 (READ-ONLY COPY).

The authoritative reference and input builder live on the scoring server;
editing this copy changes nothing except your own understanding.
"""

import jax, jax.numpy as jnp
import numpy as np


def _silu(v):
    return v * jax.nn.sigmoid(v)


def setup_inputs(seed: int = 0) -> dict:
    key = jax.random.key(seed)
    ks = jax.random.split(key, 6)
    x = jax.random.normal(ks[0], (1, 2048, 1024), dtype=jnp.float32)
    Wg = jax.random.normal(ks[1], (16, 1024), dtype=jnp.float32) * 0.02
    Ws1 = jax.random.normal(ks[2], (704, 1024), dtype=jnp.float32) * 0.02
    Ws2 = jax.random.normal(ks[3], (1024, 704), dtype=jnp.float32) * 0.02
    W1 = jax.random.normal(ks[4], (16, 1408, 1024), dtype=jnp.float32) * 0.02
    W2 = jax.random.normal(ks[5], (16, 1024, 1408), dtype=jnp.float32) * 0.02
    return {"x": x, "Wg": Wg, "Ws1": Ws1, "Ws2": Ws2, "W1": W1, "W2": W2}


def reference(x, Wg, Ws1, Ws2, W1, W2):
    B, T, D = x.shape
    E = Wg.shape[0]
    top_k = 1
    x_flat = x.reshape(-1, D)
    # shared expert
    shared_out = _silu(x_flat @ Ws1.T) @ Ws2.T
    # router: sigmoid gate + correction bias (buffer initialized to zeros)
    e_score_correction_bias = jnp.zeros((E,), dtype=x_flat.dtype)
    scores = jax.nn.sigmoid(x_flat @ Wg.T) + e_score_correction_bias
    topk_weights, topk_indices = jax.lax.top_k(scores, top_k)
    topk_weights = topk_weights / (jnp.sum(topk_weights, axis=-1, keepdims=True) + 1e-20)
    # per-token per-expert combine weight: c[n, e] = sum_k w[n,k] * 1[idx[n,k]==e]
    onehot = jax.nn.one_hot(topk_indices, E, dtype=x_flat.dtype)  # [N, k, E]
    combine = jnp.sum(topk_weights[..., None] * onehot, axis=1)  # [N, E]
    sparse_out = jnp.zeros_like(x_flat)
    for e in range(E):
        h = _silu(x_flat @ W1[e].T) @ W2[e].T
        sparse_out = sparse_out + combine[:, e:e + 1] * h
    return (shared_out + sparse_out).reshape(B, T, D)

if __name__ == "__main__":
    import jax
    _d = setup_inputs()
    print(jax.jit(kernel)(*tuple(_d.values())))

</pallas_src>

<mosaic_0001>
#map = affine_map<(d0, d1) -> (0)>
#map1 = affine_map<(d0, d1) -> (0, 0)>
module attributes {stable_mosaic.version = 14 : i64} {
  func.func @k(%arg0: i32, %arg1: i32, %arg2: memref<2048xi32, #tpu.memory_space<hbm>>, %arg3: memref<4096x1024xf32, #tpu.memory_space<hbm>>, %arg4: memref<2048x1024xf32, #tpu.memory_space<hbm>>, %arg5: memref<2048x1024xf32, #tpu.memory_space<hbm>>, %arg6: memref<32xi32, #tpu.memory_space<vmem>>, %arg7: memref<32x1024xf32, #tpu.memory_space<vmem>>, %arg8: memref<32x1024xf32, #tpu.memory_space<vmem>>, %arg9: memref<!tpu.dma_semaphore, #tpu.memory_space<semaphore_mem>>, %arg10: memref<!tpu.dma_semaphore, #tpu.memory_space<semaphore_mem>>) attributes {dimension_semantics = [#tpu.dimension_semantics<core_parallel>, #tpu.dimension_semantics<subcore_parallel>], iteration_bounds = array<i64: 2, 16>, scalar_prefetch = 0 : i64, scratch_operands = 5 : i64, tpu.core_type = #tpu.core_type<sc_vector_subcore>, window_params = [{transform_indices = #map}, {transform_indices = #map1}, {transform_indices = #map1}, {transform_indices = #map1}]} {
    %mul3A = arith.constant 2 : i32
    %mul3A_0 = arith.muli %arg1, %mul3A : i32
    %add3A = arith.addi %mul3A_0, %arg0 : i32
    %mul3A_1 = arith.constant 64 : i32
    %mul3A_2 = arith.muli %add3A, %mul3A_1 : i32
    %add3A_3 = arith.constant 0 : i32
    %add3A_4 = arith.addi %mul3A_2, %add3A_3 : i32
    "tpu.region"() ({
      %run_scoped3A = tpu.sem_alloc : memref<!tpu.dma_semaphore, #tpu.memory_space<semaphore_mem>>
      %dma_start3A_42 = tpu.memref_slice %arg2[%add3A_4] : memref<2048xi32, #tpu.memory_space<hbm>> -> memref<32xi32, #tpu.memory_space<hbm>>
      %dma_start3A_43 = tpu.memref_slice %arg2[%add3A_4] : memref<2048xi32, #tpu.memory_space<hbm>> -> memref<32xi32, #tpu.memory_space<hbm>>
      tpu.enqueue_dma source(%dma_start3A_43 : memref<32xi32, #tpu.memory_space<hbm>>) target(%arg6 : memref<32xi32, #tpu.memory_space<vmem>>) target_semaphore(%run_scoped3A : memref<!tpu.dma_semaphore, #tpu.memory_space<semaphore_mem>>)
      %dma_wait3A_44 = tpu.memref_slice %arg2[%add3A_4] : memref<2048xi32, #tpu.memory_space<hbm>> -> memref<32xi32, #tpu.memory_space<hbm>>
      %dma_wait3A_45 = tpu.memref_slice %arg2[%add3A_4] : memref<2048xi32, #tpu.memory_space<hbm>> -> memref<32xi32, #tpu.memory_space<hbm>>
      tpu.wait_dma2 semaphore(%run_scoped3A : memref<!tpu.dma_semaphore, #tpu.memory_space<semaphore_mem>>) src(%dma_wait3A_45 : memref<32xi32, #tpu.memory_space<hbm>>) dst(%arg6 : memref<32xi32, #tpu.memory_space<vmem>>)
      tpu.yield
    }) : () -> ()
    %dma_start3A = arith.constant 0 : i32
    %dma_start3A_5 = tpu.memref_slice %arg4[%add3A_4, %dma_start3A] : memref<2048x1024xf32, #tpu.memory_space<hbm>> -> memref<32x1024xf32, #tpu.memory_space<hbm>>
    %dma_start3A_6 = arith.constant 0 : i32
    %dma_start3A_7 = tpu.memref_slice %arg4[%add3A_4, %dma_start3A_6] : memref<2048x1024xf32, #tpu.memory_space<hbm>> -> memref<32x1024xf32, #tpu.memory_space<hbm>>
    tpu.enqueue_dma source(%dma_start3A_7 : memref<32x1024xf32, #tpu.memory_space<hbm>>) target(%arg8 : memref<32x1024xf32, #tpu.memory_space<vmem>>) target_semaphore(%arg10 : memref<!tpu.dma_semaphore, #tpu.memory_space<semaphore_mem>>)
    %dma_start3A_8 = arith.constant 0 : i32
    %dma_start3A_9 = arith.constant 0 : i32
    %dma_start3A_10 = tpu.memref_slice %arg3[%dma_start3A_8, %dma_start3A_9] : memref<4096x1024xf32, #tpu.memory_space<hbm>> -> memref<4096x1024xf32, #tpu.memory_space<hbm>>
    tpu.enqueue_indirect_dma source(%dma_start3A_10 : memref<4096x1024xf32, #tpu.memory_space<hbm>>) target(%arg7 : memref<32x1024xf32, #tpu.memory_space<vmem>>) offsets(%arg6 : memref<32xi32, #tpu.memory_space<vmem>>) semaphore(%arg9 : memref<!tpu.dma_semaphore, #tpu.memory_space<semaphore_mem>>)
    %dma_wait3A = arith.constant 0 : i32
    %dma_wait3A_11 = arith.constant 0 : i32
    %dma_wait3A_12 = tpu.memref_slice %arg3[%dma_wait3A, %dma_wait3A_11] : memref<4096x1024xf32, #tpu.memory_space<hbm>> -> memref<4096x1024xf32, #tpu.memory_space<hbm>>
    tpu.wait_indirect_dma semaphore(%arg9 : memref<!tpu.dma_semaphore, #tpu.memory_space<semaphore_mem>>) src(%dma_wait3A_12 : memref<4096x1024xf32, #tpu.memory_space<hbm>>) dst(%arg7 : memref<32x1024xf32, #tpu.memory_space<vmem>>)
    %dma_wait3A_13 = arith.constant 0 : i32
    %dma_wait3A_14 = tpu.memref_slice %arg4[%add3A_4, %dma_wait3A_13] : memref<2048x1024xf32, #tpu.memory_space<hbm>> -> memref<32x1024xf32, #tpu.memory_space<hbm>>
    %dma_wait3A_15 = arith.constant 0 : i32
    %dma_wait3A_16 = tpu.memref_slice %arg4[%add3A_4, %dma_wait3A_15] : memref<2048x1024xf32, #tpu.memory_space<hbm>> -> memref<32x1024xf32, #tpu.memory_space<hbm>>
    tpu.wait_dma2 semaphore(%arg10 : memref<!tpu.dma_semaphore, #tpu.memory_space<semaphore_mem>>) src(%dma_wait3A_16 : memref<32x1024xf32, #tpu.memory_space<hbm>>) dst(%arg8 : memref<32x1024xf32, #tpu.memory_space<vmem>>)
    %parallel_loop3A = arith.constant 0 : i32
    %parallel_loop3A_17 = arith.constant 32 : i32
    %parallel_loop3A_18 = arith.constant 1 : i32
    %parallel_loop3A_19 = arith.constant 0 : i32
    %parallel_loop3A_20 = scf.for %parallel_loop3A_42 = %parallel_loop3A to %parallel_loop3A_17 step %parallel_loop3A_18 iter_args(%parallel_loop3A_43 = %parallel_loop3A_19) -> (i32)  : i32 {
      %parallel_loop3A_44 = arith.index_cast %parallel_loop3A_42 : i32 to index
      %parallel_loop3A_45 = arith.constant 0 : index
      %parallel_loop3A_46 = tpu.vector_load %arg7[%parallel_loop3A_44, %parallel_loop3A_45] {strides = array<i32>} : memref<32x1024xf32, #tpu.memory_space<vmem>>, vector<1x16xf32>,
      %parallel_loop3A_47 = vector.shape_cast %parallel_loop3A_46 : vector<1x16xf32> to vector<16xf32>
      %parallel_loop3A_48 = arith.index_cast %parallel_loop3A_42 : i32 to index
      %parallel_loop3A_49 = arith.constant 0 : index
      %parallel_loop3A_50 = tpu.vector_load %arg8[%parallel_loop3A_48, %parallel_loop3A_49] {strides = array<i32>} : memref<32x1024xf32, #tpu.memory_space<vmem>>, vector<1x16xf32>,
      %parallel_loop3A_51 = vector.shape_cast %parallel_loop3A_50 : vector<1x16xf32> to vector<16xf32>
      %parallel_loop3A_52 = arith.addf %parallel_loop3A_47, %parallel_loop3A_51 : vector<16xf32>
      %parallel_loop3A_53 = arith.index_cast %parallel_loop3A_42 : i32 to index
      %parallel_loop3A_54 = arith.constant 0 : index
      %parallel_loop3A_55 = tpu.vector_load %arg7[%parallel_loop3A_53, %parallel_loop3A_54] {strides = array<i32>} : memref<32x1024xf32, #tpu.memory_space<vmem>>, vector<1x16xf32>,
      %parallel_loop3A_56 = vector.shape_cast %parallel_loop3A_55 : vector<1x16xf32> to vector<16xf32>
      %parallel_loop3A_57 = vector.shape_cast %parallel_loop3A_52 : vector<16xf32> to vector<1x16xf32>
      tpu.vector_store %arg7[%parallel_loop3A_53, %parallel_loop3A_54], %parallel_loop3A_57 {strides = array<i32>} : memref<32x1024xf32, #tpu.memory_space<vmem>>, vector<1x16xf32>,
      %parallel_loop3A_58 = arith.index_cast %parallel_loop3A_42 : i32 to index
      %parallel_loop3A_59 = arith.constant 16 : index
      %parallel_loop3A_60 = tpu.vector_load %arg7[%parallel_loop3A_58, %parallel_loop3A_59] {strides = array<i32>} : memref<32x1024xf32, #tpu.memory_space<vmem>>, vector<1x16xf32>,
      %parallel_loop3A_61 = vector.shape_cast %parallel_loop3A_60 : vector<1x16xf32> to vector<16xf32>
      %parallel_loop3A_62 = arith.index_cast %parallel_loop3A_42 : i32 to index
      %parallel_loop3A_63 = arith.constant 16 : index
      %parallel_loop3A_64 = tpu.vector_load %arg8[%parallel_loop3A_62, %parallel_loop3A_63] {strides = array<i32>} : memref<32x1024xf32, #tpu.memory_space<vmem>>, vector<1x16xf32>,
      %parallel_loop3A_65 = vector.shape_cast %parallel_loop3A_64 : vector<1x16xf32> to vector<16xf32>
      %parallel_loop3A_66 = arith.addf %parallel_loop3A_61, %parallel_loop3A_65 : vector<16xf32>
      %parallel_loop3A_67 = arith.index_cast %parallel_loop3A_42 : i32 to index
      %parallel_loop3A_68 = arith.constant 16 : index
      %parallel_loop3A_69 = tpu.vector_load %arg7[%parallel_loop3A_67, %parallel_loop3A_68] {strides = array<i32>} : memref<32x1024xf32, #tpu.memory_space<vmem>>, vector<1x16xf32>,
      %parallel_loop3A_70 = vector.shape_cast %parallel_loop3A_69 : vector<1x16xf32> to vector<16xf32>
      %parallel_loop3A_71 = vector.shape_cast %parallel_loop3A_66 : vector<16xf32> to vector<1x16xf32>
      tpu.vector_store %arg7[%parallel_loop3A_67, %parallel_loop3A_68], %parallel_loop3A_71 {strides = array<i32>} : memref<32x1024xf32, #tpu.memory_space<vmem>>, vector<1x16xf32>,
      %parallel_loop3A_72 = arith.index_cast %parallel_loop3A_42 : i32 to index
      %parallel_loop3A_73 = arith.constant 32 : index
      %parallel_loop3A_74 = tpu.vector_load %arg7[%parallel_loop3A_72, %parallel_loop3A_73] {strides = array<i32>} : memref<32x1024xf32, #tpu.memory_space<vmem>>, vector<1x16xf32>,
      %parallel_loop3A_75 = vector.shape_cast %parallel_loop3A_74 : vector<1x16xf32> to vector<16xf32>
      %parallel_loop3A_76 = arith.index_cast %parallel_loop3A_42 : i32 to index
      %parallel_loop3A_77 = arith.constant 32 : index
      %parallel_loop3A_78 = tpu.vector_load %arg8[%parallel_loop3A_76, %parallel_loop3A_77] {strides = array<i32>} : memref<32x1024xf32, #tpu.memory_space<vmem>>, vector<1x16xf32>,
      %parallel_loop3A_79 = vector.shape_cast %parallel_loop3A_78 : vector<1x16xf32> to vector<16xf32>
      %parallel_loop3A_80 = arith.addf %parallel_loop3A_75, %parallel_loop3A_79 : vector<16xf32>
      %parallel_loop3A_81 = arith.index_cast %parallel_loop3A_42 : i32 to index
      %parallel_loop3A_82 = arith.constant 32 : index
      %parallel_loop3A_83 = tpu.vector_load %arg7[%parallel_loop3A_81, %parallel_loop3A_82] {strides = array<i32>} : memref<32x1024xf32, #tpu.memory_space<vmem>>, vector<1x16xf32>,
      %parallel_loop3A_84 = vector.shape_cast %parallel_loop3A_83 : vector<1x16xf32> to vector<16xf32>
      %parallel_loop3A_85 = vector.shape_cast %parallel_loop3A_80 : vector<16xf32> to vector<1x16xf32>
      tpu.vector_store %arg7[%parallel_loop3A_81, %parallel_loop3A_82], %parallel_loop3A_85 {strides = array<i32>} : memref<32x1024xf32, #tpu.memory_space<vmem>>, vector<1x16xf32>,
      %parallel_loop3A_86 = arith.index_cast %parallel_loop3A_42 : i32 to index
      %parallel_loop3A_87 = arith.constant 48 : index
      %parallel_loop3A_88 = tpu.vector_load %arg7[%parallel_loop3A_86, %parallel_loop3A_87] {strides = array<i32>} : memref<32x1024xf32, #tpu.memory_space<vmem>>, vector<1x16xf32>,
      %parallel_loop3A_89 = vector.shape_cast %parallel_loop3A_88 : vector<1x16xf32> to vector<16xf32>
      %parallel_loop3A_90 = arith.index_cast %parallel_loop3A_42 : i32 to index
      %parallel_loop3A_91 = arith.constant 48 : index
      %parallel_loop3A_92 = tpu.vector_load %arg8[%parallel_loop3A_90, %parallel_loop3A_91] {strides = array<i32>} : memref<32x1024xf32, #tpu.memory_space<vmem>>, vector<1x16xf32>,
      %parallel_loop3A_93 = vector.shape_cast %parallel_loop3A_92 : vector<1x16xf32> to vector<16xf32>
      %parallel_loop3A_94 = arith.addf %parallel_loop3A_89, %parallel_loop3A_93 : vector<16xf32>
      %parallel_loop3A_95 = arith.index_cast %parallel_loop3A_42 : i32 to index
      %parallel_loop3A_96 = arith.constant 48 : index
      %parallel_loop3A_97 = tpu.vector_load %arg7[%parallel_loop3A_95, %parallel_loop3A_96] {strides = array<i32>} : memref<32x1024xf32, #tpu.memory_space<vmem>>, vector<1x16xf32>,
      %parallel_loop3A_98 = vector.shape_cast %parallel_loop3A_97 : vector<1x16xf32> to vector<16xf32>
      %parallel_loop3A_99 = vector.shape_cast %parallel_loop3A_94 : vector<16xf32> to vector<1x16xf32>
      tpu.vector_store %arg7[%parallel_loop3A_95, %parallel_loop3A_96], %parallel_loop3A_99 {strides = array<i32>} : memref<32x1024xf32, #tpu.memory_space<vmem>>, vector<1x16xf32>,
      %parallel_loop3A_100 = arith.index_cast %parallel_loop3A_42 : i32 to index
      %parallel_loop3A_101 = arith.constant 64 : index
      %parallel_loop3A_102 = tpu.vector_load %arg7[%parallel_loop3A_100, %parallel_loop3A_101] {strides = array<i32>} : memref<32x1024xf32, #tpu.memory_space<vmem>>, vector<1x16xf32>,
      %parallel_loop3A_103 = vector.shape_cast %parallel_loop3A_102 : vector<1x16xf32> to vector<16xf32>
      %parallel_loop3A_104 = arith.index_cast %parallel_loop3A_42 : i32 to index
      %parallel_loop3A_105 = arith.constant 64 : index
      %parallel_loop3A_106 = tpu.vector_load %arg8[%parallel_loop3A_104, %parallel_loop3A_105] {strides = array<i32>} : memref<32x1024xf32, #tpu.memory_space<vmem>>, vector<1x16xf32>,
      %parallel_loop3A_107 = vector.shape_cast %parallel_loop3A_106 : vector<1x16xf32> to vector<16xf32>
      %parallel_loop3A_108 = arith.addf %parallel_loop3A_103, %parallel_loop3A_107 : vector<16xf32>
      %parallel_loop3A_109 = arith.index_cast %parallel_loop3A_42 : i32 to index
      %parallel_loop3A_110 = arith.constant 64 : index
      %parallel_loop3A_111 = tpu.vector_load %arg7[%parallel_loop3A_109, %parallel_loop3A_110] {strides = array<i32>} : memref<32x1024xf32, #tpu.memory_space<vmem>>, vector<1x16xf32>,
      %parallel_loop3A_112 = vector.shape_cast %parallel_loop3A_111 : vector<1x16xf32> to vector<16xf32>
      %parallel_loop3A_113 = vector.shape_cast %parallel_loop3A_108 : vector<16xf32> to vector<1x16xf32>
      tpu.vector_store %arg7[%parallel_loop3A_109, %parallel_loop3A_110], %parallel_loop3A_113 {strides = array<i32>} : memref<32x1024xf32, #tpu.memory_space<vmem>>, vector<1x16xf32>,
      %parallel_loop3A_114 = arith.index_cast %parallel_loop3A_42 : i32 to index
      %parallel_loop3A_115 = arith.constant 80 : index
      %parallel_loop3A_116 = tpu.vector_load %arg7[%parallel_loop3A_114, %parallel_loop3A_115] {strides = array<i32>} : memref<32x1024xf32, #tpu.memory_space<vmem>>, vector<1x16xf32>,
      %parallel_loop3A_117 = vector.shape_cast %parallel_loop3A_116 : vector<1x16xf32> to vector<16xf32>
      %parallel_loop3A_118 = arith.index_cast %parallel_loop3A_42 : i32 to index
      %parallel_loop3A_119 = arith.constant 80 : index
      %parallel_loop3A_120 = tpu.vector_load %arg8[%parallel_loop3A_118, %parallel_loop3A_119] {strides = array<i32>} : memref<32x1024xf32, #tpu.memory_space<vmem>>, vector<1x16xf32>,
      %parallel_loop3A_121 = vector.shape_cast %parallel_loop3A_120 : vector<1x16xf32> to vector<16xf32>
      %parallel_loop3A_122 = arith.addf %parallel_loop3A_117, %parallel_loop3A_121 : vector<16xf32>
      %parallel_loop3A_123 = arith.index_cast %parallel_loop3A_42 : i32 to index
      %parallel_loop3A_124 = arith.constant 80 : index
      %parallel_loop3A_125 = tpu.vector_load %arg7[%parallel_loop3A_123, %parallel_loop3A_124] {strides = array<i32>} : memref<32x1024xf32, #tpu.memory_space<vmem>>, vector<1x16xf32>,
      %parallel_loop3A_126 = vector.shape_cast %parallel_loop3A_125 : vector<1x16xf32> to vector<16xf32>
      %parallel_loop3A_127 = vector.shape_cast %parallel_loop3A_122 : vector<16xf32> to vector<1x16xf32>
      tpu.vector_store %arg7[%parallel_loop3A_123, %parallel_loop3A_124], %parallel_loop3A_127 {strides = array<i32>} : memref<32x1024xf32, #tpu.memory_space<vmem>>, vector<1x16xf32>,
      %parallel_loop3A_128 = arith.index_cast %parallel_loop3A_42 : i32 to index
      %parallel_loop3A_129 = arith.constant 96 : index
      %parallel_loop3A_130 = tpu.vector_load %arg7[%parallel_loop3A_128, %parallel_loop3A_129] {strides = array<i32>} : memref<32x1024xf32, #tpu.memory_space<vmem>>, vector<1x16xf32>,
      %parallel_loop3A_131 = vector.shape_cast %parallel_loop3A_130 : vector<1x16xf32> to vector<16xf32>
      %parallel_loop3A_132 = arith.index_cast %parallel_loop3A_42 : i32 to index
      %parallel_loop3A_133 = arith.constant 96 : index
      %parallel_loop3A_134 = tpu.vector_load %arg8[%parallel_loop3A_132, %parallel_loop3A_133] {strides = array<i32>} : memref<32x1024xf32, #tpu.memory_space<vmem>>, vector<1x16xf32>,
      %parallel_loop3A_135 = vector.shape_cast %parallel_loop3A_134 : vector<1x16xf32> to vector<16xf32>
      %parallel_loop3A_136 = arith.addf %parallel_loop3A_131, %parallel_loop3A_135 : vector<16xf32>
      %parallel_loop3A_137 = arith.index_cast %parallel_loop3A_42 : i32 to index
      %parallel_loop3A_138 = arith.constant 96 : index
      %parallel_loop3A_139 = tpu.vector_load %arg7[%parallel_loop3A_137, %parallel_loop3A_138] {strides = array<i32>} : memref<32x1024xf32, #tpu.memory_space<vmem>>, vector<1x16xf32>,
      %parallel_loop3A_140 = vector.shape_cast %parallel_loop3A_139 : vector<1x16xf32> to vector<16xf32>
      %parallel_loop3A_141 = vector.shape_cast %parallel_loop3A_136 : vector<16xf32> to vector<1x16xf32>
      tpu.vector_store %arg7[%parallel_loop3A_137, %parallel_loop3A_138], %parallel_loop3A_141 {strides = array<i32>} : memref<32x1024xf32, #tpu.memory_space<vmem>>, vector<1x16xf32>,
      %parallel_loop3A_142 = arith.index_cast %parallel_loop3A_42 : i32 to index
      %parallel_loop3A_143 = arith.constant 112 : index
      %parallel_loop3A_144 = tpu.vector_load %arg7[%parallel_loop3A_142, %parallel_loop3A_143] {strides = array<i32>} : memref<32x1024xf32, #tpu.memory_space<vmem>>, vector<1x16xf32>,
      %parallel_loop3A_145 = vector.shape_cast %parallel_loop3A_144 : vector<1x16xf32> to vector<16xf32>
      %parallel_loop3A_146 = arith.index_cast %parallel_loop3A_42 : i32 to index
      %parallel_loop3A_147 = arith.constant 112 : index
      %parallel_loop3A_148 = tpu.vector_load %arg8[%parallel_loop3A_146, %parallel_loop3A_147] {strides = array<i32>} : memref<32x1024xf32, #tpu.memory_space<vmem>>, vector<1x16xf32>,
      %parallel_loop3A_149 = vector.shape_cast %parallel_loop3A_148 : vector<1x16xf32> to vector<16xf32>
      %parallel_loop3A_150 = arith.addf %parallel_loop3A_145, %parallel_loop3A_149 : vector<16xf32>
      %parallel_loop3A_151 = arith.index_cast %parallel_loop3A_42 : i32 to index
      %parallel_loop3A_152 = arith.constant 112 : index
      %parallel_loop3A_153 = tpu.vector_load %arg7[%parallel_loop3A_151, %parallel_loop3A_152] {strides = array<i32>} : memref<32x1024xf32, #tpu.memory_space<vmem>>, vector<1x16xf32>,
      %parallel_loop3A_154 = vector.shape_cast %parallel_loop3A_153 : vector<1x16xf32> to vector<16xf32>
      %parallel_loop3A_155 = vector.shape_cast %parallel_loop3A_150 : vector<16xf32> to vector<1x16xf32>
      tpu.vector_store %arg7[%parallel_loop3A_151, %parallel_loop3A_152], %parallel_loop3A_155 {strides = array<i32>} : memref<32x1024xf32, #tpu.memory_space<vmem>>, vector<1x16xf32>,
      %parallel_loop3A_156 = arith.index_cast %parallel_loop3A_42 : i32 to index
      %parallel_loop3A_157 = arith.constant 128 : index
      %parallel_loop3A_158 = tpu.vector_load %arg7[%parallel_loop3A_156, %parallel_loop3A_157] {strides = array<i32>} : memref<32x1024xf32, #tpu.memory_space<vmem>>, vector<1x16xf32>,
      %parallel_loop3A_159 = vector.shape_cast %parallel_loop3A_158 : vector<1x16xf32> to vector<16xf32>
      %parallel_loop3A_160 = arith.index_cast %parallel_loop3A_42 : i32 to index
      %parallel_loop3A_161 = arith.constant 128 : index
      %parallel_loop3A_162 = tpu.vector_load %arg8[%parallel_loop3A_160, %parallel_loop3A_161] {strides = array<i32>} : memref<32x1024xf32, #tpu.memory_space<vmem>>, vector<1x16xf32>,
      %parallel_loop3A_163 = vector.shape_cast %parallel_loop3A_162 : vector<1x16xf32> to vector<16xf32>
      %parallel_loop3A_164 = arith.addf %parallel_loop3A_159, %parallel_loop3A_163 : vector<16xf32>
      %parallel_loop3A_165 = arith.index_cast %parallel_loop3A_42 : i32 to index
      %parallel_loop3A_166 = arith.constant 128 : index
      %parallel_loop3A_167 = tpu.vector_load %arg7[%parallel_loop3A_165, %parallel_loop3A_166] {strides = array<i32>} : memref<32x1024xf32, #tpu.memory_space<vmem>>, vector<1x16xf32>,
      %parallel_loop3A_168 = vector.shape_cast %parallel_loop3A_167 : vector<1x16xf32> to vector<16xf32>
      %parallel_loop3A_169 = vector.shape_cast %parallel_loop3A_164 : vector<16xf32> to vector<1x16xf32>
      tpu.vector_store %arg7[%parallel_loop3A_165, %parallel_loop3A_166], %parallel_loop3A_169 {strides = array<i32>} : memref<32x1024xf32, #tpu.memory_space<vmem>>, vector<1x16xf32>,
      %parallel_loop3A_170 = arith.index_cast %parallel_loop3A_42 : i32 to index
      %parallel_loop3A_171 = arith.constant 144 : index
      %parallel_loop3A_172 = tpu.vector_load %arg7[%parallel_loop3A_170, %parallel_loop3A_171] {strides = array<i32>} : memref<32x1024xf32, #tpu.memory_space<vmem>>, vector<1x16xf32>,
      %parallel_loop3A_173 = vector.shape_cast %parallel_loop3A_172 : vector<1x16xf32> to vector<16xf32>
      %parallel_loop3A_174 = arith.index_cast %parallel_loop3A_42 : i32 to index
      %parallel_loop3A_175 = arith.constant 144 : index
      %parallel_loop3A_176 = tpu.vector_load %arg8[%parallel_loop3A_174, %parallel_loop3A_175] {strides = array<i32>} : memref<32x1024xf32, #tpu.memory_space<vmem>>, vector<1x16xf32>,
      %parallel_loop3A_177 = vector.shape_cast %parallel_loop3A_176 : vector<1x16xf32> to vector<16xf32>
      %parallel_loop3A_178 = arith.addf %parallel_loop3A_173, %parallel_loop3A_177 : vector<16xf32>
      %parallel_loop3A_179 = arith.index_cast %parallel_loop3A_42 : i32 to index
      %parallel_loop3A_180 = arith.constant 144 : index
      %parallel_loop3A_181 = tpu.vector_load %arg7[%parallel_loop3A_179, %parallel_loop3A_180] {strides = array<i32>} : memref<32x1024xf32, #tpu.memory_space<vmem>>, vector<1x16xf32>,
      %parallel_loop3A_182 = vector.shape_cast %parallel_loop3A_181 : vector<1x16xf32> to vector<16xf32>
      %parallel_loop3A_183 = vector.shape_cast %parallel_loop3A_178 : vector<16xf32> to vector<1x16xf32>
      tpu.vector_store %arg7[%parallel_loop3A_179, %parallel_loop3A_180], %parallel_loop3A_183 {strides = array<i32>} : memref<32x1024xf32, #tpu.memory_space<vmem>>, vector<1x16xf32>,
      %parallel_loop3A_184 = arith.index_cast %parallel_loop3A_42 : i32 to index
      %parallel_loop3A_185 = arith.constant 160 : index
      %parallel_loop3A_186 = tpu.vector_load %arg7[%parallel_loop3A_184, %parallel_loop3A_185] {strides = array<i32>} : memref<32x1024xf32, #tpu.memory_space<vmem>>, vector<1x16xf32>,
      %parallel_loop3A_187 = vector.shape_cast %parallel_loop3A_186 : vector<1x16xf32> to vector<16xf32>
      %parallel_loop3A_188 = arith.index_cast %parallel_loop3A_42 : i32 to index
      %parallel_loop3A_189 = arith.constant 160 : index
      %parallel_loop3A_190 = tpu.vector_load %arg8[%parallel_loop3A_188, %parallel_loop3A_189] {strides = array<i32>} : memref<32x1024xf32, #tpu.memory_space<vmem>>, vector<1x16xf32>,
      %parallel_loop3A_191 = vector.shape_cast %parallel_loop3A_190 : vector<1x16xf32> to vector<16xf32>
      %parallel_loop3A_192 = arith.addf %parallel_loop3A_187, %parallel_loop3A_191 : vector<16xf32>
      %parallel_loop3A_193 = arith.index_cast %parallel_loop3A_42 : i32 to index
      %parallel_loop3A_194 = arith.constant 160 : index
      %parallel_loop3A_195 = tpu.vector_load %arg7[%parallel_loop3A_193, %parallel_loop3A_194] {strides = array<i32>} : memref<32x1024xf32, #tpu.memory_space<vmem>>, vector<1x16xf32>,
      %parallel_loop3A_196 = vector.shape_cast %parallel_loop3A_195 : vector<1x16xf32> to vector<16xf32>
      %parallel_loop3A_197 = vector.shape_cast %parallel_loop3A_192 : vector<16xf32> to vector<1x16xf32>
      tpu.vector_store %arg7[%parallel_loop3A_193, %parallel_loop3A_194], %parallel_loop3A_197 {strides = array<i32>} : memref<32x1024xf32, #tpu.memory_space<vmem>>, vector<1x16xf32>,
      %parallel_loop3A_198 = arith.index_cast %parallel_loop3A_42 : i32 to index
      %parallel_loop3A_199 = arith.constant 176 : index
      %parallel_loop3A_200 = tpu.vector_load %arg7[%parallel_loop3A_198, %parallel_loop3A_199] {strides = array<i32>} : memref<32x1024xf32, #tpu.memory_space<vmem>>, vector<1x16xf32>,
      %parallel_loop3A_201 = vector.shape_cast %parallel_loop3A_200 : vector<1x16xf32> to vector<16xf32>
      %parallel_loop3A_202 = arith.index_cast %parallel_loop3A_42 : i32 to index
      %parallel_loop3A_203 = arith.constant 176 : index
      %parallel_loop3A_204 = tpu.vector_load %arg8[%parallel_loop3A_202, %parallel_loop3A_203] {strides = array<i32>} : memref<32x1024xf32, #tpu.memory_space<vmem>>, vector<1x16xf32>,
      %parallel_loop3A_205 = vector.shape_cast %parallel_loop3A_204 : vector<1x16xf32> to vector<16xf32>
      %parallel_loop3A_206 = arith.addf %parallel_loop3A_201, %parallel_loop3A_205 : vector<16xf32>
      %parallel_loop3A_207 = arith.index_cast %parallel_loop3A_42 : i32 to index
      %parallel_loop3A_208 = arith.constant 176 : index
      %parallel_loop3A_209 = tpu.vector_load %arg7[%parallel_loop3A_207, %parallel_loop3A_208] {strides = array<i32>} : memref<32x1024xf32, #tpu.memory_space<vmem>>, vector<1x16xf32>,
      %parallel_loop3A_210 = vector.shape_cast %parallel_loop3A_209 : vector<1x16xf32> to vector<16xf32>
      %parallel_loop3A_211 = vector.shape_cast %parallel_loop3A_206 : vector<16xf32> to vector<1x16xf32>
      tpu.vector_store %arg7[%parallel_loop3A_207, %parallel_loop3A_208], %parallel_loop3A_211 {strides = array<i32>} : memref<32x1024xf32, #tpu.memory_space<vmem>>, vector<1x16xf32>,
      %parallel_loop3A_212 = arith.index_cast %parallel_loop3A_42 : i32 to index
      %parallel_loop3A_213 = arith.constant 192 : index
      %parallel_loop3A_214 = tpu.vector_load %arg7[%parallel_loop3A_212, %parallel_loop3A_213] {strides = array<i32>} : memref<32x1024xf32, #tpu.memory_space<vmem>>, vector<1x16xf32>,
      %parallel_loop3A_215 = vector.shape_cast %parallel_loop3A_214 : vector<1x16xf32> to vector<16xf32>
      %parallel_loop3A_216 = arith.index_cast %parallel_loop3A_42 : i32 to index
      %parallel_loop3A_217 = arith.constant 192 : index
      %parallel_loop3A_218 = tpu.vector_load %arg8[%parallel_loop3A_216, %parallel_loop3A_217] {strides = array<i32>} : memref<32x1024xf32, #tpu.memory_space<vmem>>, vector<1x16xf32>,
      %parallel_loop3A_219 = vector.shape_cast %parallel_loop3A_218 : vector<1x16xf32> to vector<16xf32>
      %parallel_loop3A_220 = arith.addf %parallel_loop3A_215, %parallel_loop3A_219 : vector<16xf32>
      %parallel_loop3A_221 = arith.index_cast %parallel_loop3A_42 : i32 to index
      %parallel_loop3A_222 = arith.constant 192 : index
      %parallel_loop3A_223 = tpu.vector_load %arg7[%parallel_loop3A_221, %parallel_loop3A_222] {strides = array<i32>} : memref<32x1024xf32, #tpu.memory_space<vmem>>, vector<1x16xf32>,
      %parallel_loop3A_224 = vector.shape_cast %parallel_loop3A_223 : vector<1x16xf32> to vector<16xf32>
      %parallel_loop3A_225 = vector.shape_cast %parallel_loop3A_220 : vector<16xf32> to vector<1x16xf32>
      tpu.vector_store %arg7[%parallel_loop3A_221, %parallel_loop3A_222], %parallel_loop3A_225 {strides = array<i32>} : memref<32x1024xf32, #tpu.memory_space<vmem>>, vector<1x16xf32>,
      %parallel_loop3A_226 = arith.index_cast %parallel_loop3A_42 : i32 to index
      %parallel_loop3A_227 = arith.constant 208 : index
      %parallel_loop3A_228 = tpu.vector_load %arg7[%parallel_loop3A_226, %parallel_loop3A_227] {strides = array<i32>} : memref<32x1024xf32, #tpu.memory_space<vmem>>, vector<1x16xf32>,
      %parallel_loop3A_229 = vector.shape_cast %parallel_loop3A_228 : vector<1x16xf32> to vector<16xf32>
      %parallel_loop3A_230 = arith.index_cast %parallel_loop3A_42 : i32 to index
      %parallel_loop3A_231 = arith.constant 208 : index
      %parallel_loop3A_232 = tpu.vector_load %arg8[%parallel_loop3A_230, %parallel_loop3A_231] {strides = array<i32>} : memref<32x1024xf32, #tpu.memory_space<vmem>>, vector<1x16xf32>,
      %parallel_loop3A_233 = vector.shape_cast %parallel_loop3A_232 : vector<1x16xf32> to vector<16xf32>
      %parallel_loop3A_234 = arith.addf %parallel_loop3A_229, %parallel_loop3A_233 : vector<16xf32>
      %parallel_loop3A_235 = arith.index_cast %parallel_loop3A_42 : i32 to index
      %parallel_loop3A_236 = arith.constant 208 : index
      %parallel_loop3A_237 = tpu.vector_load %arg7[%parallel_loop3A_235, %parallel_loop3A_236] {strides = array<i32>} : memref<32x1024xf32, #tpu.memory_space<vmem>>, vector<1x16xf32>,
      %parallel_loop3A_238 = vector.shape_cast %parallel_loop3A_237 : vector<1x16xf32> to vector<16xf32>
      %parallel_loop3A_239 = vector.shape_cast %parallel_loop3A_234 : vector<16xf32> to vector<1x16xf32>
      tpu.vector_store %arg7[%parallel_loop3A_235, %parallel_loop3A_236], %parallel_loop3A_239 {strides = array<i32>} : memref<32x1024xf32, #tpu.memory_space<vmem>>, vector<1x16xf32>,
      %parallel_loop3A_240 = arith.index_cast %parallel_loop3A_42 : i32 to index
      %parallel_loop3A_241 = arith.constant 224 : index
      %parallel_loop3A_242 = tpu.vector_load %arg7[%parallel_loop3A_240, %parallel_loop3A_241] {strides = array<i32>} : memref<32x1024xf32, #tpu.memory_space<vmem>>, vector<1x16xf32>,
      %parallel_loop3A_243 = vector.shape_cast %parallel_loop3A_242 : vector<1x16xf32> to vector<16xf32>
      %parallel_loop3A_244 = arith.index_cast %parallel_loop3A_42 : i32 to index
      %parallel_loop3A_245 = arith.constant 224 : index
      %parallel_loop3A_246 = tpu.vector_load %arg8[%parallel_loop3A_244, %parallel_loop3A_245] {strides = array<i32>} : memref<32x1024xf32, #tpu.memory_space<vmem>>, vector<1x16xf32>,
      %parallel_loop3A_247 = vector.shape_cast %parallel_loop3A_246 : vector<1x16xf32> to vector<16xf32>
      %parallel_loop3A_248 = arith.addf %parallel_loop3A_243, %parallel_loop3A_247 : vector<16xf32>
      %parallel_loop3A_249 = arith.index_cast %parallel_loop3A_42 : i32 to index
      %parallel_loop3A_250 = arith.constant 224 : index
      %parallel_loop3A_251 = tpu.vector_load %arg7[%parallel_loop3A_249, %parallel_loop3A_250] {strides = array<i32>} : memref<32x1024xf32, #tpu.memory_space<vmem>>, vector<1x16xf32>,
      %parallel_loop3A_252 = vector.shape_cast %parallel_loop3A_251 : vector<1x16xf32> to vector<16xf32>
      %parallel_loop3A_253 = vector.shape_cast %parallel_loop3A_248 : vector<16xf32> to vector<1x16xf32>
      tpu.vector_store %arg7[%parallel_loop3A_249, %parallel_loop3A_250], %parallel_loop3A_253 {strides = array<i32>} : memref<32x1024xf32, #tpu.memory_space<vmem>>, vector<1x16xf32>,
      %parallel_loop3A_254 = arith.index_cast %parallel_loop3A_42 : i32 to index
      %parallel_loop3A_255 = arith.constant 240 : index
      %parallel_loop3A_256 = tpu.vector_load %arg7[%parallel_loop3A_254, %parallel_loop3A_255] {strides = array<i32>} : memref<32x1024xf32, #tpu.memory_space<vmem>>, vector<1x16xf32>,
      %parallel_loop3A_257 = vector.shape_cast %parallel_loop3A_256 : vector<1x16xf32> to vector<16xf32>
      %parallel_loop3A_258 = arith.index_cast %parallel_loop3A_42 : i32 to index
      %parallel_loop3A_259 = arith.constant 240 : index
      %parallel_loop3A_260 = tpu.vector_load %arg8[%parallel_loop3A_258, %parallel_loop3A_259] {strides = array<i32>} : memref<32x1024xf32, #tpu.memory_space<vmem>>, vector<1x16xf32>,
      %parallel_loop3A_261 = vector.shape_cast %parallel_loop3A_260 : vector<1x16xf32> to vector<16xf32>
      %parallel_loop3A_262 = arith.addf %parallel_loop3A_257, %parallel_loop3A_261 : vector<16xf32>
      %parallel_loop3A_263 = arith.index_cast %parallel_loop3A_42 : i32 to index
      %parallel_loop3A_264 = arith.constant 240 : index
      %parallel_loop3A_265 = tpu.vector_load %arg7[%parallel_loop3A_263, %parallel_loop3A_264] {strides = array<i32>} : memref<32x1024xf32, #tpu.memory_space<vmem>>, vector<1x16xf32>,
      %parallel_loop3A_266 = vector.shape_cast %parallel_loop3A_265 : vector<1x16xf32> to vector<16xf32>
      %parallel_loop3A_267 = vector.shape_cast %parallel_loop3A_262 : vector<16xf32> to vector<1x16xf32>
      tpu.vector_store %arg7[%parallel_loop3A_263, %parallel_loop3A_264], %parallel_loop3A_267 {strides = array<i32>} : memref<32x1024xf32, #tpu.memory_space<vmem>>, vector<1x16xf32>,
      %parallel_loop3A_268 = arith.index_cast %parallel_loop3A_42 : i32 to index
      %parallel_loop3A_269 = arith.constant 256 : index
      %parallel_loop3A_270 = tpu.vector_load %arg7[%parallel_loop3A_268, %parallel_loop3A_269] {strides = array<i32>} : memref<32x1024xf32, #tpu.memory_space<vmem>>, vector<1x16xf32>,
      %parallel_loop3A_271 = vector.shape_cast %parallel_loop3A_270 : vector<1x16xf32> to vector<16xf32>
      %parallel_loop3A_272 = arith.index_cast %parallel_loop3A_42 : i32 to index
      %parallel_loop3A_273 = arith.constant 256 : index
      %parallel_loop3A_274 = tpu.vector_load %arg8[%parallel_loop3A_272, %parallel_loop3A_273] {strides = array<i32>} : memref<32x1024xf32, #tpu.memory_space<vmem>>, vector<1x16xf32>,
      %parallel_loop3A_275 = vector.shape_cast %parallel_loop3A_274 : vector<1x16xf32> to vector<16xf32>
      %parallel_loop3A_276 = arith.addf %parallel_loop3A_271, %parallel_loop3A_275 : vector<16xf32>
      %parallel_loop3A_277 = arith.index_cast %parallel_loop3A_42 : i32 to index
      %parallel_loop3A_278 = arith.constant 256 : index
      %parallel_loop3A_279 = tpu.vector_load %arg7[%parallel_loop3A_277, %parallel_loop3A_278] {strides = array<i32>} : memref<32x1024xf32, #tpu.memory_space<vmem>>, vector<1x16xf32>,
      %parallel_loop3A_280 = vector.shape_cast %parallel_loop3A_279 : vector<1x16xf32> to vector<16xf32>
      %parallel_loop3A_281 = vector.shape_cast %parallel_loop3A_276 : vector<16xf32> to vector<1x16xf32>
      tpu.vector_store %arg7[%parallel_loop3A_277, %parallel_loop3A_278], %parallel_loop3A_281 {strides = array<i32>} : memref<32x1024xf32, #tpu.memory_space<vmem>>, vector<1x16xf32>,
      %parallel_loop3A_282 = arith.index_cast %parallel_loop3A_42 : i32 to index
      %parallel_loop3A_283 = arith.constant 272 : index
      %parallel_loop3A_284 = tpu.vector_load %arg7[%parallel_loop3A_282, %parallel_loop3A_283] {strides = array<i32>} : memref<32x1024xf32, #tpu.memory_space<vmem>>, vector<1x16xf32>,
      %parallel_loop3A_285 = vector.shape_cast %parallel_loop3A_284 : vector<1x16xf32> to vector<16xf32>
      %parallel_loop3A_286 = arith.index_cast %parallel_loop3A_42 : i32 to index
      %parallel_loop3A_287 = arith.constant 272 : index
      %parallel_loop3A_288 = tpu.vector_load %arg8[%parallel_loop3A_286, %parallel_loop3A_287] {strides = array<i32>} : memref<32x1024xf32, #tpu.memory_space<vmem>>, vector<1x16xf32>,
      %parallel_loop3A_289 = vector.shape_cast %parallel_loop3A_288 : vector<1x16xf32> to vector<16xf32>
      %parallel_loop3A_290 = arith.addf %parallel_loop3A_285, %parallel_loop3A_289 : vector<16xf32>
      %parallel_loop3A_291 = arith.index_cast %parallel_loop3A_42 : i32 to index
      %parallel_loop3A_292 = arith.constant 272 : index
      %parallel_loop3A_293 = tpu.vector_load %arg7[%parallel_loop3A_291, %parallel_loop3A_292] {strides = array<i32>} : memref<32x1024xf32, #tpu.memory_space<vmem>>, vector<1x16xf32>,
      %parallel_loop3A_294 = vector.shape_cast %parallel_loop3A_293 : vector<1x16xf32> to vector<16xf32>
      %parallel_loop3A_295 = vector.shape_cast %parallel_loop3A_290 : vector<16xf32> to vector<1x16xf32>
      tpu.vector_store %arg7[%parallel_loop3A_291, %parallel_loop3A_292], %parallel_loop3A_295 {strides = array<i32>} : memref<32x1024xf32, #tpu.memory_space<vmem>>, vector<1x16xf32>,
      %parallel_loop3A_296 = arith.index_cast %parallel_loop3A_42 : i32 to index
      %parallel_loop3A_297 = arith.constant 288 : index
      %parallel_loop3A_298 = tpu.vector_load %arg7[%parallel_loop3A_296, %parallel_loop3A_297] {strides = array<i32>} : memref<32x1024xf32, #tpu.memory_space<vmem>>, vector<1x16xf32>,
      %parallel_loop3A_299 = vector.shape_cast %parallel_loop3A_298 : vector<1x16xf32> to vector<16xf32>
      %parallel_loop3A_300 = arith.index_cast %parallel_loop3A_42 : i32 to index
      %parallel_loop3A_301 = arith.constant 288 : index
      %parallel_loop3A_302 = tpu.vector_load %arg8[%parallel_loop3A_300, %parallel_loop3A_301] {strides = array<i32>} : memref<32x1024xf32, #tpu.memory_space<vmem>>, vector<1x16xf32>,
      %parallel_loop3A_303 = vector.shape_cast %parallel_loop3A_302 : vector<1x16xf32> to vector<16xf32>
      %parallel_loop3A_304 = arith.addf %parallel_loop3A_299, %parallel_loop3A_303 : vector<16xf32>
      %parallel_loop3A_305 = arith.index_cast %parallel_loop3A_42 : i32 to index
      %parallel_loop3A_306 = arith.constant 288 : index
      %parallel_loop3A_307 = tpu.vector_load %arg7[%parallel_loop3A_305, %parallel_loop3A_306] {strides = array<i32>} : memref<32x1024xf32, #tpu.memory_space<vmem>>, vector<1x16xf32>,
      %parallel_loop3A_308 = vector.shape_cast %parallel_loop3A_307 : vector<1x16xf32> to vector<16xf32>
      %parallel_loop3A_309 = vector.shape_cast %parallel_loop3A_304 : vector<16xf32> to vector<1x16xf32>
      tpu.vector_store %arg7[%parallel_loop3A_305, %parallel_loop3A_306], %parallel_loop3A_309 {strides = array<i32>} : memref<32x1024xf32, #tpu.memory_space<vmem>>, vector<1x16xf32>,
      %parallel_loop3A_310 = arith.index_cast %parallel_loop3A_42 : i32 to index
      %parallel_loop3A_311 = arith.constant 304 : index
      %parallel_loop3A_312 = tpu.vector_load %arg7[%parallel_loop3A_310, %parallel_loop3A_311] {strides = array<i32>} : memref<32x1024xf32, #tpu.memory_space<vmem>>, vector<1x16xf32>,
      %parallel_loop3A_313 = vector.shape_cast %parallel_loop3A_312 : vector<1x16xf32> to vector<16xf32>
      %parallel_loop3A_314 = arith.index_cast %parallel_loop3A_42 : i32 to index
      %parallel_loop3A_315 = arith.constant 304 : index
      %parallel_loop3A_316 = tpu.vector_load %arg8[%parallel_loop3A_314, %parallel_loop3A_315] {strides = array<i32>} : memref<32x1024xf32, #tpu.memory_space<vmem>>, vector<1x16xf32>,
      %parallel_loop3A_317 = vector.shape_cast %parallel_loop3A_316 : vector<1x16xf32> to vector<16xf32>
      %parallel_loop3A_318 = arith.addf %parallel_loop3A_313, %parallel_loop3A_317 : vector<16xf32>
      %parallel_loop3A_319 = arith.index_cast %parallel_loop3A_42 : i32 to index
      %parallel_loop3A_320 = arith.constant 304 : index
      %parallel_loop3A_321 = tpu.vector_load %arg7[%parallel_loop3A_319, %parallel_loop3A_320] {strides = array<i32>} : memref<32x1024xf32, #tpu.memory_space<vmem>>, vector<1x16xf32>,
      %parallel_loop3A_322 = vector.shape_cast %parallel_loop3A_321 : vector<1x16xf32> to vector<16xf32>
      %parallel_loop3A_323 = vector.shape_cast %parallel_loop3A_318 : vector<16xf32> to vector<1x16xf32>
      tpu.vector_store %arg7[%parallel_loop3A_319, %parallel_loop3A_320], %parallel_loop3A_323 {strides = array<i32>} : memref<32x1024xf32, #tpu.memory_space<vmem>>, vector<1x16xf32>,
      %parallel_loop3A_324 = arith.index_cast %parallel_loop3A_42 : i32 to index
      %parallel_loop3A_325 = arith.constant 320 : index
      %parallel_loop3A_326 = tpu.vector_load %arg7[%parallel_loop3A_324, %parallel_loop3A_325] {strides = array<i32>} : memref<32x1024xf32, #tpu.memory_space<vmem>>, vector<1x16xf32>,
      %parallel_loop3A_327 = vector.shape_cast %parallel_loop3A_326 : vector<1x16xf32> to vector<16xf32>
      %parallel_loop3A_328 = arith.index_cast %parallel_loop3A_42 : i32 to index
      %parallel_loop3A_329 = arith.constant 320 : index
      %parallel_loop3A_330 = tpu.vector_load %arg8[%parallel_loop3A_328, %parallel_loop3A_329] {strides = array<i32>} : memref<32x1024xf32, #tpu.memory_space<vmem>>, vector<1x16xf32>,
      %parallel_loop3A_331 = vector.shape_cast %parallel_loop3A_330 : vector<1x16xf32> to vector<16xf32>
      %parallel_loop3A_332 = arith.addf %parallel_loop3A_327, %parallel_loop3A_331 : vector<16xf32>
      %parallel_loop3A_333 = arith.index_cast %parallel_loop3A_42 : i32 to index
      %parallel_loop3A_334 = arith.constant 320 : index
      %parallel_loop3A_335 = tpu.vector_load %arg7[%parallel_loop3A_333, %parallel_loop3A_334] {strides = array<i32>} : memref<32x1024xf32, #tpu.memory_space<vmem>>, vector<1x16xf32>,
      %parallel_loop3A_336 = vector.shape_cast %parallel_loop3A_335 : vector<1x16xf32> to vector<16xf32>
      %parallel_loop3A_337 = vector.shape_cast %parallel_loop3A_332 : vector<16xf32> to vector<1x16xf32>
      tpu.vector_store %arg7[%parallel_loop3A_333, %parallel_loop3A_334], %parallel_loop3A_337 {strides = array<i32>} : memref<32x1024xf32, #tpu.memory_space<vmem>>, vector<1x16xf32>,
      %parallel_loop3A_338 = arith.index_cast %parallel_loop3A_42 : i32 to index
      %parallel_loop3A_339 = arith.constant 336 : index
      %parallel_loop3A_340 = tpu.vector_load %arg7[%parallel_loop3A_338, %parallel_loop3A_339] {strides = array<i32>} : memref<32x1024xf32, #tpu.memory_space<vmem>>, vector<1x16xf32>,
      %parallel_loop3A_341 = vector.shape_cast %parallel_loop3A_340 : vector<1x16xf32> to vector<16xf32>
      %parallel_loop3A_342 = arith.index_cast %parallel_loop3A_42 : i32 to index
      %parallel_loop3A_343 = arith.constant 336 : index
      %parallel_loop3A_344 = tpu.vector_load %arg8[%parallel_loop3A_342, %parallel_loop3A_343] {strides = array<i32>} : memref<32x1024xf32, #tpu.memory_space<vmem>>, vector<1x16xf32>,
      %parallel_loop3A_345 = vector.shape_cast %parallel_loop3A_344 : vector<1x16xf32> to vector<16xf32>
      %parallel_loop3A_346 = arith.addf %parallel_loop3A_341, %parallel_loop3A_345 : vector<16xf32>
      %parallel_loop3A_347 = arith.index_cast %parallel_loop3A_42 : i32 to index
      %parallel_loop3A_348 = arith.constant 336 : index
      %parallel_loop3A_349 = tpu.vector_load %arg7[%parallel_loop3A_347, %parallel_loop3A_348] {strides = array<i32>} : memref<32x1024xf32, #tpu.memory_space<vmem>>, vector<1x16xf32>,
      %parallel_loop3A_350 = vector.shape_cast %parallel_loop3A_349 : vector<1x16xf32> to vector<16xf32>
      %parallel_loop3A_351 = vector.shape_cast %parallel_loop3A_346 : vector<16xf32> to vector<1x16xf32>
      tpu.vector_store %arg7[%parallel_loop3A_347, %parallel_loop3A_348], %parallel_loop3A_351 {strides = array<i32>} : memref<32x1024xf32, #tpu.memory_space<vmem>>, vector<1x16xf32>,
      %parallel_loop3A_352 = arith.index_cast %parallel_loop3A_42 : i32 to index
      %parallel_loop3A_353 = arith.constant 352 : index
      %parallel_loop3A_354 = tpu.vector_load %arg7[%parallel_loop3A_352, %parallel_loop3A_353] {strides = array<i32>} : memref<32x1024xf32, #tpu.memory_space<vmem>>, vector<1x16xf32>,
      %parallel_loop3A_355 = vector.shape_cast %parallel_loop3A_354 : vector<1x16xf32> to vector<16xf32>
      %parallel_loop3A_356 = arith.index_cast %parallel_loop3A_42 : i32 to index
      %parallel_loop3A_357 = arith.constant 352 : index
      %parallel_loop3A_358 = tpu.vector_load %arg8[%parallel_loop3A_356, %parallel_loop3A_357] {strides = array<i32>} : memref<32x1024xf32, #tpu.memory_space<vmem>>, vector<1x16xf32>,
      %parallel_loop3A_359 = vector.shape_cast %parallel_loop3A_358 : vector<1x16xf32> to vector<16xf32>
      %parallel_loop3A_360 = arith.addf %parallel_loop3A_355, %parallel_loop3A_359 : vector<16xf32>
      %parallel_loop3A_361 = arith.index_cast %parallel_loop3A_42 : i32 to index
      %parallel_loop3A_362 = arith.constant 352 : index
      %parallel_loop3A_363 = tpu.vector_load %arg7[%parallel_loop3A_361, %parallel_loop3A_362] {strides = array<i32>} : memref<32x1024xf32, #tpu.memory_space<vmem>>, vector<1x16xf32>,
      %parallel_loop3A_364 = vector.shape_cast %parallel_loop3A_363 : vector<1x16xf32> to vector<16xf32>
      %parallel_loop3A_365 = vector.shape_cast %parallel_loop3A_360 : vector<16xf32> to vector<1x16xf32>
      tpu.vector_store %arg7[%parallel_loop3A_361, %parallel_loop3A_362], %parallel_loop3A_365 {strides = array<i32>} : memref<32x1024xf32, #tpu.memory_space<vmem>>, vector<1x16xf32>,
      %parallel_loop3A_366 = arith.index_cast %parallel_loop3A_42 : i32 to index
      %parallel_loop3A_367 = arith.constant 368 : index
      %parallel_loop3A_368 = tpu.vector_load %arg7[%parallel_loop3A_366, %parallel_loop3A_367] {strides = array<i32>} : memref<32x1024xf32, #tpu.memory_space<vmem>>, vector<1x16xf32>,
      %parallel_loop3A_369 = vector.shape_cast %parallel_loop3A_368 : vector<1x16xf32> to vector<16xf32>
      %parallel_loop3A_370 = arith.index_cast %parallel_loop3A_42 : i32 to index
      %parallel_loop3A_371 = arith.constant 368 : index
      %parallel_loop3A_372 = tpu.vector_load %arg8[%parallel_loop3A_370, %parallel_loop3A_371] {strides = array<i32>} : memref<32x1024xf32, #tpu.memory_space<vmem>>, vector<1x16xf32>,
      %parallel_loop3A_373 = vector.shape_cast %parallel_loop3A_372 : vector<1x16xf32> to vector<16xf32>
      %parallel_loop3A_374 = arith.addf %parallel_loop3A_369, %parallel_loop3A_373 : vector<16xf32>
      %parallel_loop3A_375 = arith.index_cast %parallel_loop3A_42 : i32 to index
      %parallel_loop3A_376 = arith.constant 368 : index
      %parallel_loop3A_377 = tpu.vector_load %arg7[%parallel_loop3A_375, %parallel_loop3A_376] {strides = array<i32>} : memref<32x1024xf32, #tpu.memory_space<vmem>>, vector<1x16xf32>,
      %parallel_loop3A_378 = vector.shape_cast %parallel_loop3A_377 : vector<1x16xf32> to vector<16xf32>
      %parallel_loop3A_379 = vector.shape_cast %parallel_loop3A_374 : vector<16xf32> to vector<1x16xf32>
      tpu.vector_store %arg7[%parallel_loop3A_375, %parallel_loop3A_376], %parallel_loop3A_379 {strides = array<i32>} : memref<32x1024xf32, #tpu.memory_space<vmem>>, vector<1x16xf32>,
      %parallel_loop3A_380 = arith.index_cast %parallel_loop3A_42 : i32 to index
      %parallel_loop3A_381 = arith.constant 384 : index
      %parallel_loop3A_382 = tpu.vector_load %arg7[%parallel_loop3A_380, %parallel_loop3A_381] {strides = array<i32>} : memref<32x1024xf32, #tpu.memory_space<vmem>>, vector<1x16xf32>,
      %parallel_loop3A_383 = vector.shape_cast %parallel_loop3A_382 : vector<1x16xf32> to vector<16xf32>
      %parallel_loop3A_384 = arith.index_cast %parallel_loop3A_42 : i32 to index
      %parallel_loop3A_385 = arith.constant 384 : index
      %parallel_loop3A_386 = tpu.vector_load %arg8[%parallel_loop3A_384, %parallel_loop3A_385] {strides = array<i32>} : memref<32x1024xf32, #tpu.memory_space<vmem>>, vector<1x16xf32>,
      %parallel_loop3A_387 = vector.shape_cast %parallel_loop3A_386 : vector<1x16xf32> to vector<16xf32>
      %parallel_loop3A_388 = arith.addf %parallel_loop3A_383, %parallel_loop3A_387 : vector<16xf32>
      %parallel_loop3A_389 = arith.index_cast %parallel_loop3A_42 : i32 to index
      %parallel_loop3A_390 = arith.constant 384 : index
      %parallel_loop3A_391 = tpu.vector_load %arg7[%parallel_loop3A_389, %parallel_loop3A_390] {strides = array<i32>} : memref<32x1024xf32, #tpu.memory_space<vmem>>, vector<1x16xf32>,
      %parallel_loop3A_392 = vector.shape_cast %parallel_loop3A_391 : vector<1x16xf32> to vector<16xf32>
      %parallel_loop3A_393 = vector.shape_cast %parallel_loop3A_388 : vector<16xf32> to vector<1x16xf32>
      tpu.vector_store %arg7[%parallel_loop3A_389, %parallel_loop3A_390], %parallel_loop3A_393 {strides = array<i32>} : memref<32x1024xf32, #tpu.memory_space<vmem>>, vector<1x16xf32>,
      %parallel_loop3A_394 = arith.index_cast %parallel_loop3A_42 : i32 to index
      %parallel_loop3A_395 = arith.constant 400 : index
      %parallel_loop3A_396 = tpu.vector_load %arg7[%parallel_loop3A_394, %parallel_loop3A_395] {strides = array<i32>} : memref<32x1024xf32, #tpu.memory_space<vmem>>, vector<1x16xf32>,
      %parallel_loop3A_397 = vector.shape_cast %parallel_loop3A_396 : vector<1x16xf32> to vector<16xf32>
      %parallel_loop3A_398 = arith.index_cast %parallel_loop3A_42 : i32 to index
      %parallel_loop3A_399 = arith.constant 400 : index
      %parallel_loop3A_400 = tpu.vector_load %arg8[%parallel_loop3A_398, %parallel_loop3A_399] {strides = array<i32>} : memref<32x1024xf32, #tpu.memory_space<vmem>>, vector<1x16xf32>,
      %parallel_loop3A_401 = vector.shape_cast %parallel_loop3A_400 : vector<1x16xf32> to vector<16xf32>
      %parallel_loop3A_402 = arith.addf %parallel_loop3A_397, %parallel_loop3A_401 : vector<16xf32>
      %parallel_loop3A_403 = arith.index_cast %parallel_loop3A_42 : i32 to index
      %parallel_loop3A_404 = arith.constant 400 : index
      %parallel_loop3A_405 = tpu.vector_load %arg7[%parallel_loop3A_403, %parallel_loop3A_404] {strides = array<i32>} : memref<32x1024xf32, #tpu.memory_space<vmem>>, vector<1x16xf32>,
      %parallel_loop3A_406 = vector.shape_cast %parallel_loop3A_405 : vector<1x16xf32> to vector<16xf32>
      %parallel_loop3A_407 = vector.shape_cast %parallel_loop3A_402 : vector<16xf32> to vector<1x16xf32>
      tpu.vector_store %arg7[%parallel_loop3A_403, %parallel_loop3A_404], %parallel_loop3A_407 {strides = array<i32>} : memref<32x1024xf32, #tpu.memory_space<vmem>>, vector<1x16xf32>,
      %parallel_loop3A_408 = arith.index_cast %parallel_loop3A_42 : i32 to index
      %parallel_loop3A_409 = arith.constant 416 : index
      %parallel_loop3A_410 = tpu.vector_load %arg7[%parallel_loop3A_408, %parallel_loop3A_409] {strides = array<i32>} : memref<32x1024xf32, #tpu.memory_space<vmem>>, vector<1x16xf32>,
      %parallel_loop3A_411 = vector.shape_cast %parallel_loop3A_410 : vector<1x16xf32> to vector<16xf32>
      %parallel_loop3A_412 = arith.index_cast %parallel_loop3A_42 : i32 to index
      %parallel_loop3A_413 = arith.constant 416 : index
      %parallel_loop3A_414 = tpu.vector_load %arg8[%parallel_loop3A_412, %parallel_loop3A_413] {strides = array<i32>} : memref<32x1024xf32, #tpu.memory_space<vmem>>, vector<1x16xf32>,
      %parallel_loop3A_415 = vector.shape_cast %parallel_loop3A_414 : vector<1x16xf32> to vector<16xf32>
      %parallel_loop3A_416 = arith.addf %parallel_loop3A_411, %parallel_loop3A_415 : vector<16xf32>
      %parallel_loop3A_417 = arith.index_cast %parallel_loop3A_42 : i32 to index
      %parallel_loop3A_418 = arith.constant 416 : index
      %parallel_loop3A_419 = tpu.vector_load %arg7[%parallel_loop3A_417, %parallel_loop3A_418] {strides = array<i32>} : memref<32x1024xf32, #tpu.memory_space<vmem>>, vector<1x16xf32>,
      %parallel_loop3A_420 = vector.shape_cast %parallel_loop3A_419 : vector<1x16xf32> to vector<16xf32>
      %parallel_loop3A_421 = vector.shape_cast %parallel_loop3A_416 : vector<16xf32> to vector<1x16xf32>
      tpu.vector_store %arg7[%parallel_loop3A_417, %parallel_loop3A_418], %parallel_loop3A_421 {strides = array<i32>} : memref<32x1024xf32, #tpu.memory_space<vmem>>, vector<1x16xf32>,
      %parallel_loop3A_422 = arith.index_cast %parallel_loop3A_42 : i32 to index
      %parallel_loop3A_423 = arith.constant 432 : index
      %parallel_loop3A_424 = tpu.vector_load %arg7[%parallel_loop3A_422, %parallel_loop3A_423] {strides = array<i32>} : memref<32x1024xf32, #tpu.memory_space<vmem>>, vector<1x16xf32>,
      %parallel_loop3A_425 = vector.shape_cast %parallel_loop3A_424 : vector<1x16xf32> to vector<16xf32>
      %parallel_loop3A_426 = arith.index_cast %parallel_loop3A_42 : i32 to index
      %parallel_loop3A_427 = arith.constant 432 : index
      %parallel_loop3A_428 = tpu.vector_load %arg8[%parallel_loop3A_426, %parallel_loop3A_427] {strides = array<i32>} : memref<32x1024xf32, #tpu.memory_space<vmem>>, vector<1x16xf32>,
      %parallel_loop3A_429 = vector.shape_cast %parallel_loop3A_428 : vector<1x16xf32> to vector<16xf32>
      %parallel_loop3A_430 = arith.addf %parallel_loop3A_425, %parallel_loop3A_429 : vector<16xf32>
      %parallel_loop3A_431 = arith.index_cast %parallel_loop3A_42 : i32 to index
      %parallel_loop3A_432 = arith.constant 432 : index
      %parallel_loop3A_433 = tpu.vector_load %arg7[%parallel_loop3A_431, %parallel_loop3A_432] {strides = array<i32>} : memref<32x1024xf32, #tpu.memory_space<vmem>>, vector<1x16xf32>,
      %parallel_loop3A_434 = vector.shape_cast %parallel_loop3A_433 : vector<1x16xf32> to vector<16xf32>
      %parallel_loop3A_435 = vector.shape_cast %parallel_loop3A_430 : vector<16xf32> to vector<1x16xf32>
      tpu.vector_store %arg7[%parallel_loop3A_431, %parallel_loop3A_432], %parallel_loop3A_435 {strides = array<i32>} : memref<32x1024xf32, #tpu.memory_space<vmem>>, vector<1x16xf32>,
      %parallel_loop3A_436 = arith.index_cast %parallel_loop3A_42 : i32 to index
      %parallel_loop3A_437 = arith.constant 448 : index
      %parallel_loop3A_438 = tpu.vector_load %arg7[%parallel_loop3A_436, %parallel_loop3A_437] {strides = array<i32>} : memref<32x1024xf32, #tpu.memory_space<vmem>>, vector<1x16xf32>,
      %parallel_loop3A_439 = vector.shape_cast %parallel_loop3A_438 : vector<1x16xf32> to vector<16xf32>
      %parallel_loop3A_440 = arith.index_cast %parallel_loop3A_42 : i32 to index
      %parallel_loop3A_441 = arith.constant 448 : index
      %parallel_loop3A_442 = tpu.vector_load %arg8[%parallel_loop3A_440, %parallel_loop3A_441] {strides = array<i32>} : memref<32x1024xf32, #tpu.memory_space<vmem>>, vector<1x16xf32>,
      %parallel_loop3A_443 = vector.shape_cast %parallel_loop3A_442 : vector<1x16xf32> to vector<16xf32>
      %parallel_loop3A_444 = arith.addf %parallel_loop3A_439, %parallel_loop3A_443 : vector<16xf32>
      %parallel_loop3A_445 = arith.index_cast %parallel_loop3A_42 : i32 to index
      %parallel_loop3A_446 = arith.constant 448 : index
      %parallel_loop3A_447 = tpu.vector_load %arg7[%parallel_loop3A_445, %parallel_loop3A_446] {strides = array<i32>} : memref<32x1024xf32, #tpu.memory_space<vmem>>, vector<1x16xf32>,
      %parallel_loop3A_448 = vector.shape_cast %parallel_loop3A_447 : vector<1x16xf32> to vector<16xf32>
      %parallel_loop3A_449 = vector.shape_cast %parallel_loop3A_444 : vector<16xf32> to vector<1x16xf32>
      tpu.vector_store %arg7[%parallel_loop3A_445, %parallel_loop3A_446], %parallel_loop3A_449 {strides = array<i32>} : memref<32x1024xf32, #tpu.memory_space<vmem>>, vector<1x16xf32>,
      %parallel_loop3A_450 = arith.index_cast %parallel_loop3A_42 : i32 to index
      %parallel_loop3A_451 = arith.constant 464 : index
      %parallel_loop3A_452 = tpu.vector_load %arg7[%parallel_loop3A_450, %parallel_loop3A_451] {strides = array<i32>} : memref<32x1024xf32, #tpu.memory_space<vmem>>, vector<1x16xf32>,
      %parallel_loop3A_453 = vector.shape_cast %parallel_loop3A_452 : vector<1x16xf32> to vector<16xf32>
      %parallel_loop3A_454 = arith.index_cast %parallel_loop3A_42 : i32 to index
      %parallel_loop3A_455 = arith.constant 464 : index
      %parallel_loop3A_456 = tpu.vector_load %arg8[%parallel_loop3A_454, %parallel_loop3A_455] {strides = array<i32>} : memref<32x1024xf32, #tpu.memory_space<vmem>>, vector<1x16xf32>,
      %parallel_loop3A_457 = vector.shape_cast %parallel_loop3A_456 : vector<1x16xf32> to vector<16xf32>
      %parallel_loop3A_458 = arith.addf %parallel_loop3A_453, %parallel_loop3A_457 : vector<16xf32>
      %parallel_loop3A_459 = arith.index_cast %parallel_loop3A_42 : i32 to index
      %parallel_loop3A_460 = arith.constant 464 : index
      %parallel_loop3A_461 = tpu.vector_load %arg7[%parallel_loop3A_459, %parallel_loop3A_460] {strides = array<i32>} : memref<32x1024xf32, #tpu.memory_space<vmem>>, vector<1x16xf32>,
      %parallel_loop3A_462 = vector.shape_cast %parallel_loop3A_461 : vector<1x16xf32> to vector<16xf32>
      %parallel_loop3A_463 = vector.shape_cast %parallel_loop3A_458 : vector<16xf32> to vector<1x16xf32>
      tpu.vector_store %arg7[%parallel_loop3A_459, %parallel_loop3A_460], %parallel_loop3A_463 {strides = array<i32>} : memref<32x1024xf32, #tpu.memory_space<vmem>>, vector<1x16xf32>,
      %parallel_loop3A_464 = arith.index_cast %parallel_loop3A_42 : i32 to index
      %parallel_loop3A_465 = arith.constant 480 : index
      %parallel_loop3A_466 = tpu.vector_load %arg7[%parallel_loop3A_464, %parallel_loop3A_465] {strides = array<i32>} : memref<32x1024xf32, #tpu.memory_space<vmem>>, vector<1x16xf32>,
      %parallel_loop3A_467 = vector.shape_cast %parallel_loop3A_466 : vector<1x16xf32> to vector<16xf32>
      %parallel_loop3A_468 = arith.index_cast %parallel_loop3A_42 : i32 to index
      %parallel_loop3A_469 = arith.constant 480 : index
      %parallel_loop3A_470 = tpu.vector_load %arg8[%parallel_loop3A_468, %parallel_loop3A_469] {strides = array<i32>} : memref<32x1024xf32, #tpu.memory_space<vmem>>, vector<1x16xf32>,
      %parallel_loop3A_471 = vector.shape_cast %parallel_loop3A_470 : vector<1x16xf32> to vector<16xf32>
      %parallel_loop3A_472 = arith.addf %parallel_loop3A_467, %parallel_loop3A_471 : vector<16xf32>
      %parallel_loop3A_473 = arith.index_cast %parallel_loop3A_42 : i32 to index
      %parallel_loop3A_474 = arith.constant 480 : index
      %parallel_loop3A_475 = tpu.vector_load %arg7[%parallel_loop3A_473, %parallel_loop3A_474] {strides = array<i32>} : memref<32x1024xf32, #tpu.memory_space<vmem>>, vector<1x16xf32>,
      %parallel_loop3A_476 = vector.shape_cast %parallel_loop3A_475 : vector<1x16xf32> to vector<16xf32>
      %parallel_loop3A_477 = vector.shape_cast %parallel_loop3A_472 : vector<16xf32> to vector<1x16xf32>
      tpu.vector_store %arg7[%parallel_loop3A_473, %parallel_loop3A_474], %parallel_loop3A_477 {strides = array<i32>} : memref<32x1024xf32, #tpu.memory_space<vmem>>, vector<1x16xf32>,
      %parallel_loop3A_478 = arith.index_cast %parallel_loop3A_42 : i32 to index
      %parallel_loop3A_479 = arith.constant 496 : index
      %parallel_loop3A_480 = tpu.vector_load %arg7[%parallel_loop3A_478, %parallel_loop3A_479] {strides = array<i32>} : memref<32x1024xf32, #tpu.memory_space<vmem>>, vector<1x16xf32>,
      %parallel_loop3A_481 = vector.shape_cast %parallel_loop3A_480 : vector<1x16xf32> to vector<16xf32>
      %parallel_loop3A_482 = arith.index_cast %parallel_loop3A_42 : i32 to index
      %parallel_loop3A_483 = arith.constant 496 : index
      %parallel_loop3A_484 = tpu.vector_load %arg8[%parallel_loop3A_482, %parallel_loop3A_483] {strides = array<i32>} : memref<32x1024xf32, #tpu.memory_space<vmem>>, vector<1x16xf32>,
      %parallel_loop3A_485 = vector.shape_cast %parallel_loop3A_484 : vector<1x16xf32> to vector<16xf32>
      %parallel_loop3A_486 = arith.addf %parallel_loop3A_481, %parallel_loop3A_485 : vector<16xf32>
      %parallel_loop3A_487 = arith.index_cast %parallel_loop3A_42 : i32 to index
      %parallel_loop3A_488 = arith.constant 496 : index
      %parallel_loop3A_489 = tpu.vector_load %arg7[%parallel_loop3A_487, %parallel_loop3A_488] {strides = array<i32>} : memref<32x1024xf32, #tpu.memory_space<vmem>>, vector<1x16xf32>,
      %parallel_loop3A_490 = vector.shape_cast %parallel_loop3A_489 : vector<1x16xf32> to vector<16xf32>
      %parallel_loop3A_491 = vector.shape_cast %parallel_loop3A_486 : vector<16xf32> to vector<1x16xf32>
      tpu.vector_store %arg7[%parallel_loop3A_487, %parallel_loop3A_488], %parallel_loop3A_491 {strides = array<i32>} : memref<32x1024xf32, #tpu.memory_space<vmem>>, vector<1x16xf32>,
      %parallel_loop3A_492 = arith.index_cast %parallel_loop3A_42 : i32 to index
      %parallel_loop3A_493 = arith.constant 512 : index
      %parallel_loop3A_494 = tpu.vector_load %arg7[%parallel_loop3A_492, %parallel_loop3A_493] {strides = array<i32>} : memref<32x1024xf32, #tpu.memory_space<vmem>>, vector<1x16xf32>,
      %parallel_loop3A_495 = vector.shape_cast %parallel_loop3A_494 : vector<1x16xf32> to vector<16xf32>
      %parallel_loop3A_496 = arith.index_cast %parallel_loop3A_42 : i32 to index
      %parallel_loop3A_497 = arith.constant 512 : index
      %parallel_loop3A_498 = tpu.vector_load %arg8[%parallel_loop3A_496, %parallel_loop3A_497] {strides = array<i32>} : memref<32x1024xf32, #tpu.memory_space<vmem>>, vector<1x16xf32>,
      %parallel_loop3A_499 = vector.shape_cast %parallel_loop3A_498 : vector<1x16xf32> to vector<16xf32>
      %parallel_loop3A_500 = arith.addf %parallel_loop3A_495, %parallel_loop3A_499 : vector<16xf32>
      %parallel_loop3A_501 = arith.index_cast %parallel_loop3A_42 : i32 to index
      %parallel_loop3A_502 = arith.constant 512 : index
      %parallel_loop3A_503 = tpu.vector_load %arg7[%parallel_loop3A_501, %parallel_loop3A_502] {strides = array<i32>} : memref<32x1024xf32, #tpu.memory_space<vmem>>, vector<1x16xf32>,
      %parallel_loop3A_504 = vector.shape_cast %parallel_loop3A_503 : vector<1x16xf32> to vector<16xf32>
      %parallel_loop3A_505 = vector.shape_cast %parallel_loop3A_500 : vector<16xf32> to vector<1x16xf32>
      tpu.vector_store %arg7[%parallel_loop3A_501, %parallel_loop3A_502], %parallel_loop3A_505 {strides = array<i32>} : memref<32x1024xf32, #tpu.memory_space<vmem>>, vector<1x16xf32>,
      %parallel_loop3A_506 = arith.index_cast %parallel_loop3A_42 : i32 to index
      %parallel_loop3A_507 = arith.constant 528 : index
      %parallel_loop3A_508 = tpu.vector_load %arg7[%parallel_loop3A_506, %parallel_loop3A_507] {strides = array<i32>} : memref<32x1024xf32, #tpu.memory_space<vmem>>, vector<1x16xf32>,
      %parallel_loop3A_509 = vector.shape_cast %parallel_loop3A_508 : vector<1x16xf32> to vector<16xf32>
      %parallel_loop3A_510 = arith.index_cast %parallel_loop3A_42 : i32 to index
      %parallel_loop3A_511 = arith.constant 528 : index
      %parallel_loop3A_512 = tpu.vector_load %arg8[%parallel_loop3A_510, %parallel_loop3A_511] {strides = array<i32>} : memref<32x1024xf32, #tpu.memory_space<vmem>>, vector<1x16xf32>,
      %parallel_loop3A_513 = vector.shape_cast %parallel_loop3A_512 : vector<1x16xf32> to vector<16xf32>
      %parallel_loop3A_514 = arith.addf %parallel_loop3A_509, %parallel_loop3A_513 : vector<16xf32>
      %parallel_loop3A_515 = arith.index_cast %parallel_loop3A_42 : i32 to index
      %parallel_loop3A_516 = arith.constant 528 : index
      %parallel_loop3A_517 = tpu.vector_load %arg7[%parallel_loop3A_515, %parallel_loop3A_516] {strides = array<i32>} : memref<32x1024xf32, #tpu.memory_space<vmem>>, vector<1x16xf32>,
      %parallel_loop3A_518 = vector.shape_cast %parallel_loop3A_517 : vector<1x16xf32> to vector<16xf32>
      %parallel_loop3A_519 = vector.shape_cast %parallel_loop3A_514 : vector<16xf32> to vector<1x16xf32>
      tpu.vector_store %arg7[%parallel_loop3A_515, %parallel_loop3A_516], %parallel_loop3A_519 {strides = array<i32>} : memref<32x1024xf32, #tpu.memory_space<vmem>>, vector<1x16xf32>,
      %parallel_loop3A_520 = arith.index_cast %parallel_loop3A_42 : i32 to index
      %parallel_loop3A_521 = arith.constant 544 : index
      %parallel_loop3A_522 = tpu.vector_load %arg7[%parallel_loop3A_520, %parallel_loop3A_521] {strides = array<i32>} : memref<32x1024xf32, #tpu.memory_space<vmem>>, vector<1x16xf32>,
      %parallel_loop3A_523 = vector.shape_cast %parallel_loop3A_522 : vector<1x16xf32> to vector<16xf32>
      %parallel_loop3A_524 = arith.index_cast %parallel_loop3A_42 : i32 to index
      %parallel_loop3A_525 = arith.constant 544 : index
      %parallel_loop3A_526 = tpu.vector_load %arg8[%parallel_loop3A_524, %parallel_loop3A_525] {strides = array<i32>} : memref<32x1024xf32, #tpu.memory_space<vmem>>, vector<1x16xf32>,
      %parallel_loop3A_527 = vector.shape_cast %parallel_loop3A_526 : vector<1x16xf32> to vector<16xf32>
      %parallel_loop3A_528 = arith.addf %parallel_loop3A_523, %parallel_loop3A_527 : vector<16xf32>
      %parallel_loop3A_529 = arith.index_cast %parallel_loop3A_42 : i32 to index
      %parallel_loop3A_530 = arith.constant 544 : index
      %parallel_loop3A_531 = tpu.vector_load %arg7[%parallel_loop3A_529, %parallel_loop3A_530] {strides = array<i32>} : memref<32x1024xf32, #tpu.memory_space<vmem>>, vector<1x16xf32>,
      %parallel_loop3A_532 = vector.shape_cast %parallel_loop3A_531 : vector<1x16xf32> to vector<16xf32>
      %parallel_loop3A_533 = vector.shape_cast %parallel_loop3A_528 : vector<16xf32> to vector<1x16xf32>
      tpu.vector_store %arg7[%parallel_loop3A_529, %parallel_loop3A_530], %parallel_loop3A_533 {strides = array<i32>} : memref<32x1024xf32, #tpu.memory_space<vmem>>, vector<1x16xf32>,
      %parallel_loop3A_534 = arith.index_cast %parallel_loop3A_42 : i32 to index
      %parallel_loop3A_535 = arith.constant 560 : index
      %parallel_loop3A_536 = tpu.vector_load %arg7[%parallel_loop3A_534, %parallel_loop3A_535] {strides = array<i32>} : memref<32x1024xf32, #tpu.memory_space<vmem>>, vector<1x16xf32>,
      %parallel_loop3A_537 = vector.shape_cast %parallel_loop3A_536 : vector<1x16xf32> to vector<16xf32>
      %parallel_loop3A_538 = arith.index_cast %parallel_loop3A_42 : i32 to index
      %parallel_loop3A_539 = arith.constant 560 : index
      %parallel_loop3A_540 = tpu.vector_load %arg8[%parallel_loop3A_538, %parallel_loop3A_539] {strides = array<i32>} : memref<32x1024xf32, #tpu.memory_space<vmem>>, vector<1x16xf32>,
      %parallel_loop3A_541 = vector.shape_cast %parallel_loop3A_540 : vector<1x16xf32> to vector<16xf32>
      %parallel_loop3A_542 = arith.addf %parallel_loop3A_537, %parallel_loop3A_541 : vector<16xf32>
      %parallel_loop3A_543 = arith.index_cast %parallel_loop3A_42 : i32 to index
      %parallel_loop3A_544 = arith.constant 560 : index
      %parallel_loop3A_545 = tpu.vector_load %arg7[%parallel_loop3A_543, %parallel_loop3A_544] {strides = array<i32>} : memref<32x1024xf32, #tpu.memory_space<vmem>>, vector<1x16xf32>,
      %parallel_loop3A_546 = vector.shape_cast %parallel_loop3A_545 : vector<1x16xf32> to vector<16xf32>
      %parallel_loop3A_547 = vector.shape_cast %parallel_loop3A_542 : vector<16xf32> to vector<1x16xf32>
      tpu.vector_store %arg7[%parallel_loop3A_543, %parallel_loop3A_544], %parallel_loop3A_547 {strides = array<i32>} : memref<32x1024xf32, #tpu.memory_space<vmem>>, vector<1x16xf32>,
      %parallel_loop3A_548 = arith.index_cast %parallel_loop3A_42 : i32 to index
      %parallel_loop3A_549 = arith.constant 576 : index
      %parallel_loop3A_550 = tpu.vector_load %arg7[%parallel_loop3A_548, %parallel_loop3A_549] {strides = array<i32>} : memref<32x1024xf32, #tpu.memory_space<vmem>>, vector<1x16xf32>,
      %parallel_loop3A_551 = vector.shape_cast %parallel_loop3A_550 : vector<1x16xf32> to vector<16xf32>
      %parallel_loop3A_552 = arith.index_cast %parallel_loop3A_42 : i32 to index
      %parallel_loop3A_553 = arith.constant 576 : index
      %parallel_loop3A_554 = tpu.vector_load %arg8[%parallel_loop3A_552, %parallel_loop3A_553] {strides = array<i32>} : memref<32x1024xf32, #tpu.memory_space<vmem>>, vector<1x16xf32>,
      %parallel_loop3A_555 = vector.shape_cast %parallel_loop3A_554 : vector<1x16xf32> to vector<16xf32>
      %parallel_loop3A_556 = arith.addf %parallel_loop3A_551, %parallel_loop3A_555 : vector<16xf32>
      %parallel_loop3A_557 = arith.index_cast %parallel_loop3A_42 : i32 to index
      %parallel_loop3A_558 = arith.constant 576 : index
      %parallel_loop3A_559 = tpu.vector_load %arg7[%parallel_loop3A_557, %parallel_loop3A_558] {strides = array<i32>} : memref<32x1024xf32, #tpu.memory_space<vmem>>, vector<1x16xf32>,
      %parallel_loop3A_560 = vector.shape_cast %parallel_loop3A_559 : vector<1x16xf32> to vector<16xf32>
      %parallel_loop3A_561 = vector.shape_cast %parallel_loop3A_556 : vector<16xf32> to vector<1x16xf32>
      tpu.vector_store %arg7[%parallel_loop3A_557, %parallel_loop3A_558], %parallel_loop3A_561 {strides = array<i32>} : memref<32x1024xf32, #tpu.memory_space<vmem>>, vector<1x16xf32>,
      %parallel_loop3A_562 = arith.index_cast %parallel_loop3A_42 : i32 to index
      %parallel_loop3A_563 = arith.constant 592 : index
      %parallel_loop3A_564 = tpu.vector_load %arg7[%parallel_loop3A_562, %parallel_loop3A_563] {strides = array<i32>} : memref<32x1024xf32, #tpu.memory_space<vmem>>, vector<1x16xf32>,
      %parallel_loop3A_565 = vector.shape_cast %parallel_loop3A_564 : vector<1x16xf32> to vector<16xf32>
      %parallel_loop3A_566 = arith.index_cast %parallel_loop3A_42 : i32 to index
      %parallel_loop3A_567 = arith.constant 592 : index
      %parallel_loop3A_568 = tpu.vector_load %arg8[%parallel_loop3A_566, %parallel_loop3A_567] {strides = array<i32>} : memref<32x1024xf32, #tpu.memory_space<vmem>>, vector<1x16xf32>,
      %parallel_loop3A_569 = vector.shape_cast %parallel_loop3A_568 : vector<1x16xf32> to vector<16xf32>
      %parallel_loop3A_570 = arith.addf %parallel_loop3A_565, %parallel_loop3A_569 : vector<16xf32>
      %parallel_loop3A_571 = arith.index_cast %parallel_loop3A_42 : i32 to index
      %parallel_loop3A_572 = arith.constant 592 : index
      %parallel_loop3A_573 = tpu.vector_load %arg7[%parallel_loop3A_571, %parallel_loop3A_572] {strides = array<i32>} : memref<32x1024xf32, #tpu.memory_space<vmem>>, vector<1x16xf32>,
      %parallel_loop3A_574 = vector.shape_cast %parallel_loop3A_573 : vector<1x16xf32> to vector<16xf32>
      %parallel_loop3A_575 = vector.shape_cast %parallel_loop3A_570 : vector<16xf32> to vector<1x16xf32>
      tpu.vector_store %arg7[%parallel_loop3A_571, %parallel_loop3A_572], %parallel_loop3A_575 {strides = array<i32>} : memref<32x1024xf32, #tpu.memory_space<vmem>>, vector<1x16xf32>,
      %parallel_loop3A_576 = arith.index_cast %parallel_loop3A_42 : i32 to index
      %parallel_loop3A_577 = arith.constant 608 : index
      %parallel_loop3A_578 = tpu.vector_load %arg7[%parallel_loop3A_576, %parallel_loop3A_577] {strides = array<i32>} : memref<32x1024xf32, #tpu.memory_space<vmem>>, vector<1x16xf32>,
      %parallel_loop3A_579 = vector.shape_cast %parallel_loop3A_578 : vector<1x16xf32> to vector<16xf32>
      %parallel_loop3A_580 = arith.index_cast %parallel_loop3A_42 : i32 to index
      %parallel_loop3A_581 = arith.constant 608 : index
      %parallel_loop3A_582 = tpu.vector_load %arg8[%parallel_loop3A_580, %parallel_loop3A_581] {strides = array<i32>} : memref<32x1024xf32, #tpu.memory_space<vmem>>, vector<1x16xf32>,
      %parallel_loop3A_583 = vector.shape_cast %parallel_loop3A_582 : vector<1x16xf32> to vector<16xf32>
      %parallel_loop3A_584 = arith.addf %parallel_loop3A_579, %parallel_loop3A_583 : vector<16xf32>
      %parallel_loop3A_585 = arith.index_cast %parallel_loop3A_42 : i32 to index
      %parallel_loop3A_586 = arith.constant 608 : index
      %parallel_loop3A_587 = tpu.vector_load %arg7[%parallel_loop3A_585, %parallel_loop3A_586] {strides = array<i32>} : memref<32x1024xf32, #tpu.memory_space<vmem>>, vector<1x16xf32>,
      %parallel_loop3A_588 = vector.shape_cast %parallel_loop3A_587 : vector<1x16xf32> to vector<16xf32>
      %parallel_loop3A_589 = vector.shape_cast %parallel_loop3A_584 : vector<16xf32> to vector<1x16xf32>
      tpu.vector_store %arg7[%parallel_loop3A_585, %parallel_loop3A_586], %parallel_loop3A_589 {strides = array<i32>} : memref<32x1024xf32, #tpu.memory_space<vmem>>, vector<1x16xf32>,
      %parallel_loop3A_590 = arith.index_cast %parallel_loop3A_42 : i32 to index
      %parallel_loop3A_591 = arith.constant 624 : index
      %parallel_loop3A_592 = tpu.vector_load %arg7[%parallel_loop3A_590, %parallel_loop3A_591] {strides = array<i32>} : memref<32x1024xf32, #tpu.memory_space<vmem>>, vector<1x16xf32>,
      %parallel_loop3A_593 = vector.shape_cast %parallel_loop3A_592 : vector<1x16xf32> to vector<16xf32>
      %parallel_loop3A_594 = arith.index_cast %parallel_loop3A_42 : i32 to index
      %parallel_loop3A_595 = arith.constant 624 : index
      %parallel_loop3A_596 = tpu.vector_load %arg8[%parallel_loop3A_594, %parallel_loop3A_595] {strides = array<i32>} : memref<32x1024xf32, #tpu.memory_space<vmem>>, vector<1x16xf32>,
      %parallel_loop3A_597 = vector.shape_cast %parallel_loop3A_596 : vector<1x16xf32> to vector<16xf32>
      %parallel_loop3A_598 = arith.addf %parallel_loop3A_593, %parallel_loop3A_597 : vector<16xf32>
      %parallel_loop3A_599 = arith.index_cast %parallel_loop3A_42 : i32 to index
      %parallel_loop3A_600 = arith.constant 624 : index
      %parallel_loop3A_601 = tpu.vector_load %arg7[%parallel_loop3A_599, %parallel_loop3A_600] {strides = array<i32>} : memref<32x1024xf32, #tpu.memory_space<vmem>>, vector<1x16xf32>,
      %parallel_loop3A_602 = vector.shape_cast %parallel_loop3A_601 : vector<1x16xf32> to vector<16xf32>
      %parallel_loop3A_603 = vector.shape_cast %parallel_loop3A_598 : vector<16xf32> to vector<1x16xf32>
      tpu.vector_store %arg7[%parallel_loop3A_599, %parallel_loop3A_600], %parallel_loop3A_603 {strides = array<i32>} : memref<32x1024xf32, #tpu.memory_space<vmem>>, vector<1x16xf32>,
      %parallel_loop3A_604 = arith.index_cast %parallel_loop3A_42 : i32 to index
      %parallel_loop3A_605 = arith.constant 640 : index
      %parallel_loop3A_606 = tpu.vector_load %arg7[%parallel_loop3A_604, %parallel_loop3A_605] {strides = array<i32>} : memref<32x1024xf32, #tpu.memory_space<vmem>>, vector<1x16xf32>,
      %parallel_loop3A_607 = vector.shape_cast %parallel_loop3A_606 : vector<1x16xf32> to vector<16xf32>
      %parallel_loop3A_608 = arith.index_cast %parallel_loop3A_42 : i32 to index
      %parallel_loop3A_609 = arith.constant 640 : index
      %parallel_loop3A_610 = tpu.vector_load %arg8[%parallel_loop3A_608, %parallel_loop3A_609] {strides = array<i32>} : memref<32x1024xf32, #tpu.memory_space<vmem>>, vector<1x16xf32>,
      %parallel_loop3A_611 = vector.shape_cast %parallel_loop3A_610 : vector<1x16xf32> to vector<16xf32>
      %parallel_loop3A_612 = arith.addf %parallel_loop3A_607, %parallel_loop3A_611 : vector<16xf32>
      %parallel_loop3A_613 = arith.index_cast %parallel_loop3A_42 : i32 to index
      %parallel_loop3A_614 = arith.constant 640 : index
      %parallel_loop3A_615 = tpu.vector_load %arg7[%parallel_loop3A_613, %parallel_loop3A_614] {strides = array<i32>} : memref<32x1024xf32, #tpu.memory_space<vmem>>, vector<1x16xf32>,
      %parallel_loop3A_616 = vector.shape_cast %parallel_loop3A_615 : vector<1x16xf32> to vector<16xf32>
      %parallel_loop3A_617 = vector.shape_cast %parallel_loop3A_612 : vector<16xf32> to vector<1x16xf32>
      tpu.vector_store %arg7[%parallel_loop3A_613, %parallel_loop3A_614], %parallel_loop3A_617 {strides = array<i32>} : memref<32x1024xf32, #tpu.memory_space<vmem>>, vector<1x16xf32>,
      %parallel_loop3A_618 = arith.index_cast %parallel_loop3A_42 : i32 to index
      %parallel_loop3A_619 = arith.constant 656 : index
      %parallel_loop3A_620 = tpu.vector_load %arg7[%parallel_loop3A_618, %parallel_loop3A_619] {strides = array<i32>} : memref<32x1024xf32, #tpu.memory_space<vmem>>, vector<1x16xf32>,
      %parallel_loop3A_621 = vector.shape_cast %parallel_loop3A_620 : vector<1x16xf32> to vector<16xf32>
      %parallel_loop3A_622 = arith.index_cast %parallel_loop3A_42 : i32 to index
      %parallel_loop3A_623 = arith.constant 656 : index
      %parallel_loop3A_624 = tpu.vector_load %arg8[%parallel_loop3A_622, %parallel_loop3A_623] {strides = array<i32>} : memref<32x1024xf32, #tpu.memory_space<vmem>>, vector<1x16xf32>,
      %parallel_loop3A_625 = vector.shape_cast %parallel_loop3A_624 : vector<1x16xf32> to vector<16xf32>
      %parallel_loop3A_626 = arith.addf %parallel_loop3A_621, %parallel_loop3A_625 : vector<16xf32>
      %parallel_loop3A_627 = arith.index_cast %parallel_loop3A_42 : i32 to index
      %parallel_loop3A_628 = arith.constant 656 : index
      %parallel_loop3A_629 = tpu.vector_load %arg7[%parallel_loop3A_627, %parallel_loop3A_628] {strides = array<i32>} : memref<32x1024xf32, #tpu.memory_space<vmem>>, vector<1x16xf32>,
      %parallel_loop3A_630 = vector.shape_cast %parallel_loop3A_629 : vector<1x16xf32> to vector<16xf32>
      %parallel_loop3A_631 = vector.shape_cast %parallel_loop3A_626 : vector<16xf32> to vector<1x16xf32>
      tpu.vector_store %arg7[%parallel_loop3A_627, %parallel_loop3A_628], %parallel_loop3A_631 {strides = array<i32>} : memref<32x1024xf32, #tpu.memory_space<vmem>>, vector<1x16xf32>,
      %parallel_loop3A_632 = arith.index_cast %parallel_loop3A_42 : i32 to index
      %parallel_loop3A_633 = arith.constant 672 : index
      %parallel_loop3A_634 = tpu.vector_load %arg7[%parallel_loop3A_632, %parallel_loop3A_633] {strides = array<i32>} : memref<32x1024xf32, #tpu.memory_space<vmem>>, vector<1x16xf32>,
      %parallel_loop3A_635 = vector.shape_cast %parallel_loop3A_634 : vector<1x16xf32> to vector<16xf32>
      %parallel_loop3A_636 = arith.index_cast %parallel_loop3A_42 : i32 to index
      %parallel_loop3A_637 = arith.constant 672 : index
      %parallel_loop3A_638 = tpu.vector_load %arg8[%parallel_loop3A_636, %parallel_loop3A_637] {strides = array<i32>} : memref<32x1024xf32, #tpu.memory_space<vmem>>, vector<1x16xf32>,
      %parallel_loop3A_639 = vector.shape_cast %parallel_loop3A_638 : vector<1x16xf32> to vector<16xf32>
      %parallel_loop3A_640 = arith.addf %parallel_loop3A_635, %parallel_loop3A_639 : vector<16xf32>
      %parallel_loop3A_641 = arith.index_cast %parallel_loop3A_42 : i32 to index
      %parallel_loop3A_642 = arith.constant 672 : index
      %parallel_loop3A_643 = tpu.vector_load %arg7[%parallel_loop3A_641, %parallel_loop3A_642] {strides = array<i32>} : memref<32x1024xf32, #tpu.memory_space<vmem>>, vector<1x16xf32>,
      %parallel_loop3A_644 = vector.shape_cast %parallel_loop3A_643 : vector<1x16xf32> to vector<16xf32>
      %parallel_loop3A_645 = vector.shape_cast %parallel_loop3A_640 : vector<16xf32> to vector<1x16xf32>
      tpu.vector_store %arg7[%parallel_loop3A_641, %parallel_loop3A_642], %parallel_loop3A_645 {strides = array<i32>} : memref<32x1024xf32, #tpu.memory_space<vmem>>, vector<1x16xf32>,
      %parallel_loop3A_646 = arith.index_cast %parallel_loop3A_42 : i32 to index
      %parallel_loop3A_647 = arith.constant 688 : index
      %parallel_loop3A_648 = tpu.vector_load %arg7[%parallel_loop3A_646, %parallel_loop3A_647] {strides = array<i32>} : memref<32x1024xf32, #tpu.memory_space<vmem>>, vector<1x16xf32>,
      %parallel_loop3A_649 = vector.shape_cast %parallel_loop3A_648 : vector<1x16xf32> to vector<16xf32>
      %parallel_loop3A_650 = arith.index_cast %parallel_loop3A_42 : i32 to index
      %parallel_loop3A_651 = arith.constant 688 : index
      %parallel_loop3A_652 = tpu.vector_load %arg8[%parallel_loop3A_650, %parallel_loop3A_651] {strides = array<i32>} : memref<32x1024xf32, #tpu.memory_space<vmem>>, vector<1x16xf32>,
      %parallel_loop3A_653 = vector.shape_cast %parallel_loop3A_652 : vector<1x16xf32> to vector<16xf32>
      %parallel_loop3A_654 = arith.addf %parallel_loop3A_649, %parallel_loop3A_653 : vector<16xf32>
      %parallel_loop3A_655 = arith.index_cast %parallel_loop3A_42 : i32 to index
      %parallel_loop3A_656 = arith.constant 688 : index
      %parallel_loop3A_657 = tpu.vector_load %arg7[%parallel_loop3A_655, %parallel_loop3A_656] {strides = array<i32>} : memref<32x1024xf32, #tpu.memory_space<vmem>>, vector<1x16xf32>,
      %parallel_loop3A_658 = vector.shape_cast %parallel_loop3A_657 : vector<1x16xf32> to vector<16xf32>
      %parallel_loop3A_659 = vector.shape_cast %parallel_loop3A_654 : vector<16xf32> to vector<1x16xf32>
      tpu.vector_store %arg7[%parallel_loop3A_655, %parallel_loop3A_656], %parallel_loop3A_659 {strides = array<i32>} : memref<32x1024xf32, #tpu.memory_space<vmem>>, vector<1x16xf32>,
      %parallel_loop3A_660 = arith.index_cast %parallel_loop3A_42 : i32 to index
      %parallel_loop3A_661 = arith.constant 704 : index
      %parallel_loop3A_662 = tpu.vector_load %arg7[%parallel_loop3A_660, %parallel_loop3A_661] {strides = array<i32>} : memref<32x1024xf32, #tpu.memory_space<vmem>>, vector<1x16xf32>,
      %parallel_loop3A_663 = vector.shape_cast %parallel_loop3A_662 : vector<1x16xf32> to vector<16xf32>
      %parallel_loop3A_664 = arith.index_cast %parallel_loop3A_42 : i32 to index
      %parallel_loop3A_665 = arith.constant 704 : index
      %parallel_loop3A_666 = tpu.vector_load %arg8[%parallel_loop3A_664, %parallel_loop3A_665] {strides = array<i32>} : memref<32x1024xf32, #tpu.memory_space<vmem>>, vector<1x16xf32>,
      %parallel_loop3A_667 = vector.shape_cast %parallel_loop3A_666 : vector<1x16xf32> to vector<16xf32>
      %parallel_loop3A_668 = arith.addf %parallel_loop3A_663, %parallel_loop3A_667 : vector<16xf32>
      %parallel_loop3A_669 = arith.index_cast %parallel_loop3A_42 : i32 to index
      %parallel_loop3A_670 = arith.constant 704 : index
      %parallel_loop3A_671 = tpu.vector_load %arg7[%parallel_loop3A_669, %parallel_loop3A_670] {strides = array<i32>} : memref<32x1024xf32, #tpu.memory_space<vmem>>, vector<1x16xf32>,
      %parallel_loop3A_672 = vector.shape_cast %parallel_loop3A_671 : vector<1x16xf32> to vector<16xf32>
      %parallel_loop3A_673 = vector.shape_cast %parallel_loop3A_668 : vector<16xf32> to vector<1x16xf32>
      tpu.vector_store %arg7[%parallel_loop3A_669, %parallel_loop3A_670], %parallel_loop3A_673 {strides = array<i32>} : memref<32x1024xf32, #tpu.memory_space<vmem>>, vector<1x16xf32>,
      %parallel_loop3A_674 = arith.index_cast %parallel_loop3A_42 : i32 to index
      %parallel_loop3A_675 = arith.constant 720 : index
      %parallel_loop3A_676 = tpu.vector_load %arg7[%parallel_loop3A_674, %parallel_loop3A_675] {strides = array<i32>} : memref<32x1024xf32, #tpu.memory_space<vmem>>, vector<1x16xf32>,
      %parallel_loop3A_677 = vector.shape_cast %parallel_loop3A_676 : vector<1x16xf32> to vector<16xf32>
      %parallel_loop3A_678 = arith.index_cast %parallel_loop3A_42 : i32 to index
      %parallel_loop3A_679 = arith.constant 720 : index
      %parallel_loop3A_680 = tpu.vector_load %arg8[%parallel_loop3A_678, %parallel_loop3A_679] {strides = array<i32>} : memref<32x1024xf32, #tpu.memory_space<vmem>>, vector<1x16xf32>,
      %parallel_loop3A_681 = vector.shape_cast %parallel_loop3A_680 : vector<1x16xf32> to vector<16xf32>
      %parallel_loop3A_682 = arith.addf %parallel_loop3A_677, %parallel_loop3A_681 : vector<16xf32>
      %parallel_loop3A_683 = arith.index_cast %parallel_loop3A_42 : i32 to index
      %parallel_loop3A_684 = arith.constant 720 : index
      %parallel_loop3A_685 = tpu.vector_load %arg7[%parallel_loop3A_683, %parallel_loop3A_684] {strides = array<i32>} : memref<32x1024xf32, #tpu.memory_space<vmem>>, vector<1x16xf32>,
      %parallel_loop3A_686 = vector.shape_cast %parallel_loop3A_685 : vector<1x16xf32> to vector<16xf32>
      %parallel_loop3A_687 = vector.shape_cast %parallel_loop3A_682 : vector<16xf32> to vector<1x16xf32>
      tpu.vector_store %arg7[%parallel_loop3A_683, %parallel_loop3A_684], %parallel_loop3A_687 {strides = array<i32>} : memref<32x1024xf32, #tpu.memory_space<vmem>>, vector<1x16xf32>,
      %parallel_loop3A_688 = arith.index_cast %parallel_loop3A_42 : i32 to index
      %parallel_loop3A_689 = arith.constant 736 : index
      %parallel_loop3A_690 = tpu.vector_load %arg7[%parallel_loop3A_688, %parallel_loop3A_689] {strides = array<i32>} : memref<32x1024xf32, #tpu.memory_space<vmem>>, vector<1x16xf32>,
      %parallel_loop3A_691 = vector.shape_cast %parallel_loop3A_690 : vector<1x16xf32> to vector<16xf32>
      %parallel_loop3A_692 = arith.index_cast %parallel_loop3A_42 : i32 to index
      %parallel_loop3A_693 = arith.constant 736 : index
      %parallel_loop3A_694 = tpu.vector_load %arg8[%parallel_loop3A_692, %parallel_loop3A_693] {strides = array<i32>} : memref<32x1024xf32, #tpu.memory_space<vmem>>, vector<1x16xf32>,
      %parallel_loop3A_695 = vector.shape_cast %parallel_loop3A_694 : vector<1x16xf32> to vector<16xf32>
      %parallel_loop3A_696 = arith.addf %parallel_loop3A_691, %parallel_loop3A_695 : vector<16xf32>
      %parallel_loop3A_697 = arith.index_cast %parallel_loop3A_42 : i32 to index
      %parallel_loop3A_698 = arith.constant 736 : index
      %parallel_loop3A_699 = tpu.vector_load %arg7[%parallel_loop3A_697, %parallel_loop3A_698] {strides = array<i32>} : memref<32x1024xf32, #tpu.memory_space<vmem>>, vector<1x16xf32>,
      %parallel_loop3A_700 = vector.shape_cast %parallel_loop3A_699 : vector<1x16xf32> to vector<16xf32>
      %parallel_loop3A_701 = vector.shape_cast %parallel_loop3A_696 : vector<16xf32> to vector<1x16xf32>
      tpu.vector_store %arg7[%parallel_loop3A_697, %parallel_loop3A_698], %parallel_loop3A_701 {strides = array<i32>} : memref<32x1024xf32, #tpu.memory_space<vmem>>, vector<1x16xf32>,
      %parallel_loop3A_702 = arith.index_cast %parallel_loop3A_42 : i32 to index
      %parallel_loop3A_703 = arith.constant 752 : index
      %parallel_loop3A_704 = tpu.vector_load %arg7[%parallel_loop3A_702, %parallel_loop3A_703] {strides = array<i32>} : memref<32x1024xf32, #tpu.memory_space<vmem>>, vector<1x16xf32>,
      %parallel_loop3A_705 = vector.shape_cast %parallel_loop3A_704 : vector<1x16xf32> to vector<16xf32>
      %parallel_loop3A_706 = arith.index_cast %parallel_loop3A_42 : i32 to index
      %parallel_loop3A_707 = arith.constant 752 : index
      %parallel_loop3A_708 = tpu.vector_load %arg8[%parallel_loop3A_706, %parallel_loop3A_707] {strides = array<i32>} : memref<32x1024xf32, #tpu.memory_space<vmem>>, vector<1x16xf32>,
      %parallel_loop3A_709 = vector.shape_cast %parallel_loop3A_708 : vector<1x16xf32> to vector<16xf32>
      %parallel_loop3A_710 = arith.addf %parallel_loop3A_705, %parallel_loop3A_709 : vector<16xf32>
      %parallel_loop3A_711 = arith.index_cast %parallel_loop3A_42 : i32 to index
      %parallel_loop3A_712 = arith.constant 752 : index
      %parallel_loop3A_713 = tpu.vector_load %arg7[%parallel_loop3A_711, %parallel_loop3A_712] {strides = array<i32>} : memref<32x1024xf32, #tpu.memory_space<vmem>>, vector<1x16xf32>,
      %parallel_loop3A_714 = vector.shape_cast %parallel_loop3A_713 : vector<1x16xf32> to vector<16xf32>
      %parallel_loop3A_715 = vector.shape_cast %parallel_loop3A_710 : vector<16xf32> to vector<1x16xf32>
      tpu.vector_store %arg7[%parallel_loop3A_711, %parallel_loop3A_712], %parallel_loop3A_715 {strides = array<i32>} : memref<32x1024xf32, #tpu.memory_space<vmem>>, vector<1x16xf32>,
      %parallel_loop3A_716 = arith.index_cast %parallel_loop3A_42 : i32 to index
      %parallel_loop3A_717 = arith.constant 768 : index
      %parallel_loop3A_718 = tpu.vector_load %arg7[%parallel_loop3A_716, %parallel_loop3A_717] {strides = array<i32>} : memref<32x1024xf32, #tpu.memory_space<vmem>>, vector<1x16xf32>,
      %parallel_loop3A_719 = vector.shape_cast %parallel_loop3A_718 : vector<1x16xf32> to vector<16xf32>
      %parallel_loop3A_720 = arith.index_cast %parallel_loop3A_42 : i32 to index
      %parallel_loop3A_721 = arith.constant 768 : index
      %parallel_loop3A_722 = tpu.vector_load %arg8[%parallel_loop3A_720, %parallel_loop3A_721] {strides = array<i32>} : memref<32x1024xf32, #tpu.memory_space<vmem>>, vector<1x16xf32>,
      %parallel_loop3A_723 = vector.shape_cast %parallel_loop3A_722 : vector<1x16xf32> to vector<16xf32>
      %parallel_loop3A_724 = arith.addf %parallel_loop3A_719, %parallel_loop3A_723 : vector<16xf32>
      %parallel_loop3A_725 = arith.index_cast %parallel_loop3A_42 : i32 to index
      %parallel_loop3A_726 = arith.constant 768 : index
      %parallel_loop3A_727 = tpu.vector_load %arg7[%parallel_loop3A_725, %parallel_loop3A_726] {strides = array<i32>} : memref<32x1024xf32, #tpu.memory_space<vmem>>, vector<1x16xf32>,
      %parallel_loop3A_728 = vector.shape_cast %parallel_loop3A_727 : vector<1x16xf32> to vector<16xf32>
      %parallel_loop3A_729 = vector.shape_cast %parallel_loop3A_724 : vector<16xf32> to vector<1x16xf32>
      tpu.vector_store %arg7[%parallel_loop3A_725, %parallel_loop3A_726], %parallel_loop3A_729 {strides = array<i32>} : memref<32x1024xf32, #tpu.memory_space<vmem>>, vector<1x16xf32>,
      %parallel_loop3A_730 = arith.index_cast %parallel_loop3A_42 : i32 to index
      %parallel_loop3A_731 = arith.constant 784 : index
      %parallel_loop3A_732 = tpu.vector_load %arg7[%parallel_loop3A_730, %parallel_loop3A_731] {strides = array<i32>} : memref<32x1024xf32, #tpu.memory_space<vmem>>, vector<1x16xf32>,
      %parallel_loop3A_733 = vector.shape_cast %parallel_loop3A_732 : vector<1x16xf32> to vector<16xf32>
      %parallel_loop3A_734 = arith.index_cast %parallel_loop3A_42 : i32 to index
      %parallel_loop3A_735 = arith.constant 784 : index
      %parallel_loop3A_736 = tpu.vector_load %arg8[%parallel_loop3A_734, %parallel_loop3A_735] {strides = array<i32>} : memref<32x1024xf32, #tpu.memory_space<vmem>>, vector<1x16xf32>,
      %parallel_loop3A_737 = vector.shape_cast %parallel_loop3A_736 : vector<1x16xf32> to vector<16xf32>
      %parallel_loop3A_738 = arith.addf %parallel_loop3A_733, %parallel_loop3A_737 : vector<16xf32>
      %parallel_loop3A_739 = arith.index_cast %parallel_loop3A_42 : i32 to index
      %parallel_loop3A_740 = arith.constant 784 : index
      %parallel_loop3A_741 = tpu.vector_load %arg7[%parallel_loop3A_739, %parallel_loop3A_740] {strides = array<i32>} : memref<32x1024xf32, #tpu.memory_space<vmem>>, vector<1x16xf32>,
      %parallel_loop3A_742 = vector.shape_cast %parallel_loop3A_741 : vector<1x16xf32> to vector<16xf32>
      %parallel_loop3A_743 = vector.shape_cast %parallel_loop3A_738 : vector<16xf32> to vector<1x16xf32>
      tpu.vector_store %arg7[%parallel_loop3A_739, %parallel_loop3A_740], %parallel_loop3A_743 {strides = array<i32>} : memref<32x1024xf32, #tpu.memory_space<vmem>>, vector<1x16xf32>,
      %parallel_loop3A_744 = arith.index_cast %parallel_loop3A_42 : i32 to index
      %parallel_loop3A_745 = arith.constant 800 : index
      %parallel_loop3A_746 = tpu.vector_load %arg7[%parallel_loop3A_744, %parallel_loop3A_745] {strides = array<i32>} : memref<32x1024xf32, #tpu.memory_space<vmem>>, vector<1x16xf32>,
      %parallel_loop3A_747 = vector.shape_cast %parallel_loop3A_746 : vector<1x16xf32> to vector<16xf32>
      %parallel_loop3A_748 = arith.index_cast %parallel_loop3A_42 : i32 to index
      %parallel_loop3A_749 = arith.constant 800 : index
      %parallel_loop3A_750 = tpu.vector_load %arg8[%parallel_loop3A_748, %parallel_loop3A_749] {strides = array<i32>} : memref<32x1024xf32, #tpu.memory_space<vmem>>, vector<1x16xf32>,
      %parallel_loop3A_751 = vector.shape_cast %parallel_loop3A_750 : vector<1x16xf32> to vector<16xf32>
      %parallel_loop3A_752 = arith.addf %parallel_loop3A_747, %parallel_loop3A_751 : vector<16xf32>
      %parallel_loop3A_753 = arith.index_cast %parallel_loop3A_42 : i32 to index
      %parallel_loop3A_754 = arith.constant 800 : index
      %parallel_loop3A_755 = tpu.vector_load %arg7[%parallel_loop3A_753, %parallel_loop3A_754] {strides = array<i32>} : memref<32x1024xf32, #tpu.memory_space<vmem>>, vector<1x16xf32>,
      %parallel_loop3A_756 = vector.shape_cast %parallel_loop3A_755 : vector<1x16xf32> to vector<16xf32>
      %parallel_loop3A_757 = vector.shape_cast %parallel_loop3A_752 : vector<16xf32> to vector<1x16xf32>
      tpu.vector_store %arg7[%parallel_loop3A_753, %parallel_loop3A_754], %parallel_loop3A_757 {strides = array<i32>} : memref<32x1024xf32, #tpu.memory_space<vmem>>, vector<1x16xf32>,
      %parallel_loop3A_758 = arith.index_cast %parallel_loop3A_42 : i32 to index
      %parallel_loop3A_759 = arith.constant 816 : index
      %parallel_loop3A_760 = tpu.vector_load %arg7[%parallel_loop3A_758, %parallel_loop3A_759] {strides = array<i32>} : memref<32x1024xf32, #tpu.memory_space<vmem>>, vector<1x16xf32>,
      %parallel_loop3A_761 = vector.shape_cast %parallel_loop3A_760 : vector<1x16xf32> to vector<16xf32>
      %parallel_loop3A_762 = arith.index_cast %parallel_loop3A_42 : i32 to index
      %parallel_loop3A_763 = arith.constant 816 : index
      %parallel_loop3A_764 = tpu.vector_load %arg8[%parallel_loop3A_762, %parallel_loop3A_763] {strides = array<i32>} : memref<32x1024xf32, #tpu.memory_space<vmem>>, vector<1x16xf32>,
      %parallel_loop3A_765 = vector.shape_cast %parallel_loop3A_764 : vector<1x16xf32> to vector<16xf32>
      %parallel_loop3A_766 = arith.addf %parallel_loop3A_761, %parallel_loop3A_765 : vector<16xf32>
      %parallel_loop3A_767 = arith.index_cast %parallel_loop3A_42 : i32 to index
      %parallel_loop3A_768 = arith.constant 816 : index
      %parallel_loop3A_769 = tpu.vector_load %arg7[%parallel_loop3A_767, %parallel_loop3A_768] {strides = array<i32>} : memref<32x1024xf32, #tpu.memory_space<vmem>>, vector<1x16xf32>,
      %parallel_loop3A_770 = vector.shape_cast %parallel_loop3A_769 : vector<1x16xf32> to vector<16xf32>
      %parallel_loop3A_771 = vector.shape_cast %parallel_loop3A_766 : vector<16xf32> to vector<1x16xf32>
      tpu.vector_store %arg7[%parallel_loop3A_767, %parallel_loop3A_768], %parallel_loop3A_771 {strides = array<i32>} : memref<32x1024xf32, #tpu.memory_space<vmem>>, vector<1x16xf32>,
      %parallel_loop3A_772 = arith.index_cast %parallel_loop3A_42 : i32 to index
      %parallel_loop3A_773 = arith.constant 832 : index
      %parallel_loop3A_774 = tpu.vector_load %arg7[%parallel_loop3A_772, %parallel_loop3A_773] {strides = array<i32>} : memref<32x1024xf32, #tpu.memory_space<vmem>>, vector<1x16xf32>,
      %parallel_loop3A_775 = vector.shape_cast %parallel_loop3A_774 : vector<1x16xf32> to vector<16xf32>
      %parallel_loop3A_776 = arith.index_cast %parallel_loop3A_42 : i32 to index
      %parallel_loop3A_777 = arith.constant 832 : index
      %parallel_loop3A_778 = tpu.vector_load %arg8[%parallel_loop3A_776, %parallel_loop3A_777] {strides = array<i32>} : memref<32x1024xf32, #tpu.memory_space<vmem>>, vector<1x16xf32>,
      %parallel_loop3A_779 = vector.shape_cast %parallel_loop3A_778 : vector<1x16xf32> to vector<16xf32>
      %parallel_loop3A_780 = arith.addf %parallel_loop3A_775, %parallel_loop3A_779 : vector<16xf32>
      %parallel_loop3A_781 = arith.index_cast %parallel_loop3A_42 : i32 to index
      %parallel_loop3A_782 = arith.constant 832 : index
      %parallel_loop3A_783 = tpu.vector_load %arg7[%parallel_loop3A_781, %parallel_loop3A_782] {strides = array<i32>} : memref<32x1024xf32, #tpu.memory_space<vmem>>, vector<1x16xf32>,
      %parallel_loop3A_784 = vector.shape_cast %parallel_loop3A_783 : vector<1x16xf32> to vector<16xf32>
      %parallel_loop3A_785 = vector.shape_cast %parallel_loop3A_780 : vector<16xf32> to vector<1x16xf32>
      tpu.vector_store %arg7[%parallel_loop3A_781, %parallel_loop3A_782], %parallel_loop3A_785 {strides = array<i32>} : memref<32x1024xf32, #tpu.memory_space<vmem>>, vector<1x16xf32>,
      %parallel_loop3A_786 = arith.index_cast %parallel_loop3A_42 : i32 to index
      %parallel_loop3A_787 = arith.constant 848 : index
      %parallel_loop3A_788 = tpu.vector_load %arg7[%parallel_loop3A_786, %parallel_loop3A_787] {strides = array<i32>} : memref<32x1024xf32, #tpu.memory_space<vmem>>, vector<1x16xf32>,
      %parallel_loop3A_789 = vector.shape_cast %parallel_loop3A_788 : vector<1x16xf32> to vector<16xf32>
      %parallel_loop3A_790 = arith.index_cast %parallel_loop3A_42 : i32 to index
      %parallel_loop3A_791 = arith.constant 848 : index
      %parallel_loop3A_792 = tpu.vector_load %arg8[%parallel_loop3A_790, %parallel_loop3A_791] {strides = array<i32>} : memref<32x1024xf32, #tpu.memory_space<vmem>>, vector<1x16xf32>,
      %parallel_loop3A_793 = vector.shape_cast %parallel_loop3A_792 : vector<1x16xf32> to vector<16xf32>
      %parallel_loop3A_794 = arith.addf %parallel_loop3A_789, %parallel_loop3A_793 : vector<16xf32>
      %parallel_loop3A_795 = arith.index_cast %parallel_loop3A_42 : i32 to index
      %parallel_loop3A_796 = arith.constant 848 : index
      %parallel_loop3A_797 = tpu.vector_load %arg7[%parallel_loop3A_795, %parallel_loop3A_796] {strides = array<i32>} : memref<32x1024xf32, #tpu.memory_space<vmem>>, vector<1x16xf32>,
      %parallel_loop3A_798 = vector.shape_cast %parallel_loop3A_797 : vector<1x16xf32> to vector<16xf32>
      %parallel_loop3A_799 = vector.shape_cast %parallel_loop3A_794 : vector<16xf32> to vector<1x16xf32>
      tpu.vector_store %arg7[%parallel_loop3A_795, %parallel_loop3A_796], %parallel_loop3A_799 {strides = array<i32>} : memref<32x1024xf32, #tpu.memory_space<vmem>>, vector<1x16xf32>,
      %parallel_loop3A_800 = arith.index_cast %parallel_loop3A_42 : i32 to index
      %parallel_loop3A_801 = arith.constant 864 : index
      %parallel_loop3A_802 = tpu.vector_load %arg7[%parallel_loop3A_800, %parallel_loop3A_801] {strides = array<i32>} : memref<32x1024xf32, #tpu.memory_space<vmem>>, vector<1x16xf32>,
      %parallel_loop3A_803 = vector.shape_cast %parallel_loop3A_802 : vector<1x16xf32> to vector<16xf32>
      %parallel_loop3A_804 = arith.index_cast %parallel_loop3A_42 : i32 to index
      %parallel_loop3A_805 = arith.constant 864 : index
      %parallel_loop3A_806 = tpu.vector_load %arg8[%parallel_loop3A_804, %parallel_loop3A_805] {strides = array<i32>} : memref<32x1024xf32, #tpu.memory_space<vmem>>, vector<1x16xf32>,
      %parallel_loop3A_807 = vector.shape_cast %parallel_loop3A_806 : vector<1x16xf32> to vector<16xf32>
      %parallel_loop3A_808 = arith.addf %parallel_loop3A_803, %parallel_loop3A_807 : vector<16xf32>
      %parallel_loop3A_809 = arith.index_cast %parallel_loop3A_42 : i32 to index
      %parallel_loop3A_810 = arith.constant 864 : index
      %parallel_loop3A_811 = tpu.vector_load %arg7[%parallel_loop3A_809, %parallel_loop3A_810] {strides = array<i32>} : memref<32x1024xf32, #tpu.memory_space<vmem>>, vector<1x16xf32>,
      %parallel_loop3A_812 = vector.shape_cast %parallel_loop3A_811 : vector<1x16xf32> to vector<16xf32>
      %parallel_loop3A_813 = vector.shape_cast %parallel_loop3A_808 : vector<16xf32> to vector<1x16xf32>
      tpu.vector_store %arg7[%parallel_loop3A_809, %parallel_loop3A_810], %parallel_loop3A_813 {strides = array<i32>} : memref<32x1024xf32, #tpu.memory_space<vmem>>, vector<1x16xf32>,
      %parallel_loop3A_814 = arith.index_cast %parallel_loop3A_42 : i32 to index
      %parallel_loop3A_815 = arith.constant 880 : index
      %parallel_loop3A_816 = tpu.vector_load %arg7[%parallel_loop3A_814, %parallel_loop3A_815] {strides = array<i32>} : memref<32x1024xf32, #tpu.memory_space<vmem>>, vector<1x16xf32>,
      %parallel_loop3A_817 = vector.shape_cast %parallel_loop3A_816 : vector<1x16xf32> to vector<16xf32>
      %parallel_loop3A_818 = arith.index_cast %parallel_loop3A_42 : i32 to index
      %parallel_loop3A_819 = arith.constant 880 : index
      %parallel_loop3A_820 = tpu.vector_load %arg8[%parallel_loop3A_818, %parallel_loop3A_819] {strides = array<i32>} : memref<32x1024xf32, #tpu.memory_space<vmem>>, vector<1x16xf32>,
      %parallel_loop3A_821 = vector.shape_cast %parallel_loop3A_820 : vector<1x16xf32> to vector<16xf32>
      %parallel_loop3A_822 = arith.addf %parallel_loop3A_817, %parallel_loop3A_821 : vector<16xf32>
      %parallel_loop3A_823 = arith.index_cast %parallel_loop3A_42 : i32 to index
      %parallel_loop3A_824 = arith.constant 880 : index
      %parallel_loop3A_825 = tpu.vector_load %arg7[%parallel_loop3A_823, %parallel_loop3A_824] {strides = array<i32>} : memref<32x1024xf32, #tpu.memory_space<vmem>>, vector<1x16xf32>,
      %parallel_loop3A_826 = vector.shape_cast %parallel_loop3A_825 : vector<1x16xf32> to vector<16xf32>
      %parallel_loop3A_827 = vector.shape_cast %parallel_loop3A_822 : vector<16xf32> to vector<1x16xf32>
      tpu.vector_store %arg7[%parallel_loop3A_823, %parallel_loop3A_824], %parallel_loop3A_827 {strides = array<i32>} : memref<32x1024xf32, #tpu.memory_space<vmem>>, vector<1x16xf32>,
      %parallel_loop3A_828 = arith.index_cast %parallel_loop3A_42 : i32 to index
      %parallel_loop3A_829 = arith.constant 896 : index
      %parallel_loop3A_830 = tpu.vector_load %arg7[%parallel_loop3A_828, %parallel_loop3A_829] {strides = array<i32>} : memref<32x1024xf32, #tpu.memory_space<vmem>>, vector<1x16xf32>,
      %parallel_loop3A_831 = vector.shape_cast %parallel_loop3A_830 : vector<1x16xf32> to vector<16xf32>
      %parallel_loop3A_832 = arith.index_cast %parallel_loop3A_42 : i32 to index
      %parallel_loop3A_833 = arith.constant 896 : index
      %parallel_loop3A_834 = tpu.vector_load %arg8[%parallel_loop3A_832, %parallel_loop3A_833] {strides = array<i32>} : memref<32x1024xf32, #tpu.memory_space<vmem>>, vector<1x16xf32>,
      %parallel_loop3A_835 = vector.shape_cast %parallel_loop3A_834 : vector<1x16xf32> to vector<16xf32>
      %parallel_loop3A_836 = arith.addf %parallel_loop3A_831, %parallel_loop3A_835 : vector<16xf32>
      %parallel_loop3A_837 = arith.index_cast %parallel_loop3A_42 : i32 to index
      %parallel_loop3A_838 = arith.constant 896 : index
      %parallel_loop3A_839 = tpu.vector_load %arg7[%parallel_loop3A_837, %parallel_loop3A_838] {strides = array<i32>} : memref<32x1024xf32, #tpu.memory_space<vmem>>, vector<1x16xf32>,
      %parallel_loop3A_840 = vector.shape_cast %parallel_loop3A_839 : vector<1x16xf32> to vector<16xf32>
      %parallel_loop3A_841 = vector.shape_cast %parallel_loop3A_836 : vector<16xf32> to vector<1x16xf32>
      tpu.vector_store %arg7[%parallel_loop3A_837, %parallel_loop3A_838], %parallel_loop3A_841 {strides = array<i32>} : memref<32x1024xf32, #tpu.memory_space<vmem>>, vector<1x16xf32>,
      %parallel_loop3A_842 = arith.index_cast %parallel_loop3A_42 : i32 to index
      %parallel_loop3A_843 = arith.constant 912 : index
      %parallel_loop3A_844 = tpu.vector_load %arg7[%parallel_loop3A_842, %parallel_loop3A_843] {strides = array<i32>} : memref<32x1024xf32, #tpu.memory_space<vmem>>, vector<1x16xf32>,
      %parallel_loop3A_845 = vector.shape_cast %parallel_loop3A_844 : vector<1x16xf32> to vector<16xf32>
      %parallel_loop3A_846 = arith.index_cast %parallel_loop3A_42 : i32 to index
      %parallel_loop3A_847 = arith.constant 912 : index
      %parallel_loop3A_848 = tpu.vector_load %arg8[%parallel_loop3A_846, %parallel_loop3A_847] {strides = array<i32>} : memref<32x1024xf32, #tpu.memory_space<vmem>>, vector<1x16xf32>,
      %parallel_loop3A_849 = vector.shape_cast %parallel_loop3A_848 : vector<1x16xf32> to vector<16xf32>
      %parallel_loop3A_850 = arith.addf %parallel_loop3A_845, %parallel_loop3A_849 : vector<16xf32>
      %parallel_loop3A_851 = arith.index_cast %parallel_loop3A_42 : i32 to index
      %parallel_loop3A_852 = arith.constant 912 : index
      %parallel_loop3A_853 = tpu.vector_load %arg7[%parallel_loop3A_851, %parallel_loop3A_852] {strides = array<i32>} : memref<32x1024xf32, #tpu.memory_space<vmem>>, vector<1x16xf32>,
      %parallel_loop3A_854 = vector.shape_cast %parallel_loop3A_853 : vector<1x16xf32> to vector<16xf32>
      %parallel_loop3A_855 = vector.shape_cast %parallel_loop3A_850 : vector<16xf32> to vector<1x16xf32>
      tpu.vector_store %arg7[%parallel_loop3A_851, %parallel_loop3A_852], %parallel_loop3A_855 {strides = array<i32>} : memref<32x1024xf32, #tpu.memory_space<vmem>>, vector<1x16xf32>,
      %parallel_loop3A_856 = arith.index_cast %parallel_loop3A_42 : i32 to index
      %parallel_loop3A_857 = arith.constant 928 : index
      %parallel_loop3A_858 = tpu.vector_load %arg7[%parallel_loop3A_856, %parallel_loop3A_857] {strides = array<i32>} : memref<32x1024xf32, #tpu.memory_space<vmem>>, vector<1x16xf32>,
      %parallel_loop3A_859 = vector.shape_cast %parallel_loop3A_858 : vector<1x16xf32> to vector<16xf32>
      %parallel_loop3A_860 = arith.index_cast %parallel_loop3A_42 : i32 to index
      %parallel_loop3A_861 = arith.constant 928 : index
      %parallel_loop3A_862 = tpu.vector_load %arg8[%parallel_loop3A_860, %parallel_loop3A_861] {strides = array<i32>} : memref<32x1024xf32, #tpu.memory_space<vmem>>, vector<1x16xf32>,
      %parallel_loop3A_863 = vector.shape_cast %parallel_loop3A_862 : vector<1x16xf32> to vector<16xf32>
      %parallel_loop3A_864 = arith.addf %parallel_loop3A_859, %parallel_loop3A_863 : vector<16xf32>
      %parallel_loop3A_865 = arith.index_cast %parallel_loop3A_42 : i32 to index
      %parallel_loop3A_866 = arith.constant 928 : index
      %parallel_loop3A_867 = tpu.vector_load %arg7[%parallel_loop3A_865, %parallel_loop3A_866] {strides = array<i32>} : memref<32x1024xf32, #tpu.memory_space<vmem>>, vector<1x16xf32>,
      %parallel_loop3A_868 = vector.shape_cast %parallel_loop3A_867 : vector<1x16xf32> to vector<16xf32>
      %parallel_loop3A_869 = vector.shape_cast %parallel_loop3A_864 : vector<16xf32> to vector<1x16xf32>
      tpu.vector_store %arg7[%parallel_loop3A_865, %parallel_loop3A_866], %parallel_loop3A_869 {strides = array<i32>} : memref<32x1024xf32, #tpu.memory_space<vmem>>, vector<1x16xf32>,
      %parallel_loop3A_870 = arith.index_cast %parallel_loop3A_42 : i32 to index
      %parallel_loop3A_871 = arith.constant 944 : index
      %parallel_loop3A_872 = tpu.vector_load %arg7[%parallel_loop3A_870, %parallel_loop3A_871] {strides = array<i32>} : memref<32x1024xf32, #tpu.memory_space<vmem>>, vector<1x16xf32>,
      %parallel_loop3A_873 = vector.shape_cast %parallel_loop3A_872 : vector<1x16xf32> to vector<16xf32>
      %parallel_loop3A_874 = arith.index_cast %parallel_loop3A_42 : i32 to index
      %parallel_loop3A_875 = arith.constant 944 : index
      %parallel_loop3A_876 = tpu.vector_load %arg8[%parallel_loop3A_874, %parallel_loop3A_875] {strides = array<i32>} : memref<32x1024xf32, #tpu.memory_space<vmem>>, vector<1x16xf32>,
      %parallel_loop3A_877 = vector.shape_cast %parallel_loop3A_876 : vector<1x16xf32> to vector<16xf32>
      %parallel_loop3A_878 = arith.addf %parallel_loop3A_873, %parallel_loop3A_877 : vector<16xf32>
      %parallel_loop3A_879 = arith.index_cast %parallel_loop3A_42 : i32 to index
      %parallel_loop3A_880 = arith.constant 944 : index
      %parallel_loop3A_881 = tpu.vector_load %arg7[%parallel_loop3A_879, %parallel_loop3A_880] {strides = array<i32>} : memref<32x1024xf32, #tpu.memory_space<vmem>>, vector<1x16xf32>,
      %parallel_loop3A_882 = vector.shape_cast %parallel_loop3A_881 : vector<1x16xf32> to vector<16xf32>
      %parallel_loop3A_883 = vector.shape_cast %parallel_loop3A_878 : vector<16xf32> to vector<1x16xf32>
      tpu.vector_store %arg7[%parallel_loop3A_879, %parallel_loop3A_880], %parallel_loop3A_883 {strides = array<i32>} : memref<32x1024xf32, #tpu.memory_space<vmem>>, vector<1x16xf32>,
      %parallel_loop3A_884 = arith.index_cast %parallel_loop3A_42 : i32 to index
      %parallel_loop3A_885 = arith.constant 960 : index
      %parallel_loop3A_886 = tpu.vector_load %arg7[%parallel_loop3A_884, %parallel_loop3A_885] {strides = array<i32>} : memref<32x1024xf32, #tpu.memory_space<vmem>>, vector<1x16xf32>,
      %parallel_loop3A_887 = vector.shape_cast %parallel_loop3A_886 : vector<1x16xf32> to vector<16xf32>
      %parallel_loop3A_888 = arith.index_cast %parallel_loop3A_42 : i32 to index
      %parallel_loop3A_889 = arith.constant 960 : index
      %parallel_loop3A_890 = tpu.vector_load %arg8[%parallel_loop3A_888, %parallel_loop3A_889] {strides = array<i32>} : memref<32x1024xf32, #tpu.memory_space<vmem>>, vector<1x16xf32>,
      %parallel_loop3A_891 = vector.shape_cast %parallel_loop3A_890 : vector<1x16xf32> to vector<16xf32>
      %parallel_loop3A_892 = arith.addf %parallel_loop3A_887, %parallel_loop3A_891 : vector<16xf32>
      %parallel_loop3A_893 = arith.index_cast %parallel_loop3A_42 : i32 to index
      %parallel_loop3A_894 = arith.constant 960 : index
      %parallel_loop3A_895 = tpu.vector_load %arg7[%parallel_loop3A_893, %parallel_loop3A_894] {strides = array<i32>} : memref<32x1024xf32, #tpu.memory_space<vmem>>, vector<1x16xf32>,
      %parallel_loop3A_896 = vector.shape_cast %parallel_loop3A_895 : vector<1x16xf32> to vector<16xf32>
      %parallel_loop3A_897 = vector.shape_cast %parallel_loop3A_892 : vector<16xf32> to vector<1x16xf32>
      tpu.vector_store %arg7[%parallel_loop3A_893, %parallel_loop3A_894], %parallel_loop3A_897 {strides = array<i32>} : memref<32x1024xf32, #tpu.memory_space<vmem>>, vector<1x16xf32>,
      %parallel_loop3A_898 = arith.index_cast %parallel_loop3A_42 : i32 to index
      %parallel_loop3A_899 = arith.constant 976 : index
      %parallel_loop3A_900 = tpu.vector_load %arg7[%parallel_loop3A_898, %parallel_loop3A_899] {strides = array<i32>} : memref<32x1024xf32, #tpu.memory_space<vmem>>, vector<1x16xf32>,
      %parallel_loop3A_901 = vector.shape_cast %parallel_loop3A_900 : vector<1x16xf32> to vector<16xf32>
      %parallel_loop3A_902 = arith.index_cast %parallel_loop3A_42 : i32 to index
      %parallel_loop3A_903 = arith.constant 976 : index
      %parallel_loop3A_904 = tpu.vector_load %arg8[%parallel_loop3A_902, %parallel_loop3A_903] {strides = array<i32>} : memref<32x1024xf32, #tpu.memory_space<vmem>>, vector<1x16xf32>,
      %parallel_loop3A_905 = vector.shape_cast %parallel_loop3A_904 : vector<1x16xf32> to vector<16xf32>
      %parallel_loop3A_906 = arith.addf %parallel_loop3A_901, %parallel_loop3A_905 : vector<16xf32>
      %parallel_loop3A_907 = arith.index_cast %parallel_loop3A_42 : i32 to index
      %parallel_loop3A_908 = arith.constant 976 : index
      %parallel_loop3A_909 = tpu.vector_load %arg7[%parallel_loop3A_907, %parallel_loop3A_908] {strides = array<i32>} : memref<32x1024xf32, #tpu.memory_space<vmem>>, vector<1x16xf32>,
      %parallel_loop3A_910 = vector.shape_cast %parallel_loop3A_909 : vector<1x16xf32> to vector<16xf32>
      %parallel_loop3A_911 = vector.shape_cast %parallel_loop3A_906 : vector<16xf32> to vector<1x16xf32>
      tpu.vector_store %arg7[%parallel_loop3A_907, %parallel_loop3A_908], %parallel_loop3A_911 {strides = array<i32>} : memref<32x1024xf32, #tpu.memory_space<vmem>>, vector<1x16xf32>,
      %parallel_loop3A_912 = arith.index_cast %parallel_loop3A_42 : i32 to index
      %parallel_loop3A_913 = arith.constant 992 : index
      %parallel_loop3A_914 = tpu.vector_load %arg7[%parallel_loop3A_912, %parallel_loop3A_913] {strides = array<i32>} : memref<32x1024xf32, #tpu.memory_space<vmem>>, vector<1x16xf32>,
      %parallel_loop3A_915 = vector.shape_cast %parallel_loop3A_914 : vector<1x16xf32> to vector<16xf32>
      %parallel_loop3A_916 = arith.index_cast %parallel_loop3A_42 : i32 to index
      %parallel_loop3A_917 = arith.constant 992 : index
      %parallel_loop3A_918 = tpu.vector_load %arg8[%parallel_loop3A_916, %parallel_loop3A_917] {strides = array<i32>} : memref<32x1024xf32, #tpu.memory_space<vmem>>, vector<1x16xf32>,
      %parallel_loop3A_919 = vector.shape_cast %parallel_loop3A_918 : vector<1x16xf32> to vector<16xf32>
      %parallel_loop3A_920 = arith.addf %parallel_loop3A_915, %parallel_loop3A_919 : vector<16xf32>
      %parallel_loop3A_921 = arith.index_cast %parallel_loop3A_42 : i32 to index
      %parallel_loop3A_922 = arith.constant 992 : index
      %parallel_loop3A_923 = tpu.vector_load %arg7[%parallel_loop3A_921, %parallel_loop3A_922] {strides = array<i32>} : memref<32x1024xf32, #tpu.memory_space<vmem>>, vector<1x16xf32>,
      %parallel_loop3A_924 = vector.shape_cast %parallel_loop3A_923 : vector<1x16xf32> to vector<16xf32>
      %parallel_loop3A_925 = vector.shape_cast %parallel_loop3A_920 : vector<16xf32> to vector<1x16xf32>
      tpu.vector_store %arg7[%parallel_loop3A_921, %parallel_loop3A_922], %parallel_loop3A_925 {strides = array<i32>} : memref<32x1024xf32, #tpu.memory_space<vmem>>, vector<1x16xf32>,
      %parallel_loop3A_926 = arith.index_cast %parallel_loop3A_42 : i32 to index
      %parallel_loop3A_927 = arith.constant 1008 : index
      %parallel_loop3A_928 = tpu.vector_load %arg7[%parallel_loop3A_926, %parallel_loop3A_927] {strides = array<i32>} : memref<32x1024xf32, #tpu.memory_space<vmem>>, vector<1x16xf32>,
      %parallel_loop3A_929 = vector.shape_cast %parallel_loop3A_928 : vector<1x16xf32> to vector<16xf32>
      %parallel_loop3A_930 = arith.index_cast %parallel_loop3A_42 : i32 to index
      %parallel_loop3A_931 = arith.constant 1008 : index
      %parallel_loop3A_932 = tpu.vector_load %arg8[%parallel_loop3A_930, %parallel_loop3A_931] {strides = array<i32>} : memref<32x1024xf32, #tpu.memory_space<vmem>>, vector<1x16xf32>,
      %parallel_loop3A_933 = vector.shape_cast %parallel_loop3A_932 : vector<1x16xf32> to vector<16xf32>
      %parallel_loop3A_934 = arith.addf %parallel_loop3A_929, %parallel_loop3A_933 : vector<16xf32>
      %parallel_loop3A_935 = arith.index_cast %parallel_loop3A_42 : i32 to index
      %parallel_loop3A_936 = arith.constant 1008 : index
      %parallel_loop3A_937 = tpu.vector_load %arg7[%parallel_loop3A_935, %parallel_loop3A_936] {strides = array<i32>} : memref<32x1024xf32, #tpu.memory_space<vmem>>, vector<1x16xf32>,
      %parallel_loop3A_938 = vector.shape_cast %parallel_loop3A_937 : vector<1x16xf32> to vector<16xf32>
      %parallel_loop3A_939 = vector.shape_cast %parallel_loop3A_934 : vector<16xf32> to vector<1x16xf32>
      tpu.vector_store %arg7[%parallel_loop3A_935, %parallel_loop3A_936], %parallel_loop3A_939 {strides = array<i32>} : memref<32x1024xf32, #tpu.memory_space<vmem>>, vector<1x16xf32>,
      scf.yield %parallel_loop3A_43 : i32
    } {sc.loop_unroll_factor = 1 : i64, sc.parallel_access}
    "tpu.region"() ({
      %run_scoped3A = tpu.sem_alloc : memref<!tpu.dma_semaphore, #tpu.memory_space<semaphore_mem>>
      %dma_start3A_42 = arith.constant 0 : i32
      %dma_start3A_43 = tpu.memref_slice %arg5[%add3A_4, %dma_start3A_42] : memref<2048x1024xf32, #tpu.memory_space<hbm>> -> memref<32x1024xf32, #tpu.memory_space<hbm>>
      %dma_start3A_44 = arith.constant 0 : i32
      %dma_start3A_45 = tpu.memref_slice %arg5[%add3A_4, %dma_start3A_44] : memref<2048x1024xf32, #tpu.memory_space<hbm>> -> memref<32x1024xf32, #tpu.memory_space<hbm>>
      tpu.enqueue_dma source(%arg7 : memref<32x1024xf32, #tpu.memory_space<vmem>>) target(%dma_start3A_45 : memref<32x1024xf32, #tpu.memory_space<hbm>>) target_semaphore(%run_scoped3A : memref<!tpu.dma_semaphore, #tpu.memory_space<semaphore_mem>>)
      %dma_wait3A_46 = arith.constant 0 : i32
      %dma_wait3A_47 = tpu.memref_slice %arg5[%add3A_4, %dma_wait3A_46] : memref<2048x1024xf32, #tpu.memory_space<hbm>> -> memref<32x1024xf32, #tpu.memory_space<hbm>>
      %dma_wait3A_48 = arith.constant 0 : i32
      %dma_wait3A_49 = tpu.memref_slice %arg5[%add3A_4, %dma_wait3A_48] : memref<2048x1024xf32, #tpu.memory_space<hbm>> -> memref<32x1024xf32, #tpu.memory_space<hbm>>
      tpu.wait_dma2 semaphore(%run_scoped3A : memref<!tpu.dma_semaphore, #tpu.memory_space<semaphore_mem>>) src(%arg7 : memref<32x1024xf32, #tpu.memory_space<vmem>>) dst(%dma_wait3A_49 : memref<32x1024xf32, #tpu.memory_space<hbm>>)
      tpu.yield
    }) : () -> ()
    %add3A_21 = arith.constant 32 : i32
    %add3A_22 = arith.addi %mul3A_2, %add3A_21 : i32
    "tpu.region"() ({
      %run_scoped3A = tpu.sem_alloc : memref<!tpu.dma_semaphore, #tpu.memory_space<semaphore_mem>>
      %dma_start3A_42 = tpu.memref_slice %arg2[%add3A_22] : memref<2048xi32, #tpu.memory_space<hbm>> -> memref<32xi32, #tpu.memory_space<hbm>>
      %dma_start3A_43 = tpu.memref_slice %arg2[%add3A_22] : memref<2048xi32, #tpu.memory_space<hbm>> -> memref<32xi32, #tpu.memory_space<hbm>>
      tpu.enqueue_dma source(%dma_start3A_43 : memref<32xi32, #tpu.memory_space<hbm>>) target(%arg6 : memref<32xi32, #tpu.memory_space<vmem>>) target_semaphore(%run_scoped3A : memref<!tpu.dma_semaphore, #tpu.memory_space<semaphore_mem>>)
      %dma_wait3A_44 = tpu.memref_slice %arg2[%add3A_22] : memref<2048xi32, #tpu.memory_space<hbm>> -> memref<32xi32, #tpu.memory_space<hbm>>
      %dma_wait3A_45 = tpu.memref_slice %arg2[%add3A_22] : memref<2048xi32, #tpu.memory_space<hbm>> -> memref<32xi32, #tpu.memory_space<hbm>>
      tpu.wait_dma2 semaphore(%run_scoped3A : memref<!tpu.dma_semaphore, #tpu.memory_space<semaphore_mem>>) src(%dma_wait3A_45 : memref<32xi32, #tpu.memory_space<hbm>>) dst(%arg6 : memref<32xi32, #tpu.memory_space<vmem>>)
      tpu.yield
    }) : () -> ()
    %dma_start3A_23 = arith.constant 0 : i32
    %dma_start3A_24 = tpu.memref_slice %arg4[%add3A_22, %dma_start3A_23] : memref<2048x1024xf32, #tpu.memory_space<hbm>> -> memref<32x1024xf32, #tpu.memory_space<hbm>>
    %dma_start3A_25 = arith.constant 0 : i32
    %dma_start3A_26 = tpu.memref_slice %arg4[%add3A_22, %dma_start3A_25] : memref<2048x1024xf32, #tpu.memory_space<hbm>> -> memref<32x1024xf32, #tpu.memory_space<hbm>>
    tpu.enqueue_dma source(%dma_start3A_26 : memref<32x1024xf32, #tpu.memory_space<hbm>>) target(%arg8 : memref<32x1024xf32, #tpu.memory_space<vmem>>) target_semaphore(%arg10 : memref<!tpu.dma_semaphore, #tpu.memory_space<semaphore_mem>>)
    %dma_start3A_27 = arith.constant 0 : i32
    %dma_start3A_28 = arith.constant 0 : i32
    %dma_start3A_29 = tpu.memref_slice %arg3[%dma_start3A_27, %dma_start3A_28] : memref<4096x1024xf32, #tpu.memory_space<hbm>> -> memref<4096x1024xf32, #tpu.memory_space<hbm>>
    tpu.enqueue_indirect_dma source(%dma_start3A_29 : memref<4096x1024xf32, #tpu.memory_space<hbm>>) target(%arg7 : memref<32x1024xf32, #tpu.memory_space<vmem>>) offsets(%arg6 : memref<32xi32, #tpu.memory_space<vmem>>) semaphore(%arg9 : memref<!tpu.dma_semaphore, #tpu.memory_space<semaphore_mem>>)
    %dma_wait3A_30 = arith.constant 0 : i32
    %dma_wait3A_31 = arith.constant 0 : i32
    %dma_wait3A_32 = tpu.memref_slice %arg3[%dma_wait3A_30, %dma_wait3A_31] : memref<4096x1024xf32, #tpu.memory_space<hbm>> -> memref<4096x1024xf32, #tpu.memory_space<hbm>>
    tpu.wait_indirect_dma semaphore(%arg9 : memref<!tpu.dma_semaphore, #tpu.memory_space<semaphore_mem>>) src(%dma_wait3A_32 : memref<4096x1024xf32, #tpu.memory_space<hbm>>) dst(%arg7 : memref<32x1024xf32, #tpu.memory_space<vmem>>)
    %dma_wait3A_33 = arith.constant 0 : i32
    %dma_wait3A_34 = tpu.memref_slice %arg4[%add3A_22, %dma_wait3A_33] : memref<2048x1024xf32, #tpu.memory_space<hbm>> -> memref<32x1024xf32, #tpu.memory_space<hbm>>
    %dma_wait3A_35 = arith.constant 0 : i32
    %dma_wait3A_36 = tpu.memref_slice %arg4[%add3A_22, %dma_wait3A_35] : memref<2048x1024xf32, #tpu.memory_space<hbm>> -> memref<32x1024xf32, #tpu.memory_space<hbm>>
    tpu.wait_dma2 semaphore(%arg10 : memref<!tpu.dma_semaphore, #tpu.memory_space<semaphore_mem>>) src(%dma_wait3A_36 : memref<32x1024xf32, #tpu.memory_space<hbm>>) dst(%arg8 : memref<32x1024xf32, #tpu.memory_space<vmem>>)
    %parallel_loop3A_37 = arith.constant 0 : i32
    %parallel_loop3A_38 = arith.constant 32 : i32
    %parallel_loop3A_39 = arith.constant 1 : i32
    %parallel_loop3A_40 = arith.constant 0 : i32
    %parallel_loop3A_41 = scf.for %parallel_loop3A_42 = %parallel_loop3A_37 to %parallel_loop3A_38 step %parallel_loop3A_39 iter_args(%parallel_loop3A_43 = %parallel_loop3A_40) -> (i32)  : i32 {
      %parallel_loop3A_44 = arith.index_cast %parallel_loop3A_42 : i32 to index
      %parallel_loop3A_45 = arith.constant 0 : index
      %parallel_loop3A_46 = tpu.vector_load %arg7[%parallel_loop3A_44, %parallel_loop3A_45] {strides = array<i32>} : memref<32x1024xf32, #tpu.memory_space<vmem>>, vector<1x16xf32>,
      %parallel_loop3A_47 = vector.shape_cast %parallel_loop3A_46 : vector<1x16xf32> to vector<16xf32>
      %parallel_loop3A_48 = arith.index_cast %parallel_loop3A_42 : i32 to index
      %parallel_loop3A_49 = arith.constant 0 : index
      %parallel_loop3A_50 = tpu.vector_load %arg8[%parallel_loop3A_48, %parallel_loop3A_49] {strides = array<i32>} : memref<32x1024xf32, #tpu.memory_space<vmem>>, vector<1x16xf32>,
      %parallel_loop3A_51 = vector.shape_cast %parallel_loop3A_50 : vector<1x16xf32> to vector<16xf32>
      %parallel_loop3A_52 = arith.addf %parallel_loop3A_47, %parallel_loop3A_51 : vector<16xf32>
      %parallel_loop3A_53 = arith.index_cast %parallel_loop3A_42 : i32 to index
      %parallel_loop3A_54 = arith.constant 0 : index
      %parallel_loop3A_55 = tpu.vector_load %arg7[%parallel_loop3A_53, %parallel_loop3A_54] {strides = array<i32>} : memref<32x1024xf32, #tpu.memory_space<vmem>>, vector<1x16xf32>,
      %parallel_loop3A_56 = vector.shape_cast %parallel_loop3A_55 : vector<1x16xf32> to vector<16xf32>
      %parallel_loop3A_57 = vector.shape_cast %parallel_loop3A_52 : vector<16xf32> to vector<1x16xf32>
      tpu.vector_store %arg7[%parallel_loop3A_53, %parallel_loop3A_54], %parallel_loop3A_57 {strides = array<i32>} : memref<32x1024xf32, #tpu.memory_space<vmem>>, vector<1x16xf32>,
      %parallel_loop3A_58 = arith.index_cast %parallel_loop3A_42 : i32 to index
      %parallel_loop3A_59 = arith.constant 16 : index
      %parallel_loop3A_60 = tpu.vector_load %arg7[%parallel_loop3A_58, %parallel_loop3A_59] {strides = array<i32>} : memref<32x1024xf32, #tpu.memory_space<vmem>>, vector<1x16xf32>,
      %parallel_loop3A_61 = vector.shape_cast %parallel_loop3A_60 : vector<1x16xf32> to vector<16xf32>
      %parallel_loop3A_62 = arith.index_cast %parallel_loop3A_42 : i32 to index
      %parallel_loop3A_63 = arith.constant 16 : index
      %parallel_loop3A_64 = tpu.vector_load %arg8[%parallel_loop3A_62, %parallel_loop3A_63] {strides = array<i32>} : memref<32x1024xf32, #tpu.memory_space<vmem>>, vector<1x16xf32>,
      %parallel_loop3A_65 = vector.shape_cast %parallel_loop3A_64 : vector<1x16xf32> to vector<16xf32>
      %parallel_loop3A_66 = arith.addf %parallel_loop3A_61, %parallel_loop3A_65 : vector<16xf32>
      %parallel_loop3A_67 = arith.index_cast %parallel_loop3A_42 : i32 to index
      %parallel_loop3A_68 = arith.constant 16 : index
      %parallel_loop3A_69 = tpu.vector_load %arg7[%parallel_loop3A_67, %parallel_loop3A_68] {strides = array<i32>} : memref<32x1024xf32, #tpu.memory_space<vmem>>, vector<1x16xf32>,
      %parallel_loop3A_70 = vector.shape_cast %parallel_loop3A_69 : vector<1x16xf32> to vector<16xf32>
      %parallel_loop3A_71 = vector.shape_cast %parallel_loop3A_66 : vector<16xf32> to vector<1x16xf32>
      tpu.vector_store %arg7[%parallel_loop3A_67, %parallel_loop3A_68], %parallel_loop3A_71 {strides = array<i32>} : memref<32x1024xf32, #tpu.memory_space<vmem>>, vector<1x16xf32>,
      %parallel_loop3A_72 = arith.index_cast %parallel_loop3A_42 : i32 to index
      %parallel_loop3A_73 = arith.constant 32 : index
      %parallel_loop3A_74 = tpu.vector_load %arg7[%parallel_loop3A_72, %parallel_loop3A_73] {strides = array<i32>} : memref<32x1024xf32, #tpu.memory_space<vmem>>, vector<1x16xf32>,
      %parallel_loop3A_75 = vector.shape_cast %parallel_loop3A_74 : vector<1x16xf32> to vector<16xf32>
      %parallel_loop3A_76 = arith.index_cast %parallel_loop3A_42 : i32 to index
      %parallel_loop3A_77 = arith.constant 32 : index
      %parallel_loop3A_78 = tpu.vector_load %arg8[%parallel_loop3A_76, %parallel_loop3A_77] {strides = array<i32>} : memref<32x1024xf32, #tpu.memory_space<vmem>>, vector<1x16xf32>,
      %parallel_loop3A_79 = vector.shape_cast %parallel_loop3A_78 : vector<1x16xf32> to vector<16xf32>
      %parallel_loop3A_80 = arith.addf %parallel_loop3A_75, %parallel_loop3A_79 : vector<16xf32>
      %parallel_loop3A_81 = arith.index_cast %parallel_loop3A_42 : i32 to index
      %parallel_loop3A_82 = arith.constant 32 : index
      %parallel_loop3A_83 = tpu.vector_load %arg7[%parallel_loop3A_81, %parallel_loop3A_82] {strides = array<i32>} : memref<32x1024xf32, #tpu.memory_space<vmem>>, vector<1x16xf32>,
      %parallel_loop3A_84 = vector.shape_cast %parallel_loop3A_83 : vector<1x16xf32> to vector<16xf32>
      %parallel_loop3A_85 = vector.shape_cast %parallel_loop3A_80 : vector<16xf32> to vector<1x16xf32>
      tpu.vector_store %arg7[%parallel_loop3A_81, %parallel_loop3A_82], %parallel_loop3A_85 {strides = array<i32>} : memref<32x1024xf32, #tpu.memory_space<vmem>>, vector<1x16xf32>,
      %parallel_loop3A_86 = arith.index_cast %parallel_loop3A_42 : i32 to index
      %parallel_loop3A_87 = arith.constant 48 : index
      %parallel_loop3A_88 = tpu.vector_load %arg7[%parallel_loop3A_86, %parallel_loop3A_87] {strides = array<i32>} : memref<32x1024xf32, #tpu.memory_space<vmem>>, vector<1x16xf32>,
      %parallel_loop3A_89 = vector.shape_cast %parallel_loop3A_88 : vector<1x16xf32> to vector<16xf32>
      %parallel_loop3A_90 = arith.index_cast %parallel_loop3A_42 : i32 to index
      %parallel_loop3A_91 = arith.constant 48 : index
      %parallel_loop3A_92 = tpu.vector_load %arg8[%parallel_loop3A_90, %parallel_loop3A_91] {strides = array<i32>} : memref<32x1024xf32, #tpu.memory_space<vmem>>, vector<1x16xf32>,
      %parallel_loop3A_93 = vector.shape_cast %parallel_loop3A_92 : vector<1x16xf32> to vector<16xf32>
      %parallel_loop3A_94 = arith.addf %parallel_loop3A_89, %parallel_loop3A_93 : vector<16xf32>
      %parallel_loop3A_95 = arith.index_cast %parallel_loop3A_42 : i32 to index
      %parallel_loop3A_96 = arith.constant 48 : index
      %parallel_loop3A_97 = tpu.vector_load %arg7[%parallel_loop3A_95, %parallel_loop3A_96] {strides = array<i32>} : memref<32x1024xf32, #tpu.memory_space<vmem>>, vector<1x16xf32>,
      %parallel_loop3A_98 = vector.shape_cast %parallel_loop3A_97 : vector<1x16xf32> to vector<16xf32>
      %parallel_loop3A_99 = vector.shape_cast %parallel_loop3A_94 : vector<16xf32> to vector<1x16xf32>
      tpu.vector_store %arg7[%parallel_loop3A_95, %parallel_loop3A_96], %parallel_loop3A_99 {strides = array<i32>} : memref<32x1024xf32, #tpu.memory_space<vmem>>, vector<1x16xf32>,
      %parallel_loop3A_100 = arith.index_cast %parallel_loop3A_42 : i32 to index
      %parallel_loop3A_101 = arith.constant 64 : index
      %parallel_loop3A_102 = tpu.vector_load %arg7[%parallel_loop3A_100, %parallel_loop3A_101] {strides = array<i32>} : memref<32x1024xf32, #tpu.memory_space<vmem>>, vector<1x16xf32>,
      %parallel_loop3A_103 = vector.shape_cast %parallel_loop3A_102 : vector<1x16xf32> to vector<16xf32>
      %parallel_loop3A_104 = arith.index_cast %parallel_loop3A_42 : i32 to index
      %parallel_loop3A_105 = arith.constant 64 : index
      %parallel_loop3A_106 = tpu.vector_load %arg8[%parallel_loop3A_104, %parallel_loop3A_105] {strides = array<i32>} : memref<32x1024xf32, #tpu.memory_space<vmem>>, vector<1x16xf32>,
      %parallel_loop3A_107 = vector.shape_cast %parallel_loop3A_106 : vector<1x16xf32> to vector<16xf32>
      %parallel_loop3A_108 = arith.addf %parallel_loop3A_103, %parallel_loop3A_107 : vector<16xf32>
      %parallel_loop3A_109 = arith.index_cast %parallel_loop3A_42 : i32 to index
      %parallel_loop3A_110 = arith.constant 64 : index
      %parallel_loop3A_111 = tpu.vector_load %arg7[%parallel_loop3A_109, %parallel_loop3A_110] {strides = array<i32>} : memref<32x1024xf32, #tpu.memory_space<vmem>>, vector<1x16xf32>,
      %parallel_loop3A_112 = vector.shape_cast %parallel_loop3A_111 : vector<1x16xf32> to vector<16xf32>
      %parallel_loop3A_113 = vector.shape_cast %parallel_loop3A_108 : vector<16xf32> to vector<1x16xf32>
      tpu.vector_store %arg7[%parallel_loop3A_109, %parallel_loop3A_110], %parallel_loop3A_113 {strides = array<i32>} : memref<32x1024xf32, #tpu.memory_space<vmem>>, vector<1x16xf32>,
      %parallel_loop3A_114 = arith.index_cast %parallel_loop3A_42 : i32 to index
      %parallel_loop3A_115 = arith.constant 80 : index
      %parallel_loop3A_116 = tpu.vector_load %arg7[%parallel_loop3A_114, %parallel_loop3A_115] {strides = array<i32>} : memref<32x1024xf32, #tpu.memory_space<vmem>>, vector<1x16xf32>,
      %parallel_loop3A_117 = vector.shape_cast %parallel_loop3A_116 : vector<1x16xf32> to vector<16xf32>
      %parallel_loop3A_118 = arith.index_cast %parallel_loop3A_42 : i32 to index
      %parallel_loop3A_119 = arith.constant 80 : index
      %parallel_loop3A_120 = tpu.vector_load %arg8[%parallel_loop3A_118, %parallel_loop3A_119] {strides = array<i32>} : memref<32x1024xf32, #tpu.memory_space<vmem>>, vector<1x16xf32>,
      %parallel_loop3A_121 = vector.shape_cast %parallel_loop3A_120 : vector<1x16xf32> to vector<16xf32>
      %parallel_loop3A_122 = arith.addf %parallel_loop3A_117, %parallel_loop3A_121 : vector<16xf32>
      %parallel_loop3A_123 = arith.index_cast %parallel_loop3A_42 : i32 to index
      %parallel_loop3A_124 = arith.constant 80 : index
      %parallel_loop3A_125 = tpu.vector_load %arg7[%parallel_loop3A_123, %parallel_loop3A_124] {strides = array<i32>} : memref<32x1024xf32, #tpu.memory_space<vmem>>, vector<1x16xf32>,
      %parallel_loop3A_126 = vector.shape_cast %parallel_loop3A_125 : vector<1x16xf32> to vector<16xf32>
      %parallel_loop3A_127 = vector.shape_cast %parallel_loop3A_122 : vector<16xf32> to vector<1x16xf32>
      tpu.vector_store %arg7[%parallel_loop3A_123, %parallel_loop3A_124], %parallel_loop3A_127 {strides = array<i32>} : memref<32x1024xf32, #tpu.memory_space<vmem>>, vector<1x16xf32>,
      %parallel_loop3A_128 = arith.index_cast %parallel_loop3A_42 : i32 to index
      %parallel_loop3A_129 = arith.constant 96 : index
      %parallel_loop3A_130 = tpu.vector_load %arg7[%parallel_loop3A_128, %parallel_loop3A_129] {strides = array<i32>} : memref<32x1024xf32, #tpu.memory_space<vmem>>, vector<1x16xf32>,
      %parallel_loop3A_131 = vector.shape_cast %parallel_loop3A_130 : vector<1x16xf32> to vector<16xf32>
      %parallel_loop3A_132 = arith.index_cast %parallel_loop3A_42 : i32 to index
      %parallel_loop3A_133 = arith.constant 96 : index
      %parallel_loop3A_134 = tpu.vector_load %arg8[%parallel_loop3A_132, %parallel_loop3A_133] {strides = array<i32>} : memref<32x1024xf32, #tpu.memory_space<vmem>>, vector<1x16xf32>,
      %parallel_loop3A_135 = vector.shape_cast %parallel_loop3A_134 : vector<1x16xf32> to vector<16xf32>
      %parallel_loop3A_136 = arith.addf %parallel_loop3A_131, %parallel_loop3A_135 : vector<16xf32>
      %parallel_loop3A_137 = arith.index_cast %parallel_loop3A_42 : i32 to index
      %parallel_loop3A_138 = arith.constant 96 : index
      %parallel_loop3A_139 = tpu.vector_load %arg7[%parallel_loop3A_137, %parallel_loop3A_138] {strides = array<i32>} : memref<32x1024xf32, #tpu.memory_space<vmem>>, vector<1x16xf32>,
      %parallel_loop3A_140 = vector.shape_cast %parallel_loop3A_139 : vector<1x16xf32> to vector<16xf32>
      %parallel_loop3A_141 = vector.shape_cast %parallel_loop3A_136 : vector<16xf32> to vector<1x16xf32>
      tpu.vector_store %arg7[%parallel_loop3A_137, %parallel_loop3A_138], %parallel_loop3A_141 {strides = array<i32>} : memref<32x1024xf32, #tpu.memory_space<vmem>>, vector<1x16xf32>,
      %parallel_loop3A_142 = arith.index_cast %parallel_loop3A_42 : i32 to index
      %parallel_loop3A_143 = arith.constant 112 : index
      %parallel_loop3A_144 = tpu.vector_load %arg7[%parallel_loop3A_142, %parallel_loop3A_143] {strides = array<i32>} : memref<32x1024xf32, #tpu.memory_space<vmem>>, vector<1x16xf32>,
      %parallel_loop3A_145 = vector.shape_cast %parallel_loop3A_144 : vector<1x16xf32> to vector<16xf32>
      %parallel_loop3A_146 = arith.index_cast %parallel_loop3A_42 : i32 to index
      %parallel_loop3A_147 = arith.constant 112 : index
      %parallel_loop3A_148 = tpu.vector_load %arg8[%parallel_loop3A_146, %parallel_loop3A_147] {strides = array<i32>} : memref<32x1024xf32, #tpu.memory_space<vmem>>, vector<1x16xf32>,
      %parallel_loop3A_149 = vector.shape_cast %parallel_loop3A_148 : vector<1x16xf32> to vector<16xf32>
      %parallel_loop3A_150 = arith.addf %parallel_loop3A_145, %parallel_loop3A_149 : vector<16xf32>
      %parallel_loop3A_151 = arith.index_cast %parallel_loop3A_42 : i32 to index
      %parallel_loop3A_152 = arith.constant 112 : index
      %parallel_loop3A_153 = tpu.vector_load %arg7[%parallel_loop3A_151, %parallel_loop3A_152] {strides = array<i32>} : memref<32x1024xf32, #tpu.memory_space<vmem>>, vector<1x16xf32>,
      %parallel_loop3A_154 = vector.shape_cast %parallel_loop3A_153 : vector<1x16xf32> to vector<16xf32>
      %parallel_loop3A_155 = vector.shape_cast %parallel_loop3A_150 : vector<16xf32> to vector<1x16xf32>
      tpu.vector_store %arg7[%parallel_loop3A_151, %parallel_loop3A_152], %parallel_loop3A_155 {strides = array<i32>} : memref<32x1024xf32, #tpu.memory_space<vmem>>, vector<1x16xf32>,
      %parallel_loop3A_156 = arith.index_cast %parallel_loop3A_42 : i32 to index
      %parallel_loop3A_157 = arith.constant 128 : index
      %parallel_loop3A_158 = tpu.vector_load %arg7[%parallel_loop3A_156, %parallel_loop3A_157] {strides = array<i32>} : memref<32x1024xf32, #tpu.memory_space<vmem>>, vector<1x16xf32>,
      %parallel_loop3A_159 = vector.shape_cast %parallel_loop3A_158 : vector<1x16xf32> to vector<16xf32>
      %parallel_loop3A_160 = arith.index_cast %parallel_loop3A_42 : i32 to index
      %parallel_loop3A_161 = arith.constant 128 : index
      %parallel_loop3A_162 = tpu.vector_load %arg8[%parallel_loop3A_160, %parallel_loop3A_161] {strides = array<i32>} : memref<32x1024xf32, #tpu.memory_space<vmem>>, vector<1x16xf32>,
      %parallel_loop3A_163 = vector.shape_cast %parallel_loop3A_162 : vector<1x16xf32> to vector<16xf32>
      %parallel_loop3A_164 = arith.addf %parallel_loop3A_159, %parallel_loop3A_163 : vector<16xf32>
      %parallel_loop3A_165 = arith.index_cast %parallel_loop3A_42 : i32 to index
      %parallel_loop3A_166 = arith.constant 128 : index
      %parallel_loop3A_167 = tpu.vector_load %arg7[%parallel_loop3A_165, %parallel_loop3A_166] {strides = array<i32>} : memref<32x1024xf32, #tpu.memory_space<vmem>>, vector<1x16xf32>,
      %parallel_loop3A_168 = vector.shape_cast %parallel_loop3A_167 : vector<1x16xf32> to vector<16xf32>
      %parallel_loop3A_169 = vector.shape_cast %parallel_loop3A_164 : vector<16xf32> to vector<1x16xf32>
      tpu.vector_store %arg7[%parallel_loop3A_165, %parallel_loop3A_166], %parallel_loop3A_169 {strides = array<i32>} : memref<32x1024xf32, #tpu.memory_space<vmem>>, vector<1x16xf32>,
      %parallel_loop3A_170 = arith.index_cast %parallel_loop3A_42 : i32 to index
      %parallel_loop3A_171 = arith.constant 144 : index
      %parallel_loop3A_172 = tpu.vector_load %arg7[%parallel_loop3A_170, %parallel_loop3A_171] {strides = array<i32>} : memref<32x1024xf32, #tpu.memory_space<vmem>>, vector<1x16xf32>,
      %parallel_loop3A_173 = vector.shape_cast %parallel_loop3A_172 : vector<1x16xf32> to vector<16xf32>
      %parallel_loop3A_174 = arith.index_cast %parallel_loop3A_42 : i32 to index
      %parallel_loop3A_175 = arith.constant 144 : index
      %parallel_loop3A_176 = tpu.vector_load %arg8[%parallel_loop3A_174, %parallel_loop3A_175] {strides = array<i32>} : memref<32x1024xf32, #tpu.memory_space<vmem>>, vector<1x16xf32>,
      %parallel_loop3A_177 = vector.shape_cast %parallel_loop3A_176 : vector<1x16xf32> to vector<16xf32>
      %parallel_loop3A_178 = arith.addf %parallel_loop3A_173, %parallel_loop3A_177 : vector<16xf32>
      %parallel_loop3A_179 = arith.index_cast %parallel_loop3A_42 : i32 to index
      %parallel_loop3A_180 = arith.constant 144 : index
      %parallel_loop3A_181 = tpu.vector_load %arg7[%parallel_loop3A_179, %parallel_loop3A_180] {strides = array<i32>} : memref<32x1024xf32, #tpu.memory_space<vmem>>, vector<1x16xf32>,
      %parallel_loop3A_182 = vector.shape_cast %parallel_loop3A_181 : vector<1x16xf32> to vector<16xf32>
      %parallel_loop3A_183 = vector.shape_cast %parallel_loop3A_178 : vector<16xf32> to vector<1x16xf32>
      tpu.vector_store %arg7[%parallel_loop3A_179, %parallel_loop3A_180], %parallel_loop3A_183 {strides = array<i32>} : memref<32x1024xf32, #tpu.memory_space<vmem>>, vector<1x16xf32>,
      %parallel_loop3A_184 = arith.index_cast %parallel_loop3A_42 : i32 to index
      %parallel_loop3A_185 = arith.constant 160 : index
      %parallel_loop3A_186 = tpu.vector_load %arg7[%parallel_loop3A_184, %parallel_loop3A_185] {strides = array<i32>} : memref<32x1024xf32, #tpu.memory_space<vmem>>, vector<1x16xf32>,
      %parallel_loop3A_187 = vector.shape_cast %parallel_loop3A_186 : vector<1x16xf32> to vector<16xf32>
      %parallel_loop3A_188 = arith.index_cast %parallel_loop3A_42 : i32 to index
      %parallel_loop3A_189 = arith.constant 160 : index
      %parallel_loop3A_190 = tpu.vector_load %arg8[%parallel_loop3A_188, %parallel_loop3A_189] {strides = array<i32>} : memref<32x1024xf32, #tpu.memory_space<vmem>>, vector<1x16xf32>,
      %parallel_loop3A_191 = vector.shape_cast %parallel_loop3A_190 : vector<1x16xf32> to vector<16xf32>
      %parallel_loop3A_192 = arith.addf %parallel_loop3A_187, %parallel_loop3A_191 : vector<16xf32>
      %parallel_loop3A_193 = arith.index_cast %parallel_loop3A_42 : i32 to index
      %parallel_loop3A_194 = arith.constant 160 : index
      %parallel_loop3A_195 = tpu.vector_load %arg7[%parallel_loop3A_193, %parallel_loop3A_194] {strides = array<i32>} : memref<32x1024xf32, #tpu.memory_space<vmem>>, vector<1x16xf32>,
      %parallel_loop3A_196 = vector.shape_cast %parallel_loop3A_195 : vector<1x16xf32> to vector<16xf32>
      %parallel_loop3A_197 = vector.shape_cast %parallel_loop3A_192 : vector<16xf32> to vector<1x16xf32>
      tpu.vector_store %arg7[%parallel_loop3A_193, %parallel_loop3A_194], %parallel_loop3A_197 {strides = array<i32>} : memref<32x1024xf32, #tpu.memory_space<vmem>>, vector<1x16xf32>,
      %parallel_loop3A_198 = arith.index_cast %parallel_loop3A_42 : i32 to index
      %parallel_loop3A_199 = arith.constant 176 : index
      %parallel_loop3A_200 = tpu.vector_load %arg7[%parallel_loop3A_198, %parallel_loop3A_199] {strides = array<i32>} : memref<32x1024xf32, #tpu.memory_space<vmem>>, vector<1x16xf32>,
      %parallel_loop3A_201 = vector.shape_cast %parallel_loop3A_200 : vector<1x16xf32> to vector<16xf32>
      %parallel_loop3A_202 = arith.index_cast %parallel_loop3A_42 : i32 to index
      %parallel_loop3A_203 = arith.constant 176 : index
      %parallel_loop3A_204 = tpu.vector_load %arg8[%parallel_loop3A_202, %parallel_loop3A_203] {strides = array<i32>} : memref<32x1024xf32, #tpu.memory_space<vmem>>, vector<1x16xf32>,
      %parallel_loop3A_205 = vector.shape_cast %parallel_loop3A_204 : vector<1x16xf32> to vector<16xf32>
      %parallel_loop3A_206 = arith.addf %parallel_loop3A_201, %parallel_loop3A_205 : vector<16xf32>
      %parallel_loop3A_207 = arith.index_cast %parallel_loop3A_42 : i32 to index
      %parallel_loop3A_208 = arith.constant 176 : index
      %parallel_loop3A_209 = tpu.vector_load %arg7[%parallel_loop3A_207, %parallel_loop3A_208] {strides = array<i32>} : memref<32x1024xf32, #tpu.memory_space<vmem>>, vector<1x16xf32>,
      %parallel_loop3A_210 = vector.shape_cast %parallel_loop3A_209 : vector<1x16xf32> to vector<16xf32>
      %parallel_loop3A_211 = vector.shape_cast %parallel_loop3A_206 : vector<16xf32> to vector<1x16xf32>
      tpu.vector_store %arg7[%parallel_loop3A_207, %parallel_loop3A_208], %parallel_loop3A_211 {strides = array<i32>} : memref<32x1024xf32, #tpu.memory_space<vmem>>, vector<1x16xf32>,
      %parallel_loop3A_212 = arith.index_cast %parallel_loop3A_42 : i32 to index
      %parallel_loop3A_213 = arith.constant 192 : index
      %parallel_loop3A_214 = tpu.vector_load %arg7[%parallel_loop3A_212, %parallel_loop3A_213] {strides = array<i32>} : memref<32x1024xf32, #tpu.memory_space<vmem>>, vector<1x16xf32>,
      %parallel_loop3A_215 = vector.shape_cast %parallel_loop3A_214 : vector<1x16xf32> to vector<16xf32>
      %parallel_loop3A_216 = arith.index_cast %parallel_loop3A_42 : i32 to index
      %parallel_loop3A_217 = arith.constant 192 : index
      %parallel_loop3A_218 = tpu.vector_load %arg8[%parallel_loop3A_216, %parallel_loop3A_217] {strides = array<i32>} : memref<32x1024xf32, #tpu.memory_space<vmem>>, vector<1x16xf32>,
      %parallel_loop3A_219 = vector.shape_cast %parallel_loop3A_218 : vector<1x16xf32> to vector<16xf32>
      %parallel_loop3A_220 = arith.addf %parallel_loop3A_215, %parallel_loop3A_219 : vector<16xf32>
      %parallel_loop3A_221 = arith.index_cast %parallel_loop3A_42 : i32 to index
      %parallel_loop3A_222 = arith.constant 192 : index
      %parallel_loop3A_223 = tpu.vector_load %arg7[%parallel_loop3A_221, %parallel_loop3A_222] {strides = array<i32>} : memref<32x1024xf32, #tpu.memory_space<vmem>>, vector<1x16xf32>,
      %parallel_loop3A_224 = vector.shape_cast %parallel_loop3A_223 : vector<1x16xf32> to vector<16xf32>
      %parallel_loop3A_225 = vector.shape_cast %parallel_loop3A_220 : vector<16xf32> to vector<1x16xf32>
      tpu.vector_store %arg7[%parallel_loop3A_221, %parallel_loop3A_222], %parallel_loop3A_225 {strides = array<i32>} : memref<32x1024xf32, #tpu.memory_space<vmem>>, vector<1x16xf32>,
      %parallel_loop3A_226 = arith.index_cast %parallel_loop3A_42 : i32 to index
      %parallel_loop3A_227 = arith.constant 208 : index
      %parallel_loop3A_228 = tpu.vector_load %arg7[%parallel_loop3A_226, %parallel_loop3A_227] {strides = array<i32>} : memref<32x1024xf32, #tpu.memory_space<vmem>>, vector<1x16xf32>,
      %parallel_loop3A_229 = vector.shape_cast %parallel_loop3A_228 : vector<1x16xf32> to vector<16xf32>
      %parallel_loop3A_230 = arith.index_cast %parallel_loop3A_42 : i32 to index
      %parallel_loop3A_231 = arith.constant 208 : index
      %parallel_loop3A_232 = tpu.vector_load %arg8[%parallel_loop3A_230, %parallel_loop3A_231] {strides = array<i32>} : memref<32x1024xf32, #tpu.memory_space<vmem>>, vector<1x16xf32>,
      %parallel_loop3A_233 = vector.shape_cast %parallel_loop3A_232 : vector<1x16xf32> to vector<16xf32>
      %parallel_loop3A_234 = arith.addf %parallel_loop3A_229, %parallel_loop3A_233 : vector<16xf32>
      %parallel_loop3A_235 = arith.index_cast %parallel_loop3A_42 : i32 to index
      %parallel_loop3A_236 = arith.constant 208 : index
      %parallel_loop3A_237 = tpu.vector_load %arg7[%parallel_loop3A_235, %parallel_loop3A_236] {strides = array<i32>} : memref<32x1024xf32, #tpu.memory_space<vmem>>, vector<1x16xf32>,
      %parallel_loop3A_238 = vector.shape_cast %parallel_loop3A_237 : vector<1x16xf32> to vector<16xf32>
      %parallel_loop3A_239 = vector.shape_cast %parallel_loop3A_234 : vector<16xf32> to vector<1x16xf32>
      tpu.vector_store %arg7[%parallel_loop3A_235, %parallel_loop3A_236], %parallel_loop3A_239 {strides = array<i32>} : memref<32x1024xf32, #tpu.memory_space<vmem>>, vector<1x16xf32>,
      %parallel_loop3A_240 = arith.index_cast %parallel_loop3A_42 : i32 to index
      %parallel_loop3A_241 = arith.constant 224 : index
      %parallel_loop3A_242 = tpu.vector_load %arg7[%parallel_loop3A_240, %parallel_loop3A_241] {strides = array<i32>} : memref<32x1024xf32, #tpu.memory_space<vmem>>, vector<1x16xf32>,
      %parallel_loop3A_243 = vector.shape_cast %parallel_loop3A_242 : vector<1x16xf32> to vector<16xf32>
      %parallel_loop3A_244 = arith.index_cast %parallel_loop3A_42 : i32 to index
      %parallel_loop3A_245 = arith.constant 224 : index
      %parallel_loop3A_246 = tpu.vector_load %arg8[%parallel_loop3A_244, %parallel_loop3A_245] {strides = array<i32>} : memref<32x1024xf32, #tpu.memory_space<vmem>>, vector<1x16xf32>,
      %parallel_loop3A_247 = vector.shape_cast %parallel_loop3A_246 : vector<1x16xf32> to vector<16xf32>
      %parallel_loop3A_248 = arith.addf %parallel_loop3A_243, %parallel_loop3A_247 : vector<16xf32>
      %parallel_loop3A_249 = arith.index_cast %parallel_loop3A_42 : i32 to index
      %parallel_loop3A_250 = arith.constant 224 : index
      %parallel_loop3A_251 = tpu.vector_load %arg7[%parallel_loop3A_249, %parallel_loop3A_250] {strides = array<i32>} : memref<32x1024xf32, #tpu.memory_space<vmem>>, vector<1x16xf32>,
      %parallel_loop3A_252 = vector.shape_cast %parallel_loop3A_251 : vector<1x16xf32> to vector<16xf32>
      %parallel_loop3A_253 = vector.shape_cast %parallel_loop3A_248 : vector<16xf32> to vector<1x16xf32>
      tpu.vector_store %arg7[%parallel_loop3A_249, %parallel_loop3A_250], %parallel_loop3A_253 {strides = array<i32>} : memref<32x1024xf32, #tpu.memory_space<vmem>>, vector<1x16xf32>,
      %parallel_loop3A_254 = arith.index_cast %parallel_loop3A_42 : i32 to index
      %parallel_loop3A_255 = arith.constant 240 : index
      %parallel_loop3A_256 = tpu.vector_load %arg7[%parallel_loop3A_254, %parallel_loop3A_255] {strides = array<i32>} : memref<32x1024xf32, #tpu.memory_space<vmem>>, vector<1x16xf32>,
      %parallel_loop3A_257 = vector.shape_cast %parallel_loop3A_256 : vector<1x16xf32> to vector<16xf32>
      %parallel_loop3A_258 = arith.index_cast %parallel_loop3A_42 : i32 to index
      %parallel_loop3A_259 = arith.constant 240 : index
      %parallel_loop3A_260 = tpu.vector_load %arg8[%parallel_loop3A_258, %parallel_loop3A_259] {strides = array<i32>} : memref<32x1024xf32, #tpu.memory_space<vmem>>, vector<1x16xf32>,
      %parallel_loop3A_261 = vector.shape_cast %parallel_loop3A_260 : vector<1x16xf32> to vector<16xf32>
      %parallel_loop3A_262 = arith.addf %parallel_loop3A_257, %parallel_loop3A_261 : vector<16xf32>
      %parallel_loop3A_263 = arith.index_cast %parallel_loop3A_42 : i32 to index
      %parallel_loop3A_264 = arith.constant 240 : index
      %parallel_loop3A_265 = tpu.vector_load %arg7[%parallel_loop3A_263, %parallel_loop3A_264] {strides = array<i32>} : memref<32x1024xf32, #tpu.memory_space<vmem>>, vector<1x16xf32>,
      %parallel_loop3A_266 = vector.shape_cast %parallel_loop3A_265 : vector<1x16xf32> to vector<16xf32>
      %parallel_loop3A_267 = vector.shape_cast %parallel_loop3A_262 : vector<16xf32> to vector<1x16xf32>
      tpu.vector_store %arg7[%parallel_loop3A_263, %parallel_loop3A_264], %parallel_loop3A_267 {strides = array<i32>} : memref<32x1024xf32, #tpu.memory_space<vmem>>, vector<1x16xf32>,
      %parallel_loop3A_268 = arith.index_cast %parallel_loop3A_42 : i32 to index
      %parallel_loop3A_269 = arith.constant 256 : index
      %parallel_loop3A_270 = tpu.vector_load %arg7[%parallel_loop3A_268, %parallel_loop3A_269] {strides = array<i32>} : memref<32x1024xf32, #tpu.memory_space<vmem>>, vector<1x16xf32>,
      %parallel_loop3A_271 = vector.shape_cast %parallel_loop3A_270 : vector<1x16xf32> to vector<16xf32>
      %parallel_loop3A_272 = arith.index_cast %parallel_loop3A_42 : i32 to index
      %parallel_loop3A_273 = arith.constant 256 : index
      %parallel_loop3A_274 = tpu.vector_load %arg8[%parallel_loop3A_272, %parallel_loop3A_273] {strides = array<i32>} : memref<32x1024xf32, #tpu.memory_space<vmem>>, vector<1x16xf32>,
      %parallel_loop3A_275 = vector.shape_cast %parallel_loop3A_274 : vector<1x16xf32> to vector<16xf32>
      %parallel_loop3A_276 = arith.addf %parallel_loop3A_271, %parallel_loop3A_275 : vector<16xf32>
      %parallel_loop3A_277 = arith.index_cast %parallel_loop3A_42 : i32 to index
      %parallel_loop3A_278 = arith.constant 256 : index
      %parallel_loop3A_279 = tpu.vector_load %arg7[%parallel_loop3A_277, %parallel_loop3A_278] {strides = array<i32>} : memref<32x1024xf32, #tpu.memory_space<vmem>>, vector<1x16xf32>,
      %parallel_loop3A_280 = vector.shape_cast %parallel_loop3A_279 : vector<1x16xf32> to vector<16xf32>
      %parallel_loop3A_281 = vector.shape_cast %parallel_loop3A_276 : vector<16xf32> to vector<1x16xf32>
      tpu.vector_store %arg7[%parallel_loop3A_277, %parallel_loop3A_278], %parallel_loop3A_281 {strides = array<i32>} : memref<32x1024xf32, #tpu.memory_space<vmem>>, vector<1x16xf32>,
      %parallel_loop3A_282 = arith.index_cast %parallel_loop3A_42 : i32 to index
      %parallel_loop3A_283 = arith.constant 272 : index
      %parallel_loop3A_284 = tpu.vector_load %arg7[%parallel_loop3A_282, %parallel_loop3A_283] {strides = array<i32>} : memref<32x1024xf32, #tpu.memory_space<vmem>>, vector<1x16xf32>,
      %parallel_loop3A_285 = vector.shape_cast %parallel_loop3A_284 : vector<1x16xf32> to vector<16xf32>
      %parallel_loop3A_286 = arith.index_cast %parallel_loop3A_42 : i32 to index
      %parallel_loop3A_287 = arith.constant 272 : index
      %parallel_loop3A_288 = tpu.vector_load %arg8[%parallel_loop3A_286, %parallel_loop3A_287] {strides = array<i32>} : memref<32x1024xf32, #tpu.memory_space<vmem>>, vector<1x16xf32>,
      %parallel_loop3A_289 = vector.shape_cast %parallel_loop3A_288 : vector<1x16xf32> to vector<16xf32>
      %parallel_loop3A_290 = arith.addf %parallel_loop3A_285, %parallel_loop3A_289 : vector<16xf32>
      %parallel_loop3A_291 = arith.index_cast %parallel_loop3A_42 : i32 to index
      %parallel_loop3A_292 = arith.constant 272 : index
      %parallel_loop3A_293 = tpu.vector_load %arg7[%parallel_loop3A_291, %parallel_loop3A_292] {strides = array<i32>} : memref<32x1024xf32, #tpu.memory_space<vmem>>, vector<1x16xf32>,
      %parallel_loop3A_294 = vector.shape_cast %parallel_loop3A_293 : vector<1x16xf32> to vector<16xf32>
      %parallel_loop3A_295 = vector.shape_cast %parallel_loop3A_290 : vector<16xf32> to vector<1x16xf32>
      tpu.vector_store %arg7[%parallel_loop3A_291, %parallel_loop3A_292], %parallel_loop3A_295 {strides = array<i32>} : memref<32x1024xf32, #tpu.memory_space<vmem>>, vector<1x16xf32>,
      %parallel_loop3A_296 = arith.index_cast %parallel_loop3A_42 : i32 to index
      %parallel_loop3A_297 = arith.constant 288 : index
      %parallel_loop3A_298 = tpu.vector_load %arg7[%parallel_loop3A_296, %parallel_loop3A_297] {strides = array<i32>} : memref<32x1024xf32, #tpu.memory_space<vmem>>, vector<1x16xf32>,
      %parallel_loop3A_299 = vector.shape_cast %parallel_loop3A_298 : vector<1x16xf32> to vector<16xf32>
      %parallel_loop3A_300 = arith.index_cast %parallel_loop3A_42 : i32 to index
      %parallel_loop3A_301 = arith.constant 288 : index
      %parallel_loop3A_302 = tpu.vector_load %arg8[%parallel_loop3A_300, %parallel_loop3A_301] {strides = array<i32>} : memref<32x1024xf32, #tpu.memory_space<vmem>>, vector<1x16xf32>,
      %parallel_loop3A_303 = vector.shape_cast %parallel_loop3A_302 : vector<1x16xf32> to vector<16xf32>
      %parallel_loop3A_304 = arith.addf %parallel_loop3A_299, %parallel_loop3A_303 : vector<16xf32>
      %parallel_loop3A_305 = arith.index_cast %parallel_loop3A_42 : i32 to index
      %parallel_loop3A_306 = arith.constant 288 : index
      %parallel_loop3A_307 = tpu.vector_load %arg7[%parallel_loop3A_305, %parallel_loop3A_306] {strides = array<i32>} : memref<32x1024xf32, #tpu.memory_space<vmem>>, vector<1x16xf32>,
      %parallel_loop3A_308 = vector.shape_cast %parallel_loop3A_307 : vector<1x16xf32> to vector<16xf32>
      %parallel_loop3A_309 = vector.shape_cast %parallel_loop3A_304 : vector<16xf32> to vector<1x16xf32>
      tpu.vector_store %arg7[%parallel_loop3A_305, %parallel_loop3A_306], %parallel_loop3A_309 {strides = array<i32>} : memref<32x1024xf32, #tpu.memory_space<vmem>>, vector<1x16xf32>,
      %parallel_loop3A_310 = arith.index_cast %parallel_loop3A_42 : i32 to index
      %parallel_loop3A_311 = arith.constant 304 : index
      %parallel_loop3A_312 = tpu.vector_load %arg7[%parallel_loop3A_310, %parallel_loop3A_311] {strides = array<i32>} : memref<32x1024xf32, #tpu.memory_space<vmem>>, vector<1x16xf32>,
      %parallel_loop3A_313 = vector.shape_cast %parallel_loop3A_312 : vector<1x16xf32> to vector<16xf32>
      %parallel_loop3A_314 = arith.index_cast %parallel_loop3A_42 : i32 to index
      %parallel_loop3A_315 = arith.constant 304 : index
      %parallel_loop3A_316 = tpu.vector_load %arg8[%parallel_loop3A_314, %parallel_loop3A_315] {strides = array<i32>} : memref<32x1024xf32, #tpu.memory_space<vmem>>, vector<1x16xf32>,
      %parallel_loop3A_317 = vector.shape_cast %parallel_loop3A_316 : vector<1x16xf32> to vector<16xf32>
      %parallel_loop3A_318 = arith.addf %parallel_loop3A_313, %parallel_loop3A_317 : vector<16xf32>
      %parallel_loop3A_319 = arith.index_cast %parallel_loop3A_42 : i32 to index
      %parallel_loop3A_320 = arith.constant 304 : index
      %parallel_loop3A_321 = tpu.vector_load %arg7[%parallel_loop3A_319, %parallel_loop3A_320] {strides = array<i32>} : memref<32x1024xf32, #tpu.memory_space<vmem>>, vector<1x16xf32>,
      %parallel_loop3A_322 = vector.shape_cast %parallel_loop3A_321 : vector<1x16xf32> to vector<16xf32>
      %parallel_loop3A_323 = vector.shape_cast %parallel_loop3A_318 : vector<16xf32> to vector<1x16xf32>
      tpu.vector_store %arg7[%parallel_loop3A_319, %parallel_loop3A_320], %parallel_loop3A_323 {strides = array<i32>} : memref<32x1024xf32, #tpu.memory_space<vmem>>, vector<1x16xf32>,
      %parallel_loop3A_324 = arith.index_cast %parallel_loop3A_42 : i32 to index
      %parallel_loop3A_325 = arith.constant 320 : index
      %parallel_loop3A_326 = tpu.vector_load %arg7[%parallel_loop3A_324, %parallel_loop3A_325] {strides = array<i32>} : memref<32x1024xf32, #tpu.memory_space<vmem>>, vector<1x16xf32>,
      %parallel_loop3A_327 = vector.shape_cast %parallel_loop3A_326 : vector<1x16xf32> to vector<16xf32>
      %parallel_loop3A_328 = arith.index_cast %parallel_loop3A_42 : i32 to index
      %parallel_loop3A_329 = arith.constant 320 : index
      %parallel_loop3A_330 = tpu.vector_load %arg8[%parallel_loop3A_328, %parallel_loop3A_329] {strides = array<i32>} : memref<32x1024xf32, #tpu.memory_space<vmem>>, vector<1x16xf32>,
      %parallel_loop3A_331 = vector.shape_cast %parallel_loop3A_330 : vector<1x16xf32> to vector<16xf32>
      %parallel_loop3A_332 = arith.addf %parallel_loop3A_327, %parallel_loop3A_331 : vector<16xf32>
      %parallel_loop3A_333 = arith.index_cast %parallel_loop3A_42 : i32 to index
      %parallel_loop3A_334 = arith.constant 320 : index
      %parallel_loop3A_335 = tpu.vector_load %arg7[%parallel_loop3A_333, %parallel_loop3A_334] {strides = array<i32>} : memref<32x1024xf32, #tpu.memory_space<vmem>>, vector<1x16xf32>,
      %parallel_loop3A_336 = vector.shape_cast %parallel_loop3A_335 : vector<1x16xf32> to vector<16xf32>
      %parallel_loop3A_337 = vector.shape_cast %parallel_loop3A_332 : vector<16xf32> to vector<1x16xf32>
      tpu.vector_store %arg7[%parallel_loop3A_333, %parallel_loop3A_334], %parallel_loop3A_337 {strides = array<i32>} : memref<32x1024xf32, #tpu.memory_space<vmem>>, vector<1x16xf32>,
      %parallel_loop3A_338 = arith.index_cast %parallel_loop3A_42 : i32 to index
      %parallel_loop3A_339 = arith.constant 336 : index
      %parallel_loop3A_340 = tpu.vector_load %arg7[%parallel_loop3A_338, %parallel_loop3A_339] {strides = array<i32>} : memref<32x1024xf32, #tpu.memory_space<vmem>>, vector<1x16xf32>,
      %parallel_loop3A_341 = vector.shape_cast %parallel_loop3A_340 : vector<1x16xf32> to vector<16xf32>
      %parallel_loop3A_342 = arith.index_cast %parallel_loop3A_42 : i32 to index
      %parallel_loop3A_343 = arith.constant 336 : index
      %parallel_loop3A_344 = tpu.vector_load %arg8[%parallel_loop3A_342, %parallel_loop3A_343] {strides = array<i32>} : memref<32x1024xf32, #tpu.memory_space<vmem>>, vector<1x16xf32>,
      %parallel_loop3A_345 = vector.shape_cast %parallel_loop3A_344 : vector<1x16xf32> to vector<16xf32>
      %parallel_loop3A_346 = arith.addf %parallel_loop3A_341, %parallel_loop3A_345 : vector<16xf32>
      %parallel_loop3A_347 = arith.index_cast %parallel_loop3A_42 : i32 to index
      %parallel_loop3A_348 = arith.constant 336 : index
      %parallel_loop3A_349 = tpu.vector_load %arg7[%parallel_loop3A_347, %parallel_loop3A_348] {strides = array<i32>} : memref<32x1024xf32, #tpu.memory_space<vmem>>, vector<1x16xf32>,
      %parallel_loop3A_350 = vector.shape_cast %parallel_loop3A_349 : vector<1x16xf32> to vector<16xf32>
      %parallel_loop3A_351 = vector.shape_cast %parallel_loop3A_346 : vector<16xf32> to vector<1x16xf32>
      tpu.vector_store %arg7[%parallel_loop3A_347, %parallel_loop3A_348], %parallel_loop3A_351 {strides = array<i32>} : memref<32x1024xf32, #tpu.memory_space<vmem>>, vector<1x16xf32>,
      %parallel_loop3A_352 = arith.index_cast %parallel_loop3A_42 : i32 to index
      %parallel_loop3A_353 = arith.constant 352 : index
      %parallel_loop3A_354 = tpu.vector_load %arg7[%parallel_loop3A_352, %parallel_loop3A_353] {strides = array<i32>} : memref<32x1024xf32, #tpu.memory_space<vmem>>, vector<1x16xf32>,
      %parallel_loop3A_355 = vector.shape_cast %parallel_loop3A_354 : vector<1x16xf32> to vector<16xf32>
      %parallel_loop3A_356 = arith.index_cast %parallel_loop3A_42 : i32 to index
      %parallel_loop3A_357 = arith.constant 352 : index
      %parallel_loop3A_358 = tpu.vector_load %arg8[%parallel_loop3A_356, %parallel_loop3A_357] {strides = array<i32>} : memref<32x1024xf32, #tpu.memory_space<vmem>>, vector<1x16xf32>,
      %parallel_loop3A_359 = vector.shape_cast %parallel_loop3A_358 : vector<1x16xf32> to vector<16xf32>
      %parallel_loop3A_360 = arith.addf %parallel_loop3A_355, %parallel_loop3A_359 : vector<16xf32>
      %parallel_loop3A_361 = arith.index_cast %parallel_loop3A_42 : i32 to index
      %parallel_loop3A_362 = arith.constant 352 : index
      %parallel_loop3A_363 = tpu.vector_load %arg7[%parallel_loop3A_361, %parallel_loop3A_362] {strides = array<i32>} : memref<32x1024xf32, #tpu.memory_space<vmem>>, vector<1x16xf32>,
      %parallel_loop3A_364 = vector.shape_cast %parallel_loop3A_363 : vector<1x16xf32> to vector<16xf32>
      %parallel_loop3A_365 = vector.shape_cast %parallel_loop3A_360 : vector<16xf32> to vector<1x16xf32>
      tpu.vector_store %arg7[%parallel_loop3A_361, %parallel_loop3A_362], %parallel_loop3A_365 {strides = array<i32>} : memref<32x1024xf32, #tpu.memory_space<vmem>>, vector<1x16xf32>,
      %parallel_loop3A_366 = arith.index_cast %parallel_loop3A_42 : i32 to index
      %parallel_loop3A_367 = arith.constant 368 : index
      %parallel_loop3A_368 = tpu.vector_load %arg7[%parallel_loop3A_366, %parallel_loop3A_367] {strides = array<i32>} : memref<32x1024xf32, #tpu.memory_space<vmem>>, vector<1x16xf32>,
      %parallel_loop3A_369 = vector.shape_cast %parallel_loop3A_368 : vector<1x16xf32> to vector<16xf32>
      %parallel_loop3A_370 = arith.index_cast %parallel_loop3A_42 : i32 to index
      %parallel_loop3A_371 = arith.constant 368 : index
      %parallel_loop3A_372 = tpu.vector_load %arg8[%parallel_loop3A_370, %parallel_loop3A_371] {strides = array<i32>} : memref<32x1024xf32, #tpu.memory_space<vmem>>, vector<1x16xf32>,
      %parallel_loop3A_373 = vector.shape_cast %parallel_loop3A_372 : vector<1x16xf32> to vector<16xf32>
      %parallel_loop3A_374 = arith.addf %parallel_loop3A_369, %parallel_loop3A_373 : vector<16xf32>
      %parallel_loop3A_375 = arith.index_cast %parallel_loop3A_42 : i32 to index
      %parallel_loop3A_376 = arith.constant 368 : index
      %parallel_loop3A_377 = tpu.vector_load %arg7[%parallel_loop3A_375, %parallel_loop3A_376] {strides = array<i32>} : memref<32x1024xf32, #tpu.memory_space<vmem>>, vector<1x16xf32>,
      %parallel_loop3A_378 = vector.shape_cast %parallel_loop3A_377 : vector<1x16xf32> to vector<16xf32>
      %parallel_loop3A_379 = vector.shape_cast %parallel_loop3A_374 : vector<16xf32> to vector<1x16xf32>
      tpu.vector_store %arg7[%parallel_loop3A_375, %parallel_loop3A_376], %parallel_loop3A_379 {strides = array<i32>} : memref<32x1024xf32, #tpu.memory_space<vmem>>, vector<1x16xf32>,
      %parallel_loop3A_380 = arith.index_cast %parallel_loop3A_42 : i32 to index
      %parallel_loop3A_381 = arith.constant 384 : index
      %parallel_loop3A_382 = tpu.vector_load %arg7[%parallel_loop3A_380, %parallel_loop3A_381] {strides = array<i32>} : memref<32x1024xf32, #tpu.memory_space<vmem>>, vector<1x16xf32>,
      %parallel_loop3A_383 = vector.shape_cast %parallel_loop3A_382 : vector<1x16xf32> to vector<16xf32>
      %parallel_loop3A_384 = arith.index_cast %parallel_loop3A_42 : i32 to index
      %parallel_loop3A_385 = arith.constant 384 : index
      %parallel_loop3A_386 = tpu.vector_load %arg8[%parallel_loop3A_384, %parallel_loop3A_385] {strides = array<i32>} : memref<32x1024xf32, #tpu.memory_space<vmem>>, vector<1x16xf32>,
      %parallel_loop3A_387 = vector.shape_cast %parallel_loop3A_386 : vector<1x16xf32> to vector<16xf32>
      %parallel_loop3A_388 = arith.addf %parallel_loop3A_383, %parallel_loop3A_387 : vector<16xf32>
      %parallel_loop3A_389 = arith.index_cast %parallel_loop3A_42 : i32 to index
      %parallel_loop3A_390 = arith.constant 384 : index
      %parallel_loop3A_391 = tpu.vector_load %arg7[%parallel_loop3A_389, %parallel_loop3A_390] {strides = array<i32>} : memref<32x1024xf32, #tpu.memory_space<vmem>>, vector<1x16xf32>,
      %parallel_loop3A_392 = vector.shape_cast %parallel_loop3A_391 : vector<1x16xf32> to vector<16xf32>
      %parallel_loop3A_393 = vector.shape_cast %parallel_loop3A_388 : vector<16xf32> to vector<1x16xf32>
      tpu.vector_store %arg7[%parallel_loop3A_389, %parallel_loop3A_390], %parallel_loop3A_393 {strides = array<i32>} : memref<32x1024xf32, #tpu.memory_space<vmem>>, vector<1x16xf32>,
      %parallel_loop3A_394 = arith.index_cast %parallel_loop3A_42 : i32 to index
      %parallel_loop3A_395 = arith.constant 400 : index
      %parallel_loop3A_396 = tpu.vector_load %arg7[%parallel_loop3A_394, %parallel_loop3A_395] {strides = array<i32>} : memref<32x1024xf32, #tpu.memory_space<vmem>>, vector<1x16xf32>,
      %parallel_loop3A_397 = vector.shape_cast %parallel_loop3A_396 : vector<1x16xf32> to vector<16xf32>
      %parallel_loop3A_398 = arith.index_cast %parallel_loop3A_42 : i32 to index
      %parallel_loop3A_399 = arith.constant 400 : index
      %parallel_loop3A_400 = tpu.vector_load %arg8[%parallel_loop3A_398, %parallel_loop3A_399] {strides = array<i32>} : memref<32x1024xf32, #tpu.memory_space<vmem>>, vector<1x16xf32>,
      %parallel_loop3A_401 = vector.shape_cast %parallel_loop3A_400 : vector<1x16xf32> to vector<16xf32>
      %parallel_loop3A_402 = arith.addf %parallel_loop3A_397, %parallel_loop3A_401 : vector<16xf32>
      %parallel_loop3A_403 = arith.index_cast %parallel_loop3A_42 : i32 to index
      %parallel_loop3A_404 = arith.constant 400 : index
      %parallel_loop3A_405 = tpu.vector_load %arg7[%parallel_loop3A_403, %parallel_loop3A_404] {strides = array<i32>} : memref<32x1024xf32, #tpu.memory_space<vmem>>, vector<1x16xf32>,
      %parallel_loop3A_406 = vector.shape_cast %parallel_loop3A_405 : vector<1x16xf32> to vector<16xf32>
      %parallel_loop3A_407 = vector.shape_cast %parallel_loop3A_402 : vector<16xf32> to vector<1x16xf32>
      tpu.vector_store %arg7[%parallel_loop3A_403, %parallel_loop3A_404], %parallel_loop3A_407 {strides = array<i32>} : memref<32x1024xf32, #tpu.memory_space<vmem>>, vector<1x16xf32>,
      %parallel_loop3A_408 = arith.index_cast %parallel_loop3A_42 : i32 to index
      %parallel_loop3A_409 = arith.constant 416 : index
      %parallel_loop3A_410 = tpu.vector_load %arg7[%parallel_loop3A_408, %parallel_loop3A_409] {strides = array<i32>} : memref<32x1024xf32, #tpu.memory_space<vmem>>, vector<1x16xf32>,
      %parallel_loop3A_411 = vector.shape_cast %parallel_loop3A_410 : vector<1x16xf32> to vector<16xf32>
      %parallel_loop3A_412 = arith.index_cast %parallel_loop3A_42 : i32 to index
      %parallel_loop3A_413 = arith.constant 416 : index
      %parallel_loop3A_414 = tpu.vector_load %arg8[%parallel_loop3A_412, %parallel_loop3A_413] {strides = array<i32>} : memref<32x1024xf32, #tpu.memory_space<vmem>>, vector<1x16xf32>,
      %parallel_loop3A_415 = vector.shape_cast %parallel_loop3A_414 : vector<1x16xf32> to vector<16xf32>
      %parallel_loop3A_416 = arith.addf %parallel_loop3A_411, %parallel_loop3A_415 : vector<16xf32>
      %parallel_loop3A_417 = arith.index_cast %parallel_loop3A_42 : i32 to index
      %parallel_loop3A_418 = arith.constant 416 : index
      %parallel_loop3A_419 = tpu.vector_load %arg7[%parallel_loop3A_417, %parallel_loop3A_418] {strides = array<i32>} : memref<32x1024xf32, #tpu.memory_space<vmem>>, vector<1x16xf32>,
      %parallel_loop3A_420 = vector.shape_cast %parallel_loop3A_419 : vector<1x16xf32> to vector<16xf32>
      %parallel_loop3A_421 = vector.shape_cast %parallel_loop3A_416 : vector<16xf32> to vector<1x16xf32>
      tpu.vector_store %arg7[%parallel_loop3A_417, %parallel_loop3A_418], %parallel_loop3A_421 {strides = array<i32>} : memref<32x1024xf32, #tpu.memory_space<vmem>>, vector<1x16xf32>,
      %parallel_loop3A_422 = arith.index_cast %parallel_loop3A_42 : i32 to index
      %parallel_loop3A_423 = arith.constant 432 : index
      %parallel_loop3A_424 = tpu.vector_load %arg7[%parallel_loop3A_422, %parallel_loop3A_423] {strides = array<i32>} : memref<32x1024xf32, #tpu.memory_space<vmem>>, vector<1x16xf32>,
      %parallel_loop3A_425 = vector.shape_cast %parallel_loop3A_424 : vector<1x16xf32> to vector<16xf32>
      %parallel_loop3A_426 = arith.index_cast %parallel_loop3A_42 : i32 to index
      %parallel_loop3A_427 = arith.constant 432 : index
      %parallel_loop3A_428 = tpu.vector_load %arg8[%parallel_loop3A_426, %parallel_loop3A_427] {strides = array<i32>} : memref<32x1024xf32, #tpu.memory_space<vmem>>, vector<1x16xf32>,
      %parallel_loop3A_429 = vector.shape_cast %parallel_loop3A_428 : vector<1x16xf32> to vector<16xf32>
      %parallel_loop3A_430 = arith.addf %parallel_loop3A_425, %parallel_loop3A_429 : vector<16xf32>
      %parallel_loop3A_431 = arith.index_cast %parallel_loop3A_42 : i32 to index
      %parallel_loop3A_432 = arith.constant 432 : index
      %parallel_loop3A_433 = tpu.vector_load %arg7[%parallel_loop3A_431, %parallel_loop3A_432] {strides = array<i32>} : memref<32x1024xf32, #tpu.memory_space<vmem>>, vector<1x16xf32>,
      %parallel_loop3A_434 = vector.shape_cast %parallel_loop3A_433 : vector<1x16xf32> to vector<16xf32>
      %parallel_loop3A_435 = vector.shape_cast %parallel_loop3A_430 : vector<16xf32> to vector<1x16xf32>
      tpu.vector_store %arg7[%parallel_loop3A_431, %parallel_loop3A_432], %parallel_loop3A_435 {strides = array<i32>} : memref<32x1024xf32, #tpu.memory_space<vmem>>, vector<1x16xf32>,
      %parallel_loop3A_436 = arith.index_cast %parallel_loop3A_42 : i32 to index
      %parallel_loop3A_437 = arith.constant 448 : index
      %parallel_loop3A_438 = tpu.vector_load %arg7[%parallel_loop3A_436, %parallel_loop3A_437] {strides = array<i32>} : memref<32x1024xf32, #tpu.memory_space<vmem>>, vector<1x16xf32>,
      %parallel_loop3A_439 = vector.shape_cast %parallel_loop3A_438 : vector<1x16xf32> to vector<16xf32>
      %parallel_loop3A_440 = arith.index_cast %parallel_loop3A_42 : i32 to index
      %parallel_loop3A_441 = arith.constant 448 : index
      %parallel_loop3A_442 = tpu.vector_load %arg8[%parallel_loop3A_440, %parallel_loop3A_441] {strides = array<i32>} : memref<32x1024xf32, #tpu.memory_space<vmem>>, vector<1x16xf32>,
      %parallel_loop3A_443 = vector.shape_cast %parallel_loop3A_442 : vector<1x16xf32> to vector<16xf32>
      %parallel_loop3A_444 = arith.addf %parallel_loop3A_439, %parallel_loop3A_443 : vector<16xf32>
      %parallel_loop3A_445 = arith.index_cast %parallel_loop3A_42 : i32 to index
      %parallel_loop3A_446 = arith.constant 448 : index
      %parallel_loop3A_447 = tpu.vector_load %arg7[%parallel_loop3A_445, %parallel_loop3A_446] {strides = array<i32>} : memref<32x1024xf32, #tpu.memory_space<vmem>>, vector<1x16xf32>,
      %parallel_loop3A_448 = vector.shape_cast %parallel_loop3A_447 : vector<1x16xf32> to vector<16xf32>
      %parallel_loop3A_449 = vector.shape_cast %parallel_loop3A_444 : vector<16xf32> to vector<1x16xf32>
      tpu.vector_store %arg7[%parallel_loop3A_445, %parallel_loop3A_446], %parallel_loop3A_449 {strides = array<i32>} : memref<32x1024xf32, #tpu.memory_space<vmem>>, vector<1x16xf32>,
      %parallel_loop3A_450 = arith.index_cast %parallel_loop3A_42 : i32 to index
      %parallel_loop3A_451 = arith.constant 464 : index
      %parallel_loop3A_452 = tpu.vector_load %arg7[%parallel_loop3A_450, %parallel_loop3A_451] {strides = array<i32>} : memref<32x1024xf32, #tpu.memory_space<vmem>>, vector<1x16xf32>,
      %parallel_loop3A_453 = vector.shape_cast %parallel_loop3A_452 : vector<1x16xf32> to vector<16xf32>
      %parallel_loop3A_454 = arith.index_cast %parallel_loop3A_42 : i32 to index
      %parallel_loop3A_455 = arith.constant 464 : index
      %parallel_loop3A_456 = tpu.vector_load %arg8[%parallel_loop3A_454, %parallel_loop3A_455] {strides = array<i32>} : memref<32x1024xf32, #tpu.memory_space<vmem>>, vector<1x16xf32>,
      %parallel_loop3A_457 = vector.shape_cast %parallel_loop3A_456 : vector<1x16xf32> to vector<16xf32>
      %parallel_loop3A_458 = arith.addf %parallel_loop3A_453, %parallel_loop3A_457 : vector<16xf32>
      %parallel_loop3A_459 = arith.index_cast %parallel_loop3A_42 : i32 to index
      %parallel_loop3A_460 = arith.constant 464 : index
      %parallel_loop3A_461 = tpu.vector_load %arg7[%parallel_loop3A_459, %parallel_loop3A_460] {strides = array<i32>} : memref<32x1024xf32, #tpu.memory_space<vmem>>, vector<1x16xf32>,
      %parallel_loop3A_462 = vector.shape_cast %parallel_loop3A_461 : vector<1x16xf32> to vector<16xf32>
      %parallel_loop3A_463 = vector.shape_cast %parallel_loop3A_458 : vector<16xf32> to vector<1x16xf32>
      tpu.vector_store %arg7[%parallel_loop3A_459, %parallel_loop3A_460], %parallel_loop3A_463 {strides = array<i32>} : memref<32x1024xf32, #tpu.memory_space<vmem>>, vector<1x16xf32>,
      %parallel_loop3A_464 = arith.index_cast %parallel_loop3A_42 : i32 to index
      %parallel_loop3A_465 = arith.constant 480 : index
      %parallel_loop3A_466 = tpu.vector_load %arg7[%parallel_loop3A_464, %parallel_loop3A_465] {strides = array<i32>} : memref<32x1024xf32, #tpu.memory_space<vmem>>, vector<1x16xf32>,
      %parallel_loop3A_467 = vector.shape_cast %parallel_loop3A_466 : vector<1x16xf32> to vector<16xf32>
      %parallel_loop3A_468 = arith.index_cast %parallel_loop3A_42 : i32 to index
      %parallel_loop3A_469 = arith.constant 480 : index
      %parallel_loop3A_470 = tpu.vector_load %arg8[%parallel_loop3A_468, %parallel_loop3A_469] {strides = array<i32>} : memref<32x1024xf32, #tpu.memory_space<vmem>>, vector<1x16xf32>,
      %parallel_loop3A_471 = vector.shape_cast %parallel_loop3A_470 : vector<1x16xf32> to vector<16xf32>
      %parallel_loop3A_472 = arith.addf %parallel_loop3A_467, %parallel_loop3A_471 : vector<16xf32>
      %parallel_loop3A_473 = arith.index_cast %parallel_loop3A_42 : i32 to index
      %parallel_loop3A_474 = arith.constant 480 : index
      %parallel_loop3A_475 = tpu.vector_load %arg7[%parallel_loop3A_473, %parallel_loop3A_474] {strides = array<i32>} : memref<32x1024xf32, #tpu.memory_space<vmem>>, vector<1x16xf32>,
      %parallel_loop3A_476 = vector.shape_cast %parallel_loop3A_475 : vector<1x16xf32> to vector<16xf32>
      %parallel_loop3A_477 = vector.shape_cast %parallel_loop3A_472 : vector<16xf32> to vector<1x16xf32>
      tpu.vector_store %arg7[%parallel_loop3A_473, %parallel_loop3A_474], %parallel_loop3A_477 {strides = array<i32>} : memref<32x1024xf32, #tpu.memory_space<vmem>>, vector<1x16xf32>,
      %parallel_loop3A_478 = arith.index_cast %parallel_loop3A_42 : i32 to index
      %parallel_loop3A_479 = arith.constant 496 : index
      %parallel_loop3A_480 = tpu.vector_load %arg7[%parallel_loop3A_478, %parallel_loop3A_479] {strides = array<i32>} : memref<32x1024xf32, #tpu.memory_space<vmem>>, vector<1x16xf32>,
      %parallel_loop3A_481 = vector.shape_cast %parallel_loop3A_480 : vector<1x16xf32> to vector<16xf32>
      %parallel_loop3A_482 = arith.index_cast %parallel_loop3A_42 : i32 to index
      %parallel_loop3A_483 = arith.constant 496 : index
      %parallel_loop3A_484 = tpu.vector_load %arg8[%parallel_loop3A_482, %parallel_loop3A_483] {strides = array<i32>} : memref<32x1024xf32, #tpu.memory_space<vmem>>, vector<1x16xf32>,
      %parallel_loop3A_485 = vector.shape_cast %parallel_loop3A_484 : vector<1x16xf32> to vector<16xf32>
      %parallel_loop3A_486 = arith.addf %parallel_loop3A_481, %parallel_loop3A_485 : vector<16xf32>
      %parallel_loop3A_487 = arith.index_cast %parallel_loop3A_42 : i32 to index
      %parallel_loop3A_488 = arith.constant 496 : index
      %parallel_loop3A_489 = tpu.vector_load %arg7[%parallel_loop3A_487, %parallel_loop3A_488] {strides = array<i32>} : memref<32x1024xf32, #tpu.memory_space<vmem>>, vector<1x16xf32>,
      %parallel_loop3A_490 = vector.shape_cast %parallel_loop3A_489 : vector<1x16xf32> to vector<16xf32>
      %parallel_loop3A_491 = vector.shape_cast %parallel_loop3A_486 : vector<16xf32> to vector<1x16xf32>
      tpu.vector_store %arg7[%parallel_loop3A_487, %parallel_loop3A_488], %parallel_loop3A_491 {strides = array<i32>} : memref<32x1024xf32, #tpu.memory_space<vmem>>, vector<1x16xf32>,
      %parallel_loop3A_492 = arith.index_cast %parallel_loop3A_42 : i32 to index
      %parallel_loop3A_493 = arith.constant 512 : index
      %parallel_loop3A_494 = tpu.vector_load %arg7[%parallel_loop3A_492, %parallel_loop3A_493] {strides = array<i32>} : memref<32x1024xf32, #tpu.memory_space<vmem>>, vector<1x16xf32>,
      %parallel_loop3A_495 = vector.shape_cast %parallel_loop3A_494 : vector<1x16xf32> to vector<16xf32>
      %parallel_loop3A_496 = arith.index_cast %parallel_loop3A_42 : i32 to index
      %parallel_loop3A_497 = arith.constant 512 : index
      %parallel_loop3A_498 = tpu.vector_load %arg8[%parallel_loop3A_496, %parallel_loop3A_497] {strides = array<i32>} : memref<32x1024xf32, #tpu.memory_space<vmem>>, vector<1x16xf32>,
      %parallel_loop3A_499 = vector.shape_cast %parallel_loop3A_498 : vector<1x16xf32> to vector<16xf32>
      %parallel_loop3A_500 = arith.addf %parallel_loop3A_495, %parallel_loop3A_499 : vector<16xf32>
      %parallel_loop3A_501 = arith.index_cast %parallel_loop3A_42 : i32 to index
      %parallel_loop3A_502 = arith.constant 512 : index
      %parallel_loop3A_503 = tpu.vector_load %arg7[%parallel_loop3A_501, %parallel_loop3A_502] {strides = array<i32>} : memref<32x1024xf32, #tpu.memory_space<vmem>>, vector<1x16xf32>,
      %parallel_loop3A_504 = vector.shape_cast %parallel_loop3A_503 : vector<1x16xf32> to vector<16xf32>
      %parallel_loop3A_505 = vector.shape_cast %parallel_loop3A_500 : vector<16xf32> to vector<1x16xf32>
      tpu.vector_store %arg7[%parallel_loop3A_501, %parallel_loop3A_502], %parallel_loop3A_505 {strides = array<i32>} : memref<32x1024xf32, #tpu.memory_space<vmem>>, vector<1x16xf32>,
      %parallel_loop3A_506 = arith.index_cast %parallel_loop3A_42 : i32 to index
      %parallel_loop3A_507 = arith.constant 528 : index
      %parallel_loop3A_508 = tpu.vector_load %arg7[%parallel_loop3A_506, %parallel_loop3A_507] {strides = array<i32>} : memref<32x1024xf32, #tpu.memory_space<vmem>>, vector<1x16xf32>,
      %parallel_loop3A_509 = vector.shape_cast %parallel_loop3A_508 : vector<1x16xf32> to vector<16xf32>
      %parallel_loop3A_510 = arith.index_cast %parallel_loop3A_42 : i32 to index
      %parallel_loop3A_511 = arith.constant 528 : index
      %parallel_loop3A_512 = tpu.vector_load %arg8[%parallel_loop3A_510, %parallel_loop3A_511] {strides = array<i32>} : memref<32x1024xf32, #tpu.memory_space<vmem>>, vector<1x16xf32>,
      %parallel_loop3A_513 = vector.shape_cast %parallel_loop3A_512 : vector<1x16xf32> to vector<16xf32>
      %parallel_loop3A_514 = arith.addf %parallel_loop3A_509, %parallel_loop3A_513 : vector<16xf32>
      %parallel_loop3A_515 = arith.index_cast %parallel_loop3A_42 : i32 to index
      %parallel_loop3A_516 = arith.constant 528 : index
      %parallel_loop3A_517 = tpu.vector_load %arg7[%parallel_loop3A_515, %parallel_loop3A_516] {strides = array<i32>} : memref<32x1024xf32, #tpu.memory_space<vmem>>, vector<1x16xf32>,
      %parallel_loop3A_518 = vector.shape_cast %parallel_loop3A_517 : vector<1x16xf32> to vector<16xf32>
      %parallel_loop3A_519 = vector.shape_cast %parallel_loop3A_514 : vector<16xf32> to vector<1x16xf32>
      tpu.vector_store %arg7[%parallel_loop3A_515, %parallel_loop3A_516], %parallel_loop3A_519 {strides = array<i32>} : memref<32x1024xf32, #tpu.memory_space<vmem>>, vector<1x16xf32>,
      %parallel_loop3A_520 = arith.index_cast %parallel_loop3A_42 : i32 to index
      %parallel_loop3A_521 = arith.constant 544 : index
      %parallel_loop3A_522 = tpu.vector_load %arg7[%parallel_loop3A_520, %parallel_loop3A_521] {strides = array<i32>} : memref<32x1024xf32, #tpu.memory_space<vmem>>, vector<1x16xf32>,
      %parallel_loop3A_523 = vector.shape_cast %parallel_loop3A_522 : vector<1x16xf32> to vector<16xf32>
      %parallel_loop3A_524 = arith.index_cast %parallel_loop3A_42 : i32 to index
      %parallel_loop3A_525 = arith.constant 544 : index
      %parallel_loop3A_526 = tpu.vector_load %arg8[%parallel_loop3A_524, %parallel_loop3A_525] {strides = array<i32>} : memref<32x1024xf32, #tpu.memory_space<vmem>>, vector<1x16xf32>,
      %parallel_loop3A_527 = vector.shape_cast %parallel_loop3A_526 : vector<1x16xf32> to vector<16xf32>
      %parallel_loop3A_528 = arith.addf %parallel_loop3A_523, %parallel_loop3A_527 : vector<16xf32>
      %parallel_loop3A_529 = arith.index_cast %parallel_loop3A_42 : i32 to index
      %parallel_loop3A_530 = arith.constant 544 : index
      %parallel_loop3A_531 = tpu.vector_load %arg7[%parallel_loop3A_529, %parallel_loop3A_530] {strides = array<i32>} : memref<32x1024xf32, #tpu.memory_space<vmem>>, vector<1x16xf32>,
      %parallel_loop3A_532 = vector.shape_cast %parallel_loop3A_531 : vector<1x16xf32> to vector<16xf32>
      %parallel_loop3A_533 = vector.shape_cast %parallel_loop3A_528 : vector<16xf32> to vector<1x16xf32>
      tpu.vector_store %arg7[%parallel_loop3A_529, %parallel_loop3A_530], %parallel_loop3A_533 {strides = array<i32>} : memref<32x1024xf32, #tpu.memory_space<vmem>>, vector<1x16xf32>,
      %parallel_loop3A_534 = arith.index_cast %parallel_loop3A_42 : i32 to index
      %parallel_loop3A_535 = arith.constant 560 : index
      %parallel_loop3A_536 = tpu.vector_load %arg7[%parallel_loop3A_534, %parallel_loop3A_535] {strides = array<i32>} : memref<32x1024xf32, #tpu.memory_space<vmem>>, vector<1x16xf32>,
      %parallel_loop3A_537 = vector.shape_cast %parallel_loop3A_536 : vector<1x16xf32> to vector<16xf32>
      %parallel_loop3A_538 = arith.index_cast %parallel_loop3A_42 : i32 to index
      %parallel_loop3A_539 = arith.constant 560 : index
      %parallel_loop3A_540 = tpu.vector_load %arg8[%parallel_loop3A_538, %parallel_loop3A_539] {strides = array<i32>} : memref<32x1024xf32, #tpu.memory_space<vmem>>, vector<1x16xf32>,
      %parallel_loop3A_541 = vector.shape_cast %parallel_loop3A_540 : vector<1x16xf32> to vector<16xf32>
      %parallel_loop3A_542 = arith.addf %parallel_loop3A_537, %parallel_loop3A_541 : vector<16xf32>
      %parallel_loop3A_543 = arith.index_cast %parallel_loop3A_42 : i32 to index
      %parallel_loop3A_544 = arith.constant 560 : index
      %parallel_loop3A_545 = tpu.vector_load %arg7[%parallel_loop3A_543, %parallel_loop3A_544] {strides = array<i32>} : memref<32x1024xf32, #tpu.memory_space<vmem>>, vector<1x16xf32>,
      %parallel_loop3A_546 = vector.shape_cast %parallel_loop3A_545 : vector<1x16xf32> to vector<16xf32>
      %parallel_loop3A_547 = vector.shape_cast %parallel_loop3A_542 : vector<16xf32> to vector<1x16xf32>
      tpu.vector_store %arg7[%parallel_loop3A_543, %parallel_loop3A_544], %parallel_loop3A_547 {strides = array<i32>} : memref<32x1024xf32, #tpu.memory_space<vmem>>, vector<1x16xf32>,
      %parallel_loop3A_548 = arith.index_cast %parallel_loop3A_42 : i32 to index
      %parallel_loop3A_549 = arith.constant 576 : index
      %parallel_loop3A_550 = tpu.vector_load %arg7[%parallel_loop3A_548, %parallel_loop3A_549] {strides = array<i32>} : memref<32x1024xf32, #tpu.memory_space<vmem>>, vector<1x16xf32>,
      %parallel_loop3A_551 = vector.shape_cast %parallel_loop3A_550 : vector<1x16xf32> to vector<16xf32>
      %parallel_loop3A_552 = arith.index_cast %parallel_loop3A_42 : i32 to index
      %parallel_loop3A_553 = arith.constant 576 : index
      %parallel_loop3A_554 = tpu.vector_load %arg8[%parallel_loop3A_552, %parallel_loop3A_553] {strides = array<i32>} : memref<32x1024xf32, #tpu.memory_space<vmem>>, vector<1x16xf32>,
      %parallel_loop3A_555 = vector.shape_cast %parallel_loop3A_554 : vector<1x16xf32> to vector<16xf32>
      %parallel_loop3A_556 = arith.addf %parallel_loop3A_551, %parallel_loop3A_555 : vector<16xf32>
      %parallel_loop3A_557 = arith.index_cast %parallel_loop3A_42 : i32 to index
      %parallel_loop3A_558 = arith.constant 576 : index
      %parallel_loop3A_559 = tpu.vector_load %arg7[%parallel_loop3A_557, %parallel_loop3A_558] {strides = array<i32>} : memref<32x1024xf32, #tpu.memory_space<vmem>>, vector<1x16xf32>,
      %parallel_loop3A_560 = vector.shape_cast %parallel_loop3A_559 : vector<1x16xf32> to vector<16xf32>
      %parallel_loop3A_561 = vector.shape_cast %parallel_loop3A_556 : vector<16xf32> to vector<1x16xf32>
      tpu.vector_store %arg7[%parallel_loop3A_557, %parallel_loop3A_558], %parallel_loop3A_561 {strides = array<i32>} : memref<32x1024xf32, #tpu.memory_space<vmem>>, vector<1x16xf32>,
      %parallel_loop3A_562 = arith.index_cast %parallel_loop3A_42 : i32 to index
      %parallel_loop3A_563 = arith.constant 592 : index
      %parallel_loop3A_564 = tpu.vector_load %arg7[%parallel_loop3A_562, %parallel_loop3A_563] {strides = array<i32>} : memref<32x1024xf32, #tpu.memory_space<vmem>>, vector<1x16xf32>,
      %parallel_loop3A_565 = vector.shape_cast %parallel_loop3A_564 : vector<1x16xf32> to vector<16xf32>
      %parallel_loop3A_566 = arith.index_cast %parallel_loop3A_42 : i32 to index
      %parallel_loop3A_567 = arith.constant 592 : index
      %parallel_loop3A_568 = tpu.vector_load %arg8[%parallel_loop3A_566, %parallel_loop3A_567] {strides = array<i32>} : memref<32x1024xf32, #tpu.memory_space<vmem>>, vector<1x16xf32>,
      %parallel_loop3A_569 = vector.shape_cast %parallel_loop3A_568 : vector<1x16xf32> to vector<16xf32>
      %parallel_loop3A_570 = arith.addf %parallel_loop3A_565, %parallel_loop3A_569 : vector<16xf32>
      %parallel_loop3A_571 = arith.index_cast %parallel_loop3A_42 : i32 to index
      %parallel_loop3A_572 = arith.constant 592 : index
      %parallel_loop3A_573 = tpu.vector_load %arg7[%parallel_loop3A_571, %parallel_loop3A_572] {strides = array<i32>} : memref<32x1024xf32, #tpu.memory_space<vmem>>, vector<1x16xf32>,
      %parallel_loop3A_574 = vector.shape_cast %parallel_loop3A_573 : vector<1x16xf32> to vector<16xf32>
      %parallel_loop3A_575 = vector.shape_cast %parallel_loop3A_570 : vector<16xf32> to vector<1x16xf32>
      tpu.vector_store %arg7[%parallel_loop3A_571, %parallel_loop3A_572], %parallel_loop3A_575 {strides = array<i32>} : memref<32x1024xf32, #tpu.memory_space<vmem>>, vector<1x16xf32>,
      %parallel_loop3A_576 = arith.index_cast %parallel_loop3A_42 : i32 to index
      %parallel_loop3A_577 = arith.constant 608 : index
      %parallel_loop3A_578 = tpu.vector_load %arg7[%parallel_loop3A_576, %parallel_loop3A_577] {strides = array<i32>} : memref<32x1024xf32, #tpu.memory_space<vmem>>, vector<1x16xf32>,
      %parallel_loop3A_579 = vector.shape_cast %parallel_loop3A_578 : vector<1x16xf32> to vector<16xf32>
      %parallel_loop3A_580 = arith.index_cast %parallel_loop3A_42 : i32 to index
      %parallel_loop3A_581 = arith.constant 608 : index
      %parallel_loop3A_582 = tpu.vector_load %arg8[%parallel_loop3A_580, %parallel_loop3A_581] {strides = array<i32>} : memref<32x1024xf32, #tpu.memory_space<vmem>>, vector<1x16xf32>,
      %parallel_loop3A_583 = vector.shape_cast %parallel_loop3A_582 : vector<1x16xf32> to vector<16xf32>
      %parallel_loop3A_584 = arith.addf %parallel_loop3A_579, %parallel_loop3A_583 : vector<16xf32>
      %parallel_loop3A_585 = arith.index_cast %parallel_loop3A_42 : i32 to index
      %parallel_loop3A_586 = arith.constant 608 : index
      %parallel_loop3A_587 = tpu.vector_load %arg7[%parallel_loop3A_585, %parallel_loop3A_586] {strides = array<i32>} : memref<32x1024xf32, #tpu.memory_space<vmem>>, vector<1x16xf32>,
      %parallel_loop3A_588 = vector.shape_cast %parallel_loop3A_587 : vector<1x16xf32> to vector<16xf32>
      %parallel_loop3A_589 = vector.shape_cast %parallel_loop3A_584 : vector<16xf32> to vector<1x16xf32>
      tpu.vector_store %arg7[%parallel_loop3A_585, %parallel_loop3A_586], %parallel_loop3A_589 {strides = array<i32>} : memref<32x1024xf32, #tpu.memory_space<vmem>>, vector<1x16xf32>,
      %parallel_loop3A_590 = arith.index_cast %parallel_loop3A_42 : i32 to index
      %parallel_loop3A_591 = arith.constant 624 : index
      %parallel_loop3A_592 = tpu.vector_load %arg7[%parallel_loop3A_590, %parallel_loop3A_591] {strides = array<i32>} : memref<32x1024xf32, #tpu.memory_space<vmem>>, vector<1x16xf32>,
      %parallel_loop3A_593 = vector.shape_cast %parallel_loop3A_592 : vector<1x16xf32> to vector<16xf32>
      %parallel_loop3A_594 = arith.index_cast %parallel_loop3A_42 : i32 to index
      %parallel_loop3A_595 = arith.constant 624 : index
      %parallel_loop3A_596 = tpu.vector_load %arg8[%parallel_loop3A_594, %parallel_loop3A_595] {strides = array<i32>} : memref<32x1024xf32, #tpu.memory_space<vmem>>, vector<1x16xf32>,
      %parallel_loop3A_597 = vector.shape_cast %parallel_loop3A_596 : vector<1x16xf32> to vector<16xf32>
      %parallel_loop3A_598 = arith.addf %parallel_loop3A_593, %parallel_loop3A_597 : vector<16xf32>
      %parallel_loop3A_599 = arith.index_cast %parallel_loop3A_42 : i32 to index
      %parallel_loop3A_600 = arith.constant 624 : index
      %parallel_loop3A_601 = tpu.vector_load %arg7[%parallel_loop3A_599, %parallel_loop3A_600] {strides = array<i32>} : memref<32x1024xf32, #tpu.memory_space<vmem>>, vector<1x16xf32>,
      %parallel_loop3A_602 = vector.shape_cast %parallel_loop3A_601 : vector<1x16xf32> to vector<16xf32>
      %parallel_loop3A_603 = vector.shape_cast %parallel_loop3A_598 : vector<16xf32> to vector<1x16xf32>
      tpu.vector_store %arg7[%parallel_loop3A_599, %parallel_loop3A_600], %parallel_loop3A_603 {strides = array<i32>} : memref<32x1024xf32, #tpu.memory_space<vmem>>, vector<1x16xf32>,
      %parallel_loop3A_604 = arith.index_cast %parallel_loop3A_42 : i32 to index
      %parallel_loop3A_605 = arith.constant 640 : index
      %parallel_loop3A_606 = tpu.vector_load %arg7[%parallel_loop3A_604, %parallel_loop3A_605] {strides = array<i32>} : memref<32x1024xf32, #tpu.memory_space<vmem>>, vector<1x16xf32>,
      %parallel_loop3A_607 = vector.shape_cast %parallel_loop3A_606 : vector<1x16xf32> to vector<16xf32>
      %parallel_loop3A_608 = arith.index_cast %parallel_loop3A_42 : i32 to index
      %parallel_loop3A_609 = arith.constant 640 : index
      %parallel_loop3A_610 = tpu.vector_load %arg8[%parallel_loop3A_608, %parallel_loop3A_609] {strides = array<i32>} : memref<32x1024xf32, #tpu.memory_space<vmem>>, vector<1x16xf32>,
      %parallel_loop3A_611 = vector.shape_cast %parallel_loop3A_610 : vector<1x16xf32> to vector<16xf32>
      %parallel_loop3A_612 = arith.addf %parallel_loop3A_607, %parallel_loop3A_611 : vector<16xf32>
      %parallel_loop3A_613 = arith.index_cast %parallel_loop3A_42 : i32 to index
      %parallel_loop3A_614 = arith.constant 640 : index
      %parallel_loop3A_615 = tpu.vector_load %arg7[%parallel_loop3A_613, %parallel_loop3A_614] {strides = array<i32>} : memref<32x1024xf32, #tpu.memory_space<vmem>>, vector<1x16xf32>,
      %parallel_loop3A_616 = vector.shape_cast %parallel_loop3A_615 : vector<1x16xf32> to vector<16xf32>
      %parallel_loop3A_617 = vector.shape_cast %parallel_loop3A_612 : vector<16xf32> to vector<1x16xf32>
      tpu.vector_store %arg7[%parallel_loop3A_613, %parallel_loop3A_614], %parallel_loop3A_617 {strides = array<i32>} : memref<32x1024xf32, #tpu.memory_space<vmem>>, vector<1x16xf32>,
      %parallel_loop3A_618 = arith.index_cast %parallel_loop3A_42 : i32 to index
      %parallel_loop3A_619 = arith.constant 656 : index
      %parallel_loop3A_620 = tpu.vector_load %arg7[%parallel_loop3A_618, %parallel_loop3A_619] {strides = array<i32>} : memref<32x1024xf32, #tpu.memory_space<vmem>>, vector<1x16xf32>,
      %parallel_loop3A_621 = vector.shape_cast %parallel_loop3A_620 : vector<1x16xf32> to vector<16xf32>
      %parallel_loop3A_622 = arith.index_cast %parallel_loop3A_42 : i32 to index
      %parallel_loop3A_623 = arith.constant 656 : index
      %parallel_loop3A_624 = tpu.vector_load %arg8[%parallel_loop3A_622, %parallel_loop3A_623] {strides = array<i32>} : memref<32x1024xf32, #tpu.memory_space<vmem>>, vector<1x16xf32>,
      %parallel_loop3A_625 = vector.shape_cast %parallel_loop3A_624 : vector<1x16xf32> to vector<16xf32>
      %parallel_loop3A_626 = arith.addf %parallel_loop3A_621, %parallel_loop3A_625 : vector<16xf32>
      %parallel_loop3A_627 = arith.index_cast %parallel_loop3A_42 : i32 to index
      %parallel_loop3A_628 = arith.constant 656 : index
      %parallel_loop3A_629 = tpu.vector_load %arg7[%parallel_loop3A_627, %parallel_loop3A_628] {strides = array<i32>} : memref<32x1024xf32, #tpu.memory_space<vmem>>, vector<1x16xf32>,
      %parallel_loop3A_630 = vector.shape_cast %parallel_loop3A_629 : vector<1x16xf32> to vector<16xf32>
      %parallel_loop3A_631 = vector.shape_cast %parallel_loop3A_626 : vector<16xf32> to vector<1x16xf32>
      tpu.vector_store %arg7[%parallel_loop3A_627, %parallel_loop3A_628], %parallel_loop3A_631 {strides = array<i32>} : memref<32x1024xf32, #tpu.memory_space<vmem>>, vector<1x16xf32>,
      %parallel_loop3A_632 = arith.index_cast %parallel_loop3A_42 : i32 to index
      %parallel_loop3A_633 = arith.constant 672 : index
      %parallel_loop3A_634 = tpu.vector_load %arg7[%parallel_loop3A_632, %parallel_loop3A_633] {strides = array<i32>} : memref<32x1024xf32, #tpu.memory_space<vmem>>, vector<1x16xf32>,
      %parallel_loop3A_635 = vector.shape_cast %parallel_loop3A_634 : vector<1x16xf32> to vector<16xf32>
      %parallel_loop3A_636 = arith.index_cast %parallel_loop3A_42 : i32 to index
      %parallel_loop3A_637 = arith.constant 672 : index
      %parallel_loop3A_638 = tpu.vector_load %arg8[%parallel_loop3A_636, %parallel_loop3A_637] {strides = array<i32>} : memref<32x1024xf32, #tpu.memory_space<vmem>>, vector<1x16xf32>,
      %parallel_loop3A_639 = vector.shape_cast %parallel_loop3A_638 : vector<1x16xf32> to vector<16xf32>
      %parallel_loop3A_640 = arith.addf %parallel_loop3A_635, %parallel_loop3A_639 : vector<16xf32>
      %parallel_loop3A_641 = arith.index_cast %parallel_loop3A_42 : i32 to index
      %parallel_loop3A_642 = arith.constant 672 : index
      %parallel_loop3A_643 = tpu.vector_load %arg7[%parallel_loop3A_641, %parallel_loop3A_642] {strides = array<i32>} : memref<32x1024xf32, #tpu.memory_space<vmem>>, vector<1x16xf32>,
      %parallel_loop3A_644 = vector.shape_cast %parallel_loop3A_643 : vector<1x16xf32> to vector<16xf32>
      %parallel_loop3A_645 = vector.shape_cast %parallel_loop3A_640 : vector<16xf32> to vector<1x16xf32>
      tpu.vector_store %arg7[%parallel_loop3A_641, %parallel_loop3A_642], %parallel_loop3A_645 {strides = array<i32>} : memref<32x1024xf32, #tpu.memory_space<vmem>>, vector<1x16xf32>,
      %parallel_loop3A_646 = arith.index_cast %parallel_loop3A_42 : i32 to index
      %parallel_loop3A_647 = arith.constant 688 : index
      %parallel_loop3A_648 = tpu.vector_load %arg7[%parallel_loop3A_646, %parallel_loop3A_647] {strides = array<i32>} : memref<32x1024xf32, #tpu.memory_space<vmem>>, vector<1x16xf32>,
      %parallel_loop3A_649 = vector.shape_cast %parallel_loop3A_648 : vector<1x16xf32> to vector<16xf32>
      %parallel_loop3A_650 = arith.index_cast %parallel_loop3A_42 : i32 to index
      %parallel_loop3A_651 = arith.constant 688 : index
      %parallel_loop3A_652 = tpu.vector_load %arg8[%parallel_loop3A_650, %parallel_loop3A_651] {strides = array<i32>} : memref<32x1024xf32, #tpu.memory_space<vmem>>, vector<1x16xf32>,
      %parallel_loop3A_653 = vector.shape_cast %parallel_loop3A_652 : vector<1x16xf32> to vector<16xf32>
      %parallel_loop3A_654 = arith.addf %parallel_loop3A_649, %parallel_loop3A_653 : vector<16xf32>
      %parallel_loop3A_655 = arith.index_cast %parallel_loop3A_42 : i32 to index
      %parallel_loop3A_656 = arith.constant 688 : index
      %parallel_loop3A_657 = tpu.vector_load %arg7[%parallel_loop3A_655, %parallel_loop3A_656] {strides = array<i32>} : memref<32x1024xf32, #tpu.memory_space<vmem>>, vector<1x16xf32>,
      %parallel_loop3A_658 = vector.shape_cast %parallel_loop3A_657 : vector<1x16xf32> to vector<16xf32>
      %parallel_loop3A_659 = vector.shape_cast %parallel_loop3A_654 : vector<16xf32> to vector<1x16xf32>
      tpu.vector_store %arg7[%parallel_loop3A_655, %parallel_loop3A_656], %parallel_loop3A_659 {strides = array<i32>} : memref<32x1024xf32, #tpu.memory_space<vmem>>, vector<1x16xf32>,
      %parallel_loop3A_660 = arith.index_cast %parallel_loop3A_42 : i32 to index
      %parallel_loop3A_661 = arith.constant 704 : index
      %parallel_loop3A_662 = tpu.vector_load %arg7[%parallel_loop3A_660, %parallel_loop3A_661] {strides = array<i32>} : memref<32x1024xf32, #tpu.memory_space<vmem>>, vector<1x16xf32>,
      %parallel_loop3A_663 = vector.shape_cast %parallel_loop3A_662 : vector<1x16xf32> to vector<16xf32>
      %parallel_loop3A_664 = arith.index_cast %parallel_loop3A_42 : i32 to index
      %parallel_loop3A_665 = arith.constant 704 : index
      %parallel_loop3A_666 = tpu.vector_load %arg8[%parallel_loop3A_664, %parallel_loop3A_665] {strides = array<i32>} : memref<32x1024xf32, #tpu.memory_space<vmem>>, vector<1x16xf32>,
      %parallel_loop3A_667 = vector.shape_cast %parallel_loop3A_666 : vector<1x16xf32> to vector<16xf32>
      %parallel_loop3A_668 = arith.addf %parallel_loop3A_663, %parallel_loop3A_667 : vector<16xf32>
      %parallel_loop3A_669 = arith.index_cast %parallel_loop3A_42 : i32 to index
      %parallel_loop3A_670 = arith.constant 704 : index
      %parallel_loop3A_671 = tpu.vector_load %arg7[%parallel_loop3A_669, %parallel_loop3A_670] {strides = array<i32>} : memref<32x1024xf32, #tpu.memory_space<vmem>>, vector<1x16xf32>,
      %parallel_loop3A_672 = vector.shape_cast %parallel_loop3A_671 : vector<1x16xf32> to vector<16xf32>
      %parallel_loop3A_673 = vector.shape_cast %parallel_loop3A_668 : vector<16xf32> to vector<1x16xf32>
      tpu.vector_store %arg7[%parallel_loop3A_669, %parallel_loop3A_670], %parallel_loop3A_673 {strides = array<i32>} : memref<32x1024xf32, #tpu.memory_space<vmem>>, vector<1x16xf32>,
      %parallel_loop3A_674 = arith.index_cast %parallel_loop3A_42 : i32 to index
      %parallel_loop3A_675 = arith.constant 720 : index
      %parallel_loop3A_676 = tpu.vector_load %arg7[%parallel_loop3A_674, %parallel_loop3A_675] {strides = array<i32>} : memref<32x1024xf32, #tpu.memory_space<vmem>>, vector<1x16xf32>,
      %parallel_loop3A_677 = vector.shape_cast %parallel_loop3A_676 : vector<1x16xf32> to vector<16xf32>
      %parallel_loop3A_678 = arith.index_cast %parallel_loop3A_42 : i32 to index
      %parallel_loop3A_679 = arith.constant 720 : index
      %parallel_loop3A_680 = tpu.vector_load %arg8[%parallel_loop3A_678, %parallel_loop3A_679] {strides = array<i32>} : memref<32x1024xf32, #tpu.memory_space<vmem>>, vector<1x16xf32>,
      %parallel_loop3A_681 = vector.shape_cast %parallel_loop3A_680 : vector<1x16xf32> to vector<16xf32>
      %parallel_loop3A_682 = arith.addf %parallel_loop3A_677, %parallel_loop3A_681 : vector<16xf32>
      %parallel_loop3A_683 = arith.index_cast %parallel_loop3A_42 : i32 to index
      %parallel_loop3A_684 = arith.constant 720 : index
      %parallel_loop3A_685 = tpu.vector_load %arg7[%parallel_loop3A_683, %parallel_loop3A_684] {strides = array<i32>} : memref<32x1024xf32, #tpu.memory_space<vmem>>, vector<1x16xf32>,
      %parallel_loop3A_686 = vector.shape_cast %parallel_loop3A_685 : vector<1x16xf32> to vector<16xf32>
      %parallel_loop3A_687 = vector.shape_cast %parallel_loop3A_682 : vector<16xf32> to vector<1x16xf32>
      tpu.vector_store %arg7[%parallel_loop3A_683, %parallel_loop3A_684], %parallel_loop3A_687 {strides = array<i32>} : memref<32x1024xf32, #tpu.memory_space<vmem>>, vector<1x16xf32>,
      %parallel_loop3A_688 = arith.index_cast %parallel_loop3A_42 : i32 to index
      %parallel_loop3A_689 = arith.constant 736 : index
      %parallel_loop3A_690 = tpu.vector_load %arg7[%parallel_loop3A_688, %parallel_loop3A_689] {strides = array<i32>} : memref<32x1024xf32, #tpu.memory_space<vmem>>, vector<1x16xf32>,
      %parallel_loop3A_691 = vector.shape_cast %parallel_loop3A_690 : vector<1x16xf32> to vector<16xf32>
      %parallel_loop3A_692 = arith.index_cast %parallel_loop3A_42 : i32 to index
      %parallel_loop3A_693 = arith.constant 736 : index
      %parallel_loop3A_694 = tpu.vector_load %arg8[%parallel_loop3A_692, %parallel_loop3A_693] {strides = array<i32>} : memref<32x1024xf32, #tpu.memory_space<vmem>>, vector<1x16xf32>,
      %parallel_loop3A_695 = vector.shape_cast %parallel_loop3A_694 : vector<1x16xf32> to vector<16xf32>
      %parallel_loop3A_696 = arith.addf %parallel_loop3A_691, %parallel_loop3A_695 : vector<16xf32>
      %parallel_loop3A_697 = arith.index_cast %parallel_loop3A_42 : i32 to index
      %parallel_loop3A_698 = arith.constant 736 : index
      %parallel_loop3A_699 = tpu.vector_load %arg7[%parallel_loop3A_697, %parallel_loop3A_698] {strides = array<i32>} : memref<32x1024xf32, #tpu.memory_space<vmem>>, vector<1x16xf32>,
      %parallel_loop3A_700 = vector.shape_cast %parallel_loop3A_699 : vector<1x16xf32> to vector<16xf32>
      %parallel_loop3A_701 = vector.shape_cast %parallel_loop3A_696 : vector<16xf32> to vector<1x16xf32>
      tpu.vector_store %arg7[%parallel_loop3A_697, %parallel_loop3A_698], %parallel_loop3A_701 {strides = array<i32>} : memref<32x1024xf32, #tpu.memory_space<vmem>>, vector<1x16xf32>,
      %parallel_loop3A_702 = arith.index_cast %parallel_loop3A_42 : i32 to index
      %parallel_loop3A_703 = arith.constant 752 : index
      %parallel_loop3A_704 = tpu.vector_load %arg7[%parallel_loop3A_702, %parallel_loop3A_703] {strides = array<i32>} : memref<32x1024xf32, #tpu.memory_space<vmem>>, vector<1x16xf32>,
      %parallel_loop3A_705 = vector.shape_cast %parallel_loop3A_704 : vector<1x16xf32> to vector<16xf32>
      %parallel_loop3A_706 = arith.index_cast %parallel_loop3A_42 : i32 to index
      %parallel_loop3A_707 = arith.constant 752 : index
      %parallel_loop3A_708 = tpu.vector_load %arg8[%parallel_loop3A_706, %parallel_loop3A_707] {strides = array<i32>} : memref<32x1024xf32, #tpu.memory_space<vmem>>, vector<1x16xf32>,
      %parallel_loop3A_709 = vector.shape_cast %parallel_loop3A_708 : vector<1x16xf32> to vector<16xf32>
      %parallel_loop3A_710 = arith.addf %parallel_loop3A_705, %parallel_loop3A_709 : vector<16xf32>
      %parallel_loop3A_711 = arith.index_cast %parallel_loop3A_42 : i32 to index
      %parallel_loop3A_712 = arith.constant 752 : index
      %parallel_loop3A_713 = tpu.vector_load %arg7[%parallel_loop3A_711, %parallel_loop3A_712] {strides = array<i32>} : memref<32x1024xf32, #tpu.memory_space<vmem>>, vector<1x16xf32>,
      %parallel_loop3A_714 = vector.shape_cast %parallel_loop3A_713 : vector<1x16xf32> to vector<16xf32>
      %parallel_loop3A_715 = vector.shape_cast %parallel_loop3A_710 : vector<16xf32> to vector<1x16xf32>
      tpu.vector_store %arg7[%parallel_loop3A_711, %parallel_loop3A_712], %parallel_loop3A_715 {strides = array<i32>} : memref<32x1024xf32, #tpu.memory_space<vmem>>, vector<1x16xf32>,
      %parallel_loop3A_716 = arith.index_cast %parallel_loop3A_42 : i32 to index
      %parallel_loop3A_717 = arith.constant 768 : index
      %parallel_loop3A_718 = tpu.vector_load %arg7[%parallel_loop3A_716, %parallel_loop3A_717] {strides = array<i32>} : memref<32x1024xf32, #tpu.memory_space<vmem>>, vector<1x16xf32>,
      %parallel_loop3A_719 = vector.shape_cast %parallel_loop3A_718 : vector<1x16xf32> to vector<16xf32>
      %parallel_loop3A_720 = arith.index_cast %parallel_loop3A_42 : i32 to index
      %parallel_loop3A_721 = arith.constant 768 : index
      %parallel_loop3A_722 = tpu.vector_load %arg8[%parallel_loop3A_720, %parallel_loop3A_721] {strides = array<i32>} : memref<32x1024xf32, #tpu.memory_space<vmem>>, vector<1x16xf32>,
      %parallel_loop3A_723 = vector.shape_cast %parallel_loop3A_722 : vector<1x16xf32> to vector<16xf32>
      %parallel_loop3A_724 = arith.addf %parallel_loop3A_719, %parallel_loop3A_723 : vector<16xf32>
      %parallel_loop3A_725 = arith.index_cast %parallel_loop3A_42 : i32 to index
      %parallel_loop3A_726 = arith.constant 768 : index
      %parallel_loop3A_727 = tpu.vector_load %arg7[%parallel_loop3A_725, %parallel_loop3A_726] {strides = array<i32>} : memref<32x1024xf32, #tpu.memory_space<vmem>>, vector<1x16xf32>,
      %parallel_loop3A_728 = vector.shape_cast %parallel_loop3A_727 : vector<1x16xf32> to vector<16xf32>
      %parallel_loop3A_729 = vector.shape_cast %parallel_loop3A_724 : vector<16xf32> to vector<1x16xf32>
      tpu.vector_store %arg7[%parallel_loop3A_725, %parallel_loop3A_726], %parallel_loop3A_729 {strides = array<i32>} : memref<32x1024xf32, #tpu.memory_space<vmem>>, vector<1x16xf32>,
      %parallel_loop3A_730 = arith.index_cast %parallel_loop3A_42 : i32 to index
      %parallel_loop3A_731 = arith.constant 784 : index
      %parallel_loop3A_732 = tpu.vector_load %arg7[%parallel_loop3A_730, %parallel_loop3A_731] {strides = array<i32>} : memref<32x1024xf32, #tpu.memory_space<vmem>>, vector<1x16xf32>,
      %parallel_loop3A_733 = vector.shape_cast %parallel_loop3A_732 : vector<1x16xf32> to vector<16xf32>
      %parallel_loop3A_734 = arith.index_cast %parallel_loop3A_42 : i32 to index
      %parallel_loop3A_735 = arith.constant 784 : index
      %parallel_loop3A_736 = tpu.vector_load %arg8[%parallel_loop3A_734, %parallel_loop3A_735] {strides = array<i32>} : memref<32x1024xf32, #tpu.memory_space<vmem>>, vector<1x16xf32>,
      %parallel_loop3A_737 = vector.shape_cast %parallel_loop3A_736 : vector<1x16xf32> to vector<16xf32>
      %parallel_loop3A_738 = arith.addf %parallel_loop3A_733, %parallel_loop3A_737 : vector<16xf32>
      %parallel_loop3A_739 = arith.index_cast %parallel_loop3A_42 : i32 to index
      %parallel_loop3A_740 = arith.constant 784 : index
      %parallel_loop3A_741 = tpu.vector_load %arg7[%parallel_loop3A_739, %parallel_loop3A_740] {strides = array<i32>} : memref<32x1024xf32, #tpu.memory_space<vmem>>, vector<1x16xf32>,
      %parallel_loop3A_742 = vector.shape_cast %parallel_loop3A_741 : vector<1x16xf32> to vector<16xf32>
      %parallel_loop3A_743 = vector.shape_cast %parallel_loop3A_738 : vector<16xf32> to vector<1x16xf32>
      tpu.vector_store %arg7[%parallel_loop3A_739, %parallel_loop3A_740], %parallel_loop3A_743 {strides = array<i32>} : memref<32x1024xf32, #tpu.memory_space<vmem>>, vector<1x16xf32>,
      %parallel_loop3A_744 = arith.index_cast %parallel_loop3A_42 : i32 to index
      %parallel_loop3A_745 = arith.constant 800 : index
      %parallel_loop3A_746 = tpu.vector_load %arg7[%parallel_loop3A_744, %parallel_loop3A_745] {strides = array<i32>} : memref<32x1024xf32, #tpu.memory_space<vmem>>, vector<1x16xf32>,
      %parallel_loop3A_747 = vector.shape_cast %parallel_loop3A_746 : vector<1x16xf32> to vector<16xf32>
      %parallel_loop3A_748 = arith.index_cast %parallel_loop3A_42 : i32 to index
      %parallel_loop3A_749 = arith.constant 800 : index
      %parallel_loop3A_750 = tpu.vector_load %arg8[%parallel_loop3A_748, %parallel_loop3A_749] {strides = array<i32>} : memref<32x1024xf32, #tpu.memory_space<vmem>>, vector<1x16xf32>,
      %parallel_loop3A_751 = vector.shape_cast %parallel_loop3A_750 : vector<1x16xf32> to vector<16xf32>
      %parallel_loop3A_752 = arith.addf %parallel_loop3A_747, %parallel_loop3A_751 : vector<16xf32>
      %parallel_loop3A_753 = arith.index_cast %parallel_loop3A_42 : i32 to index
      %parallel_loop3A_754 = arith.constant 800 : index
      %parallel_loop3A_755 = tpu.vector_load %arg7[%parallel_loop3A_753, %parallel_loop3A_754] {strides = array<i32>} : memref<32x1024xf32, #tpu.memory_space<vmem>>, vector<1x16xf32>,
      %parallel_loop3A_756 = vector.shape_cast %parallel_loop3A_755 : vector<1x16xf32> to vector<16xf32>
      %parallel_loop3A_757 = vector.shape_cast %parallel_loop3A_752 : vector<16xf32> to vector<1x16xf32>
      tpu.vector_store %arg7[%parallel_loop3A_753, %parallel_loop3A_754], %parallel_loop3A_757 {strides = array<i32>} : memref<32x1024xf32, #tpu.memory_space<vmem>>, vector<1x16xf32>,
      %parallel_loop3A_758 = arith.index_cast %parallel_loop3A_42 : i32 to index
      %parallel_loop3A_759 = arith.constant 816 : index
      %parallel_loop3A_760 = tpu.vector_load %arg7[%parallel_loop3A_758, %parallel_loop3A_759] {strides = array<i32>} : memref<32x1024xf32, #tpu.memory_space<vmem>>, vector<1x16xf32>,
      %parallel_loop3A_761 = vector.shape_cast %parallel_loop3A_760 : vector<1x16xf32> to vector<16xf32>
      %parallel_loop3A_762 = arith.index_cast %parallel_loop3A_42 : i32 to index
      %parallel_loop3A_763 = arith.constant 816 : index
      %parallel_loop3A_764 = tpu.vector_load %arg8[%parallel_loop3A_762, %parallel_loop3A_763] {strides = array<i32>} : memref<32x1024xf32, #tpu.memory_space<vmem>>, vector<1x16xf32>,
      %parallel_loop3A_765 = vector.shape_cast %parallel_loop3A_764 : vector<1x16xf32> to vector<16xf32>
      %parallel_loop3A_766 = arith.addf %parallel_loop3A_761, %parallel_loop3A_765 : vector<16xf32>
      %parallel_loop3A_767 = arith.index_cast %parallel_loop3A_42 : i32 to index
      %parallel_loop3A_768 = arith.constant 816 : index
      %parallel_loop3A_769 = tpu.vector_load %arg7[%parallel_loop3A_767, %parallel_loop3A_768] {strides = array<i32>} : memref<32x1024xf32, #tpu.memory_space<vmem>>, vector<1x16xf32>,
      %parallel_loop3A_770 = vector.shape_cast %parallel_loop3A_769 : vector<1x16xf32> to vector<16xf32>
      %parallel_loop3A_771 = vector.shape_cast %parallel_loop3A_766 : vector<16xf32> to vector<1x16xf32>
      tpu.vector_store %arg7[%parallel_loop3A_767, %parallel_loop3A_768], %parallel_loop3A_771 {strides = array<i32>} : memref<32x1024xf32, #tpu.memory_space<vmem>>, vector<1x16xf32>,
      %parallel_loop3A_772 = arith.index_cast %parallel_loop3A_42 : i32 to index
      %parallel_loop3A_773 = arith.constant 832 : index
      %parallel_loop3A_774 = tpu.vector_load %arg7[%parallel_loop3A_772, %parallel_loop3A_773] {strides = array<i32>} : memref<32x1024xf32, #tpu.memory_space<vmem>>, vector<1x16xf32>,
      %parallel_loop3A_775 = vector.shape_cast %parallel_loop3A_774 : vector<1x16xf32> to vector<16xf32>
      %parallel_loop3A_776 = arith.index_cast %parallel_loop3A_42 : i32 to index
      %parallel_loop3A_777 = arith.constant 832 : index
      %parallel_loop3A_778 = tpu.vector_load %arg8[%parallel_loop3A_776, %parallel_loop3A_777] {strides = array<i32>} : memref<32x1024xf32, #tpu.memory_space<vmem>>, vector<1x16xf32>,
      %parallel_loop3A_779 = vector.shape_cast %parallel_loop3A_778 : vector<1x16xf32> to vector<16xf32>
      %parallel_loop3A_780 = arith.addf %parallel_loop3A_775, %parallel_loop3A_779 : vector<16xf32>
      %parallel_loop3A_781 = arith.index_cast %parallel_loop3A_42 : i32 to index
      %parallel_loop3A_782 = arith.constant 832 : index
      %parallel_loop3A_783 = tpu.vector_load %arg7[%parallel_loop3A_781, %parallel_loop3A_782] {strides = array<i32>} : memref<32x1024xf32, #tpu.memory_space<vmem>>, vector<1x16xf32>,
      %parallel_loop3A_784 = vector.shape_cast %parallel_loop3A_783 : vector<1x16xf32> to vector<16xf32>
      %parallel_loop3A_785 = vector.shape_cast %parallel_loop3A_780 : vector<16xf32> to vector<1x16xf32>
      tpu.vector_store %arg7[%parallel_loop3A_781, %parallel_loop3A_782], %parallel_loop3A_785 {strides = array<i32>} : memref<32x1024xf32, #tpu.memory_space<vmem>>, vector<1x16xf32>,
      %parallel_loop3A_786 = arith.index_cast %parallel_loop3A_42 : i32 to index
      %parallel_loop3A_787 = arith.constant 848 : index
      %parallel_loop3A_788 = tpu.vector_load %arg7[%parallel_loop3A_786, %parallel_loop3A_787] {strides = array<i32>} : memref<32x1024xf32, #tpu.memory_space<vmem>>, vector<1x16xf32>,
      %parallel_loop3A_789 = vector.shape_cast %parallel_loop3A_788 : vector<1x16xf32> to vector<16xf32>
      %parallel_loop3A_790 = arith.index_cast %parallel_loop3A_42 : i32 to index
      %parallel_loop3A_791 = arith.constant 848 : index
      %parallel_loop3A_792 = tpu.vector_load %arg8[%parallel_loop3A_790, %parallel_loop3A_791] {strides = array<i32>} : memref<32x1024xf32, #tpu.memory_space<vmem>>, vector<1x16xf32>,
      %parallel_loop3A_793 = vector.shape_cast %parallel_loop3A_792 : vector<1x16xf32> to vector<16xf32>
      %parallel_loop3A_794 = arith.addf %parallel_loop3A_789, %parallel_loop3A_793 : vector<16xf32>
      %parallel_loop3A_795 = arith.index_cast %parallel_loop3A_42 : i32 to index
      %parallel_loop3A_796 = arith.constant 848 : index
      %parallel_loop3A_797 = tpu.vector_load %arg7[%parallel_loop3A_795, %parallel_loop3A_796] {strides = array<i32>} : memref<32x1024xf32, #tpu.memory_space<vmem>>, vector<1x16xf32>,
      %parallel_loop3A_798 = vector.shape_cast %parallel_loop3A_797 : vector<1x16xf32> to vector<16xf32>
      %parallel_loop3A_799 = vector.shape_cast %parallel_loop3A_794 : vector<16xf32> to vector<1x16xf32>
      tpu.vector_store %arg7[%parallel_loop3A_795, %parallel_loop3A_796], %parallel_loop3A_799 {strides = array<i32>} : memref<32x1024xf32, #tpu.memory_space<vmem>>, vector<1x16xf32>,
      %parallel_loop3A_800 = arith.index_cast %parallel_loop3A_42 : i32 to index
      %parallel_loop3A_801 = arith.constant 864 : index
      %parallel_loop3A_802 = tpu.vector_load %arg7[%parallel_loop3A_800, %parallel_loop3A_801] {strides = array<i32>} : memref<32x1024xf32, #tpu.memory_space<vmem>>, vector<1x16xf32>,
      %parallel_loop3A_803 = vector.shape_cast %parallel_loop3A_802 : vector<1x16xf32> to vector<16xf32>
      %parallel_loop3A_804 = arith.index_cast %parallel_loop3A_42 : i32 to index
      %parallel_loop3A_805 = arith.constant 864 : index
      %parallel_loop3A_806 = tpu.vector_load %arg8[%parallel_loop3A_804, %parallel_loop3A_805] {strides = array<i32>} : memref<32x1024xf32, #tpu.memory_space<vmem>>, vector<1x16xf32>,
      %parallel_loop3A_807 = vector.shape_cast %parallel_loop3A_806 : vector<1x16xf32> to vector<16xf32>
      %parallel_loop3A_808 = arith.addf %parallel_loop3A_803, %parallel_loop3A_807 : vector<16xf32>
      %parallel_loop3A_809 = arith.index_cast %parallel_loop3A_42 : i32 to index
      %parallel_loop3A_810 = arith.constant 864 : index
      %parallel_loop3A_811 = tpu.vector_load %arg7[%parallel_loop3A_809, %parallel_loop3A_810] {strides = array<i32>} : memref<32x1024xf32, #tpu.memory_space<vmem>>, vector<1x16xf32>,
      %parallel_loop3A_812 = vector.shape_cast %parallel_loop3A_811 : vector<1x16xf32> to vector<16xf32>
      %parallel_loop3A_813 = vector.shape_cast %parallel_loop3A_808 : vector<16xf32> to vector<1x16xf32>
      tpu.vector_store %arg7[%parallel_loop3A_809, %parallel_loop3A_810], %parallel_loop3A_813 {strides = array<i32>} : memref<32x1024xf32, #tpu.memory_space<vmem>>, vector<1x16xf32>,
      %parallel_loop3A_814 = arith.index_cast %parallel_loop3A_42 : i32 to index
      %parallel_loop3A_815 = arith.constant 880 : index
      %parallel_loop3A_816 = tpu.vector_load %arg7[%parallel_loop3A_814, %parallel_loop3A_815] {strides = array<i32>} : memref<32x1024xf32, #tpu.memory_space<vmem>>, vector<1x16xf32>,
      %parallel_loop3A_817 = vector.shape_cast %parallel_loop3A_816 : vector<1x16xf32> to vector<16xf32>
      %parallel_loop3A_818 = arith.index_cast %parallel_loop3A_42 : i32 to index
      %parallel_loop3A_819 = arith.constant 880 : index
      %parallel_loop3A_820 = tpu.vector_load %arg8[%parallel_loop3A_818, %parallel_loop3A_819] {strides = array<i32>} : memref<32x1024xf32, #tpu.memory_space<vmem>>, vector<1x16xf32>,
      %parallel_loop3A_821 = vector.shape_cast %parallel_loop3A_820 : vector<1x16xf32> to vector<16xf32>
      %parallel_loop3A_822 = arith.addf %parallel_loop3A_817, %parallel_loop3A_821 : vector<16xf32>
      %parallel_loop3A_823 = arith.index_cast %parallel_loop3A_42 : i32 to index
      %parallel_loop3A_824 = arith.constant 880 : index
      %parallel_loop3A_825 = tpu.vector_load %arg7[%parallel_loop3A_823, %parallel_loop3A_824] {strides = array<i32>} : memref<32x1024xf32, #tpu.memory_space<vmem>>, vector<1x16xf32>,
      %parallel_loop3A_826 = vector.shape_cast %parallel_loop3A_825 : vector<1x16xf32> to vector<16xf32>
      %parallel_loop3A_827 = vector.shape_cast %parallel_loop3A_822 : vector<16xf32> to vector<1x16xf32>
      tpu.vector_store %arg7[%parallel_loop3A_823, %parallel_loop3A_824], %parallel_loop3A_827 {strides = array<i32>} : memref<32x1024xf32, #tpu.memory_space<vmem>>, vector<1x16xf32>,
      %parallel_loop3A_828 = arith.index_cast %parallel_loop3A_42 : i32 to index
      %parallel_loop3A_829 = arith.constant 896 : index
      %parallel_loop3A_830 = tpu.vector_load %arg7[%parallel_loop3A_828, %parallel_loop3A_829] {strides = array<i32>} : memref<32x1024xf32, #tpu.memory_space<vmem>>, vector<1x16xf32>,
      %parallel_loop3A_831 = vector.shape_cast %parallel_loop3A_830 : vector<1x16xf32> to vector<16xf32>
      %parallel_loop3A_832 = arith.index_cast %parallel_loop3A_42 : i32 to index
      %parallel_loop3A_833 = arith.constant 896 : index
      %parallel_loop3A_834 = tpu.vector_load %arg8[%parallel_loop3A_832, %parallel_loop3A_833] {strides = array<i32>} : memref<32x1024xf32, #tpu.memory_space<vmem>>, vector<1x16xf32>,
      %parallel_loop3A_835 = vector.shape_cast %parallel_loop3A_834 : vector<1x16xf32> to vector<16xf32>
      %parallel_loop3A_836 = arith.addf %parallel_loop3A_831, %parallel_loop3A_835 : vector<16xf32>
      %parallel_loop3A_837 = arith.index_cast %parallel_loop3A_42 : i32 to index
      %parallel_loop3A_838 = arith.constant 896 : index
      %parallel_loop3A_839 = tpu.vector_load %arg7[%parallel_loop3A_837, %parallel_loop3A_838] {strides = array<i32>} : memref<32x1024xf32, #tpu.memory_space<vmem>>, vector<1x16xf32>,
      %parallel_loop3A_840 = vector.shape_cast %parallel_loop3A_839 : vector<1x16xf32> to vector<16xf32>
      %parallel_loop3A_841 = vector.shape_cast %parallel_loop3A_836 : vector<16xf32> to vector<1x16xf32>
      tpu.vector_store %arg7[%parallel_loop3A_837, %parallel_loop3A_838], %parallel_loop3A_841 {strides = array<i32>} : memref<32x1024xf32, #tpu.memory_space<vmem>>, vector<1x16xf32>,
      %parallel_loop3A_842 = arith.index_cast %parallel_loop3A_42 : i32 to index
      %parallel_loop3A_843 = arith.constant 912 : index
      %parallel_loop3A_844 = tpu.vector_load %arg7[%parallel_loop3A_842, %parallel_loop3A_843] {strides = array<i32>} : memref<32x1024xf32, #tpu.memory_space<vmem>>, vector<1x16xf32>,
      %parallel_loop3A_845 = vector.shape_cast %parallel_loop3A_844 : vector<1x16xf32> to vector<16xf32>
      %parallel_loop3A_846 = arith.index_cast %parallel_loop3A_42 : i32 to index
      %parallel_loop3A_847 = arith.constant 912 : index
      %parallel_loop3A_848 = tpu.vector_load %arg8[%parallel_loop3A_846, %parallel_loop3A_847] {strides = array<i32>} : memref<32x1024xf32, #tpu.memory_space<vmem>>, vector<1x16xf32>,
      %parallel_loop3A_849 = vector.shape_cast %parallel_loop3A_848 : vector<1x16xf32> to vector<16xf32>
      %parallel_loop3A_850 = arith.addf %parallel_loop3A_845, %parallel_loop3A_849 : vector<16xf32>
      %parallel_loop3A_851 = arith.index_cast %parallel_loop3A_42 : i32 to index
      %parallel_loop3A_852 = arith.constant 912 : index
      %parallel_loop3A_853 = tpu.vector_load %arg7[%parallel_loop3A_851, %parallel_loop3A_852] {strides = array<i32>} : memref<32x1024xf32, #tpu.memory_space<vmem>>, vector<1x16xf32>,
      %parallel_loop3A_854 = vector.shape_cast %parallel_loop3A_853 : vector<1x16xf32> to vector<16xf32>
      %parallel_loop3A_855 = vector.shape_cast %parallel_loop3A_850 : vector<16xf32> to vector<1x16xf32>
      tpu.vector_store %arg7[%parallel_loop3A_851, %parallel_loop3A_852], %parallel_loop3A_855 {strides = array<i32>} : memref<32x1024xf32, #tpu.memory_space<vmem>>, vector<1x16xf32>,
      %parallel_loop3A_856 = arith.index_cast %parallel_loop3A_42 : i32 to index
      %parallel_loop3A_857 = arith.constant 928 : index
      %parallel_loop3A_858 = tpu.vector_load %arg7[%parallel_loop3A_856, %parallel_loop3A_857] {strides = array<i32>} : memref<32x1024xf32, #tpu.memory_space<vmem>>, vector<1x16xf32>,
      %parallel_loop3A_859 = vector.shape_cast %parallel_loop3A_858 : vector<1x16xf32> to vector<16xf32>
      %parallel_loop3A_860 = arith.index_cast %parallel_loop3A_42 : i32 to index
      %parallel_loop3A_861 = arith.constant 928 : index
      %parallel_loop3A_862 = tpu.vector_load %arg8[%parallel_loop3A_860, %parallel_loop3A_861] {strides = array<i32>} : memref<32x1024xf32, #tpu.memory_space<vmem>>, vector<1x16xf32>,
      %parallel_loop3A_863 = vector.shape_cast %parallel_loop3A_862 : vector<1x16xf32> to vector<16xf32>
      %parallel_loop3A_864 = arith.addf %parallel_loop3A_859, %parallel_loop3A_863 : vector<16xf32>
      %parallel_loop3A_865 = arith.index_cast %parallel_loop3A_42 : i32 to index
      %parallel_loop3A_866 = arith.constant 928 : index
      %parallel_loop3A_867 = tpu.vector_load %arg7[%parallel_loop3A_865, %parallel_loop3A_866] {strides = array<i32>} : memref<32x1024xf32, #tpu.memory_space<vmem>>, vector<1x16xf32>,
      %parallel_loop3A_868 = vector.shape_cast %parallel_loop3A_867 : vector<1x16xf32> to vector<16xf32>
      %parallel_loop3A_869 = vector.shape_cast %parallel_loop3A_864 : vector<16xf32> to vector<1x16xf32>
      tpu.vector_store %arg7[%parallel_loop3A_865, %parallel_loop3A_866], %parallel_loop3A_869 {strides = array<i32>} : memref<32x1024xf32, #tpu.memory_space<vmem>>, vector<1x16xf32>,
      %parallel_loop3A_870 = arith.index_cast %parallel_loop3A_42 : i32 to index
      %parallel_loop3A_871 = arith.constant 944 : index
      %parallel_loop3A_872 = tpu.vector_load %arg7[%parallel_loop3A_870, %parallel_loop3A_871] {strides = array<i32>} : memref<32x1024xf32, #tpu.memory_space<vmem>>, vector<1x16xf32>,
      %parallel_loop3A_873 = vector.shape_cast %parallel_loop3A_872 : vector<1x16xf32> to vector<16xf32>
      %parallel_loop3A_874 = arith.index_cast %parallel_loop3A_42 : i32 to index
      %parallel_loop3A_875 = arith.constant 944 : index
      %parallel_loop3A_876 = tpu.vector_load %arg8[%parallel_loop3A_874, %parallel_loop3A_875] {strides = array<i32>} : memref<32x1024xf32, #tpu.memory_space<vmem>>, vector<1x16xf32>,
      %parallel_loop3A_877 = vector.shape_cast %parallel_loop3A_876 : vector<1x16xf32> to vector<16xf32>
      %parallel_loop3A_878 = arith.addf %parallel_loop3A_873, %parallel_loop3A_877 : vector<16xf32>
      %parallel_loop3A_879 = arith.index_cast %parallel_loop3A_42 : i32 to index
      %parallel_loop3A_880 = arith.constant 944 : index
      %parallel_loop3A_881 = tpu.vector_load %arg7[%parallel_loop3A_879, %parallel_loop3A_880] {strides = array<i32>} : memref<32x1024xf32, #tpu.memory_space<vmem>>, vector<1x16xf32>,
      %parallel_loop3A_882 = vector.shape_cast %parallel_loop3A_881 : vector<1x16xf32> to vector<16xf32>
      %parallel_loop3A_883 = vector.shape_cast %parallel_loop3A_878 : vector<16xf32> to vector<1x16xf32>
      tpu.vector_store %arg7[%parallel_loop3A_879, %parallel_loop3A_880], %parallel_loop3A_883 {strides = array<i32>} : memref<32x1024xf32, #tpu.memory_space<vmem>>, vector<1x16xf32>,
      %parallel_loop3A_884 = arith.index_cast %parallel_loop3A_42 : i32 to index
      %parallel_loop3A_885 = arith.constant 960 : index
      %parallel_loop3A_886 = tpu.vector_load %arg7[%parallel_loop3A_884, %parallel_loop3A_885] {strides = array<i32>} : memref<32x1024xf32, #tpu.memory_space<vmem>>, vector<1x16xf32>,
      %parallel_loop3A_887 = vector.shape_cast %parallel_loop3A_886 : vector<1x16xf32> to vector<16xf32>
      %parallel_loop3A_888 = arith.index_cast %parallel_loop3A_42 : i32 to index
      %parallel_loop3A_889 = arith.constant 960 : index
      %parallel_loop3A_890 = tpu.vector_load %arg8[%parallel_loop3A_888, %parallel_loop3A_889] {strides = array<i32>} : memref<32x1024xf32, #tpu.memory_space<vmem>>, vector<1x16xf32>,
      %parallel_loop3A_891 = vector.shape_cast %parallel_loop3A_890 : vector<1x16xf32> to vector<16xf32>
      %parallel_loop3A_892 = arith.addf %parallel_loop3A_887, %parallel_loop3A_891 : vector<16xf32>
      %parallel_loop3A_893 = arith.index_cast %parallel_loop3A_42 : i32 to index
      %parallel_loop3A_894 = arith.constant 960 : index
      %parallel_loop3A_895 = tpu.vector_load %arg7[%parallel_loop3A_893, %parallel_loop3A_894] {strides = array<i32>} : memref<32x1024xf32, #tpu.memory_space<vmem>>, vector<1x16xf32>,
      %parallel_loop3A_896 = vector.shape_cast %parallel_loop3A_895 : vector<1x16xf32> to vector<16xf32>
      %parallel_loop3A_897 = vector.shape_cast %parallel_loop3A_892 : vector<16xf32> to vector<1x16xf32>
      tpu.vector_store %arg7[%parallel_loop3A_893, %parallel_loop3A_894], %parallel_loop3A_897 {strides = array<i32>} : memref<32x1024xf32, #tpu.memory_space<vmem>>, vector<1x16xf32>,
      %parallel_loop3A_898 = arith.index_cast %parallel_loop3A_42 : i32 to index
      %parallel_loop3A_899 = arith.constant 976 : index
      %parallel_loop3A_900 = tpu.vector_load %arg7[%parallel_loop3A_898, %parallel_loop3A_899] {strides = array<i32>} : memref<32x1024xf32, #tpu.memory_space<vmem>>, vector<1x16xf32>,
      %parallel_loop3A_901 = vector.shape_cast %parallel_loop3A_900 : vector<1x16xf32> to vector<16xf32>
      %parallel_loop3A_902 = arith.index_cast %parallel_loop3A_42 : i32 to index
      %parallel_loop3A_903 = arith.constant 976 : index
      %parallel_loop3A_904 = tpu.vector_load %arg8[%parallel_loop3A_902, %parallel_loop3A_903] {strides = array<i32>} : memref<32x1024xf32, #tpu.memory_space<vmem>>, vector<1x16xf32>,
      %parallel_loop3A_905 = vector.shape_cast %parallel_loop3A_904 : vector<1x16xf32> to vector<16xf32>
      %parallel_loop3A_906 = arith.addf %parallel_loop3A_901, %parallel_loop3A_905 : vector<16xf32>
      %parallel_loop3A_907 = arith.index_cast %parallel_loop3A_42 : i32 to index
      %parallel_loop3A_908 = arith.constant 976 : index
      %parallel_loop3A_909 = tpu.vector_load %arg7[%parallel_loop3A_907, %parallel_loop3A_908] {strides = array<i32>} : memref<32x1024xf32, #tpu.memory_space<vmem>>, vector<1x16xf32>,
      %parallel_loop3A_910 = vector.shape_cast %parallel_loop3A_909 : vector<1x16xf32> to vector<16xf32>
      %parallel_loop3A_911 = vector.shape_cast %parallel_loop3A_906 : vector<16xf32> to vector<1x16xf32>
      tpu.vector_store %arg7[%parallel_loop3A_907, %parallel_loop3A_908], %parallel_loop3A_911 {strides = array<i32>} : memref<32x1024xf32, #tpu.memory_space<vmem>>, vector<1x16xf32>,
      %parallel_loop3A_912 = arith.index_cast %parallel_loop3A_42 : i32 to index
      %parallel_loop3A_913 = arith.constant 992 : index
      %parallel_loop3A_914 = tpu.vector_load %arg7[%parallel_loop3A_912, %parallel_loop3A_913] {strides = array<i32>} : memref<32x1024xf32, #tpu.memory_space<vmem>>, vector<1x16xf32>,
      %parallel_loop3A_915 = vector.shape_cast %parallel_loop3A_914 : vector<1x16xf32> to vector<16xf32>
      %parallel_loop3A_916 = arith.index_cast %parallel_loop3A_42 : i32 to index
      %parallel_loop3A_917 = arith.constant 992 : index
      %parallel_loop3A_918 = tpu.vector_load %arg8[%parallel_loop3A_916, %parallel_loop3A_917] {strides = array<i32>} : memref<32x1024xf32, #tpu.memory_space<vmem>>, vector<1x16xf32>,
      %parallel_loop3A_919 = vector.shape_cast %parallel_loop3A_918 : vector<1x16xf32> to vector<16xf32>
      %parallel_loop3A_920 = arith.addf %parallel_loop3A_915, %parallel_loop3A_919 : vector<16xf32>
      %parallel_loop3A_921 = arith.index_cast %parallel_loop3A_42 : i32 to index
      %parallel_loop3A_922 = arith.constant 992 : index
      %parallel_loop3A_923 = tpu.vector_load %arg7[%parallel_loop3A_921, %parallel_loop3A_922] {strides = array<i32>} : memref<32x1024xf32, #tpu.memory_space<vmem>>, vector<1x16xf32>,
      %parallel_loop3A_924 = vector.shape_cast %parallel_loop3A_923 : vector<1x16xf32> to vector<16xf32>
      %parallel_loop3A_925 = vector.shape_cast %parallel_loop3A_920 : vector<16xf32> to vector<1x16xf32>
      tpu.vector_store %arg7[%parallel_loop3A_921, %parallel_loop3A_922], %parallel_loop3A_925 {strides = array<i32>} : memref<32x1024xf32, #tpu.memory_space<vmem>>, vector<1x16xf32>,
      %parallel_loop3A_926 = arith.index_cast %parallel_loop3A_42 : i32 to index
      %parallel_loop3A_927 = arith.constant 1008 : index
      %parallel_loop3A_928 = tpu.vector_load %arg7[%parallel_loop3A_926, %parallel_loop3A_927] {strides = array<i32>} : memref<32x1024xf32, #tpu.memory_space<vmem>>, vector<1x16xf32>,
      %parallel_loop3A_929 = vector.shape_cast %parallel_loop3A_928 : vector<1x16xf32> to vector<16xf32>
      %parallel_loop3A_930 = arith.index_cast %parallel_loop3A_42 : i32 to index
      %parallel_loop3A_931 = arith.constant 1008 : index
      %parallel_loop3A_932 = tpu.vector_load %arg8[%parallel_loop3A_930, %parallel_loop3A_931] {strides = array<i32>} : memref<32x1024xf32, #tpu.memory_space<vmem>>, vector<1x16xf32>,
      %parallel_loop3A_933 = vector.shape_cast %parallel_loop3A_932 : vector<1x16xf32> to vector<16xf32>
      %parallel_loop3A_934 = arith.addf %parallel_loop3A_929, %parallel_loop3A_933 : vector<16xf32>
      %parallel_loop3A_935 = arith.index_cast %parallel_loop3A_42 : i32 to index
      %parallel_loop3A_936 = arith.constant 1008 : index
      %parallel_loop3A_937 = tpu.vector_load %arg7[%parallel_loop3A_935, %parallel_loop3A_936] {strides = array<i32>} : memref<32x1024xf32, #tpu.memory_space<vmem>>, vector<1x16xf32>,
      %parallel_loop3A_938 = vector.shape_cast %parallel_loop3A_937 : vector<1x16xf32> to vector<16xf32>
      %parallel_loop3A_939 = vector.shape_cast %parallel_loop3A_934 : vector<16xf32> to vector<1x16xf32>
      tpu.vector_store %arg7[%parallel_loop3A_935, %parallel_loop3A_936], %parallel_loop3A_939 {strides = array<i32>} : memref<32x1024xf32, #tpu.memory_space<vmem>>, vector<1x16xf32>,
      scf.yield %parallel_loop3A_43 : i32
    } {sc.loop_unroll_factor = 1 : i64, sc.parallel_access}
    "tpu.region"() ({
      %run_scoped3A = tpu.sem_alloc : memref<!tpu.dma_semaphore, #tpu.memory_space<semaphore_mem>>
      %dma_start3A_42 = arith.constant 0 : i32
      %dma_start3A_43 = tpu.memref_slice %arg5[%add3A_22, %dma_start3A_42] : memref<2048x1024xf32, #tpu.memory_space<hbm>> -> memref<32x1024xf32, #tpu.memory_space<hbm>>
      %dma_start3A_44 = arith.constant 0 : i32
      %dma_start3A_45 = tpu.memref_slice %arg5[%add3A_22, %dma_start3A_44] : memref<2048x1024xf32, #tpu.memory_space<hbm>> -> memref<32x1024xf32, #tpu.memory_space<hbm>>
      tpu.enqueue_dma source(%arg7 : memref<32x1024xf32, #tpu.memory_space<vmem>>) target(%dma_start3A_45 : memref<32x1024xf32, #tpu.memory_space<hbm>>) target_semaphore(%run_scoped3A : memref<!tpu.dma_semaphore, #tpu.memory_space<semaphore_mem>>)
      %dma_wait3A_46 = arith.constant 0 : i32
      %dma_wait3A_47 = tpu.memref_slice %arg5[%add3A_22, %dma_wait3A_46] : memref<2048x1024xf32, #tpu.memory_space<hbm>> -> memref<32x1024xf32, #tpu.memory_space<hbm>>
      %dma_wait3A_48 = arith.constant 0 : i32
      %dma_wait3A_49 = tpu.memref_slice %arg5[%add3A_22, %dma_wait3A_48] : memref<2048x1024xf32, #tpu.memory_space<hbm>> -> memref<32x1024xf32, #tpu.memory_space<hbm>>
      tpu.wait_dma2 semaphore(%run_scoped3A : memref<!tpu.dma_semaphore, #tpu.memory_space<semaphore_mem>>) src(%arg7 : memref<32x1024xf32, #tpu.memory_space<vmem>>) dst(%dma_wait3A_49 : memref<32x1024xf32, #tpu.memory_space<hbm>>)
      tpu.yield
    }) : () -> ()
    return
  }
}

#map = affine_map<(d0, d1) -> (0)>
#map1 = affine_map<(d0, d1) -> (0, 0)>
module attributes {stable_mosaic.version = 14 : i64} {
  func.func @k(%arg0: i32, %arg1: i32, %arg2: memref<2048xi32, #tpu.memory_space<hbm>>, %arg3: memref<2048x1024xf32, #tpu.memory_space<hbm>>, %arg4: memref<4096x1024xf32, #tpu.memory_space<hbm>>, %arg5: memref<64xi32, #tpu.memory_space<vmem>>, %arg6: memref<64x1024xf32, #tpu.memory_space<vmem>>, %arg7: memref<!tpu.dma_semaphore, #tpu.memory_space<semaphore_mem>>) attributes {dimension_semantics = [#tpu.dimension_semantics<core_parallel>, #tpu.dimension_semantics<subcore_parallel>], iteration_bounds = array<i64: 2, 16>, scalar_prefetch = 0 : i64, scratch_operands = 3 : i64, tpu.core_type = #tpu.core_type<sc_vector_subcore>, window_params = [{transform_indices = #map}, {transform_indices = #map1}, {transform_indices = #map1}]} {
    %mul3A = arith.constant 2 : i32
    %mul3A_0 = arith.muli %arg1, %mul3A : i32
    %add3A = arith.addi %mul3A_0, %arg0 : i32
    %mul3A_1 = arith.constant 64 : i32
    %mul3A_2 = arith.muli %add3A, %mul3A_1 : i32
    %add3A_3 = arith.constant 0 : i32
    %add3A_4 = arith.addi %mul3A_2, %add3A_3 : i32
    "tpu.region"() ({
      %run_scoped3A = tpu.sem_alloc : memref<!tpu.dma_semaphore, #tpu.memory_space<semaphore_mem>>
      %dma_start3A_9 = tpu.memref_slice %arg2[%add3A_4] : memref<2048xi32, #tpu.memory_space<hbm>> -> memref<64xi32, #tpu.memory_space<hbm>>
      %dma_start3A_10 = tpu.memref_slice %arg2[%add3A_4] : memref<2048xi32, #tpu.memory_space<hbm>> -> memref<64xi32, #tpu.memory_space<hbm>>
      tpu.enqueue_dma source(%dma_start3A_10 : memref<64xi32, #tpu.memory_space<hbm>>) target(%arg5 : memref<64xi32, #tpu.memory_space<vmem>>) target_semaphore(%run_scoped3A : memref<!tpu.dma_semaphore, #tpu.memory_space<semaphore_mem>>)
      %dma_wait3A_11 = tpu.memref_slice %arg2[%add3A_4] : memref<2048xi32, #tpu.memory_space<hbm>> -> memref<64xi32, #tpu.memory_space<hbm>>
      %dma_wait3A_12 = tpu.memref_slice %arg2[%add3A_4] : memref<2048xi32, #tpu.memory_space<hbm>> -> memref<64xi32, #tpu.memory_space<hbm>>
      tpu.wait_dma2 semaphore(%run_scoped3A : memref<!tpu.dma_semaphore, #tpu.memory_space<semaphore_mem>>) src(%dma_wait3A_12 : memref<64xi32, #tpu.memory_space<hbm>>) dst(%arg5 : memref<64xi32, #tpu.memory_space<vmem>>)
      tpu.yield
    }) : () -> ()
    "tpu.region"() ({
      %run_scoped3A = tpu.sem_alloc : memref<!tpu.dma_semaphore, #tpu.memory_space<semaphore_mem>>
      %dma_start3A_9 = arith.constant 0 : i32
      %dma_start3A_10 = tpu.memref_slice %arg3[%add3A_4, %dma_start3A_9] : memref<2048x1024xf32, #tpu.memory_space<hbm>> -> memref<64x1024xf32, #tpu.memory_space<hbm>>
      %dma_start3A_11 = arith.constant 0 : i32
      %dma_start3A_12 = tpu.memref_slice %arg3[%add3A_4, %dma_start3A_11] : memref<2048x1024xf32, #tpu.memory_space<hbm>> -> memref<64x1024xf32, #tpu.memory_space<hbm>>
      tpu.enqueue_dma source(%dma_start3A_12 : memref<64x1024xf32, #tpu.memory_space<hbm>>) target(%arg6 : memref<64x1024xf32, #tpu.memory_space<vmem>>) target_semaphore(%run_scoped3A : memref<!tpu.dma_semaphore, #tpu.memory_space<semaphore_mem>>)
      %dma_wait3A_13 = arith.constant 0 : i32
      %dma_wait3A_14 = tpu.memref_slice %arg3[%add3A_4, %dma_wait3A_13] : memref<2048x1024xf32, #tpu.memory_space<hbm>> -> memref<64x1024xf32, #tpu.memory_space<hbm>>
      %dma_wait3A_15 = arith.constant 0 : i32
      %dma_wait3A_16 = tpu.memref_slice %arg3[%add3A_4, %dma_wait3A_15] : memref<2048x1024xf32, #tpu.memory_space<hbm>> -> memref<64x1024xf32, #tpu.memory_space<hbm>>
      tpu.wait_dma2 semaphore(%run_scoped3A : memref<!tpu.dma_semaphore, #tpu.memory_space<semaphore_mem>>) src(%dma_wait3A_16 : memref<64x1024xf32, #tpu.memory_space<hbm>>) dst(%arg6 : memref<64x1024xf32, #tpu.memory_space<vmem>>)
      tpu.yield
    }) : () -> ()
    %dma_start3A = arith.constant 0 : i32
    %dma_start3A_5 = arith.constant 0 : i32
    %dma_start3A_6 = tpu.memref_slice %arg4[%dma_start3A, %dma_start3A_5] : memref<4096x1024xf32, #tpu.memory_space<hbm>> -> memref<4096x1024xf32, #tpu.memory_space<hbm>>
    tpu.enqueue_indirect_dma source(%arg6 : memref<64x1024xf32, #tpu.memory_space<vmem>>) target(%dma_start3A_6 : memref<4096x1024xf32, #tpu.memory_space<hbm>>) offsets(%arg5 : memref<64xi32, #tpu.memory_space<vmem>>) semaphore(%arg7 : memref<!tpu.dma_semaphore, #tpu.memory_space<semaphore_mem>>)
    %dma_wait3A = arith.constant 0 : i32
    %dma_wait3A_7 = arith.constant 0 : i32
    %dma_wait3A_8 = tpu.memref_slice %arg4[%dma_wait3A, %dma_wait3A_7] : memref<4096x1024xf32, #tpu.memory_space<hbm>> -> memref<4096x1024xf32, #tpu.memory_space<hbm>>
    tpu.wait_indirect_dma semaphore(%arg7 : memref<!tpu.dma_semaphore, #tpu.memory_space<semaphore_mem>>) src(%arg6 : memref<64x1024xf32, #tpu.memory_space<vmem>>) dst(%dma_wait3A_8 : memref<4096x1024xf32, #tpu.memory_space<hbm>>)
    return
  }
}

module attributes {stable_mosaic.version = 14 : i64} {
  func.func @_router_shared_body(%arg0: i32, %arg1: memref<256x1024xf32, #tpu.memory_space<vmem>>, %arg2: memref<16x1024xf32, #tpu.memory_space<vmem>>, %arg3: memref<704x1024xf32, #tpu.memory_space<vmem>>, %arg4: memref<1024x704xf32, #tpu.memory_space<vmem>>, %arg5: memref<256xi32, #tpu.memory_space<vmem>>, %arg6: memref<256xf32, #tpu.memory_space<vmem>>, %arg7: memref<256xi32, #tpu.memory_space<vmem>>, %arg8: memref<1x16xf32, #tpu.memory_space<vmem>>, %arg9: memref<256x1024xf32, #tpu.memory_space<vmem>>, %arg10: memref<1x16xf32, #tpu.memory_space<vmem>>) attributes {dimension_semantics = [#tpu.dimension_semantics<arbitrary>], iteration_bounds = array<i64: 8>, scalar_prefetch = 0 : i64, scratch_operands = 1 : i64, tpu.core_type = #tpu.core_type<tc>, window_params = [{transform_indices = @transform_0, window_bounds = array<i64: 256, 1024>}, {pipeline_mode = #tpu.pipeline_mode<synchronous>, transform_indices = @transform_1, window_bounds = array<i64: 16, 1024>}, {pipeline_mode = #tpu.pipeline_mode<synchronous>, transform_indices = @transform_2, window_bounds = array<i64: 704, 1024>}, {pipeline_mode = #tpu.pipeline_mode<synchronous>, transform_indices = @transform_3, window_bounds = array<i64: 1024, 704>}, {transform_indices = @transform_4, window_bounds = array<i64: 256>}, {transform_indices = @transform_5, window_bounds = array<i64: 256>}, {transform_indices = @transform_6, window_bounds = array<i64: 256>}, {pipeline_mode = #tpu.pipeline_mode<synchronous>, transform_indices = @transform_7, window_bounds = array<i64: 1, 16>}, {transform_indices = @transform_8, window_bounds = array<i64: 256, 1024>}]} {
    %get3A = arith.constant 0 : index
    %get3A_0 = arith.constant 0 : index
    %get3A_1 = vector.load %arg1[%get3A, %get3A_0] : memref<256x1024xf32, #tpu.memory_space<vmem>>, vector<256x1024xf32>
    %get3A_2 = arith.constant 0 : index
    %get3A_3 = arith.constant 0 : index
    %get3A_4 = vector.load %arg2[%get3A_2, %get3A_3] : memref<16x1024xf32, #tpu.memory_space<vmem>>, vector<16x1024xf32>
    %dot_general3A = arith.constant dense<0.000000e+00> : vector<256x16xf32>
    %dot_general3A_5 = tpu.matmul %get3A_1, %get3A_4, %dot_general3A {dimension_numbers = #tpu.dot_dimension_numbers<[1], [1], [0], [0], [0, 0, 1, 0], [], []>, transpose_lhs_hint = false} : vector<256x1024xf32>, vector<16x1024xf32>, vector<256x16xf32> -> vector<256x16xf32>
    %logistic3A = arith.negf %dot_general3A_5 : vector<256x16xf32>
    %logistic3A_6 = math.exp %logistic3A : vector<256x16xf32>
    %logistic3A_7 = arith.constant 1.000000e+00 : f32
    %logistic3A_8 = vector.broadcast %logistic3A_7 : f32 to vector<256x16xf32>
    %logistic3A_9 = arith.addf %logistic3A_8, %logistic3A_6 : vector<256x16xf32>
    %logistic3A_10 = arith.divf %logistic3A_8, %logistic3A_9 : vector<256x16xf32>
    %reduce_max3A = arith.constant dense<0xFF800000> : vector<256xf32>
    %reduce_max3A_11 = vector.multi_reduction <maximumf>, %logistic3A_10, %reduce_max3A [1] : vector<256x16xf32> to vector<256xf32>
    %iota3A = tpu.iota {dimensions = array<i32: 1>} : vector<256x16xi32>
    %broadcast_in_dim3A = vector.shape_cast %reduce_max3A_11 : vector<256xf32> to vector<256x1xf32>
    %ge3A = vector.broadcast %broadcast_in_dim3A : vector<256x1xf32> to vector<256x16xf32>
    %ge3A_12 = arith.cmpf oge, %logistic3A_10, %ge3A : vector<256x16xf32>
    %jit3A = arith.constant 16 : i32
    %broadcast_in_dim3A_13 = vector.broadcast %jit3A : i32 to vector<256x16xi32>
    %select_n3A = arith.select %ge3A_12, %iota3A, %broadcast_in_dim3A_13 : vector<256x16xi1>, vector<256x16xi32>
    %reduce_min3A = arith.constant dense<2147483647> : vector<256xi32>
    %reduce_min3A_14 = vector.multi_reduction <minsi>, %select_n3A, %reduce_min3A [1] : vector<256x16xi32> to vector<256xi32>
    %swap3A = arith.constant 0 : index
    %swap3A_15 = vector.load %arg5[%swap3A] : memref<256xi32, #tpu.memory_space<vmem>>, vector<256xi32>
    tpu.vector_store %arg5[%swap3A], %reduce_min3A_14 {strides = array<i32>} : memref<256xi32, #tpu.memory_space<vmem>>, vector<256xi32>,
    %add3A = arith.constant 9.99999968E-21 : f32
    %add3A_16 = vector.broadcast %add3A : f32 to vector<256xf32>
    %add3A_17 = arith.addf %reduce_max3A_11, %add3A_16 : vector<256xf32>
    %div3A = arith.divf %reduce_max3A_11, %add3A_17 : vector<256xf32>
    %swap3A_18 = arith.constant 0 : index
    %swap3A_19 = vector.load %arg6[%swap3A_18] : memref<256xf32, #tpu.memory_space<vmem>>, vector<256xf32>
    tpu.vector_store %arg6[%swap3A_18], %div3A {strides = array<i32>} : memref<256xf32, #tpu.memory_space<vmem>>, vector<256xf32>,
    %eq3A = arith.constant 0 : i32
    %eq3A_20 = arith.cmpi eq, %arg0, %eq3A : i32
    %convert_element_type3A = arith.extui %eq3A_20 : i1 to i32
    %cond3A = arith.constant 0 : i32
    %cond3A_21 = arith.cmpi ne, %convert_element_type3A, %cond3A : i32
    scf.if %cond3A_21 {
      %broadcast_in_dim3A_80 = arith.constant 0.000000e+00 : f32
      %broadcast_in_dim3A_81 = vector.broadcast %broadcast_in_dim3A_80 : f32 to vector<1x16xf32>
      %swap3A_82 = arith.constant 0 : index
      %swap3A_83 = arith.constant 0 : index
      %swap3A_84 = vector.load %arg10[%swap3A_82, %swap3A_83] : memref<1x16xf32, #tpu.memory_space<vmem>>, vector<1x16xf32>
      tpu.vector_store %arg10[%swap3A_82, %swap3A_83], %broadcast_in_dim3A_81 {strides = array<i32>} : memref<1x16xf32, #tpu.memory_space<vmem>>, vector<1x16xf32>,
    } else {
    }
    %broadcast_in_dim3A_22 = vector.shape_cast %reduce_min3A_14 : vector<256xi32> to vector<256x1xi32>
    %eq3A_23 = vector.broadcast %broadcast_in_dim3A_22 : vector<256x1xi32> to vector<256x16xi32>
    %eq3A_24 = arith.cmpi eq, %eq3A_23, %iota3A : vector<256x16xi32>
    %convert_element_type3A_25 = arith.extui %eq3A_24 : vector<256x16xi1> to vector<256x16xi32>
    %convert_element_type3A_26 = arith.sitofp %convert_element_type3A_25 : vector<256x16xi32> to vector<256x16xf32>
    %iota3A_27 = tpu.iota {dimensions = array<i32: 0>} : vector<256x256xi32>
    %iota3A_28 = tpu.iota {dimensions = array<i32: 1>} : vector<256x256xi32>
    %lt3A = arith.cmpi slt, %iota3A_28, %iota3A_27 : vector<256x256xi32>
    %convert_element_type3A_29 = arith.extui %lt3A : vector<256x256xi1> to vector<256x256xi32>
    %convert_element_type3A_30 = arith.sitofp %convert_element_type3A_29 : vector<256x256xi32> to vector<256x256xf32>
    %dot_general3A_31 = arith.constant dense<0.000000e+00> : vector<256x16xf32>
    %dot_general3A_32 = tpu.matmul %convert_element_type3A_30, %convert_element_type3A_26, %dot_general3A_31 {dimension_numbers = #tpu.dot_dimension_numbers<[1], [0], [0], [1], [0, 0, 1, 1], [], []>, transpose_lhs_hint = false} : vector<256x256xf32>, vector<256x16xf32>, vector<256x16xf32> -> vector<256x16xf32>
    %get3A_33 = arith.constant 0 : index
    %get3A_34 = arith.constant 0 : index
    %get3A_35 = vector.load %arg10[%get3A_33, %get3A_34] : memref<1x16xf32, #tpu.memory_space<vmem>>, vector<1x16xf32>
    %get3A_36 = vector.shape_cast %get3A_35 : vector<1x16xf32> to vector<16xf32>
    %broadcast_in_dim3A_37 = vector.shape_cast %get3A_36 : vector<16xf32> to vector<1x16xf32>
    %add3A_38 = vector.broadcast %broadcast_in_dim3A_37 : vector<1x16xf32> to vector<256x16xf32>
    %add3A_39 = arith.addf %dot_general3A_32, %add3A_38 : vector<256x16xf32>
    %mul3A = arith.mulf %add3A_39, %convert_element_type3A_26 : vector<256x16xf32>
    %reduce_sum3A = arith.constant dense<0.000000e+00> : vector<256xf32>
    %reduce_sum3A_40 = vector.multi_reduction <add>, %mul3A, %reduce_sum3A [1] : vector<256x16xf32> to vector<256xf32>
    %convert_element_type3A_41 = arith.fptosi %reduce_sum3A_40 : vector<256xf32> to vector<256xi32>
    %swap3A_42 = arith.constant 0 : index
    %swap3A_43 = vector.load %arg7[%swap3A_42] : memref<256xi32, #tpu.memory_space<vmem>>, vector<256xi32>
    tpu.vector_store %arg7[%swap3A_42], %convert_element_type3A_41 {strides = array<i32>} : memref<256xi32, #tpu.memory_space<vmem>>, vector<256xi32>,
    %get3A_44 = arith.constant 0 : index
    %get3A_45 = arith.constant 0 : index
    %get3A_46 = vector.load %arg10[%get3A_44, %get3A_45] : memref<1x16xf32, #tpu.memory_space<vmem>>, vector<1x16xf32>
    %reduce_sum3A_47 = arith.constant dense<0.000000e+00> : vector<16xf32>
    %reduce_sum3A_48 = vector.multi_reduction <add>, %convert_element_type3A_26, %reduce_sum3A_47 [0] : vector<256x16xf32> to vector<16xf32>
    %broadcast_in_dim3A_49 = vector.shape_cast %reduce_sum3A_48 : vector<16xf32> to vector<1x16xf32>
    %add3A_50 = arith.addf %get3A_46, %broadcast_in_dim3A_49 : vector<1x16xf32>
    %swap3A_51 = arith.constant 0 : index
    %swap3A_52 = arith.constant 0 : index
    %swap3A_53 = vector.load %arg10[%swap3A_51, %swap3A_52] : memref<1x16xf32, #tpu.memory_space<vmem>>, vector<1x16xf32>
    tpu.vector_store %arg10[%swap3A_51, %swap3A_52], %add3A_50 {strides = array<i32>} : memref<1x16xf32, #tpu.memory_space<vmem>>, vector<1x16xf32>,
    %get3A_54 = arith.constant 0 : index
    %get3A_55 = arith.constant 0 : index
    %get3A_56 = vector.load %arg10[%get3A_54, %get3A_55] : memref<1x16xf32, #tpu.memory_space<vmem>>, vector<1x16xf32>
    %swap3A_57 = arith.constant 0 : index
    %swap3A_58 = arith.constant 0 : index
    %swap3A_59 = vector.load %arg8[%swap3A_57, %swap3A_58] : memref<1x16xf32, #tpu.memory_space<vmem>>, vector<1x16xf32>
    tpu.vector_store %arg8[%swap3A_57, %swap3A_58], %get3A_56 {strides = array<i32>} : memref<1x16xf32, #tpu.memory_space<vmem>>, vector<1x16xf32>,
    %get3A_60 = arith.constant 0 : index
    %get3A_61 = arith.constant 0 : index
    %get3A_62 = vector.load %arg3[%get3A_60, %get3A_61] : memref<704x1024xf32, #tpu.memory_space<vmem>>, vector<704x1024xf32>
    %dot_general3A_63 = arith.constant dense<0.000000e+00> : vector<256x704xf32>
    %dot_general3A_64 = tpu.matmul %get3A_1, %get3A_62, %dot_general3A_63 {dimension_numbers = #tpu.dot_dimension_numbers<[1], [1], [0], [0], [0, 0, 1, 0], [], []>, transpose_lhs_hint = false} : vector<256x1024xf32>, vector<704x1024xf32>, vector<256x704xf32> -> vector<256x704xf32>
    %logistic3A_65 = arith.negf %dot_general3A_64 : vector<256x704xf32>
    %logistic3A_66 = math.exp %logistic3A_65 : vector<256x704xf32>
    %logistic3A_67 = arith.constant 1.000000e+00 : f32
    %logistic3A_68 = vector.broadcast %logistic3A_67 : f32 to vector<256x704xf32>
    %logistic3A_69 = arith.addf %logistic3A_68, %logistic3A_66 : vector<256x704xf32>
    %logistic3A_70 = arith.divf %logistic3A_68, %logistic3A_69 : vector<256x704xf32>
    %mul3A_71 = arith.mulf %dot_general3A_64, %logistic3A_70 : vector<256x704xf32>
    %get3A_72 = arith.constant 0 : index
    %get3A_73 = arith.constant 0 : index
    %get3A_74 = vector.load %arg4[%get3A_72, %get3A_73] : memref<1024x704xf32, #tpu.memory_space<vmem>>, vector<1024x704xf32>
    %dot_general3A_75 = arith.constant dense<0.000000e+00> : vector<256x1024xf32>
    %dot_general3A_76 = tpu.matmul %mul3A_71, %get3A_74, %dot_general3A_75 {dimension_numbers = #tpu.dot_dimension_numbers<[1], [1], [0], [0], [0, 0, 1, 0], [], []>, transpose_lhs_hint = false} : vector<256x704xf32>, vector<1024x704xf32>, vector<256x1024xf32> -> vector<256x1024xf32>
    %swap3A_77 = arith.constant 0 : index
    %swap3A_78 = arith.constant 0 : index
    %swap3A_79 = vector.load %arg9[%swap3A_77, %swap3A_78] : memref<256x1024xf32, #tpu.memory_space<vmem>>, vector<256x1024xf32>
    tpu.vector_store %arg9[%swap3A_77, %swap3A_78], %dot_general3A_76 {strides = array<i32>} : memref<256x1024xf32, #tpu.memory_space<vmem>>, vector<256x1024xf32>,
    return
  }
  func.func @transform_0(%arg0: i32) -> (i32, i32) {
    %c0_i32 = arith.constant 0 : i32
    %c0_i32_0 = arith.constant 0 : i32
    return %arg0, %c0_i32 : i32, i32
  }
  func.func @transform_1(%arg0: i32) -> (i32, i32) {
    %c0_i32 = arith.constant 0 : i32
    %c0_i32_0 = arith.constant 0 : i32
    %c0_i32_1 = arith.constant 0 : i32
    return %c0_i32, %c0_i32_0 : i32, i32
  }
  func.func @transform_2(%arg0: i32) -> (i32, i32) {
    %c0_i32 = arith.constant 0 : i32
    %c0_i32_0 = arith.constant 0 : i32
    %c0_i32_1 = arith.constant 0 : i32
    return %c0_i32, %c0_i32_0 : i32, i32
  }
  func.func @transform_3(%arg0: i32) -> (i32, i32) {
    %c0_i32 = arith.constant 0 : i32
    %c0_i32_0 = arith.constant 0 : i32
    %c0_i32_1 = arith.constant 0 : i32
    return %c0_i32, %c0_i32_0 : i32, i32
  }
  func.func @transform_4(%arg0: i32) -> i32 {
    %c0_i32 = arith.constant 0 : i32
    return %arg0 : i32
  }
  func.func @transform_5(%arg0: i32) -> i32 {
    %c0_i32 = arith.constant 0 : i32
    return %arg0 : i32
  }
  func.func @transform_6(%arg0: i32) -> i32 {
    %c0_i32 = arith.constant 0 : i32
    return %arg0 : i32
  }
  func.func @transform_7(%arg0: i32) -> (i32, i32) {
    %c0_i32 = arith.constant 0 : i32
    %c0_i32_0 = arith.constant 0 : i32
    %c0_i32_1 = arith.constant 0 : i32
    return %c0_i32, %c0_i32_0 : i32, i32
  }
  func.func @transform_8(%arg0: i32) -> (i32, i32) {
    %c0_i32 = arith.constant 0 : i32
    %c0_i32_0 = arith.constant 0 : i32
    return %arg0, %c0_i32 : i32, i32
  }
}

module attributes {stable_mosaic.version = 14 : i64} {
  func.func @_group_body(%arg0: i32, %arg1: memref<32xi32, #tpu.memory_space<smem>>, %arg2: memref<1xi32, #tpu.memory_space<smem>>, %arg3: memref<128x1024xf32, #tpu.memory_space<vmem>>, %arg4: memref<1x1x128xf32, #tpu.memory_space<vmem>>, %arg5: memref<1x1408x1024xf32, #tpu.memory_space<vmem>>, %arg6: memref<1x1024x1408xf32, #tpu.memory_space<vmem>>, %arg7: memref<128x1024xf32, #tpu.memory_space<vmem>>) attributes {dimension_semantics = [#tpu.dimension_semantics<arbitrary>], iteration_bounds = array<i64: 32>, scalar_prefetch = 2 : i64, scratch_operands = 0 : i64, tpu.core_type = #tpu.core_type<tc>, window_params = [{transform_indices = @transform_0, window_bounds = array<i64: 128, 1024>}, {transform_indices = @transform_1, window_bounds = array<i64: 1, 1, 128>}, {transform_indices = @transform_2, window_bounds = array<i64: 1, 1408, 1024>}, {transform_indices = @transform_3, window_bounds = array<i64: 1, 1024, 1408>}, {transform_indices = @transform_4, window_bounds = array<i64: 128, 1024>}]} {
    %get3A = arith.constant 0 : index
    %get3A_0 = memref.load %arg2[%get3A] : memref<1xi32, #tpu.memory_space<smem>>
    %lt3A = arith.cmpi slt, %arg0, %get3A_0 : i32
    %convert_element_type3A = arith.extui %lt3A : i1 to i32
    %cond3A = arith.constant 0 : i32
    %cond3A_1 = arith.cmpi ne, %convert_element_type3A, %cond3A : i32
    scf.if %cond3A_1 {
      %get3A_2 = arith.constant 0 : index
      %get3A_3 = arith.constant 0 : index
      %get3A_4 = vector.load %arg3[%get3A_2, %get3A_3] : memref<128x1024xf32, #tpu.memory_space<vmem>>, vector<128x1024xf32>
      %get3A_5 = arith.constant 0 : index
      %get3A_6 = arith.constant 0 : index
      %get3A_7 = arith.constant 0 : index
      %get3A_8 = vector.load %arg5[%get3A_5, %get3A_6, %get3A_7] : memref<1x1408x1024xf32, #tpu.memory_space<vmem>>, vector<1x1408x1024xf32>
      %get3A_9 = vector.shape_cast %get3A_8 : vector<1x1408x1024xf32> to vector<1408x1024xf32>
      %dot_general3A = arith.constant dense<0.000000e+00> : vector<128x1408xf32>
      %dot_general3A_10 = tpu.matmul %get3A_4, %get3A_9, %dot_general3A {dimension_numbers = #tpu.dot_dimension_numbers<[1], [1], [0], [0], [0, 0, 1, 0], [], []>, transpose_lhs_hint = false} : vector<128x1024xf32>, vector<1408x1024xf32>, vector<128x1408xf32> -> vector<128x1408xf32>
      %logistic3A = arith.negf %dot_general3A_10 : vector<128x1408xf32>
      %logistic3A_11 = math.exp %logistic3A : vector<128x1408xf32>
      %logistic3A_12 = arith.constant 1.000000e+00 : f32
      %logistic3A_13 = vector.broadcast %logistic3A_12 : f32 to vector<128x1408xf32>
      %logistic3A_14 = arith.addf %logistic3A_13, %logistic3A_11 : vector<128x1408xf32>
      %logistic3A_15 = arith.divf %logistic3A_13, %logistic3A_14 : vector<128x1408xf32>
      %mul3A = arith.mulf %dot_general3A_10, %logistic3A_15 : vector<128x1408xf32>
      %get3A_16 = arith.constant 0 : index
      %get3A_17 = arith.constant 0 : index
      %get3A_18 = arith.constant 0 : index
      %get3A_19 = vector.load %arg6[%get3A_16, %get3A_17, %get3A_18] : memref<1x1024x1408xf32, #tpu.memory_space<vmem>>, vector<1x1024x1408xf32>
      %get3A_20 = vector.shape_cast %get3A_19 : vector<1x1024x1408xf32> to vector<1024x1408xf32>
      %dot_general3A_21 = arith.constant dense<0.000000e+00> : vector<128x1024xf32>
      %dot_general3A_22 = tpu.matmul %mul3A, %get3A_20, %dot_general3A_21 {dimension_numbers = #tpu.dot_dimension_numbers<[1], [1], [0], [0], [0, 0, 1, 0], [], []>, transpose_lhs_hint = false} : vector<128x1408xf32>, vector<1024x1408xf32>, vector<128x1024xf32> -> vector<128x1024xf32>
      %get3A_23 = arith.constant 0 : index
      %get3A_24 = arith.constant 0 : index
      %get3A_25 = arith.constant 0 : index
      %get3A_26 = vector.load %arg4[%get3A_23, %get3A_24, %get3A_25] : memref<1x1x128xf32, #tpu.memory_space<vmem>>, vector<1x1x128xf32>
      %get3A_27 = vector.shape_cast %get3A_26 : vector<1x1x128xf32> to vector<128xf32>
      %broadcast_in_dim3A = vector.shape_cast %get3A_27 : vector<128xf32> to vector<128x1xf32>
      %mul3A_28 = vector.broadcast %broadcast_in_dim3A : vector<128x1xf32> to vector<128x1024xf32>
      %mul3A_29 = arith.mulf %mul3A_28, %dot_general3A_22 : vector<128x1024xf32>
      %swap3A = arith.constant 0 : index
      %swap3A_30 = arith.constant 0 : index
      %swap3A_31 = vector.load %arg7[%swap3A, %swap3A_30] : memref<128x1024xf32, #tpu.memory_space<vmem>>, vector<128x1024xf32>
      tpu.vector_store %arg7[%swap3A, %swap3A_30], %mul3A_29 {strides = array<i32>} : memref<128x1024xf32, #tpu.memory_space<vmem>>, vector<128x1024xf32>,
    } else {
    }
    return
  }
  func.func @transform_0(%arg0: i32, %arg1: memref<32xi32, #tpu.memory_space<smem>>, %arg2: memref<1xi32, #tpu.memory_space<smem>>) -> (i32, i32) {
    %c0_i32 = arith.constant 0 : i32
    %c0_i32_0 = arith.constant 0 : i32
    return %arg0, %c0_i32 : i32, i32
  }
  func.func @transform_1(%arg0: i32, %arg1: memref<32xi32, #tpu.memory_space<smem>>, %arg2: memref<1xi32, #tpu.memory_space<smem>>) -> (i32, i32, i32) {
    %c0_i32 = arith.constant 0 : i32
    %c0_i32_0 = arith.constant 0 : i32
    %c0_i32_1 = arith.constant 0 : i32
    return %arg0, %c0_i32, %c0_i32_0 : i32, i32, i32
  }
  func.func @transform_2(%arg0: i32, %arg1: memref<32xi32, #tpu.memory_space<smem>>, %arg2: memref<1xi32, #tpu.memory_space<smem>>) -> (i32, i32, i32) {
    %get3A = arith.index_cast %arg0 : i32 to index
    %get3A_0 = memref.load %arg1[%get3A] : memref<32xi32, #tpu.memory_space<smem>>
    %c0_i32 = arith.constant 0 : i32
    %c0_i32_1 = arith.constant 0 : i32
    %c0_i32_2 = arith.constant 0 : i32
    return %get3A_0, %c0_i32, %c0_i32_1 : i32, i32, i32
  }
  func.func @transform_3(%arg0: i32, %arg1: memref<32xi32, #tpu.memory_space<smem>>, %arg2: memref<1xi32, #tpu.memory_space<smem>>) -> (i32, i32, i32) {
    %get3A = arith.index_cast %arg0 : i32 to index
    %get3A_0 = memref.load %arg1[%get3A] : memref<32xi32, #tpu.memory_space<smem>>
    %c0_i32 = arith.constant 0 : i32
    %c0_i32_1 = arith.constant 0 : i32
    %c0_i32_2 = arith.constant 0 : i32
    return %get3A_0, %c0_i32, %c0_i32_1 : i32, i32, i32
  }
  func.func @transform_4(%arg0: i32, %arg1: memref<32xi32, #tpu.memory_space<smem>>, %arg2: memref<1xi32, #tpu.memory_space<smem>>) -> (i32, i32) {
    %c0_i32 = arith.constant 0 : i32
    %c0_i32_0 = arith.constant 0 : i32
    return %arg0, %c0_i32 : i32, i32
  }
}

</mosaic_0001>

<sc_bundles>
// kernel: kernel.6.cloned.1.call-start
scs
__scs_entry_jumppad:
0x0: {  	(pc) =	sbr.rel $0x88, $3  }
0x1: {  	(tag) =	ssettag $0x0;
	lr =	simm.s32 $0x1  }
0x2: {  	[smem:$0x3F9B] =	sst lr;
	_ =	strace $0xD0000000  }
0x3: {  	_ = 	snop  }
0x4: {  	_ = 	snop  }
0x5: {  	_ = 	snop  }
0x6: {  	_ = 	snop  }
0x7: {  	_ = 	snop  }
__scs_overlays_trampoline_lowered:
0x8: {  	[smem:$0x3FAA] =	sst s0  }
0x9: {  	[smem:$0x3FAB] =	sst s1  }
0xa: {  	[smem:$0x3FAC] =	sst s2  }
0xb: {  	[smem:$0x3FAD] =	sst s3  }
0xc: {  	[smem:$0x3FAE] =	sst s4  }
0xd: {  	[smem:$0x3FAF] =	sst s5  }
0xe: {  	[smem:$0x3FB0] =	sst s6  }
0xf: {  	[smem:$0x3FB1] =	sst s7  }
0x10: {  	[smem:$0x3FB2] =	sst s8  }
0x11: {  	[smem:$0x3FB3] =	sst s9;
	s0 =	simm.s32 @!p0 $0x0  }
0x12: {  	s1 =	sld [smem:$0x3F99];
	s0 =	simm.s32 @p0 $0x1  }
0x13: {  	[smem:$0x3FB4] =	sst s0;
	s0 =	simm.s32 @!p1 $0x0  }
0x14: {  	s2 =	sld [smem:$0x3F98];
	s0 =	simm.s32 @p1 $0x1  }
0x15: {  	[smem:$0x3FB5] =	sst s0;
	s0 =	simm.s32 @!p2 $0x0  }
0x16: {  	s3 =	sld [smem:$0x3FDB];
	s0 =	simm.s32 @p2 $0x1  }
0x17: {  	s4 =	simm.s32 $0x1BF5;
	[smem:$0x3FB7] =	sst s0  }
0x18: {  	s0 =	sld [smem:$0x3F9A];
	_ =	swait.ge [sflag:s4], $0x0  }
0x19: {  	s7 =	sld [smem:$0x3F9B]  }
0x1a: {  	s8 =	sadd.s32 $0xFFFFE003, lr  }
0x1b: {  	s9 =	sadd.s32 $0xFFFFFEF7, lr;
	s5 =	simm.s32 $0xFFFFFFFF;
	p2 =	slt.u32 s8, $0xFFFFF086  }
0x1c: {  	p1 =	slt.u32 s9, $0xF7A;
	s5 =	simm.s32 @!p2 $0x0  }
0x1d: {  	s5 =	simm.s32 @p1 $0x1;
	p0 =	seq.s32 s7, s2  }
0x1e: {  	s7 =	smul.u32 @!p0 $0xF7A, s2;
	p2 =	seq.s32 @!p0 s5, $0x0  }
0x1f: {  	s9 =	smul.u32 $0xF7A, s1;
	s8 =	simm.s32 @!p0 $0x1BF5;
	p2 =	por !p2, p0  }
0x20: {  	[sflag:s8] =	ssyncset.s32 @!p0 $0xFFFFF086;
	s6 =	sadd.s32 @!p0 s3, s7;
	s7 =	simm.s32 @!p0 $0x108  }
0x21: {  	s3 =	sadd.s32 s3, s9;
	s6 =	sadd.s32 @!p0 $0x88, s6;
	s7 =	simm.s32 @p2 $0x1082  }
0x22: {  	[simem:s7], [sflag:s8] =	dma.local @!p0 [hbm:s6], $0xF7A  }
0x23: {  	s9 =	sor.u32 $0xD0000000, s2;
	s6 =	simm.s32 $0x108;
	_ =	swait.ge @!p0 [sflag:s8], $0x0  }
0x24: {  	s3 =	sadd.s32 $0x88, s3;
	s6 =	simm.s32 @!p1 $0x1082;
	[sflag:s4] =	ssyncset.s32 $0xFFFFF086  }
0x25: {  	[simem:s6], [sflag:s4] =	dma.local [hbm:s3], $0xF7A  }
0x26: {  	[smem:$0x3F9B] =	sst s1;
	(tag) =	ssettag s2;
	_ =	strace s9  }
0x27: {  	s1 =	sld [smem:$0x3FAB]  }
0x28: {  	s2 =	sld [smem:$0x3FAC]  }
0x29: {  	s4 =	sld [smem:$0x3FAE]  }
0x2a: {  	p0 =	seq.s32 s5, $0x0;
	s5 =	sld [smem:$0x3FAF]  }
0x2b: {  	s6 =	sld [smem:$0x3FB0]  }
0x2c: {  	s7 =	sld [smem:$0x3FB1]  }
0x2d: {  	s3 =	simm.s32 $0x108;
	s8 =	sld [smem:$0x3FB2]  }
0x2e: {  	s3 =	simm.s32 @!p0 $0x1082;
	s9 =	sld [smem:$0x3FB3]  }
0x2f: {  	lr =	sadd.s32 s0, s3;
	s0 =	sld [smem:$0x3FAA]  }
0x30: {  	s3 =	sld [smem:$0x3FAD]  }
0x31: {  	[smem:$0x3FB6] =	sst s10  }
0x32: {  	s10 =	sld [smem:$0x3FB4];
	_ =	sdelay $0x3  }
0x33: {  	p0 =	seq.s32 s10, $0x1;
	s10 =	sld [smem:$0x3FB6];
	_ =	sdelay $0x3  }
0x34: {  	[smem:$0x3FB6] =	sst s10  }
0x35: {  	s10 =	sld [smem:$0x3FB5];
	_ =	sdelay $0x3  }
0x36: {  	p1 =	seq.s32 s10, $0x1;
	s10 =	sld [smem:$0x3FB6];
	_ =	sdelay $0x3  }
0x37: {  	[smem:$0x3FB6] =	sst s10  }
0x38: {  	s10 =	sld [smem:$0x3FB7]  }
0x39: {  	_ = 	snop;
	(pc) =	sbr.ind lr, $3  }
0x3a: {  	_ = 	snop  }
0x3b: {  	_ = 	snop  }
0x3c: {  	p2 =	seq.s32 s10, $0x1;
	s10 =	sld [smem:$0x3FB6]  }
0x3d: {  	_ =	shalt  }
0x3e: {  	_ =	shalt  }
0x3f: {  	_ =	shalt  }
0x40: {  	_ =	shalt  }
0x41: {  	_ =	shalt  }
0x42: {  	_ =	shalt  }
0x43: {  	_ =	shalt  }
0x44: {  	_ =	shalt  }
0x45: {  	_ =	shalt  }
0x46: {  	_ =	shalt  }
0x47: {  	_ =	shalt  }
0x48: {  	_ =	shalt  }
0x49: {  	_ =	shalt  }
0x4a: {  	_ =	shalt  }
0x4b: {  	_ =	shalt  }
0x4c: {  	_ =	shalt  }
0x4d: {  	_ =	shalt  }
0x4e: {  	_ =	shalt  }
0x4f: {  	_ =	shalt  }
0x50: {  	_ =	shalt  }
0x51: {  	_ =	shalt  }
0x52: {  	_ =	shalt  }
0x53: {  	_ =	shalt  }
0x54: {  	_ =	shalt  }
0x55: {  	_ =	shalt  }
0x56: {  	_ =	shalt  }
0x57: {  	_ =	shalt  }
0x58: {  	_ =	shalt  }
0x59: {  	_ =	shalt  }
0x5a: {  	_ =	shalt  }
0x5b: {  	_ =	shalt  }
0x5c: {  	_ =	shalt  }
0x5d: {  	_ =	shalt  }
0x5e: {  	_ =	shalt  }
0x5f: {  	_ =	shalt  }
0x60: {  	_ =	shalt  }
0x61: {  	_ =	shalt  }
0x62: {  	_ =	shalt  }
0x63: {  	_ =	shalt  }
0x64: {  	_ =	shalt  }
0x65: {  	_ =	shalt  }
0x66: {  	_ =	shalt  }
0x67: {  	_ =	shalt  }
0x68: {  	_ =	shalt  }
0x69: {  	_ =	shalt  }
0x6a: {  	_ =	shalt  }
0x6b: {  	_ =	shalt  }
0x6c: {  	_ =	shalt  }
0x6d: {  	_ =	shalt  }
0x6e: {  	_ =	shalt  }
0x6f: {  	_ =	shalt  }
0x70: {  	_ =	shalt  }
0x71: {  	_ =	shalt  }
0x72: {  	_ =	shalt  }
0x73: {  	_ =	shalt  }
0x74: {  	_ =	shalt  }
0x75: {  	_ =	shalt  }
0x76: {  	_ =	shalt  }
0x77: {  	_ =	shalt  }
0x78: {  	_ =	shalt  }
0x79: {  	_ =	shalt  }
0x7a: {  	_ =	shalt  }
0x7b: {  	_ =	shalt  }
0x7c: {  	_ =	shalt  }
0x7d: {  	_ =	shalt  }
0x7e: {  	_ =	shalt  }
0x7f: {  	_ =	shalt  }
0x80: {  	_ =	shalt  }
0x81: {  	_ =	shalt  }
0x82: {  	_ =	shalt  }
0x83: {  	_ =	shalt  }
0x84: {  	_ =	shalt  }
0x85: {  	_ =	shalt  }
0x86: {  	_ =	shalt  }
0x87: {  	_ =	shalt  }
.Lfunc_end0:
.L_simem_size_0:
called_computation_lowered:
.L_overlay_start_0:
0x88: {  	s2 =	sld [smem:$0x3FD9]  }
0x89: {  	s3 =	sld [smem:$0x3FFE];
	_ =	sdelay $0x1  }
0x8a: {  	s1 =	srdreg.scid  }
0x8b: {  	s0 =	sand.u32 $0x1, s1  }
0x8c: {  	s17 =	sshll.u32 s0, $0xA;
	s2 =	sadd.s32 s3, s2  }
0x8d: {  	s2 =	sadd.s32 s2, s17  }
0x8e: {  	[smem:$0x3FC2] =	sst s2  }
0x8f: {  	_ = 	snop  }
0x90: {  	s2 =	sld [smem:$0x3FC9];
	(tm) =	ssettm $0x1  }
0x91: {  	s18 =	sld [smem:$0x3FFB];
	_ =	sdelay $0x3  }
0x92: {  	_ =	strace s18  }
0x93: {  	s3 =	sld [smem:$0x3FFC];
	_ =	sdelay $0x3  }
0x94: {  	_ =	strace s3  }
0x95: {  	s3 =	sld [smem:$0x3FFD];
	_ =	sdelay $0x3  }
0x96: {  	_ =	strace s3  }
0x97: {  	_ =	strace $0x8FFFFFFF  }
0x98: {  	s19 =	sld [smem:$0x3FDB];
	_ =	sdelay $0x1  }
0x99: {  	s4 =	simm.s32 $_scs_section_size  }
0x9a: {  	s5 =	simm.s32 $_size__tile_overlayer_lowered;
	s6 =	simm.s32 $_tile_overlayer_lowered  }
0x9b: {  	s22 =	simm.s32 $0x1BFF;
	s21 =	sshll.u32 s6, $0x1;
	s3 =	sadd.s32 s4, s19  }
0x9c: {  	s7 =	simm.s32 $0x0;
	s20 =	sshll.u32 s5, $0x1;
	s5 =	sadd.s32 s21, s3  }
0x9d: {  	[timem:s7], [sflag:s22] =	dma.local [hbm:s5], s20  }
0x9e: {  	_ =	swait.ge [sflag:s22], s20  }
0x9f: {  	s4 =	ssub.s32 $0x0, s20;
	[sflag:s22] =	ssyncset.done $0x0  }
0xa0: {  	[sflag:s22] =	ssyncadd.s32 s4;
	_ =	sdelay $0x1  }
0xa1: {  	s23 =	simm.s32 $0x1B8B  }
0xa2: {  	_ =	swait.ge [sflag:s23], $0x1  }
0xa3: {  	[sflag:s23] =	ssyncset.done $0x0  }
0xa4: {  	s25 =	simm.s32 $0x1B8E;
	s24 =	sld [smem:$0x3FFE];
	[sflag:s23] =	ssyncadd.s32 $0xFFFFFFFF  }
0xa5: {  	s26 =	simm.s32 $execute0_lowered;
	[smem:$0x3FD2] =	sst s25  }
0xa6: {  	s5 =	sshll.u32 s26, $0x1;
	_ =	strace $0x80000046;
	[dreg:$0x1] =	wrdreg $0xFFFFFFFF  }
0xa7: {  	s28 =	simm.s32 $_size_execute0_lowered;
	s3 =	sadd.s32 s3, s5;
	[dreg:$0x0] =	wrdreg $0x0  }
0xa8: {  	s5 =	sshll.u32 s28, $0x1;
	[dreg:$0x2] =	wrdreg s3  }
0xa9: {  	[dreg:$0x3] =	wrdreg s5  }
0xaa: {  	[dreg:$0x4] =	wrdreg $0xC0  }
0xab: {  	_ =	task [dreg:s7], $0x5FFFF  }
0xac: {  	[dreg:$0x1] =	wrdreg $0xFFFFFFFF  }
0xad: {  	[dreg:$0x0] =	wrdreg $0x60  }
0xae: {  	[dreg:$0x2] =	wrdreg s24  }
0xaf: {  	[dreg:$0x3] =	wrdreg s2  }
0xb0: {  	[dreg:$0x4] =	wrdreg $0x9  }
0xb1: {  	_ =	task.clear_ibuf [dreg:s7], $0x5FFFF;
	_ =	strace $0x90000046  }
0xb2: {  	s29 =	simm.s32 $0x9;
	_ =	strace $0x80000048  }
0xb3: {  	_ =	swait.ge [sflag:s29], $0x1  }
0xb4: {  	[sflag:s29] =	ssyncadd.s32 $0xFFFFFFFF  }
0xb5: {  	_ =	strace $0x90000048  }
0xb6: {  	_ =	sfence  }
0xb7: {  	s30 =	sld [smem:$0x0];
	_ =	sdelay $0x2  }
0xb8: {  	s31 =	sshll.u32 s1, $0xD;
	s1 =	sshrl.u32 s1, $0x2  }
0xb9: {  	s3 =	sand.u32 $0x4000, s31;
	s1 =	sadd.s32 s1, s30  }
0xba: {  	s0 =	sor.u32 s3, s0;
	s1 =	sshll.u32 s1, $0x11  }
0xbb: {  	s0 =	sor.u32 s1, s0  }
0xbc: {  	s0 =	sadd.s32 $0x8F2B, s0  }
0xbd: {  	[sflag:s0] =	ssyncadd.remote.s32 $0x1  }
0xbe: {  	_ =	sfence.sel $0xFFFF  }
0xbf: {  	[dreg:$0x0] =	wrdreg $0xFFFFFFFF;
	(pc) =	sbr.abs _section_cstart, $3  }
0xc0: {  	[dreg:$0x1] =	wrdreg $0xFFFFFFFF  }
0xc1: {  	_ =	task.clear_ibuf [dreg:s7], $0x2FFFF;
	_ =	strace $0x9FFFFFFF  }
0xc2: {  	(tm) =	ssettm $0x7FFFFFFF  }
0xc3: {  	_ =	shalt  }
tec
execute0_lowered:
.L_overlay_start_1:
0x0: {  	(tag) =	ssettag $0x1  }
0x1: {  	s1 =	srdreg.scid  }
0x2: {  	s0 =	stileid.u32;
	s6 =	rddreg [dreg:$0x0]  }
0x3: {  	s4 =	rddreg [dreg:$0x1];
	s18 =	simm.s32 $0x880;
	s19 =	simm.s32 $0x1080  }
0x4: {  	s20 =	simm.s32 $0x1880;
	s22 =	simm.s32 $0x2080;
	s23 =	simm.s32 $0x2880  }
0x5: {  	s7 =	simm.s32 $0x3080;
	s24 =	simm.s32 $0x3880;
	s8 =	simm.s32 $0x4080  }
0x6: {  	s25 =	simm.s32 $0x4880;
	s26 =	simm.s32 $0x5080;
	s1 =	sand.u32 $0x1, s1  }
0x7: {  	s9 =	simm.s32 $0x80;
	s2 =	sshll.u32 s0, $0x7;
	s3 =	sshll.u32 s1, $0x6  }
0x8: {  	s11 =	simm.s32 $0x6080;
	s3 =	sor.u32 s3, s2;
	s2 =	simm.s32 $0x0  }
0x9: {  	s12 =	simm.s32 $0x6880;
	s13 =	simm.s32 $0x7080;
	[smem:$0x7FF] =	sst s2  }
0xa: {  	s14 =	simm.s32 $0x7880;
	_ =	strace $0x80000047;
	[dreg:$0x5] =	wrdreg s18  }
0xb: {  	s15 =	simm.s32 $0x8080;
	s16 =	simm.s32 $0x8880;
	[dreg:$0x6] =	wrdreg s19  }
0xc: {  	s17 =	simm.s32 $0x9080;
	s28 =	simm.s32 $0xE080;
	[dreg:$0x7] =	wrdreg s20  }
0xd: {  	s29 =	simm.s32 $0xE880;
	s30 =	simm.s32 $0xF080;
	[dreg:$0x8] =	wrdreg s22  }
0xe: {  	s31 =	simm.s32 $0xF880;
	s1 =	ssub.s32 $0x2, s1;
	[dreg:$0x9] =	wrdreg s23  }
0xf: {  	s21 =	sshrl.u32 s1, $0x1;
	s5 =	sshrl.u32 s3, $0x3;
	[dreg:$0xa] =	wrdreg s7  }
0x10: {  	s3 =	sshll.u32 s3, $0x7;
	s1 =	ssub.s32 s1, s21;
	[dreg:$0xb] =	wrdreg s24  }
0x11: {  	s21 =	simm.s32 $0xB080;
	s5 =	sadd.s32 s5, s6;
	[dreg:$0xc] =	wrdreg s8  }
0x12: {  	s3 =	sadd.s32 s4, s3;
	s4 =	sadd.s32 $0x42500, s6;
	[dreg:$0xd] =	wrdreg s25  }
0x13: {  	s7 =	smax.u32 s1, $0x1;
	s8 =	simm.s32 $0x2;
	[dreg:$0xe] =	wrdreg s26  }
0x14: {  	s18 =	simm.s32 $0x9880;
	s19 =	simm.s32 $0xA080;
	s20 =	simm.s32 $0xA880  }
0x15: {  	s22 =	simm.s32 $0xB880;
	s23 =	simm.s32 $0xC080;
	s24 =	simm.s32 $0xC880  }
0x16: {  	v2 =	vlaneseq.u32;
	s25 =	simm.s32 $0xD080;
	s26 =	simm.s32 $0xD880;
	s1 =	simm.s32 $0x1  }
0x17: {  	vm0 =	vmmov $0xffff;
	v1 =	vshrl.u32 v2, $0x3;
	s5 =	sadd.s32 $0x42200, s5;
	[dreg:$0x4] =	wrdreg s3;
	s3 =	sadd.s32 $0x42400, s6  }
0x18: {  	v0 =	vand.u32 $0x7, v2;
	v2 =	vor.u32 $0x8, v2;
	v1 =	vmul.u32 $0x8, v1;
	[dreg:$0x3] =	wrdreg s5;
	s5 =	sadd.s32 $0x42600, s6;
	s6 =	sadd.s32 $0x42700, s6  }
.LBB2_1:
0x19: {  	s0 =	rddreg [dreg:$0x3]  }
0x1a: {  	[tilespmem:s2], [sflag:$0x2] =	stream.linear.gather [hbm4b:s0+s2], $0x40, $0x38;
	[tilespmem:$0x10080] =	vst v63  }
0x1b: {  	_ =	swait.ge [sflag:s8], $0x40  }
0x1c: {  	[sflag:s8] =	ssyncset.done $0x0  }
0x1d: {  	s10 =	rddreg [dreg:$0x4];
	[sflag:s8] =	ssyncadd.s32 $0xFFFFFFC0  }
0x1e: {  	[tilespmem:s9], [sflag:$0x2] =	stream.linear.gather [hbm4b:s10+s2], $0x10000, $0x38;
	[tilespmem:$0x10080] =	vst v63  }
0x1f: {  	_ =	swait.ge [sflag:s8], $0x10000  }
0x20: {  	[sflag:s8] =	ssyncset.done $0x0  }
0x21: {  	[sflag:s8] =	ssyncadd.s32 $0xFFFF0000  }
0x22: {  	v3 =	vld [tilespmem:$0x0];
	_ =	sdelay $0x4  }
0x23: {  	v4 =	vshll.u32 v3, $0x3  }
0x24: {  	v3 =	vand.u32 $0x7, v3;
	v4 =	vand.u32 $0xFFFFFFC0, v4  }
0x25: {  	v3 =	vor.u32 v3, v4  }
0x26: {  	v4 =	vperm.xlane v3, v0;
	_ =	sdelay $0x1  }
0x27: {  	v4 =	vadd.s32 v1, v4;
	_ =	sdelay $0x4  }
0x28: {  	[hbm4b:s3+s2] =	stream.indirect_vreg.scatter [tilespmem:s9], [sflag:$0x1], $0x80, v4, vm0, $0xb8;
	[tilespmem:$0x10080] =	vst v63  }
0x29: {  	s0 =	rddreg [dreg:$0x5];
	v3 =	vperm.xlane v3, v2  }
0x2a: {  	[hbm4b:s4+s2] =	stream.indirect_vreg.scatter [tilespmem:s0], [sflag:$0x1], $0x80, v4, vm0, $0xb8;
	[tilespmem:$0x10080] =	vst v63  }
0x2b: {  	s10 =	rddreg [dreg:$0x6];
	v3 =	vadd.s32 v1, v3  }
0x2c: {  	[hbm4b:s5+s2] =	stream.indirect_vreg.scatter [tilespmem:s10], [sflag:$0x1], $0x80, v4, vm0, $0xb8;
	[tilespmem:$0x10080] =	vst v63  }
0x2d: {  	s0 =	rddreg [dreg:$0x7]  }
0x2e: {  	[hbm4b:s6+s2] =	stream.indirect_vreg.scatter [tilespmem:s0], [sflag:$0x1], $0x80, v4, vm0, $0xb8;
	[tilespmem:$0x10080] =	vst v63  }
0x2f: {  	s10 =	rddreg [dreg:$0x8]  }
0x30: {  	[hbm4b:s3+s2] =	stream.indirect_vreg.scatter [tilespmem:s10], [sflag:$0x1], $0x80, v3, vm0, $0xb8;
	[tilespmem:$0x10080] =	vst v63  }
0x31: {  	s0 =	rddreg [dreg:$0x9]  }
0x32: {  	[hbm4b:s4+s2] =	stream.indirect_vreg.scatter [tilespmem:s0], [sflag:$0x1], $0x80, v3, vm0, $0xb8;
	[tilespmem:$0x10080] =	vst v63  }
0x33: {  	s10 =	rddreg [dreg:$0xa]  }
0x34: {  	[hbm4b:s5+s2] =	stream.indirect_vreg.scatter [tilespmem:s10], [sflag:$0x1], $0x80, v3, vm0, $0xb8;
	[tilespmem:$0x10080] =	vst v63  }
0x35: {  	s0 =	rddreg [dreg:$0xb]  }
0x36: {  	[hbm4b:s6+s2] =	stream.indirect_vreg.scatter [tilespmem:s0], [sflag:$0x1], $0x80, v3, vm0, $0xb8;
	[tilespmem:$0x10080] =	vst v63  }
0x37: {  	v3 =	vld [tilespmem:$0x10];
	_ =	sdelay $0x4  }
0x38: {  	v61 =	vshll.u32 v3, $0x3  }
0x39: {  	v3 =	vand.u32 $0x7, v3;
	v4 =	vand.u32 $0xFFFFFFC0, v61  }
0x3a: {  	v3 =	vor.u32 v3, v4  }
0x3b: {  	v4 =	vperm.xlane v3, v0;
	_ =	sdelay $0x1  }
0x3c: {  	v4 =	vadd.s32 v1, v4;
	_ =	sdelay $0x3  }
0x3d: {  	s0 =	rddreg [dreg:$0xc]  }
0x3e: {  	[hbm4b:s3+s2] =	stream.indirect_vreg.scatter [tilespmem:s0], [sflag:$0x1], $0x80, v4, vm0, $0xb8;
	[tilespmem:$0x10080] =	vst v63  }
0x3f: {  	s10 =	rddreg [dreg:$0xd];
	v3 =	vperm.xlane v3, v2  }
0x40: {  	[hbm4b:s4+s2] =	stream.indirect_vreg.scatter [tilespmem:s10], [sflag:$0x1], $0x80, v4, vm0, $0xb8;
	[tilespmem:$0x10080] =	vst v63  }
0x41: {  	v3 =	vadd.s32 v1, v3;
	s0 =	rddreg [dreg:$0xe]  }
0x42: {  	[hbm4b:s5+s2] =	stream.indirect_vreg.scatter [tilespmem:s0], [sflag:$0x1], $0x80, v4, vm0, $0xb8;
	[tilespmem:$0x10080] =	vst v63  }
0x43: {  	s10 =	simm.s32 $0x5880  }
0x44: {  	[hbm4b:s6+s2] =	stream.indirect_vreg.scatter [tilespmem:s10], [sflag:$0x1], $0x80, v4, vm0, $0xb8;
	[tilespmem:$0x10080] =	vst v63  }
0x45: {  	_ = 	snop  }
0x46: {  	[hbm4b:s3+s2] =	stream.indirect_vreg.scatter [tilespmem:s11], [sflag:$0x1], $0x80, v3, vm0, $0xb8;
	[tilespmem:$0x10080] =	vst v63  }
0x47: {  	_ = 	snop  }
0x48: {  	[hbm4b:s4+s2] =	stream.indirect_vreg.scatter [tilespmem:s12], [sflag:$0x1], $0x80, v3, vm0, $0xb8;
	[tilespmem:$0x10080] =	vst v63  }
0x49: {  	_ = 	snop  }
0x4a: {  	[hbm4b:s5+s2] =	stream.indirect_vreg.scatter [tilespmem:s13], [sflag:$0x1], $0x80, v3, vm0, $0xb8;
	[tilespmem:$0x10080] =	vst v63  }
0x4b: {  	_ = 	snop  }
0x4c: {  	[hbm4b:s6+s2] =	stream.indirect_vreg.scatter [tilespmem:s14], [sflag:$0x1], $0x80, v3, vm0, $0xb8;
	[tilespmem:$0x10080] =	vst v63  }
0x4d: {  	v3 =	vld [tilespmem:$0x20];
	_ =	sdelay $0x4  }
0x4e: {  	v62 =	vshll.u32 v3, $0x3  }
0x4f: {  	v3 =	vand.u32 $0x7, v3;
	v4 =	vand.u32 $0xFFFFFFC0, v62  }
0x50: {  	v3 =	vor.u32 v3, v4  }
0x51: {  	v4 =	vperm.xlane v3, v0;
	_ =	sdelay $0x1  }
0x52: {  	v4 =	vadd.s32 v1, v4;
	_ =	sdelay $0x4  }
0x53: {  	[hbm4b:s3+s2] =	stream.indirect_vreg.scatter [tilespmem:s15], [sflag:$0x1], $0x80, v4, vm0, $0xb8;
	[tilespmem:$0x10080] =	vst v63  }
0x54: {  	v3 =	vperm.xlane v3, v2  }
0x55: {  	[hbm4b:s4+s2] =	stream.indirect_vreg.scatter [tilespmem:s16], [sflag:$0x1], $0x80, v4, vm0, $0xb8;
	[tilespmem:$0x10080] =	vst v63  }
0x56: {  	v3 =	vadd.s32 v1, v3  }
0x57: {  	[hbm4b:s5+s2] =	stream.indirect_vreg.scatter [tilespmem:s17], [sflag:$0x1], $0x80, v4, vm0, $0xb8;
	[tilespmem:$0x10080] =	vst v63  }
0x58: {  	_ = 	snop  }
0x59: {  	[hbm4b:s6+s2] =	stream.indirect_vreg.scatter [tilespmem:s18], [sflag:$0x1], $0x80, v4, vm0, $0xb8;
	[tilespmem:$0x10080] =	vst v63  }
0x5a: {  	_ = 	snop  }
0x5b: {  	[hbm4b:s3+s2] =	stream.indirect_vreg.scatter [tilespmem:s19], [sflag:$0x1], $0x80, v3, vm0, $0xb8;
	[tilespmem:$0x10080] =	vst v63  }
0x5c: {  	_ = 	snop  }
0x5d: {  	[hbm4b:s4+s2] =	stream.indirect_vreg.scatter [tilespmem:s20], [sflag:$0x1], $0x80, v3, vm0, $0xb8;
	[tilespmem:$0x10080] =	vst v63  }
0x5e: {  	_ = 	snop  }
0x5f: {  	[hbm4b:s5+s2] =	stream.indirect_vreg.scatter [tilespmem:s21], [sflag:$0x1], $0x80, v3, vm0, $0xb8;
	[tilespmem:$0x10080] =	vst v63  }
0x60: {  	_ = 	snop  }
0x61: {  	[hbm4b:s6+s2] =	stream.indirect_vreg.scatter [tilespmem:s22], [sflag:$0x1], $0x80, v3, vm0, $0xb8;
	[tilespmem:$0x10080] =	vst v63  }
0x62: {  	v3 =	vld [tilespmem:$0x30];
	_ =	sdelay $0x4  }
0x63: {  	v63 =	vshll.u32 v3, $0x3  }
0x64: {  	v3 =	vand.u32 $0x7, v3;
	v4 =	vand.u32 $0xFFFFFFC0, v63  }
0x65: {  	v3 =	vor.u32 v3, v4  }
0x66: {  	v4 =	vperm.xlane v3, v0;
	_ =	sdelay $0x1  }
0x67: {  	v4 =	vadd.s32 v1, v4;
	_ =	sdelay $0x4  }
0x68: {  	[hbm4b:s3+s2] =	stream.indirect_vreg.scatter [tilespmem:s23], [sflag:$0x1], $0x80, v4, vm0, $0xb8;
	[tilespmem:$0x10080] =	vst v63  }
0x69: {  	v3 =	vperm.xlane v3, v2  }
0x6a: {  	[hbm4b:s4+s2] =	stream.indirect_vreg.scatter [tilespmem:s24], [sflag:$0x1], $0x80, v4, vm0, $0xb8;
	[tilespmem:$0x10080] =	vst v63  }
0x6b: {  	v3 =	vadd.s32 v1, v3  }
0x6c: {  	[hbm4b:s5+s2] =	stream.indirect_vreg.scatter [tilespmem:s25], [sflag:$0x1], $0x80, v4, vm0, $0xb8;
	[tilespmem:$0x10080] =	vst v63  }
0x6d: {  	_ = 	snop  }
0x6e: {  	[hbm4b:s6+s2] =	stream.indirect_vreg.scatter [tilespmem:s26], [sflag:$0x1], $0x80, v4, vm0, $0xb8;
	[tilespmem:$0x10080] =	vst v63  }
0x6f: {  	_ = 	snop  }
0x70: {  	[hbm4b:s3+s2] =	stream.indirect_vreg.scatter [tilespmem:s28], [sflag:$0x1], $0x80, v3, vm0, $0xb8;
	[tilespmem:$0x10080] =	vst v63  }
0x71: {  	_ = 	snop  }
0x72: {  	[hbm4b:s4+s2] =	stream.indirect_vreg.scatter [tilespmem:s29], [sflag:$0x1], $0x80, v3, vm0, $0xb8;
	[tilespmem:$0x10080] =	vst v63  }
0x73: {  	p0 =	sne.s32 s7, $0x1  }
0x74: {  	[hbm4b:s5+s2] =	stream.indirect_vreg.scatter [tilespmem:s30], [sflag:$0x1], $0x80, v3, vm0, $0xb8;
	[tilespmem:$0x10080] =	vst v63  }
.Ltmp0:
0x75: {  	_ = 	snop;
	(pc) =	sbr.rel @p0 .LBB2_1-.Ltmp0, $4  }
0x76: {  	[hbm4b:s6+s2] =	stream.indirect_vreg.scatter [tilespmem:s31], [sflag:$0x1], $0x80, v3, vm0, $0xb8;
	[tilespmem:$0x10080] =	vst v63  }
0x77: {  	_ =	swait.ge [sflag:s1], $0x10000  }
0x78: {  	[sflag:s1] =	ssyncset.done $0x0  }
0x79: {  	s7 =	sadd.s32 $0xFFFFFFFF, s7;
	[sflag:s1] =	ssyncadd.s32 $0xFFFF0000  }
0x7a: {  	_ =	sfence.sel $0x180000  }
0x7b: {  	[bflag:$0x0] =	sbarrier.arrive $0xFFFF  }
0x7c: {  	_ =	strace $0x90000047  }
0x7d: {  	s0 =	stileid.u32;
	[bflag:$0x2] =	sbarrier.arrive $0xFFFF  }
0x7e: {  	p0 =	sne.s32 s0, $0x0;
	s0 =	rddreg [dreg:$0x2]  }
0x7f: {  	s0 =	sadd.s32 @!p0 $0x100000, s0  }
0x80: {  	[sflag:s0] =	ssyncadd.tile.s32 @!p0 $0x1;
	_ =	shalt  }
.Lfunc_end2:
_tile_overlayer_lowered:
.L_overlay_start_2:
0x81: {  	(tag) =	ssettag $0x2  }
0x82: {  	s0 =	rddreg [dreg:$0x0];
	s2 =	stileid.u32  }
0x83: {  	s1 =	rddreg [dreg:$0x1];
	p0 =	sne.s32 s2, $0x0  }
0x84: {  	s3 =	rddreg [dreg:$0x2];
	[bflag:$0x3] =	sbarrier.arrive $0xFFFF;
	s2 =	simm.s32 @!p0 $0x1C02  }
0x85: {  	[timem:s3], [sflag:s2] =	dma.local @!p0 [hbm:s0], s1  }
0x86: {  	s0 =	simm.s32 @!p0 $0x2  }
0x87: {  	_ =	swait.ge @!p0 [sflag:s0], s1  }
0x88: {  	s1 =	ssub.s32 @!p0 $0x0, s1;
	[sflag:s0] =	ssyncset.done @!p0 $0x0  }
0x89: {  	[sflag:s0] =	ssyncadd.s32 @!p0 s1  }
0x8a: {  	[bflag:$0x3] =	sbarrier.arrive $0xFFFF  }
0x8b: {  	_ =	shalt  }

// kernel: kernel.9.cloned.1.call-start
scs
__scs_entry_jumppad:
0x0: {  	(pc) =	sbr.rel $0x88, $3  }
0x1: {  	(tag) =	ssettag $0x0;
	lr =	simm.s32 $0x1  }
0x2: {  	[smem:$0x3F9B] =	sst lr;
	_ =	strace $0xD0000000  }
0x3: {  	_ = 	snop  }
0x4: {  	_ = 	snop  }
0x5: {  	_ = 	snop  }
0x6: {  	_ = 	snop  }
0x7: {  	_ = 	snop  }
__scs_overlays_trampoline_lowered:
0x8: {  	[smem:$0x3FAA] =	sst s0  }
0x9: {  	[smem:$0x3FAB] =	sst s1  }
0xa: {  	[smem:$0x3FAC] =	sst s2  }
0xb: {  	[smem:$0x3FAD] =	sst s3  }
0xc: {  	[smem:$0x3FAE] =	sst s4  }
0xd: {  	[smem:$0x3FAF] =	sst s5  }
0xe: {  	[smem:$0x3FB0] =	sst s6  }
0xf: {  	[smem:$0x3FB1] =	sst s7  }
0x10: {  	[smem:$0x3FB2] =	sst s8  }
0x11: {  	[smem:$0x3FB3] =	sst s9;
	s0 =	simm.s32 @!p0 $0x0  }
0x12: {  	s1 =	sld [smem:$0x3F99];
	s0 =	simm.s32 @p0 $0x1  }
0x13: {  	[smem:$0x3FB4] =	sst s0;
	s0 =	simm.s32 @!p1 $0x0  }
0x14: {  	s2 =	sld [smem:$0x3F98];
	s0 =	simm.s32 @p1 $0x1  }
0x15: {  	[smem:$0x3FB5] =	sst s0;
	s0 =	simm.s32 @!p2 $0x0  }
0x16: {  	s3 =	sld [smem:$0x3FDB];
	s0 =	simm.s32 @p2 $0x1  }
0x17: {  	s4 =	simm.s32 $0x1BF5;
	[smem:$0x3FB7] =	sst s0  }
0x18: {  	s0 =	sld [smem:$0x3F9A];
	_ =	swait.ge [sflag:s4], $0x0  }
0x19: {  	s7 =	sld [smem:$0x3F9B]  }
0x1a: {  	s8 =	sadd.s32 $0xFFFFE003, lr  }
0x1b: {  	s9 =	sadd.s32 $0xFFFFFEF7, lr;
	s5 =	simm.s32 $0xFFFFFFFF;
	p2 =	slt.u32 s8, $0xFFFFF086  }
0x1c: {  	p1 =	slt.u32 s9, $0xF7A;
	s5 =	simm.s32 @!p2 $0x0  }
0x1d: {  	s5 =	simm.s32 @p1 $0x1;
	p0 =	seq.s32 s7, s2  }
0x1e: {  	s7 =	smul.u32 @!p0 $0xF7A, s2;
	p2 =	seq.s32 @!p0 s5, $0x0  }
0x1f: {  	s9 =	smul.u32 $0xF7A, s1;
	s8 =	simm.s32 @!p0 $0x1BF5;
	p2 =	por !p2, p0  }
0x20: {  	[sflag:s8] =	ssyncset.s32 @!p0 $0xFFFFF086;
	s6 =	sadd.s32 @!p0 s3, s7;
	s7 =	simm.s32 @!p0 $0x108  }
0x21: {  	s3 =	sadd.s32 s3, s9;
	s6 =	sadd.s32 @!p0 $0x88, s6;
	s7 =	simm.s32 @p2 $0x1082  }
0x22: {  	[simem:s7], [sflag:s8] =	dma.local @!p0 [hbm:s6], $0xF7A  }
0x23: {  	s9 =	sor.u32 $0xD0000000, s2;
	s6 =	simm.s32 $0x108;
	_ =	swait.ge @!p0 [sflag:s8], $0x0  }
0x24: {  	s3 =	sadd.s32 $0x88, s3;
	s6 =	simm.s32 @!p1 $0x1082;
	[sflag:s4] =	ssyncset.s32 $0xFFFFF086  }
0x25: {  	[simem:s6], [sflag:s4] =	dma.local [hbm:s3], $0xF7A  }
0x26: {  	[smem:$0x3F9B] =	sst s1;
	(tag) =	ssettag s2;
	_ =	strace s9  }
0x27: {  	s1 =	sld [smem:$0x3FAB]  }
0x28: {  	s2 =	sld [smem:$0x3FAC]  }
0x29: {  	s4 =	sld [smem:$0x3FAE]  }
0x2a: {  	p0 =	seq.s32 s5, $0x0;
	s5 =	sld [smem:$0x3FAF]  }
0x2b: {  	s6 =	sld [smem:$0x3FB0]  }
0x2c: {  	s7 =	sld [smem:$0x3FB1]  }
0x2d: {  	s3 =	simm.s32 $0x108;
	s8 =	sld [smem:$0x3FB2]  }
0x2e: {  	s3 =	simm.s32 @!p0 $0x1082;
	s9 =	sld [smem:$0x3FB3]  }
0x2f: {  	lr =	sadd.s32 s0, s3;
	s0 =	sld [smem:$0x3FAA]  }
0x30: {  	s3 =	sld [smem:$0x3FAD]  }
0x31: {  	[smem:$0x3FB6] =	sst s10  }
0x32: {  	s10 =	sld [smem:$0x3FB4];
	_ =	sdelay $0x3  }
0x33: {  	p0 =	seq.s32 s10, $0x1;
	s10 =	sld [smem:$0x3FB6];
	_ =	sdelay $0x3  }
0x34: {  	[smem:$0x3FB6] =	sst s10  }
0x35: {  	s10 =	sld [smem:$0x3FB5];
	_ =	sdelay $0x3  }
0x36: {  	p1 =	seq.s32 s10, $0x1;
	s10 =	sld [smem:$0x3FB6];
	_ =	sdelay $0x3  }
0x37: {  	[smem:$0x3FB6] =	sst s10  }
0x38: {  	s10 =	sld [smem:$0x3FB7]  }
0x39: {  	_ = 	snop;
	(pc) =	sbr.ind lr, $3  }
0x3a: {  	_ = 	snop  }
0x3b: {  	_ = 	snop  }
0x3c: {  	p2 =	seq.s32 s10, $0x1;
	s10 =	sld [smem:$0x3FB6]  }
0x3d: {  	_ =	shalt  }
0x3e: {  	_ =	shalt  }
0x3f: {  	_ =	shalt  }
0x40: {  	_ =	shalt  }
0x41: {  	_ =	shalt  }
0x42: {  	_ =	shalt  }
0x43: {  	_ =	shalt  }
0x44: {  	_ =	shalt  }
0x45: {  	_ =	shalt  }
0x46: {  	_ =	shalt  }
0x47: {  	_ =	shalt  }
0x48: {  	_ =	shalt  }
0x49: {  	_ =	shalt  }
0x4a: {  	_ =	shalt  }
0x4b: {  	_ =	shalt  }
0x4c: {  	_ =	shalt  }
0x4d: {  	_ =	shalt  }
0x4e: {  	_ =	shalt  }
0x4f: {  	_ =	shalt  }
0x50: {  	_ =	shalt  }
0x51: {  	_ =	shalt  }
0x52: {  	_ =	shalt  }
0x53: {  	_ =	shalt  }
0x54: {  	_ =	shalt  }
0x55: {  	_ =	shalt  }
0x56: {  	_ =	shalt  }
0x57: {  	_ =	shalt  }
0x58: {  	_ =	shalt  }
0x59: {  	_ =	shalt  }
0x5a: {  	_ =	shalt  }
0x5b: {  	_ =	shalt  }
0x5c: {  	_ =	shalt  }
0x5d: {  	_ =	shalt  }
0x5e: {  	_ =	shalt  }
0x5f: {  	_ =	shalt  }
0x60: {  	_ =	shalt  }
0x61: {  	_ =	shalt  }
0x62: {  	_ =	shalt  }
0x63: {  	_ =	shalt  }
0x64: {  	_ =	shalt  }
0x65: {  	_ =	shalt  }
0x66: {  	_ =	shalt  }
0x67: {  	_ =	shalt  }
0x68: {  	_ =	shalt  }
0x69: {  	_ =	shalt  }
0x6a: {  	_ =	shalt  }
0x6b: {  	_ =	shalt  }
0x6c: {  	_ =	shalt  }
0x6d: {  	_ =	shalt  }
0x6e: {  	_ =	shalt  }
0x6f: {  	_ =	shalt  }
0x70: {  	_ =	shalt  }
0x71: {  	_ =	shalt  }
0x72: {  	_ =	shalt  }
0x73: {  	_ =	shalt  }
0x74: {  	_ =	shalt  }
0x75: {  	_ =	shalt  }
0x76: {  	_ =	shalt  }
0x77: {  	_ =	shalt  }
0x78: {  	_ =	shalt  }
0x79: {  	_ =	shalt  }
0x7a: {  	_ =	shalt  }
0x7b: {  	_ =	shalt  }
0x7c: {  	_ =	shalt  }
0x7d: {  	_ =	shalt  }
0x7e: {  	_ =	shalt  }
0x7f: {  	_ =	shalt  }
0x80: {  	_ =	shalt  }
0x81: {  	_ =	shalt  }
0x82: {  	_ =	shalt  }
0x83: {  	_ =	shalt  }
0x84: {  	_ =	shalt  }
0x85: {  	_ =	shalt  }
0x86: {  	_ =	shalt  }
0x87: {  	_ =	shalt  }
.Lfunc_end0:
.L_simem_size_0:
called_computation.1_lowered:
.L_overlay_start_0:
0x88: {  	s2 =	sld [smem:$0x3FD9]  }
0x89: {  	s3 =	sld [smem:$0x3FFE];
	_ =	sdelay $0x1  }
0x8a: {  	s1 =	srdreg.scid  }
0x8b: {  	s0 =	sand.u32 $0x1, s1  }
0x8c: {  	s17 =	sshll.u32 s0, $0xA;
	s2 =	sadd.s32 s3, s2  }
0x8d: {  	s2 =	sadd.s32 s2, s17  }
0x8e: {  	[smem:$0x3FC2] =	sst s2  }
0x8f: {  	_ = 	snop  }
0x90: {  	s2 =	sld [smem:$0x3FD0];
	(tm) =	ssettm $0x1  }
0x91: {  	s18 =	sld [smem:$0x3FFB];
	_ =	sdelay $0x3  }
0x92: {  	_ =	strace s18  }
0x93: {  	s3 =	sld [smem:$0x3FFC];
	_ =	sdelay $0x3  }
0x94: {  	_ =	strace s3  }
0x95: {  	s3 =	sld [smem:$0x3FFD];
	_ =	sdelay $0x3  }
0x96: {  	_ =	strace s3  }
0x97: {  	_ =	strace $0x8FFFFFFF  }
0x98: {  	s19 =	sld [smem:$0x3FDB];
	_ =	sdelay $0x1  }
0x99: {  	s4 =	simm.s32 $_scs_section_size  }
0x9a: {  	s5 =	simm.s32 $_size__tile_overlayer_lowered;
	s6 =	simm.s32 $_tile_overlayer_lowered  }
0x9b: {  	s22 =	simm.s32 $0x1BFF;
	s21 =	sshll.u32 s6, $0x1;
	s3 =	sadd.s32 s4, s19  }
0x9c: {  	s7 =	simm.s32 $0x0;
	s20 =	sshll.u32 s5, $0x1;
	s5 =	sadd.s32 s21, s3  }
0x9d: {  	[timem:s7], [sflag:s22] =	dma.local [hbm:s5], s20  }
0x9e: {  	_ =	swait.ge [sflag:s22], s20  }
0x9f: {  	s4 =	ssub.s32 $0x0, s20;
	[sflag:s22] =	ssyncset.done $0x0  }
0xa0: {  	[sflag:s22] =	ssyncadd.s32 s4;
	_ =	sdelay $0x1  }
0xa1: {  	s23 =	simm.s32 $0x1B8B  }
0xa2: {  	_ =	swait.ge [sflag:s23], $0x1  }
0xa3: {  	[sflag:s23] =	ssyncset.done $0x0  }
0xa4: {  	s25 =	simm.s32 $0x1B8E;
	s24 =	sld [smem:$0x3FFE];
	[sflag:s23] =	ssyncadd.s32 $0xFFFFFFFF  }
0xa5: {  	s26 =	simm.s32 $execute0_lowered;
	[smem:$0x3FD2] =	sst s25  }
0xa6: {  	s5 =	sshll.u32 s26, $0x1;
	_ =	strace $0x80000049;
	[dreg:$0x1] =	wrdreg $0xFFFFFFFF  }
0xa7: {  	s28 =	simm.s32 $_size_execute0_lowered;
	s3 =	sadd.s32 s3, s5;
	[dreg:$0x0] =	wrdreg $0x0  }
0xa8: {  	s5 =	sshll.u32 s28, $0x1;
	[dreg:$0x2] =	wrdreg s3  }
0xa9: {  	[dreg:$0x3] =	wrdreg s5  }
0xaa: {  	[dreg:$0x4] =	wrdreg $0xC0  }
0xab: {  	_ =	task [dreg:s7], $0x5FFFF  }
0xac: {  	[dreg:$0x1] =	wrdreg $0xFFFFFFFF  }
0xad: {  	[dreg:$0x0] =	wrdreg $0x60  }
0xae: {  	[dreg:$0x2] =	wrdreg s24  }
0xaf: {  	[dreg:$0x3] =	wrdreg s2  }
0xb0: {  	[dreg:$0x4] =	wrdreg $0x9  }
0xb1: {  	_ =	task.clear_ibuf [dreg:s7], $0x5FFFF;
	_ =	strace $0x90000049  }
0xb2: {  	s29 =	simm.s32 $0x9;
	_ =	strace $0x8000004B  }
0xb3: {  	_ =	swait.ge [sflag:s29], $0x1  }
0xb4: {  	[sflag:s29] =	ssyncadd.s32 $0xFFFFFFFF  }
0xb5: {  	_ =	strace $0x9000004B  }
0xb6: {  	_ =	sfence  }
0xb7: {  	s30 =	sld [smem:$0x0];
	_ =	sdelay $0x2  }
0xb8: {  	s31 =	sshll.u32 s1, $0xD;
	s1 =	sshrl.u32 s1, $0x2  }
0xb9: {  	s3 =	sand.u32 $0x4000, s31;
	s1 =	sadd.s32 s1, s30  }
0xba: {  	s0 =	sor.u32 s3, s0;
	s1 =	sshll.u32 s1, $0x11  }
0xbb: {  	s0 =	sor.u32 s1, s0  }
0xbc: {  	s0 =	sadd.s32 $0x8F2B, s0  }
0xbd: {  	[sflag:s0] =	ssyncadd.remote.s32 $0x1  }
0xbe: {  	_ =	sfence.sel $0xFFFF  }
0xbf: {  	[dreg:$0x0] =	wrdreg $0xFFFFFFFF;
	(pc) =	sbr.abs _section_cstart, $3  }
0xc0: {  	[dreg:$0x1] =	wrdreg $0xFFFFFFFF  }
0xc1: {  	_ =	task.clear_ibuf [dreg:s7], $0x2FFFF;
	_ =	strace $0x9FFFFFFF  }
0xc2: {  	(tm) =	ssettm $0x7FFFFFFF  }
0xc3: {  	_ =	shalt  }
tec
execute0_lowered:
.L_overlay_start_1:
0x0: {  	(tag) =	ssettag $0x1  }
0x1: {  	s0 =	rddreg [dreg:$0x0]  }
0x2: {  	s1 =	rddreg [dreg:$0x1]  }
0x3: {  	s2 =	simm.s32 $0x0;
	s3 =	srdreg.scid;
	s5 =	stileid.u32  }
0x4: {  	s14 =	simm.s32 $0x3;
	s16 =	simm.s32 $0x80;
	s28 =	simm.s32 $0x5880  }
0x5: {  	s29 =	simm.s32 $0x6080;
	s30 =	simm.s32 $0x6880;
	s31 =	simm.s32 $0x7080  }
0x6: {  	s15 =	simm.s32 $0x2;
	s17 =	simm.s32 $0x0;
	[smem:$0x7FF] =	sst s2  }
0x7: {  	s4 =	sand.u32 $0x1, s3;
	s10 =	sadd.s32 $0x42200, s0;
	s5 =	sshll.u32 s5, $0x7  }
0x8: {  	s3 =	sadd.s32 $0x42400, s0;
	s11 =	sadd.s32 $0x400, s0;
	s6 =	sshll.u32 s4, $0x6  }
0x9: {  	s8 =	sadd.s32 $0x42700, s0;
	s4 =	ssub.s32 $0x2, s4;
	s7 =	sor.u32 s6, s5  }
0xa: {  	_ =	strace $0x8000004A;
	s23 =	sshrl.u32 s4, $0x1;
	s6 =	sshrl.u32 s7, $0x3  }
0xb: {  	s13 =	ssub.s32 s4, s23;
	s9 =	sshll.u32 s7, $0x7;
	s12 =	sor.u32 $0x20, s7  }
0xc: {  	s7 =	sadd.s32 $0x42600, s0;
	s24 =	sadd.s32 s10, s6;
	s5 =	sadd.s32 s11, s9  }
0xd: {  	s6 =	sadd.s32 $0x42500, s0;
	s25 =	sshrl.u32 s12, $0x3;
	s9 =	sadd.s32 s1, s9  }
0xe: {  	v2 =	vlaneseq.u32;
	s26 =	sshll.u32 s12, $0x7;
	s13 =	smax.u32 s13, $0x1;
	s0 =	simm.s32 $0x7880  }
0xf: {  	v0 =	vand.u32 $0x7, v2;
	v1 =	vshrl.u32 v2, $0x3;
	[dreg:$0x3] =	wrdreg s24;
	s10 =	sadd.s32 s10, s25;
	s11 =	sadd.s32 s11, s26  }
0x10: {  	vm0 =	vmmov $0xffff;
	v2 =	vor.u32 $0x8, v2;
	[tilespmem:$0x1FFF0] =	vst v0;
	v1 =	vmul.u32 $0x8, v1;
	s12 =	sadd.s32 s1, s26;
	s26 =	simm.s32 $0x5080;
	s1 =	simm.s32 $0x1  }
.LBB2_1:
0x11: {  	s4 =	rddreg [dreg:$0x3]  }
0x12: {  	[tilespmem:s2], [sflag:$0x3] =	stream.linear.gather [hbm4b:s4+s2], $0x20, $0x38;
	[tilespmem:$0x10080] =	vst v63  }
0x13: {  	_ =	swait.ge [sflag:s14], $0x20  }
0x14: {  	[sflag:s14] =	ssyncset.done $0x0  }
0x15: {  	s24 =	simm.s32 $0x8080;
	[sflag:s14] =	ssyncadd.s32 $0xFFFFFFE0  }
0x16: {  	[tilespmem:s24], [sflag:$0x2] =	stream.linear.gather [hbm4b:s5+s2], $0x8000, $0x38;
	[tilespmem:$0x10080] =	vst v63  }
0x17: {  	v3 =	vld [tilespmem:$0x0];
	_ =	sdelay $0x2  }
0x18: {  	v0 =	vld [tilespmem:$0x1FFF0];
	_ =	sdelay $0x1  }
0x19: {  	v4 =	vshll.u32 v3, $0x3  }
0x1a: {  	v3 =	vand.u32 $0x7, v3;
	v4 =	vand.u32 $0xFFFFFFC0, v4  }
0x1b: {  	v3 =	vor.u32 v3, v4  }
0x1c: {  	v4 =	vperm.xlane v3, v0;
	_ =	sdelay $0x1  }
0x1d: {  	v4 =	vadd.s32 v1, v4;
	_ =	sdelay $0x4  }
0x1e: {  	[tilespmem:s16], [sflag:$0x1] =	stream.indirect_vreg.gather [hbm4b:s3+s2], $0x80, v4, vm0, $0xb8;
	[tilespmem:$0x10080] =	vst v63  }
0x1f: {  	s25 =	simm.s32 $0x880;
	v3 =	vperm.xlane v3, v2  }
0x20: {  	[tilespmem:s25], [sflag:$0x1] =	stream.indirect_vreg.gather [hbm4b:s6+s2], $0x80, v4, vm0, $0xb8;
	[tilespmem:$0x10080] =	vst v63  }
0x21: {  	s18 =	simm.s32 $0x1080;
	v3 =	vadd.s32 v1, v3  }
0x22: {  	[tilespmem:s18], [sflag:$0x1] =	stream.indirect_vreg.gather [hbm4b:s7+s2], $0x80, v4, vm0, $0xb8;
	[tilespmem:$0x10080] =	vst v63  }
0x23: {  	s19 =	simm.s32 $0x1880  }
0x24: {  	[tilespmem:s19], [sflag:$0x1] =	stream.indirect_vreg.gather [hbm4b:s8+s2], $0x80, v4, vm0, $0xb8;
	[tilespmem:$0x10080] =	vst v63  }
0x25: {  	s20 =	simm.s32 $0x2080  }
0x26: {  	[tilespmem:s20], [sflag:$0x1] =	stream.indirect_vreg.gather [hbm4b:s3+s2], $0x80, v3, vm0, $0xb8;
	[tilespmem:$0x10080] =	vst v63  }
0x27: {  	s21 =	simm.s32 $0x2880  }
0x28: {  	[tilespmem:s21], [sflag:$0x1] =	stream.indirect_vreg.gather [hbm4b:s6+s2], $0x80, v3, vm0, $0xb8;
	[tilespmem:$0x10080] =	vst v63  }
0x29: {  	s22 =	simm.s32 $0x3080  }
0x2a: {  	[tilespmem:s22], [sflag:$0x1] =	stream.indirect_vreg.gather [hbm4b:s7+s2], $0x80, v3, vm0, $0xb8;
	[tilespmem:$0x10080] =	vst v63  }
0x2b: {  	s23 =	simm.s32 $0x3880  }
0x2c: {  	[tilespmem:s23], [sflag:$0x1] =	stream.indirect_vreg.gather [hbm4b:s8+s2], $0x80, v3, vm0, $0xb8;
	[tilespmem:$0x10080] =	vst v63  }
0x2d: {  	v3 =	vld [tilespmem:$0x10];
	_ =	sdelay $0x4  }
0x2e: {  	v4 =	vshll.u32 v3, $0x3  }
0x2f: {  	v3 =	vand.u32 $0x7, v3;
	v4 =	vand.u32 $0xFFFFFFC0, v4  }
0x30: {  	v3 =	vor.u32 v3, v4  }
0x31: {  	v4 =	vperm.xlane v3, v0;
	_ =	sdelay $0x1  }
0x32: {  	v4 =	vadd.s32 v1, v4;
	_ =	sdelay $0x3  }
0x33: {  	s24 =	simm.s32 $0x4080  }
0x34: {  	[tilespmem:s24], [sflag:$0x1] =	stream.indirect_vreg.gather [hbm4b:s3+s2], $0x80, v4, vm0, $0xb8;
	[tilespmem:$0x10080] =	vst v63  }
0x35: {  	s25 =	simm.s32 $0x4880;
	v3 =	vperm.xlane v3, v2  }
0x36: {  	[tilespmem:s25], [sflag:$0x1] =	stream.indirect_vreg.gather [hbm4b:s6+s2], $0x80, v4, vm0, $0xb8;
	[tilespmem:$0x10080] =	vst v63  }
0x37: {  	v3 =	vadd.s32 v1, v3  }
0x38: {  	[tilespmem:s26], [sflag:$0x1] =	stream.indirect_vreg.gather [hbm4b:s7+s2], $0x80, v4, vm0, $0xb8;
	[tilespmem:$0x10080] =	vst v63  }
0x39: {  	_ = 	snop  }
0x3a: {  	[tilespmem:s28], [sflag:$0x1] =	stream.indirect_vreg.gather [hbm4b:s8+s2], $0x80, v4, vm0, $0xb8;
	[tilespmem:$0x10080] =	vst v63  }
0x3b: {  	_ = 	snop  }
0x3c: {  	[tilespmem:s29], [sflag:$0x1] =	stream.indirect_vreg.gather [hbm4b:s3+s2], $0x80, v3, vm0, $0xb8;
	[tilespmem:$0x10080] =	vst v63  }
0x3d: {  	_ = 	snop  }
0x3e: {  	[tilespmem:s30], [sflag:$0x1] =	stream.indirect_vreg.gather [hbm4b:s6+s2], $0x80, v3, vm0, $0xb8;
	[tilespmem:$0x10080] =	vst v63  }
0x3f: {  	_ = 	snop  }
0x40: {  	[tilespmem:s31], [sflag:$0x1] =	stream.indirect_vreg.gather [hbm4b:s7+s2], $0x80, v3, vm0, $0xb8;
	[tilespmem:$0x10080] =	vst v63  }
0x41: {  	_ = 	snop  }
0x42: {  	[tilespmem:s0], [sflag:$0x1] =	stream.indirect_vreg.gather [hbm4b:s8+s2], $0x80, v3, vm0, $0xb8;
	[tilespmem:$0x10080] =	vst v63  }
0x43: {  	_ =	swait.ge [sflag:s1], $0x8000  }
0x44: {  	[sflag:s1] =	ssyncset.done $0x0  }
0x45: {  	[sflag:s1] =	ssyncadd.s32 $0xFFFF8000  }
0x46: {  	s18 =	simm.s32 $0x0;
	_ =	swait.ge [sflag:s15], $0x8000  }
0x47: {  	s18 =	sand.u32 $0x6000, s18;
	s19 =	sand.u32 $0x380, s2;
	[sflag:s15] =	ssyncset.done $0x0  }
0x48: {  	s18 =	sor.u32 s19, s18;
	[sflag:s15] =	ssyncadd.s32 $0xFFFF8000  }
0x49: {  	v3 =	vld [tilespmem:s18+$0x80]  }
0x4a: {  	v4 =	vld [tilespmem:s18+$0x8080]  }
0x4b: {  	v5 =	vld [tilespmem:s18+$0x90]  }
0x4c: {  	v6 =	vld [tilespmem:s18+$0x8090]  }
0x4d: {  	v7 =	vld [tilespmem:s18+$0xA0]  }
0x4e: {  	v8 =	vld [tilespmem:s18+$0x80A0]  }
0x4f: {  	v9 =	vld [tilespmem:s18+$0xB0]  }
0x50: {  	v10 =	vld [tilespmem:s18+$0x80B0]  }
0x51: {  	v11 =	vld [tilespmem:s18+$0xC0]  }
0x52: {  	v12 =	vld [tilespmem:s18+$0x80C0]  }
0x53: {  	v13 =	vld [tilespmem:s18+$0xD0]  }
0x54: {  	v14 =	vld [tilespmem:s18+$0x80D0]  }
0x55: {  	v15 =	vld [tilespmem:s18+$0xE0]  }
0x56: {  	v16 =	vld [tilespmem:s18+$0x80E0]  }
0x57: {  	v17 =	vld [tilespmem:s18+$0xF0]  }
0x58: {  	v18 =	vld [tilespmem:s18+$0x80F0]  }
0x59: {  	v19 =	vld [tilespmem:s18+$0x480]  }
0x5a: {  	v20 =	vld [tilespmem:s18+$0x8480]  }
0x5b: {  	v21 =	vld [tilespmem:s18+$0x490]  }
0x5c: {  	v22 =	vld [tilespmem:s18+$0x8490]  }
0x5d: {  	v23 =	vld [tilespmem:s18+$0x4A0]  }
0x5e: {  	v24 =	vld [tilespmem:s18+$0x84A0]  }
0x5f: {  	v25 =	vld [tilespmem:s18+$0x4B0]  }
0x60: {  	v26 =	vld [tilespmem:s18+$0x84B0]  }
0x61: {  	v27 =	vld [tilespmem:s18+$0x4C0]  }
0x62: {  	v28 =	vld [tilespmem:s18+$0x84C0]  }
0x63: {  	v29 =	vld [tilespmem:s18+$0x4D0]  }
0x64: {  	v30 =	vld [tilespmem:s18+$0x84D0]  }
0x65: {  	v31 =	vld [tilespmem:s18+$0x4E0]  }
0x66: {  	v32 =	vld [tilespmem:s18+$0x84E0]  }
0x67: {  	v33 =	vld [tilespmem:s18+$0x4F0]  }
0x68: {  	v34 =	vld [tilespmem:s18+$0x84F0]  }
0x69: {  	v35 =	vld [tilespmem:s18+$0x880]  }
0x6a: {  	v36 =	vld [tilespmem:s18+$0x8880]  }
0x6b: {  	v37 =	vld [tilespmem:s18+$0x890]  }
0x6c: {  	v38 =	vld [tilespmem:s18+$0x8890]  }
0x6d: {  	v39 =	vld [tilespmem:s18+$0x8A0]  }
0x6e: {  	v40 =	vld [tilespmem:s18+$0x88A0]  }
0x6f: {  	v41 =	vld [tilespmem:s18+$0x8B0]  }
0x70: {  	v42 =	vld [tilespmem:s18+$0x88B0]  }
0x71: {  	v43 =	vld [tilespmem:s18+$0x8C0]  }
0x72: {  	v44 =	vld [tilespmem:s18+$0x88C0]  }
0x73: {  	v45 =	vld [tilespmem:s18+$0x8D0]  }
0x74: {  	v46 =	vld [tilespmem:s18+$0x88D0]  }
0x75: {  	v47 =	vld [tilespmem:s18+$0x8E0]  }
0x76: {  	v48 =	vld [tilespmem:s18+$0x88E0]  }
0x77: {  	v49 =	vld [tilespmem:s18+$0x8F0]  }
0x78: {  	v50 =	vld [tilespmem:s18+$0x88F0]  }
0x79: {  	v51 =	vld [tilespmem:s18+$0xC80]  }
0x7a: {  	v52 =	vld [tilespmem:s18+$0x8C80]  }
0x7b: {  	v53 =	vld [tilespmem:s18+$0xC90]  }
0x7c: {  	v54 =	vld [tilespmem:s18+$0x8C90]  }
0x7d: {  	v55 =	vld [tilespmem:s18+$0xCA0]  }
0x7e: {  	v56 =	vld [tilespmem:s18+$0x8CA0]  }
0x7f: {  	v57 =	vld [tilespmem:s18+$0xCB0]  }
0x80: {  	v58 =	vld [tilespmem:s18+$0x8CB0]  }
0x81: {  	v59 =	vld [tilespmem:s18+$0xCC0]  }
0x82: {  	v60 =	vld [tilespmem:s18+$0x8CC0]  }
0x83: {  	v61 =	vld [tilespmem:s18+$0xCD0]  }
0x84: {  	v62 =	vld [tilespmem:s18+$0x8CD0]  }
0x85: {  	v63 =	vld [tilespmem:s18+$0xCE0]  }
0x86: {  	v0 =	vld [tilespmem:s18+$0xCF0];
	v3 =	vadd.f32 v4, v3  }
0x87: {  	v4 =	vld [tilespmem:s18+$0x8CE0];
	v5 =	vadd.f32 v6, v5  }
0x88: {  	v6 =	vadd.f32 v8, v7;
	v7 =	vadd.f32 v10, v9;
	v9 =	vld [tilespmem:s18+$0x10A0];
	[tilespmem:s18+$0x80] =	vst v3  }
0x89: {  	v10 =	vld [tilespmem:s18+$0x90A0];
	[tilespmem:s18+$0x90] =	vst v5  }
0x8a: {  	v8 =	vadd.f32 v12, v11;
	v11 =	vld [tilespmem:s18+$0x10B0];
	[tilespmem:s18+$0xA0] =	vst v6  }
0x8b: {  	v14 =	vadd.f32 v14, v13;
	v12 =	vld [tilespmem:s18+$0x90B0];
	[tilespmem:s18+$0xB0] =	vst v7  }
0x8c: {  	v16 =	vadd.f32 v16, v15;
	v13 =	vld [tilespmem:s18+$0x10C0];
	[tilespmem:s18+$0xC0] =	vst v8  }
0x8d: {  	v18 =	vadd.f32 v18, v17;
	v19 =	vadd.f32 v20, v19;
	v15 =	vld [tilespmem:s18+$0x10D0];
	[tilespmem:s18+$0xD0] =	vst v14  }
0x8e: {  	v20 =	vadd.f32 v22, v21;
	v21 =	vadd.f32 v24, v23;
	v17 =	vld [tilespmem:s18+$0x10E0];
	[tilespmem:s18+$0xE0] =	vst v16  }
0x8f: {  	v23 =	vadd.f32 v28, v27;
	v27 =	vadd.f32 v36, v35;
	v36 =	vld [tilespmem:s18+$0x14B0];
	[tilespmem:s18+$0xF0] =	vst v18  }
0x90: {  	v22 =	vadd.f32 v26, v25;
	v28 =	vadd.f32 v38, v37;
	v38 =	vld [tilespmem:s18+$0x94B0];
	[tilespmem:s18+$0x480] =	vst v19  }
0x91: {  	v24 =	vadd.f32 v30, v29;
	v29 =	vadd.f32 v40, v39;
	v40 =	vld [tilespmem:s18+$0x14C0];
	[tilespmem:s18+$0x490] =	vst v20  }
0x92: {  	v30 =	vadd.f32 v42, v41;
	v42 =	vld [tilespmem:s18+$0x94C0];
	[tilespmem:s18+$0x4A0] =	vst v21  }
0x93: {  	v25 =	vadd.f32 v32, v31;
	v31 =	vadd.f32 v44, v43;
	v44 =	vld [tilespmem:s18+$0x14D0];
	[tilespmem:s18+$0x4B0] =	vst v22  }
0x94: {  	v32 =	vadd.f32 v46, v45;
	v46 =	vld [tilespmem:s18+$0x94D0];
	[tilespmem:s18+$0x4C0] =	vst v23  }
0x95: {  	v26 =	vadd.f32 v34, v33;
	v33 =	vadd.f32 v48, v47;
	v47 =	vld [tilespmem:s18+$0x14E0];
	[tilespmem:s18+$0x4D0] =	vst v24  }
0x96: {  	v34 =	vadd.f32 v50, v49;
	v49 =	vld [tilespmem:s18+$0x9890];
	[tilespmem:s18+$0x4E0] =	vst v25  }
0x97: {  	v50 =	vld [tilespmem:s18+$0x18A0];
	[tilespmem:s18+$0x4F0] =	vst v26  }
0x98: {  	v35 =	vadd.f32 v52, v51;
	v52 =	vld [tilespmem:s18+$0x98A0];
	[tilespmem:s18+$0x880] =	vst v27  }
0x99: {  	v37 =	vadd.f32 v54, v53;
	v53 =	vld [tilespmem:s18+$0x18B0];
	[tilespmem:s18+$0x890] =	vst v28  }
0x9a: {  	v39 =	vadd.f32 v56, v55;
	v55 =	vld [tilespmem:s18+$0x98B0];
	[tilespmem:s18+$0x8A0] =	vst v29  }
0x9b: {  	v41 =	vadd.f32 v58, v57;
	v58 =	vld [tilespmem:s18+$0x18D0];
	[tilespmem:s18+$0x8B0] =	vst v30  }
0x9c: {  	v43 =	vadd.f32 v60, v59;
	v60 =	vld [tilespmem:s18+$0x98D0];
	[tilespmem:s18+$0x8C0] =	vst v31  }
0x9d: {  	v3 =	vld [tilespmem:s18+$0x8CF0];
	[tilespmem:s18+$0x8D0] =	vst v32  }
0x9e: {  	v5 =	vld [tilespmem:s18+$0x1080];
	[tilespmem:s18+$0x8E0] =	vst v33  }
0x9f: {  	v6 =	vld [tilespmem:s18+$0x9080];
	[tilespmem:s18+$0x8F0] =	vst v34  }
0xa0: {  	v7 =	vld [tilespmem:s18+$0x1090];
	[tilespmem:s18+$0xC80] =	vst v35  }
0xa1: {  	v8 =	vld [tilespmem:s18+$0x9090];
	[tilespmem:s18+$0xC90] =	vst v37  }
0xa2: {  	v14 =	vld [tilespmem:s18+$0x90C0];
	[tilespmem:s18+$0xCA0] =	vst v39  }
0xa3: {  	v45 =	vadd.f32 v62, v61;
	v16 =	vld [tilespmem:s18+$0x90D0];
	[tilespmem:s18+$0xCB0] =	vst v41  }
0xa4: {  	v18 =	vld [tilespmem:s18+$0x90E0];
	[tilespmem:s18+$0xCC0] =	vst v43;
	v4 =	vadd.f32 v4, v63  }
0xa5: {  	v19 =	vld [tilespmem:s18+$0x10F0];
	[tilespmem:s18+$0xCD0] =	vst v45;
	v57 =	vadd.f32 v38, v36  }
0xa6: {  	v20 =	vld [tilespmem:s18+$0x90F0];
	v59 =	vadd.f32 v42, v40;
	[tilespmem:s18+$0xCE0] =	vst v4  }
0xa7: {  	v21 =	vld [tilespmem:s18+$0x1480];
	v61 =	vadd.f32 v46, v44;
	[tilespmem:s18+$0x14B0] =	vst v57  }
0xa8: {  	v23 =	vld [tilespmem:s18+$0x1490];
	v0 =	vadd.f32 v3, v0;
	[tilespmem:s18+$0x14C0] =	vst v59  }
0xa9: {  	v24 =	vld [tilespmem:s18+$0x9490];
	v3 =	vadd.f32 v6, v5;
	[tilespmem:s18+$0x14D0] =	vst v61  }
0xaa: {  	v25 =	vld [tilespmem:s18+$0x14A0];
	v5 =	vadd.f32 v8, v7;
	[tilespmem:s18+$0xCF0] =	vst v0  }
0xab: {  	v26 =	vld [tilespmem:s18+$0x94A0];
	v7 =	vadd.f32 v12, v11;
	[tilespmem:s18+$0x1080] =	vst v3  }
0xac: {  	v4 =	vld [tilespmem:s18+$0x94E0];
	v48 =	vadd.f32 v16, v15;
	[tilespmem:s18+$0x1090] =	vst v5  }
0xad: {  	v6 =	vld [tilespmem:s18+$0x94F0];
	v51 =	vadd.f32 v20, v19;
	[tilespmem:s18+$0x10B0] =	vst v7  }
0xae: {  	v8 =	vld [tilespmem:s18+$0x9880];
	v54 =	vadd.f32 v24, v23;
	[tilespmem:s18+$0x10D0] =	vst v48  }
0xaf: {  	v0 =	vld [tilespmem:s18+$0x14F0];
	v3 =	vadd.f32 v10, v9;
	[tilespmem:s18+$0x10F0] =	vst v51  }
0xb0: {  	v56 =	vadd.f32 v26, v25;
	v5 =	vld [tilespmem:s18+$0x1880];
	[tilespmem:s18+$0x1490] =	vst v54  }
0xb1: {  	v22 =	vld [tilespmem:s18+$0x9480];
	[tilespmem:s18+$0x10A0] =	vst v3;
	v3 =	vadd.f32 v14, v13  }
0xb2: {  	v7 =	vld [tilespmem:s18+$0x1890];
	[tilespmem:s18+$0x14A0] =	vst v56;
	v4 =	vadd.f32 v4, v47  }
0xb3: {  	v62 =	vld [tilespmem:s18+$0x18E0];
	[tilespmem:s18+$0x10C0] =	vst v3;
	v3 =	vadd.f32 v18, v17  }
0xb4: {  	v63 =	vld [tilespmem:s18+$0x98E0];
	v0 =	vadd.f32 v6, v0;
	[tilespmem:s18+$0x14E0] =	vst v4  }
0xb5: {  	v6 =	vld [tilespmem:s18+$0x18F0];
	v4 =	vadd.f32 v8, v5;
	[tilespmem:s18+$0x10E0] =	vst v3  }
0xb6: {  	v3 =	vadd.f32 v22, v21;
	[tilespmem:s18+$0x14F0] =	vst v0;
	v0 =	vld [tilespmem:s18+$0x98F0]  }
0xb7: {  	v5 =	vadd.f32 v49, v7;
	[tilespmem:s18+$0x1880] =	vst v4;
	v4 =	vld [tilespmem:s18+$0x98C0]  }
0xb8: {  	v7 =	vadd.f32 v52, v50;
	[tilespmem:s18+$0x1480] =	vst v3;
	v3 =	vld [tilespmem:s18+$0x18C0]  }
0xb9: {  	[tilespmem:s18+$0x1890] =	vst v5;
	v5 =	vadd.f32 v55, v53  }
0xba: {  	[tilespmem:s18+$0x18A0] =	vst v7;
	v7 =	vadd.f32 v60, v58  }
0xbb: {  	s19 =	simm.s32 $0xFFFF8000;
	s20 =	sand.u32 $0x7, s2;
	s21 =	simm.s32 $0x80;
	[tilespmem:s18+$0x18B0] =	vst v5;
	v5 =	vadd.f32 v63, v62  }
0xbc: {  	s22 =	simm.s32 $0x0;
	s23 =	sshll.u32 s20, $0x7;
	s20 =	simm.s32 $0x0;
	[tilespmem:s18+$0x18D0] =	vst v7;
	v6 =	vadd.f32 v0, v6  }
.LBB2_2:
0xbd: {  	p0 =	sne.s32 s21, $0xF80;
	s23 =	sadd.s32 s23, s20;
	v0 =	vadd.f32 v4, v3;
	[tilespmem:s18+$0x18E0] =	vst v5;
	s19 =	sadd.s32 $0x400, s19  }
0xbe: {  	s4 =	sadd.s32 $0x8000, s19;
	[tilespmem:s18+$0x18F0] =	vst v6;
	s24 =	sor.u32 $0x1C00, s23  }
0xbf: {  	s25 =	sand.u32 $0x380, s21;
	s4 =	sand.u32 $0x6000, s4;
	[tilespmem:s18+$0x18C0] =	vst v0;
	v0 =	vld [tilespmem:s24+$0x80]  }
0xc0: {  	s18 =	sor.u32 s25, s4;
	v7 =	vld [tilespmem:s24+$0x8080]  }
0xc1: {  	v3 =	vld [tilespmem:s18+$0x80]  }
0xc2: {  	v6 =	vld [tilespmem:s18+$0x8080]  }
0xc3: {  	v4 =	vld [tilespmem:s18+$0x90]  }
0xc4: {  	v8 =	vld [tilespmem:s18+$0x8090]  }
0xc5: {  	v5 =	vld [tilespmem:s18+$0xA0];
	v0 =	vadd.f32 v7, v0  }
0xc6: {  	v9 =	vld [tilespmem:s18+$0x80A0]  }
0xc7: {  	s4 =	sor.u32 $0x1C10, s23;
	v7 =	vld [tilespmem:s18+$0xB0];
	[tilespmem:s24+$0x80] =	vst v0  }
0xc8: {  	v0 =	vld [tilespmem:s4+$0x80]  }
0xc9: {  	v12 =	vld [tilespmem:s4+$0x8080]  }
0xca: {  	v13 =	vld [tilespmem:s18+$0x80B0]  }
0xcb: {  	v10 =	vld [tilespmem:s18+$0xC0]  }
0xcc: {  	v14 =	vld [tilespmem:s18+$0x80C0]  }
0xcd: {  	v11 =	vld [tilespmem:s18+$0xD0]  }
0xce: {  	v15 =	vld [tilespmem:s18+$0x80D0];
	v0 =	vadd.f32 v12, v0  }
0xcf: {  	v12 =	vld [tilespmem:s18+$0xE0]  }
0xd0: {  	v16 =	vld [tilespmem:s18+$0x80E0];
	[tilespmem:s4+$0x80] =	vst v0;
	s4 =	sor.u32 $0x1C20, s23  }
0xd1: {  	v0 =	vld [tilespmem:s4+$0x80]  }
0xd2: {  	v20 =	vld [tilespmem:s4+$0x8080]  }
0xd3: {  	v17 =	vld [tilespmem:s18+$0xF0]  }
0xd4: {  	v21 =	vld [tilespmem:s18+$0x80F0]  }
0xd5: {  	v18 =	vld [tilespmem:s18+$0x480]  }
0xd6: {  	v22 =	vld [tilespmem:s18+$0x8480]  }
0xd7: {  	v19 =	vld [tilespmem:s18+$0x490];
	v0 =	vadd.f32 v20, v0  }
0xd8: {  	v23 =	vld [tilespmem:s18+$0x8490]  }
0xd9: {  	v20 =	vld [tilespmem:s18+$0x4A0];
	[tilespmem:s4+$0x80] =	vst v0;
	s4 =	sor.u32 $0x1C30, s23  }
0xda: {  	v0 =	vld [tilespmem:s4+$0x80]  }
0xdb: {  	v26 =	vld [tilespmem:s4+$0x8080]  }
0xdc: {  	v27 =	vld [tilespmem:s18+$0x84A0]  }
0xdd: {  	v24 =	vld [tilespmem:s18+$0x4B0]  }
0xde: {  	v28 =	vld [tilespmem:s18+$0x84B0]  }
0xdf: {  	v25 =	vld [tilespmem:s18+$0x4C0]  }
0xe0: {  	v29 =	vld [tilespmem:s18+$0x84C0];
	v0 =	vadd.f32 v26, v0  }
0xe1: {  	v26 =	vld [tilespmem:s18+$0x4D0]  }
0xe2: {  	v30 =	vld [tilespmem:s18+$0x84D0];
	[tilespmem:s4+$0x80] =	vst v0;
	s4 =	sor.u32 $0x1C40, s23  }
0xe3: {  	v0 =	vld [tilespmem:s4+$0x80]  }
0xe4: {  	v34 =	vld [tilespmem:s4+$0x8080]  }
0xe5: {  	v31 =	vld [tilespmem:s18+$0x4E0]  }
0xe6: {  	v35 =	vld [tilespmem:s18+$0x84E0]  }
0xe7: {  	v32 =	vld [tilespmem:s18+$0x4F0]  }
0xe8: {  	v36 =	vld [tilespmem:s18+$0x84F0]  }
0xe9: {  	v33 =	vld [tilespmem:s18+$0x880];
	v0 =	vadd.f32 v34, v0  }
0xea: {  	v37 =	vld [tilespmem:s18+$0x8880]  }
0xeb: {  	v34 =	vld [tilespmem:s18+$0x890];
	[tilespmem:s4+$0x80] =	vst v0;
	s4 =	sor.u32 $0x1C50, s23  }
0xec: {  	v0 =	vld [tilespmem:s4+$0x80]  }
0xed: {  	v40 =	vld [tilespmem:s4+$0x8080]  }
0xee: {  	v41 =	vld [tilespmem:s18+$0x8890]  }
0xef: {  	v38 =	vld [tilespmem:s18+$0x8A0]  }
0xf0: {  	v42 =	vld [tilespmem:s18+$0x88A0]  }
0xf1: {  	v39 =	vld [tilespmem:s18+$0x8B0]  }
0xf2: {  	v43 =	vld [tilespmem:s18+$0x88B0];
	v0 =	vadd.f32 v40, v0  }
0xf3: {  	v40 =	vld [tilespmem:s18+$0x8C0]  }
0xf4: {  	v44 =	vld [tilespmem:s18+$0x88C0];
	[tilespmem:s4+$0x80] =	vst v0;
	s4 =	sor.u32 $0x1C60, s23  }
0xf5: {  	v0 =	vld [tilespmem:s4+$0x80]  }
0xf6: {  	v48 =	vld [tilespmem:s4+$0x8080]  }
0xf7: {  	v45 =	vld [tilespmem:s18+$0x8D0]  }
0xf8: {  	v49 =	vld [tilespmem:s18+$0x88D0]  }
0xf9: {  	v46 =	vld [tilespmem:s18+$0x8E0]  }
0xfa: {  	v50 =	vld [tilespmem:s18+$0x88E0]  }
0xfb: {  	v47 =	vld [tilespmem:s18+$0x8F0];
	v0 =	vadd.f32 v48, v0  }
0xfc: {  	v51 =	vld [tilespmem:s18+$0x88F0]  }
0xfd: {  	v48 =	vld [tilespmem:s18+$0xC80];
	[tilespmem:s4+$0x80] =	vst v0;
	s4 =	sor.u32 $0x1C70, s23  }
0xfe: {  	v0 =	vld [tilespmem:s4+$0x80]  }
0xff: {  	v52 =	vld [tilespmem:s4+$0x8080]  }
0x100: {  	v53 =	vld [tilespmem:s18+$0x8C80]  }
0x101: {  	v54 =	vld [tilespmem:s18+$0xC90]  }
0x102: {  	v55 =	vld [tilespmem:s18+$0x8C90]  }
0x103: {  	v56 =	vld [tilespmem:s18+$0xCA0]  }
0x104: {  	v57 =	vld [tilespmem:s18+$0x8CA0];
	v0 =	vadd.f32 v52, v0  }
0x105: {  	v52 =	vld [tilespmem:s18+$0xCB0]  }
0x106: {  	v58 =	vld [tilespmem:s18+$0x8CB0];
	[tilespmem:s4+$0x80] =	vst v0  }
0x107: {  	v0 =	vld [tilespmem:s18+$0xCC0]  }
0x108: {  	v59 =	vld [tilespmem:s18+$0x8CC0]  }
0x109: {  	v60 =	vld [tilespmem:s18+$0xCD0]  }
0x10a: {  	v61 =	vld [tilespmem:s18+$0x8CD0]  }
0x10b: {  	v62 =	vld [tilespmem:s18+$0xCE0]  }
0x10c: {  	v3 =	vadd.f32 v6, v3;
	v6 =	vld [tilespmem:s18+$0x8CE0]  }
0x10d: {  	v4 =	vadd.f32 v8, v4;
	v8 =	vld [tilespmem:s18+$0xCF0]  }
0x10e: {  	[tilespmem:s18+$0x80] =	vst v3;
	v3 =	vadd.f32 v9, v5;
	v5 =	vld [tilespmem:s18+$0x8CF0]  }
0x10f: {  	[tilespmem:s18+$0x90] =	vst v4;
	v4 =	vadd.f32 v13, v7;
	v7 =	vld [tilespmem:s18+$0x1080]  }
0x110: {  	[tilespmem:s18+$0xA0] =	vst v3;
	v3 =	vadd.f32 v14, v10;
	v9 =	vld [tilespmem:s18+$0x9080]  }
0x111: {  	[tilespmem:s18+$0xB0] =	vst v4;
	v4 =	vadd.f32 v15, v11;
	v10 =	vld [tilespmem:s18+$0x1090]  }
0x112: {  	[tilespmem:s18+$0xC0] =	vst v3;
	v3 =	vadd.f32 v16, v12;
	v11 =	vld [tilespmem:s18+$0x9090]  }
0x113: {  	[tilespmem:s18+$0xD0] =	vst v4;
	v4 =	vadd.f32 v21, v17;
	v12 =	vld [tilespmem:s18+$0x10A0]  }
0x114: {  	[tilespmem:s18+$0xE0] =	vst v3;
	v3 =	vadd.f32 v22, v18;
	v13 =	vld [tilespmem:s18+$0x90A0]  }
0x115: {  	[tilespmem:s18+$0xF0] =	vst v4;
	v4 =	vadd.f32 v23, v19;
	v14 =	vld [tilespmem:s18+$0x10B0]  }
0x116: {  	[tilespmem:s18+$0x480] =	vst v3;
	v3 =	vadd.f32 v27, v20;
	v15 =	vld [tilespmem:s18+$0x90B0]  }
0x117: {  	[tilespmem:s18+$0x490] =	vst v4;
	v4 =	vadd.f32 v28, v24;
	v16 =	vld [tilespmem:s18+$0x10C0]  }
0x118: {  	[tilespmem:s18+$0x4A0] =	vst v3;
	v3 =	vadd.f32 v29, v25;
	v17 =	vld [tilespmem:s18+$0x90C0]  }
0x119: {  	[tilespmem:s18+$0x4B0] =	vst v4;
	v4 =	vadd.f32 v30, v26;
	v18 =	vld [tilespmem:s18+$0x10D0]  }
0x11a: {  	[tilespmem:s18+$0x4C0] =	vst v3;
	v3 =	vadd.f32 v35, v31;
	v19 =	vld [tilespmem:s18+$0x90D0]  }
0x11b: {  	[tilespmem:s18+$0x4D0] =	vst v4;
	v4 =	vadd.f32 v36, v32;
	v20 =	vld [tilespmem:s18+$0x10E0]  }
0x11c: {  	[tilespmem:s18+$0x4E0] =	vst v3;
	v3 =	vadd.f32 v37, v33;
	v21 =	vld [tilespmem:s18+$0x90E0]  }
0x11d: {  	[tilespmem:s18+$0x4F0] =	vst v4;
	v4 =	vadd.f32 v41, v34;
	v22 =	vld [tilespmem:s18+$0x10F0]  }
0x11e: {  	[tilespmem:s18+$0x880] =	vst v3;
	v3 =	vadd.f32 v42, v38;
	v23 =	vld [tilespmem:s18+$0x90F0]  }
0x11f: {  	[tilespmem:s18+$0x890] =	vst v4;
	v4 =	vadd.f32 v43, v39;
	v24 =	vld [tilespmem:s18+$0x1480]  }
0x120: {  	[tilespmem:s18+$0x8A0] =	vst v3;
	v3 =	vadd.f32 v44, v40;
	v25 =	vld [tilespmem:s18+$0x9480]  }
0x121: {  	[tilespmem:s18+$0x8B0] =	vst v4;
	v4 =	vadd.f32 v49, v45;
	v26 =	vld [tilespmem:s18+$0x1490]  }
0x122: {  	[tilespmem:s18+$0x8C0] =	vst v3;
	v3 =	vadd.f32 v50, v46;
	v27 =	vld [tilespmem:s18+$0x9490]  }
0x123: {  	[tilespmem:s18+$0x8D0] =	vst v4;
	v4 =	vadd.f32 v51, v47;
	v28 =	vld [tilespmem:s18+$0x14A0]  }
0x124: {  	[tilespmem:s18+$0x8E0] =	vst v3;
	v3 =	vadd.f32 v53, v48;
	v29 =	vld [tilespmem:s18+$0x94A0]  }
0x125: {  	[tilespmem:s18+$0x8F0] =	vst v4;
	v4 =	vadd.f32 v55, v54;
	v30 =	vld [tilespmem:s18+$0x14B0]  }
0x126: {  	[tilespmem:s18+$0xC80] =	vst v3;
	v3 =	vadd.f32 v57, v56;
	v31 =	vld [tilespmem:s18+$0x94B0]  }
0x127: {  	[tilespmem:s18+$0xC90] =	vst v4;
	v4 =	vadd.f32 v58, v52;
	v32 =	vld [tilespmem:s18+$0x14C0]  }
0x128: {  	v0 =	vadd.f32 v59, v0;
	[tilespmem:s18+$0xCA0] =	vst v3;
	v33 =	vld [tilespmem:s18+$0x94C0]  }
0x129: {  	v3 =	vadd.f32 v61, v60;
	[tilespmem:s18+$0xCB0] =	vst v4;
	v4 =	vld [tilespmem:s18+$0x14D0]  }
0x12a: {  	[tilespmem:s18+$0xCC0] =	vst v0;
	v0 =	vadd.f32 v6, v62;
	v6 =	vld [tilespmem:s18+$0x94D0]  }
0x12b: {  	[tilespmem:s18+$0xCD0] =	vst v3;
	v3 =	vadd.f32 v5, v8;
	v5 =	vld [tilespmem:s18+$0x14E0]  }
0x12c: {  	[tilespmem:s18+$0xCE0] =	vst v0;
	v0 =	vadd.f32 v9, v7;
	v7 =	vld [tilespmem:s18+$0x94E0]  }
0x12d: {  	[tilespmem:s18+$0xCF0] =	vst v3;
	v3 =	vadd.f32 v11, v10;
	v8 =	vld [tilespmem:s18+$0x14F0]  }
0x12e: {  	[tilespmem:s18+$0x1080] =	vst v0;
	v0 =	vadd.f32 v13, v12;
	v9 =	vld [tilespmem:s18+$0x94F0]  }
0x12f: {  	[tilespmem:s18+$0x1090] =	vst v3;
	v3 =	vadd.f32 v15, v14;
	v10 =	vld [tilespmem:s18+$0x1880]  }
0x130: {  	[tilespmem:s18+$0x10A0] =	vst v0;
	v0 =	vadd.f32 v17, v16;
	v11 =	vld [tilespmem:s18+$0x9880]  }
0x131: {  	[tilespmem:s18+$0x10B0] =	vst v3;
	v3 =	vadd.f32 v19, v18;
	v12 =	vld [tilespmem:s18+$0x1890]  }
0x132: {  	[tilespmem:s18+$0x10C0] =	vst v0;
	v0 =	vadd.f32 v21, v20;
	v13 =	vld [tilespmem:s18+$0x9890]  }
0x133: {  	[tilespmem:s18+$0x10D0] =	vst v3;
	v3 =	vadd.f32 v23, v22;
	v14 =	vld [tilespmem:s18+$0x18A0]  }
0x134: {  	[tilespmem:s18+$0x10E0] =	vst v0;
	v0 =	vadd.f32 v25, v24;
	v15 =	vld [tilespmem:s18+$0x98A0]  }
0x135: {  	[tilespmem:s18+$0x10F0] =	vst v3;
	v3 =	vadd.f32 v27, v26;
	v16 =	vld [tilespmem:s18+$0x18B0]  }
0x136: {  	[tilespmem:s18+$0x1480] =	vst v0;
	v0 =	vadd.f32 v29, v28;
	v17 =	vld [tilespmem:s18+$0x98B0]  }
0x137: {  	v18 =	vadd.f32 v31, v30;
	[tilespmem:s18+$0x1490] =	vst v3;
	v3 =	vld [tilespmem:s18+$0x18C0]  }
0x138: {  	[tilespmem:s18+$0x14A0] =	vst v0;
	v0 =	vadd.f32 v33, v32;
	v19 =	vld [tilespmem:s18+$0x18D0]  }
0x139: {  	v4 =	vadd.f32 v6, v4;
	[tilespmem:s18+$0x14B0] =	vst v18;
	v6 =	vld [tilespmem:s18+$0x98D0]  }
0x13a: {  	[tilespmem:s18+$0x14C0] =	vst v0;
	v0 =	vadd.f32 v7, v5;
	v5 =	vld [tilespmem:s18+$0x18E0]  }
0x13b: {  	[tilespmem:s18+$0x14D0] =	vst v4;
	v4 =	vadd.f32 v9, v8;
	v7 =	vld [tilespmem:s18+$0x98E0]  }
0x13c: {  	[tilespmem:s18+$0x14E0] =	vst v0;
	v0 =	vadd.f32 v11, v10;
	v8 =	vld [tilespmem:s18+$0x18F0]  }
0x13d: {  	v9 =	vadd.f32 v13, v12;
	[tilespmem:s18+$0x14F0] =	vst v4;
	v10 =	vld [tilespmem:s18+$0x98F0]  }
.Ltmp0:
0x13e: {  	[tilespmem:s18+$0x1880] =	vst v0;
	v0 =	vadd.f32 v15, v14;
	v4 =	vld [tilespmem:s18+$0x98C0];
	(pc) =	sbr.rel @p0 .LBB2_2-.Ltmp0, $4  }
0x13f: {  	[tilespmem:s18+$0x1890] =	vst v9;
	v9 =	vadd.f32 v17, v16  }
0x140: {  	s22 =	sadd.s32 $0x1, s22;
	[tilespmem:s18+$0x18A0] =	vst v0;
	v0 =	vadd.f32 v6, v19  }
0x141: {  	s4 =	sand.u32 $0x7, s22;
	v5 =	vadd.f32 v7, v5;
	[tilespmem:s18+$0x18B0] =	vst v9  }
0x142: {  	s21 =	sadd.s32 $0x80, s21;
	s20 =	sadd.s32 $0x400, s20;
	s23 =	sshll.u32 s4, $0x7;
	[tilespmem:s18+$0x18D0] =	vst v0;
	v6 =	vadd.f32 v10, v8  }
0x143: {  	v0 =	vadd.f32 v4, v3;
	[tilespmem:s18+$0x18E0] =	vst v5  }
0x144: {  	s4 =	sadd.s32 s23, s20;
	[tilespmem:s18+$0x18F0] =	vst v6  }
0x145: {  	s19 =	sor.u32 $0x1C00, s4;
	[tilespmem:s18+$0x18C0] =	vst v0  }
0x146: {  	v0 =	vld [tilespmem:s19+$0x80]  }
0x147: {  	v3 =	vld [tilespmem:s19+$0x8080];
	_ =	sdelay $0x4  }
0x148: {  	v0 =	vadd.f32 v3, v0;
	_ =	sdelay $0x1  }
0x149: {  	s21 =	sor.u32 $0x1C10, s4;
	[tilespmem:s19+$0x80] =	vst v0  }
0x14a: {  	v0 =	vld [tilespmem:s21+$0x80]  }
0x14b: {  	v3 =	vld [tilespmem:s21+$0x8080];
	_ =	sdelay $0x4  }
0x14c: {  	v0 =	vadd.f32 v3, v0;
	_ =	sdelay $0x1  }
0x14d: {  	s22 =	sor.u32 $0x1C20, s4;
	[tilespmem:s21+$0x80] =	vst v0  }
0x14e: {  	v0 =	vld [tilespmem:s22+$0x80]  }
0x14f: {  	v3 =	vld [tilespmem:s22+$0x8080];
	_ =	sdelay $0x4  }
0x150: {  	v0 =	vadd.f32 v3, v0;
	_ =	sdelay $0x1  }
0x151: {  	s23 =	sor.u32 $0x1C30, s4;
	[tilespmem:s22+$0x80] =	vst v0  }
0x152: {  	v0 =	vld [tilespmem:s23+$0x80]  }
0x153: {  	v3 =	vld [tilespmem:s23+$0x8080];
	_ =	sdelay $0x4  }
0x154: {  	v0 =	vadd.f32 v3, v0;
	_ =	sdelay $0x1  }
0x155: {  	s24 =	sor.u32 $0x1C40, s4;
	[tilespmem:s23+$0x80] =	vst v0  }
0x156: {  	v0 =	vld [tilespmem:s24+$0x80]  }
0x157: {  	v3 =	vld [tilespmem:s24+$0x8080];
	_ =	sdelay $0x4  }
0x158: {  	v0 =	vadd.f32 v3, v0;
	_ =	sdelay $0x1  }
0x159: {  	s25 =	sor.u32 $0x1C50, s4;
	[tilespmem:s24+$0x80] =	vst v0  }
0x15a: {  	v0 =	vld [tilespmem:s25+$0x80]  }
0x15b: {  	v3 =	vld [tilespmem:s25+$0x8080];
	_ =	sdelay $0x4  }
0x15c: {  	v0 =	vadd.f32 v3, v0;
	_ =	sdelay $0x1  }
0x15d: {  	s19 =	sor.u32 $0x1C60, s4;
	[tilespmem:s25+$0x80] =	vst v0  }
0x15e: {  	v0 =	vld [tilespmem:s19+$0x80]  }
0x15f: {  	v3 =	vld [tilespmem:s19+$0x8080];
	_ =	sdelay $0x4  }
0x160: {  	v0 =	vadd.f32 v3, v0;
	_ =	sdelay $0x1  }
0x161: {  	s4 =	sor.u32 $0x1C70, s4;
	[tilespmem:s19+$0x80] =	vst v0  }
0x162: {  	v0 =	vld [tilespmem:s4+$0x80]  }
0x163: {  	v3 =	vld [tilespmem:s4+$0x8080];
	_ =	sdelay $0x4  }
0x164: {  	v0 =	vadd.f32 v3, v0;
	_ =	sdelay $0x1  }
0x165: {  	s18 =	simm.s32 $0x0;
	[tilespmem:s4+$0x80] =	vst v0  }
0x166: {  	[hbm4b:s9+s18] =	stream.linear.scatter [tilespmem:s16], [sflag:$0x3], $0x8000, $0x38;
	[tilespmem:$0x10080] =	vst v63  }
0x167: {  	_ =	swait.ge [sflag:s14], $0x8000  }
0x168: {  	[sflag:s14] =	ssyncset.done $0x0  }
0x169: {  	[sflag:s14] =	ssyncadd.s32 $0xFFFF8000  }
0x16a: {  	[tilespmem:s18], [sflag:$0x3] =	stream.linear.gather [hbm4b:s10+s18], $0x20, $0x38;
	[tilespmem:$0x10080] =	vst v63  }
0x16b: {  	_ =	swait.ge [sflag:s14], $0x20  }
0x16c: {  	[sflag:s14] =	ssyncset.done $0x0  }
0x16d: {  	s20 =	simm.s32 $0x8080;
	[sflag:s14] =	ssyncadd.s32 $0xFFFFFFE0  }
0x16e: {  	[tilespmem:s20], [sflag:$0x2] =	stream.linear.gather [hbm4b:s11+s18], $0x8000, $0x38;
	[tilespmem:$0x10080] =	vst v63  }
0x16f: {  	v0 =	vld [tilespmem:$0x0];
	_ =	sdelay $0x2  }
0x170: {  	v4 =	vld [tilespmem:$0x1FFF0];
	_ =	sdelay $0x1  }
0x171: {  	v3 =	vshll.u32 v0, $0x3  }
0x172: {  	v0 =	vand.u32 $0x7, v0;
	v3 =	vand.u32 $0xFFFFFFC0, v3  }
0x173: {  	v0 =	vor.u32 v0, v3  }
0x174: {  	v3 =	vperm.xlane v0, v4;
	_ =	sdelay $0x1  }
0x175: {  	v3 =	vadd.s32 v1, v3;
	_ =	sdelay $0x4  }
0x176: {  	[tilespmem:s16], [sflag:$0x1] =	stream.indirect_vreg.gather [hbm4b:s3+s18], $0x80, v3, vm0, $0xb8;
	[tilespmem:$0x10080] =	vst v63  }
0x177: {  	s21 =	simm.s32 $0x880;
	v0 =	vperm.xlane v0, v2  }
0x178: {  	[tilespmem:s21], [sflag:$0x1] =	stream.indirect_vreg.gather [hbm4b:s6+s18], $0x80, v3, vm0, $0xb8;
	[tilespmem:$0x10080] =	vst v63  }
0x179: {  	s22 =	simm.s32 $0x1080;
	v0 =	vadd.s32 v1, v0  }
0x17a: {  	[tilespmem:s22], [sflag:$0x1] =	stream.indirect_vreg.gather [hbm4b:s7+s18], $0x80, v3, vm0, $0xb8;
	[tilespmem:$0x10080] =	vst v63  }
0x17b: {  	s23 =	simm.s32 $0x1880  }
0x17c: {  	[tilespmem:s23], [sflag:$0x1] =	stream.indirect_vreg.gather [hbm4b:s8+s18], $0x80, v3, vm0, $0xb8;
	[tilespmem:$0x10080] =	vst v63  }
0x17d: {  	s24 =	simm.s32 $0x2080  }
0x17e: {  	[tilespmem:s24], [sflag:$0x1] =	stream.indirect_vreg.gather [hbm4b:s3+s18], $0x80, v0, vm0, $0xb8;
	[tilespmem:$0x10080] =	vst v63  }
0x17f: {  	s25 =	simm.s32 $0x2880  }
0x180: {  	[tilespmem:s25], [sflag:$0x1] =	stream.indirect_vreg.gather [hbm4b:s6+s18], $0x80, v0, vm0, $0xb8;
	[tilespmem:$0x10080] =	vst v63  }
0x181: {  	s19 =	simm.s32 $0x3080  }
0x182: {  	[tilespmem:s19], [sflag:$0x1] =	stream.indirect_vreg.gather [hbm4b:s7+s18], $0x80, v0, vm0, $0xb8;
	[tilespmem:$0x10080] =	vst v63  }
0x183: {  	s20 =	simm.s32 $0x3880  }
0x184: {  	[tilespmem:s20], [sflag:$0x1] =	stream.indirect_vreg.gather [hbm4b:s8+s18], $0x80, v0, vm0, $0xb8;
	[tilespmem:$0x10080] =	vst v63  }
0x185: {  	v0 =	vld [tilespmem:$0x10];
	_ =	sdelay $0x4  }
0x186: {  	v3 =	vshll.u32 v0, $0x3  }
0x187: {  	v0 =	vand.u32 $0x7, v0;
	v3 =	vand.u32 $0xFFFFFFC0, v3  }
0x188: {  	v0 =	vor.u32 v0, v3  }
0x189: {  	v3 =	vperm.xlane v0, v4;
	_ =	sdelay $0x1  }
0x18a: {  	v3 =	vadd.s32 v1, v3;
	_ =	sdelay $0x3  }
0x18b: {  	s21 =	simm.s32 $0x4080  }
0x18c: {  	[tilespmem:s21], [sflag:$0x1] =	stream.indirect_vreg.gather [hbm4b:s3+s18], $0x80, v3, vm0, $0xb8;
	[tilespmem:$0x10080] =	vst v63  }
0x18d: {  	s22 =	simm.s32 $0x4880;
	v0 =	vperm.xlane v0, v2  }
0x18e: {  	[tilespmem:s22], [sflag:$0x1] =	stream.indirect_vreg.gather [hbm4b:s6+s18], $0x80, v3, vm0, $0xb8;
	[tilespmem:$0x10080] =	vst v63  }
0x18f: {  	v0 =	vadd.s32 v1, v0  }
0x190: {  	[tilespmem:s26], [sflag:$0x1] =	stream.indirect_vreg.gather [hbm4b:s7+s18], $0x80, v3, vm0, $0xb8;
	[tilespmem:$0x10080] =	vst v63  }
0x191: {  	_ = 	snop  }
0x192: {  	[tilespmem:s28], [sflag:$0x1] =	stream.indirect_vreg.gather [hbm4b:s8+s18], $0x80, v3, vm0, $0xb8;
	[tilespmem:$0x10080] =	vst v63  }
0x193: {  	_ = 	snop  }
0x194: {  	[tilespmem:s29], [sflag:$0x1] =	stream.indirect_vreg.gather [hbm4b:s3+s18], $0x80, v0, vm0, $0xb8;
	[tilespmem:$0x10080] =	vst v63  }
0x195: {  	_ = 	snop  }
0x196: {  	[tilespmem:s30], [sflag:$0x1] =	stream.indirect_vreg.gather [hbm4b:s6+s18], $0x80, v0, vm0, $0xb8;
	[tilespmem:$0x10080] =	vst v63  }
0x197: {  	_ = 	snop  }
0x198: {  	[tilespmem:s31], [sflag:$0x1] =	stream.indirect_vreg.gather [hbm4b:s7+s18], $0x80, v0, vm0, $0xb8;
	[tilespmem:$0x10080] =	vst v63  }
0x199: {  	_ = 	snop  }
0x19a: {  	[tilespmem:s0], [sflag:$0x1] =	stream.indirect_vreg.gather [hbm4b:s8+s18], $0x80, v0, vm0, $0xb8;
	[tilespmem:$0x10080] =	vst v63  }
0x19b: {  	_ =	swait.ge [sflag:s1], $0x8000  }
0x19c: {  	[sflag:s1] =	ssyncset.done $0x0  }
0x19d: {  	[sflag:s1] =	ssyncadd.s32 $0xFFFF8000  }
0x19e: {  	s23 =	simm.s32 $0x0;
	_ =	swait.ge [sflag:s15], $0x8000  }
0x19f: {  	s4 =	sand.u32 $0x6000, s23;
	s24 =	sand.u32 $0x380, s18;
	[sflag:s15] =	ssyncset.done $0x0  }
0x1a0: {  	s19 =	sor.u32 s24, s4;
	[sflag:s15] =	ssyncadd.s32 $0xFFFF8000  }
0x1a1: {  	v0 =	vld [tilespmem:s19+$0x80]  }
0x1a2: {  	v3 =	vld [tilespmem:s19+$0x8080]  }
0x1a3: {  	v4 =	vld [tilespmem:s19+$0x90]  }
0x1a4: {  	v5 =	vld [tilespmem:s19+$0x8090]  }
0x1a5: {  	v6 =	vld [tilespmem:s19+$0xA0]  }
0x1a6: {  	v7 =	vld [tilespmem:s19+$0x80A0]  }
0x1a7: {  	v8 =	vld [tilespmem:s19+$0xB0]  }
0x1a8: {  	v9 =	vld [tilespmem:s19+$0x80B0]  }
0x1a9: {  	v10 =	vld [tilespmem:s19+$0xC0]  }
0x1aa: {  	v11 =	vld [tilespmem:s19+$0x80C0]  }
0x1ab: {  	v12 =	vld [tilespmem:s19+$0xD0]  }
0x1ac: {  	v13 =	vld [tilespmem:s19+$0x80D0]  }
0x1ad: {  	v14 =	vld [tilespmem:s19+$0xE0]  }
0x1ae: {  	v15 =	vld [tilespmem:s19+$0x80E0]  }
0x1af: {  	v16 =	vld [tilespmem:s19+$0xF0]  }
0x1b0: {  	v17 =	vld [tilespmem:s19+$0x80F0]  }
0x1b1: {  	v18 =	vld [tilespmem:s19+$0x480]  }
0x1b2: {  	v19 =	vld [tilespmem:s19+$0x8480]  }
0x1b3: {  	v20 =	vld [tilespmem:s19+$0x490]  }
0x1b4: {  	v21 =	vld [tilespmem:s19+$0x8490]  }
0x1b5: {  	v22 =	vld [tilespmem:s19+$0x4A0]  }
0x1b6: {  	v23 =	vld [tilespmem:s19+$0x84A0]  }
0x1b7: {  	v24 =	vld [tilespmem:s19+$0x4B0]  }
0x1b8: {  	v25 =	vld [tilespmem:s19+$0x84B0]  }
0x1b9: {  	v26 =	vld [tilespmem:s19+$0x4C0]  }
0x1ba: {  	v27 =	vld [tilespmem:s19+$0x84C0]  }
0x1bb: {  	v28 =	vld [tilespmem:s19+$0x4D0]  }
0x1bc: {  	v29 =	vld [tilespmem:s19+$0x84D0]  }
0x1bd: {  	v30 =	vld [tilespmem:s19+$0x4E0]  }
0x1be: {  	v31 =	vld [tilespmem:s19+$0x84E0]  }
0x1bf: {  	v32 =	vld [tilespmem:s19+$0x4F0]  }
0x1c0: {  	v33 =	vld [tilespmem:s19+$0x84F0]  }
0x1c1: {  	v34 =	vld [tilespmem:s19+$0x880]  }
0x1c2: {  	v35 =	vld [tilespmem:s19+$0x8880]  }
0x1c3: {  	v36 =	vld [tilespmem:s19+$0x890]  }
0x1c4: {  	v37 =	vld [tilespmem:s19+$0x8890]  }
0x1c5: {  	v38 =	vld [tilespmem:s19+$0x8A0]  }
0x1c6: {  	v39 =	vld [tilespmem:s19+$0x88A0]  }
0x1c7: {  	v40 =	vld [tilespmem:s19+$0x8B0]  }
0x1c8: {  	v41 =	vld [tilespmem:s19+$0x88B0]  }
0x1c9: {  	v42 =	vld [tilespmem:s19+$0x8C0]  }
0x1ca: {  	v43 =	vld [tilespmem:s19+$0x88C0]  }
0x1cb: {  	v44 =	vld [tilespmem:s19+$0x8D0]  }
0x1cc: {  	v45 =	vld [tilespmem:s19+$0x88D0]  }
0x1cd: {  	v46 =	vld [tilespmem:s19+$0x8E0]  }
0x1ce: {  	v47 =	vld [tilespmem:s19+$0x88E0]  }
0x1cf: {  	v48 =	vld [tilespmem:s19+$0x8F0]  }
0x1d0: {  	v49 =	vld [tilespmem:s19+$0x88F0]  }
0x1d1: {  	v50 =	vld [tilespmem:s19+$0xC80]  }
0x1d2: {  	v51 =	vld [tilespmem:s19+$0x8C80]  }
0x1d3: {  	v52 =	vld [tilespmem:s19+$0xC90]  }
0x1d4: {  	v53 =	vld [tilespmem:s19+$0x8C90]  }
0x1d5: {  	v54 =	vld [tilespmem:s19+$0xCA0]  }
0x1d6: {  	v55 =	vld [tilespmem:s19+$0x8CA0]  }
0x1d7: {  	v56 =	vld [tilespmem:s19+$0xCB0]  }
0x1d8: {  	v57 =	vld [tilespmem:s19+$0x8CB0]  }
0x1d9: {  	v58 =	vld [tilespmem:s19+$0xCC0]  }
0x1da: {  	v59 =	vld [tilespmem:s19+$0x8CC0]  }
0x1db: {  	v60 =	vld [tilespmem:s19+$0xCD0]  }
0x1dc: {  	v61 =	vld [tilespmem:s19+$0x8CD0]  }
0x1dd: {  	v62 =	vld [tilespmem:s19+$0xCE0]  }
0x1de: {  	v63 =	vld [tilespmem:s19+$0xCF0];
	v0 =	vadd.f32 v3, v0  }
0x1df: {  	v3 =	vld [tilespmem:s19+$0x8CE0];
	v4 =	vadd.f32 v5, v4  }
0x1e0: {  	v5 =	vadd.f32 v7, v6;
	v6 =	vadd.f32 v9, v8;
	v9 =	vld [tilespmem:s19+$0x90A0];
	[tilespmem:s19+$0x80] =	vst v0  }
0x1e1: {  	v7 =	vadd.f32 v11, v10;
	v10 =	vld [tilespmem:s19+$0x10B0];
	[tilespmem:s19+$0x90] =	vst v4  }
0x1e2: {  	v11 =	vld [tilespmem:s19+$0x90B0];
	[tilespmem:s19+$0xA0] =	vst v5  }
0x1e3: {  	v8 =	vadd.f32 v13, v12;
	v12 =	vld [tilespmem:s19+$0x10C0];
	[tilespmem:s19+$0xB0] =	vst v6  }
0x1e4: {  	v15 =	vadd.f32 v15, v14;
	v13 =	vld [tilespmem:s19+$0x90C0];
	[tilespmem:s19+$0xC0] =	vst v7  }
0x1e5: {  	v17 =	vadd.f32 v17, v16;
	v14 =	vld [tilespmem:s19+$0x10D0];
	[tilespmem:s19+$0xD0] =	vst v8  }
0x1e6: {  	v19 =	vadd.f32 v19, v18;
	v20 =	vadd.f32 v21, v20;
	v16 =	vld [tilespmem:s19+$0x10E0];
	[tilespmem:s19+$0xE0] =	vst v15  }
0x1e7: {  	v21 =	vadd.f32 v23, v22;
	v22 =	vadd.f32 v25, v24;
	v18 =	vld [tilespmem:s19+$0x10F0];
	[tilespmem:s19+$0xF0] =	vst v17  }
0x1e8: {  	v24 =	vadd.f32 v29, v28;
	v28 =	vadd.f32 v37, v36;
	v37 =	vld [tilespmem:s19+$0x94B0];
	[tilespmem:s19+$0x480] =	vst v19  }
0x1e9: {  	v23 =	vadd.f32 v27, v26;
	v29 =	vadd.f32 v39, v38;
	v39 =	vld [tilespmem:s19+$0x14C0];
	[tilespmem:s19+$0x490] =	vst v20  }
0x1ea: {  	v25 =	vadd.f32 v31, v30;
	v30 =	vadd.f32 v41, v40;
	v41 =	vld [tilespmem:s19+$0x94C0];
	[tilespmem:s19+$0x4A0] =	vst v21  }
0x1eb: {  	v31 =	vadd.f32 v43, v42;
	v43 =	vld [tilespmem:s19+$0x14D0];
	[tilespmem:s19+$0x4B0] =	vst v22  }
0x1ec: {  	v26 =	vadd.f32 v33, v32;
	v32 =	vadd.f32 v45, v44;
	v45 =	vld [tilespmem:s19+$0x94D0];
	[tilespmem:s19+$0x4C0] =	vst v23  }
0x1ed: {  	v33 =	vadd.f32 v47, v46;
	v46 =	vld [tilespmem:s19+$0x14E0];
	[tilespmem:s19+$0x4D0] =	vst v24  }
0x1ee: {  	v27 =	vadd.f32 v35, v34;
	v47 =	vld [tilespmem:s19+$0x94E0];
	[tilespmem:s19+$0x4E0] =	vst v25  }
0x1ef: {  	v34 =	vadd.f32 v49, v48;
	v48 =	vld [tilespmem:s19+$0x9890];
	[tilespmem:s19+$0x4F0] =	vst v26  }
0x1f0: {  	v35 =	vadd.f32 v51, v50;
	v50 =	vld [tilespmem:s19+$0x98A0];
	[tilespmem:s19+$0x880] =	vst v27  }
0x1f1: {  	v51 =	vld [tilespmem:s19+$0x18B0];
	[tilespmem:s19+$0x890] =	vst v28  }
0x1f2: {  	v36 =	vadd.f32 v53, v52;
	v53 =	vld [tilespmem:s19+$0x98B0];
	[tilespmem:s19+$0x8A0] =	vst v29  }
0x1f3: {  	v40 =	vadd.f32 v57, v56;
	v56 =	vld [tilespmem:s19+$0x18D0];
	[tilespmem:s19+$0x8B0] =	vst v30  }
0x1f4: {  	v42 =	vadd.f32 v59, v58;
	v58 =	vld [tilespmem:s19+$0x98D0];
	[tilespmem:s19+$0x8C0] =	vst v31  }
0x1f5: {  	v44 =	vadd.f32 v61, v60;
	v60 =	vld [tilespmem:s19+$0x18E0];
	[tilespmem:s19+$0x8D0] =	vst v32  }
0x1f6: {  	v0 =	vld [tilespmem:s19+$0x8CF0];
	[tilespmem:s19+$0x8E0] =	vst v33  }
0x1f7: {  	v4 =	vld [tilespmem:s19+$0x1080];
	[tilespmem:s19+$0x8F0] =	vst v34  }
0x1f8: {  	v38 =	vadd.f32 v55, v54;
	v5 =	vld [tilespmem:s19+$0x9080];
	[tilespmem:s19+$0xC80] =	vst v35  }
0x1f9: {  	v6 =	vld [tilespmem:s19+$0x1090];
	[tilespmem:s19+$0xC90] =	vst v36  }
0x1fa: {  	v7 =	vld [tilespmem:s19+$0x9090];
	[tilespmem:s19+$0xCA0] =	vst v38  }
0x1fb: {  	v8 =	vld [tilespmem:s19+$0x10A0];
	[tilespmem:s19+$0xCB0] =	vst v40  }
0x1fc: {  	v15 =	vld [tilespmem:s19+$0x90D0];
	[tilespmem:s19+$0xCC0] =	vst v42;
	v3 =	vadd.f32 v3, v62  }
0x1fd: {  	v19 =	vld [tilespmem:s19+$0x90F0];
	[tilespmem:s19+$0xCD0] =	vst v44;
	v57 =	vadd.f32 v41, v39  }
0x1fe: {  	v22 =	vld [tilespmem:s19+$0x1490];
	v59 =	vadd.f32 v45, v43;
	[tilespmem:s19+$0xCE0] =	vst v3  }
0x1ff: {  	v23 =	vld [tilespmem:s19+$0x9490];
	v61 =	vadd.f32 v47, v46;
	[tilespmem:s19+$0x14C0] =	vst v57  }
0x200: {  	v24 =	vld [tilespmem:s19+$0x14A0];
	v0 =	vadd.f32 v0, v63;
	[tilespmem:s19+$0x14D0] =	vst v59  }
0x201: {  	v25 =	vld [tilespmem:s19+$0x94A0];
	v3 =	vadd.f32 v5, v4;
	[tilespmem:s19+$0x14E0] =	vst v61  }
0x202: {  	v17 =	vld [tilespmem:s19+$0x90E0];
	v4 =	vadd.f32 v7, v6;
	[tilespmem:s19+$0xCF0] =	vst v0  }
0x203: {  	v20 =	vld [tilespmem:s19+$0x1480];
	v6 =	vadd.f32 v11, v10;
	[tilespmem:s19+$0x1080] =	vst v3  }
0x204: {  	v26 =	vld [tilespmem:s19+$0x14B0];
	v49 =	vadd.f32 v19, v18;
	[tilespmem:s19+$0x1090] =	vst v4  }
0x205: {  	v5 =	vld [tilespmem:s19+$0x94F0];
	v52 =	vadd.f32 v23, v22;
	[tilespmem:s19+$0x10B0] =	vst v6  }
0x206: {  	v7 =	vld [tilespmem:s19+$0x9880];
	v54 =	vadd.f32 v25, v24;
	[tilespmem:s19+$0x10F0] =	vst v49  }
0x207: {  	v0 =	vld [tilespmem:s19+$0x14F0];
	v3 =	vadd.f32 v9, v8;
	[tilespmem:s19+$0x1490] =	vst v52  }
0x208: {  	v4 =	vld [tilespmem:s19+$0x1880];
	v8 =	vadd.f32 v15, v14;
	[tilespmem:s19+$0x14A0] =	vst v54  }
0x209: {  	v21 =	vld [tilespmem:s19+$0x9480];
	[tilespmem:s19+$0x10A0] =	vst v3;
	v3 =	vadd.f32 v13, v12  }
0x20a: {  	v55 =	vadd.f32 v37, v26;
	v6 =	vld [tilespmem:s19+$0x1890];
	[tilespmem:s19+$0x10D0] =	vst v8  }
0x20b: {  	v8 =	vld [tilespmem:s19+$0x18A0];
	[tilespmem:s19+$0x10C0] =	vst v3;
	v3 =	vadd.f32 v17, v16  }
0x20c: {  	v62 =	vld [tilespmem:s19+$0x98E0];
	[tilespmem:s19+$0x14B0] =	vst v55;
	v0 =	vadd.f32 v5, v0  }
0x20d: {  	v63 =	vld [tilespmem:s19+$0x18F0];
	v4 =	vadd.f32 v7, v4;
	[tilespmem:s19+$0x10E0] =	vst v3  }
0x20e: {  	v3 =	vadd.f32 v21, v20;
	[tilespmem:s19+$0x14F0] =	vst v0;
	v0 =	vld [tilespmem:s19+$0x98F0]  }
0x20f: {  	v5 =	vadd.f32 v48, v6;
	[tilespmem:s19+$0x1880] =	vst v4;
	v4 =	vld [tilespmem:s19+$0x98C0]  }
0x210: {  	v6 =	vadd.f32 v50, v8;
	[tilespmem:s19+$0x1480] =	vst v3;
	v3 =	vld [tilespmem:s19+$0x18C0]  }
0x211: {  	[tilespmem:s19+$0x1890] =	vst v5;
	v5 =	vadd.f32 v53, v51  }
0x212: {  	s25 =	sand.u32 $0x7, s18;
	[tilespmem:s19+$0x18A0] =	vst v6;
	v6 =	vadd.f32 v58, v56  }
0x213: {  	s23 =	sshll.u32 s25, $0x7;
	[tilespmem:s19+$0x18B0] =	vst v5;
	v5 =	vadd.f32 v62, v60  }
0x214: {  	s20 =	simm.s32 $0xFFFF8000;
	s21 =	simm.s32 $0x80;
	s22 =	simm.s32 $0x0;
	[tilespmem:s19+$0x18D0] =	vst v6;
	v6 =	vadd.f32 v0, v63  }
.LBB2_4:
0x215: {  	p0 =	sne.s32 s21, $0xF80;
	s23 =	sadd.s32 s23, s18;
	v0 =	vadd.f32 v4, v3;
	[tilespmem:s19+$0x18E0] =	vst v5;
	s20 =	sadd.s32 $0x400, s20  }
0x216: {  	s4 =	sadd.s32 $0x8000, s20;
	[tilespmem:s19+$0x18F0] =	vst v6;
	s24 =	sor.u32 $0x1C00, s23  }
0x217: {  	s25 =	sand.u32 $0x380, s21;
	s4 =	sand.u32 $0x6000, s4;
	[tilespmem:s19+$0x18C0] =	vst v0;
	v0 =	vld [tilespmem:s24+$0x80]  }
0x218: {  	s19 =	sor.u32 s25, s4;
	v7 =	vld [tilespmem:s24+$0x8080]  }
0x219: {  	v3 =	vld [tilespmem:s19+$0x80]  }
0x21a: {  	v6 =	vld [tilespmem:s19+$0x8080]  }
0x21b: {  	v4 =	vld [tilespmem:s19+$0x90]  }
0x21c: {  	v8 =	vld [tilespmem:s19+$0x8090]  }
0x21d: {  	v5 =	vld [tilespmem:s19+$0xA0];
	v0 =	vadd.f32 v7, v0  }
0x21e: {  	v9 =	vld [tilespmem:s19+$0x80A0]  }
0x21f: {  	s4 =	sor.u32 $0x1C10, s23;
	v7 =	vld [tilespmem:s19+$0xB0];
	[tilespmem:s24+$0x80] =	vst v0  }
0x220: {  	v0 =	vld [tilespmem:s4+$0x80]  }
0x221: {  	v12 =	vld [tilespmem:s4+$0x8080]  }
0x222: {  	v13 =	vld [tilespmem:s19+$0x80B0]  }
0x223: {  	v10 =	vld [tilespmem:s19+$0xC0]  }
0x224: {  	v14 =	vld [tilespmem:s19+$0x80C0]  }
0x225: {  	v11 =	vld [tilespmem:s19+$0xD0]  }
0x226: {  	v15 =	vld [tilespmem:s19+$0x80D0];
	v0 =	vadd.f32 v12, v0  }
0x227: {  	v12 =	vld [tilespmem:s19+$0xE0]  }
0x228: {  	v16 =	vld [tilespmem:s19+$0x80E0];
	[tilespmem:s4+$0x80] =	vst v0;
	s4 =	sor.u32 $0x1C20, s23  }
0x229: {  	v0 =	vld [tilespmem:s4+$0x80]  }
0x22a: {  	v20 =	vld [tilespmem:s4+$0x8080]  }
0x22b: {  	v17 =	vld [tilespmem:s19+$0xF0]  }
0x22c: {  	v21 =	vld [tilespmem:s19+$0x80F0]  }
0x22d: {  	v18 =	vld [tilespmem:s19+$0x480]  }
0x22e: {  	v22 =	vld [tilespmem:s19+$0x8480]  }
0x22f: {  	v19 =	vld [tilespmem:s19+$0x490];
	v0 =	vadd.f32 v20, v0  }
0x230: {  	v23 =	vld [tilespmem:s19+$0x8490]  }
0x231: {  	v20 =	vld [tilespmem:s19+$0x4A0];
	[tilespmem:s4+$0x80] =	vst v0;
	s4 =	sor.u32 $0x1C30, s23  }
0x232: {  	v0 =	vld [tilespmem:s4+$0x80]  }
0x233: {  	v26 =	vld [tilespmem:s4+$0x8080]  }
0x234: {  	v27 =	vld [tilespmem:s19+$0x84A0]  }
0x235: {  	v24 =	vld [tilespmem:s19+$0x4B0]  }
0x236: {  	v28 =	vld [tilespmem:s19+$0x84B0]  }
0x237: {  	v25 =	vld [tilespmem:s19+$0x4C0]  }
0x238: {  	v29 =	vld [tilespmem:s19+$0x84C0];
	v0 =	vadd.f32 v26, v0  }
0x239: {  	v26 =	vld [tilespmem:s19+$0x4D0]  }
0x23a: {  	v30 =	vld [tilespmem:s19+$0x84D0];
	[tilespmem:s4+$0x80] =	vst v0;
	s4 =	sor.u32 $0x1C40, s23  }
0x23b: {  	v0 =	vld [tilespmem:s4+$0x80]  }
0x23c: {  	v34 =	vld [tilespmem:s4+$0x8080]  }
0x23d: {  	v31 =	vld [tilespmem:s19+$0x4E0]  }
0x23e: {  	v35 =	vld [tilespmem:s19+$0x84E0]  }
0x23f: {  	v32 =	vld [tilespmem:s19+$0x4F0]  }
0x240: {  	v36 =	vld [tilespmem:s19+$0x84F0]  }
0x241: {  	v33 =	vld [tilespmem:s19+$0x880];
	v0 =	vadd.f32 v34, v0  }
0x242: {  	v37 =	vld [tilespmem:s19+$0x8880]  }
0x243: {  	v34 =	vld [tilespmem:s19+$0x890];
	[tilespmem:s4+$0x80] =	vst v0;
	s4 =	sor.u32 $0x1C50, s23  }
0x244: {  	v0 =	vld [tilespmem:s4+$0x80]  }
0x245: {  	v40 =	vld [tilespmem:s4+$0x8080]  }
0x246: {  	v41 =	vld [tilespmem:s19+$0x8890]  }
0x247: {  	v38 =	vld [tilespmem:s19+$0x8A0]  }
0x248: {  	v42 =	vld [tilespmem:s19+$0x88A0]  }
0x249: {  	v39 =	vld [tilespmem:s19+$0x8B0]  }
0x24a: {  	v43 =	vld [tilespmem:s19+$0x88B0];
	v0 =	vadd.f32 v40, v0  }
0x24b: {  	v40 =	vld [tilespmem:s19+$0x8C0]  }
0x24c: {  	v44 =	vld [tilespmem:s19+$0x88C0];
	[tilespmem:s4+$0x80] =	vst v0;
	s4 =	sor.u32 $0x1C60, s23  }
0x24d: {  	v0 =	vld [tilespmem:s4+$0x80]  }
0x24e: {  	v48 =	vld [tilespmem:s4+$0x8080]  }
0x24f: {  	v45 =	vld [tilespmem:s19+$0x8D0]  }
0x250: {  	v49 =	vld [tilespmem:s19+$0x88D0]  }
0x251: {  	v46 =	vld [tilespmem:s19+$0x8E0]  }
0x252: {  	v50 =	vld [tilespmem:s19+$0x88E0]  }
0x253: {  	v47 =	vld [tilespmem:s19+$0x8F0];
	v0 =	vadd.f32 v48, v0  }
0x254: {  	v51 =	vld [tilespmem:s19+$0x88F0]  }
0x255: {  	v48 =	vld [tilespmem:s19+$0xC80];
	[tilespmem:s4+$0x80] =	vst v0;
	s4 =	sor.u32 $0x1C70, s23  }
0x256: {  	v0 =	vld [tilespmem:s4+$0x80]  }
0x257: {  	v52 =	vld [tilespmem:s4+$0x8080]  }
0x258: {  	v53 =	vld [tilespmem:s19+$0x8C80]  }
0x259: {  	v54 =	vld [tilespmem:s19+$0xC90]  }
0x25a: {  	v55 =	vld [tilespmem:s19+$0x8C90]  }
0x25b: {  	v56 =	vld [tilespmem:s19+$0xCA0]  }
0x25c: {  	v57 =	vld [tilespmem:s19+$0x8CA0];
	v0 =	vadd.f32 v52, v0  }
0x25d: {  	v52 =	vld [tilespmem:s19+$0xCB0]  }
0x25e: {  	v58 =	vld [tilespmem:s19+$0x8CB0];
	[tilespmem:s4+$0x80] =	vst v0  }
0x25f: {  	v0 =	vld [tilespmem:s19+$0xCC0]  }
0x260: {  	v59 =	vld [tilespmem:s19+$0x8CC0]  }
0x261: {  	v60 =	vld [tilespmem:s19+$0xCD0]  }
0x262: {  	v61 =	vld [tilespmem:s19+$0x8CD0]  }
0x263: {  	v62 =	vld [tilespmem:s19+$0xCE0]  }
0x264: {  	v3 =	vadd.f32 v6, v3;
	v6 =	vld [tilespmem:s19+$0x8CE0]  }
0x265: {  	v4 =	vadd.f32 v8, v4;
	v8 =	vld [tilespmem:s19+$0xCF0]  }
0x266: {  	[tilespmem:s19+$0x80] =	vst v3;
	v3 =	vadd.f32 v9, v5;
	v5 =	vld [tilespmem:s19+$0x8CF0]  }
0x267: {  	[tilespmem:s19+$0x90] =	vst v4;
	v4 =	vadd.f32 v13, v7;
	v7 =	vld [tilespmem:s19+$0x1080]  }
0x268: {  	[tilespmem:s19+$0xA0] =	vst v3;
	v3 =	vadd.f32 v14, v10;
	v9 =	vld [tilespmem:s19+$0x9080]  }
0x269: {  	[tilespmem:s19+$0xB0] =	vst v4;
	v4 =	vadd.f32 v15, v11;
	v10 =	vld [tilespmem:s19+$0x1090]  }
0x26a: {  	[tilespmem:s19+$0xC0] =	vst v3;
	v3 =	vadd.f32 v16, v12;
	v11 =	vld [tilespmem:s19+$0x9090]  }
0x26b: {  	[tilespmem:s19+$0xD0] =	vst v4;
	v4 =	vadd.f32 v21, v17;
	v12 =	vld [tilespmem:s19+$0x10A0]  }
0x26c: {  	[tilespmem:s19+$0xE0] =	vst v3;
	v3 =	vadd.f32 v22, v18;
	v13 =	vld [tilespmem:s19+$0x90A0]  }
0x26d: {  	[tilespmem:s19+$0xF0] =	vst v4;
	v4 =	vadd.f32 v23, v19;
	v14 =	vld [tilespmem:s19+$0x10B0]  }
0x26e: {  	[tilespmem:s19+$0x480] =	vst v3;
	v3 =	vadd.f32 v27, v20;
	v15 =	vld [tilespmem:s19+$0x90B0]  }
0x26f: {  	[tilespmem:s19+$0x490] =	vst v4;
	v4 =	vadd.f32 v28, v24;
	v16 =	vld [tilespmem:s19+$0x10C0]  }
0x270: {  	[tilespmem:s19+$0x4A0] =	vst v3;
	v3 =	vadd.f32 v29, v25;
	v17 =	vld [tilespmem:s19+$0x90C0]  }
0x271: {  	[tilespmem:s19+$0x4B0] =	vst v4;
	v4 =	vadd.f32 v30, v26;
	v18 =	vld [tilespmem:s19+$0x10D0]  }
0x272: {  	[tilespmem:s19+$0x4C0] =	vst v3;
	v3 =	vadd.f32 v35, v31;
	v19 =	vld [tilespmem:s19+$0x90D0]  }
0x273: {  	[tilespmem:s19+$0x4D0] =	vst v4;
	v4 =	vadd.f32 v36, v32;
	v20 =	vld [tilespmem:s19+$0x10E0]  }
0x274: {  	[tilespmem:s19+$0x4E0] =	vst v3;
	v3 =	vadd.f32 v37, v33;
	v21 =	vld [tilespmem:s19+$0x90E0]  }
0x275: {  	[tilespmem:s19+$0x4F0] =	vst v4;
	v4 =	vadd.f32 v41, v34;
	v22 =	vld [tilespmem:s19+$0x10F0]  }
0x276: {  	[tilespmem:s19+$0x880] =	vst v3;
	v3 =	vadd.f32 v42, v38;
	v23 =	vld [tilespmem:s19+$0x90F0]  }
0x277: {  	[tilespmem:s19+$0x890] =	vst v4;
	v4 =	vadd.f32 v43, v39;
	v24 =	vld [tilespmem:s19+$0x1480]  }
0x278: {  	[tilespmem:s19+$0x8A0] =	vst v3;
	v3 =	vadd.f32 v44, v40;
	v25 =	vld [tilespmem:s19+$0x9480]  }
0x279: {  	[tilespmem:s19+$0x8B0] =	vst v4;
	v4 =	vadd.f32 v49, v45;
	v26 =	vld [tilespmem:s19+$0x1490]  }
0x27a: {  	[tilespmem:s19+$0x8C0] =	vst v3;
	v3 =	vadd.f32 v50, v46;
	v27 =	vld [tilespmem:s19+$0x9490]  }
0x27b: {  	[tilespmem:s19+$0x8D0] =	vst v4;
	v4 =	vadd.f32 v51, v47;
	v28 =	vld [tilespmem:s19+$0x14A0]  }
0x27c: {  	[tilespmem:s19+$0x8E0] =	vst v3;
	v3 =	vadd.f32 v53, v48;
	v29 =	vld [tilespmem:s19+$0x94A0]  }
0x27d: {  	[tilespmem:s19+$0x8F0] =	vst v4;
	v4 =	vadd.f32 v55, v54;
	v30 =	vld [tilespmem:s19+$0x14B0]  }
0x27e: {  	[tilespmem:s19+$0xC80] =	vst v3;
	v3 =	vadd.f32 v57, v56;
	v31 =	vld [tilespmem:s19+$0x94B0]  }
0x27f: {  	[tilespmem:s19+$0xC90] =	vst v4;
	v4 =	vadd.f32 v58, v52;
	v32 =	vld [tilespmem:s19+$0x14C0]  }
0x280: {  	v0 =	vadd.f32 v59, v0;
	[tilespmem:s19+$0xCA0] =	vst v3;
	v33 =	vld [tilespmem:s19+$0x94C0]  }
0x281: {  	v3 =	vadd.f32 v61, v60;
	[tilespmem:s19+$0xCB0] =	vst v4;
	v4 =	vld [tilespmem:s19+$0x14D0]  }
0x282: {  	[tilespmem:s19+$0xCC0] =	vst v0;
	v0 =	vadd.f32 v6, v62;
	v6 =	vld [tilespmem:s19+$0x94D0]  }
0x283: {  	[tilespmem:s19+$0xCD0] =	vst v3;
	v3 =	vadd.f32 v5, v8;
	v5 =	vld [tilespmem:s19+$0x14E0]  }
0x284: {  	[tilespmem:s19+$0xCE0] =	vst v0;
	v0 =	vadd.f32 v9, v7;
	v7 =	vld [tilespmem:s19+$0x94E0]  }
0x285: {  	[tilespmem:s19+$0xCF0] =	vst v3;
	v3 =	vadd.f32 v11, v10;
	v8 =	vld [tilespmem:s19+$0x14F0]  }
0x286: {  	[tilespmem:s19+$0x1080] =	vst v0;
	v0 =	vadd.f32 v13, v12;
	v9 =	vld [tilespmem:s19+$0x94F0]  }
0x287: {  	[tilespmem:s19+$0x1090] =	vst v3;
	v3 =	vadd.f32 v15, v14;
	v10 =	vld [tilespmem:s19+$0x1880]  }
0x288: {  	[tilespmem:s19+$0x10A0] =	vst v0;
	v0 =	vadd.f32 v17, v16;
	v11 =	vld [tilespmem:s19+$0x9880]  }
0x289: {  	[tilespmem:s19+$0x10B0] =	vst v3;
	v3 =	vadd.f32 v19, v18;
	v12 =	vld [tilespmem:s19+$0x1890]  }
0x28a: {  	[tilespmem:s19+$0x10C0] =	vst v0;
	v0 =	vadd.f32 v21, v20;
	v13 =	vld [tilespmem:s19+$0x9890]  }
0x28b: {  	[tilespmem:s19+$0x10D0] =	vst v3;
	v3 =	vadd.f32 v23, v22;
	v14 =	vld [tilespmem:s19+$0x18A0]  }
0x28c: {  	[tilespmem:s19+$0x10E0] =	vst v0;
	v0 =	vadd.f32 v25, v24;
	v15 =	vld [tilespmem:s19+$0x98A0]  }
0x28d: {  	[tilespmem:s19+$0x10F0] =	vst v3;
	v3 =	vadd.f32 v27, v26;
	v16 =	vld [tilespmem:s19+$0x18B0]  }
0x28e: {  	[tilespmem:s19+$0x1480] =	vst v0;
	v0 =	vadd.f32 v29, v28;
	v17 =	vld [tilespmem:s19+$0x98B0]  }
0x28f: {  	v18 =	vadd.f32 v31, v30;
	[tilespmem:s19+$0x1490] =	vst v3;
	v3 =	vld [tilespmem:s19+$0x18C0]  }
0x290: {  	[tilespmem:s19+$0x14A0] =	vst v0;
	v0 =	vadd.f32 v33, v32;
	v19 =	vld [tilespmem:s19+$0x18D0]  }
0x291: {  	v4 =	vadd.f32 v6, v4;
	[tilespmem:s19+$0x14B0] =	vst v18;
	v6 =	vld [tilespmem:s19+$0x98D0]  }
0x292: {  	[tilespmem:s19+$0x14C0] =	vst v0;
	v0 =	vadd.f32 v7, v5;
	v5 =	vld [tilespmem:s19+$0x18E0]  }
0x293: {  	[tilespmem:s19+$0x14D0] =	vst v4;
	v4 =	vadd.f32 v9, v8;
	v7 =	vld [tilespmem:s19+$0x98E0]  }
0x294: {  	[tilespmem:s19+$0x14E0] =	vst v0;
	v0 =	vadd.f32 v11, v10;
	v8 =	vld [tilespmem:s19+$0x18F0]  }
0x295: {  	v9 =	vadd.f32 v13, v12;
	[tilespmem:s19+$0x14F0] =	vst v4;
	v10 =	vld [tilespmem:s19+$0x98F0]  }
.Ltmp1:
0x296: {  	[tilespmem:s19+$0x1880] =	vst v0;
	v0 =	vadd.f32 v15, v14;
	v4 =	vld [tilespmem:s19+$0x98C0];
	(pc) =	sbr.rel @p0 .LBB2_4-.Ltmp1, $4  }
0x297: {  	[tilespmem:s19+$0x1890] =	vst v9;
	v9 =	vadd.f32 v17, v16  }
0x298: {  	s22 =	sadd.s32 $0x1, s22;
	[tilespmem:s19+$0x18A0] =	vst v0;
	v0 =	vadd.f32 v6, v19  }
0x299: {  	s4 =	sand.u32 $0x7, s22;
	v5 =	vadd.f32 v7, v5;
	[tilespmem:s19+$0x18B0] =	vst v9  }
0x29a: {  	s21 =	sadd.s32 $0x80, s21;
	s18 =	sadd.s32 $0x400, s18;
	s23 =	sshll.u32 s4, $0x7;
	[tilespmem:s19+$0x18D0] =	vst v0;
	v6 =	vadd.f32 v10, v8  }
0x29b: {  	v0 =	vadd.f32 v4, v3;
	[tilespmem:s19+$0x18E0] =	vst v5  }
0x29c: {  	s4 =	sadd.s32 s23, s18;
	[tilespmem:s19+$0x18F0] =	vst v6  }
0x29d: {  	s18 =	sor.u32 $0x1C00, s4;
	[tilespmem:s19+$0x18C0] =	vst v0  }
0x29e: {  	v0 =	vld [tilespmem:s18+$0x80]  }
0x29f: {  	v3 =	vld [tilespmem:s18+$0x8080];
	_ =	sdelay $0x4  }
0x2a0: {  	v0 =	vadd.f32 v3, v0;
	_ =	sdelay $0x1  }
0x2a1: {  	s20 =	sor.u32 $0x1C10, s4;
	[tilespmem:s18+$0x80] =	vst v0  }
0x2a2: {  	v0 =	vld [tilespmem:s20+$0x80]  }
0x2a3: {  	v3 =	vld [tilespmem:s20+$0x8080];
	_ =	sdelay $0x4  }
0x2a4: {  	v0 =	vadd.f32 v3, v0;
	_ =	sdelay $0x1  }
0x2a5: {  	s21 =	sor.u32 $0x1C20, s4;
	[tilespmem:s20+$0x80] =	vst v0  }
0x2a6: {  	v0 =	vld [tilespmem:s21+$0x80]  }
0x2a7: {  	v3 =	vld [tilespmem:s21+$0x8080];
	_ =	sdelay $0x4  }
0x2a8: {  	v0 =	vadd.f32 v3, v0;
	_ =	sdelay $0x1  }
0x2a9: {  	s22 =	sor.u32 $0x1C30, s4;
	[tilespmem:s21+$0x80] =	vst v0  }
0x2aa: {  	v0 =	vld [tilespmem:s22+$0x80]  }
0x2ab: {  	v3 =	vld [tilespmem:s22+$0x8080];
	_ =	sdelay $0x4  }
0x2ac: {  	v0 =	vadd.f32 v3, v0;
	_ =	sdelay $0x1  }
0x2ad: {  	s23 =	sor.u32 $0x1C40, s4;
	[tilespmem:s22+$0x80] =	vst v0  }
0x2ae: {  	v0 =	vld [tilespmem:s23+$0x80]  }
0x2af: {  	v3 =	vld [tilespmem:s23+$0x8080];
	_ =	sdelay $0x4  }
0x2b0: {  	v0 =	vadd.f32 v3, v0;
	_ =	sdelay $0x1  }
0x2b1: {  	s24 =	sor.u32 $0x1C50, s4;
	[tilespmem:s23+$0x80] =	vst v0  }
0x2b2: {  	v0 =	vld [tilespmem:s24+$0x80]  }
0x2b3: {  	v3 =	vld [tilespmem:s24+$0x8080];
	_ =	sdelay $0x4  }
0x2b4: {  	v0 =	vadd.f32 v3, v0;
	_ =	sdelay $0x1  }
0x2b5: {  	s25 =	sor.u32 $0x1C60, s4;
	[tilespmem:s24+$0x80] =	vst v0  }
0x2b6: {  	v0 =	vld [tilespmem:s25+$0x80]  }
0x2b7: {  	v3 =	vld [tilespmem:s25+$0x8080];
	_ =	sdelay $0x4  }
0x2b8: {  	v0 =	vadd.f32 v3, v0;
	_ =	sdelay $0x1  }
0x2b9: {  	s4 =	sor.u32 $0x1C70, s4;
	[tilespmem:s25+$0x80] =	vst v0  }
0x2ba: {  	v0 =	vld [tilespmem:s4+$0x80]  }
0x2bb: {  	v3 =	vld [tilespmem:s4+$0x8080];
	_ =	sdelay $0x4  }
0x2bc: {  	s17 =	sadd.s32 $0x1, s17;
	v0 =	vadd.f32 v3, v0  }
0x2bd: {  	p0 =	sne.s32 s17, s13  }
.Ltmp2:
0x2be: {  	[tilespmem:s4+$0x80] =	vst v0;
	(pc) =	sbr.rel @p0 .LBB2_1-.Ltmp2, $4  }
0x2bf: {  	[hbm4b:s12+s2] =	stream.linear.scatter [tilespmem:s16], [sflag:$0x3], $0x8000, $0x38;
	[tilespmem:$0x10080] =	vst v63  }
0x2c0: {  	_ =	swait.ge [sflag:s14], $0x8000  }
0x2c1: {  	[sflag:s14] =	ssyncset.done $0x0  }
0x2c2: {  	[sflag:s14] =	ssyncadd.s32 $0xFFFF8000  }
0x2c3: {  	_ =	sfence.sel $0x180000  }
0x2c4: {  	[bflag:$0x0] =	sbarrier.arrive $0xFFFF  }
0x2c5: {  	_ =	strace $0x9000004A  }
0x2c6: {  	s0 =	stileid.u32;
	[bflag:$0x2] =	sbarrier.arrive $0xFFFF  }
0x2c7: {  	p0 =	sne.s32 s0, $0x0;
	s0 =	rddreg [dreg:$0x2]  }
0x2c8: {  	s0 =	sadd.s32 @!p0 $0x100000, s0  }
0x2c9: {  	[sflag:s0] =	ssyncadd.tile.s32 @!p0 $0x1;
	_ =	shalt  }
.Lfunc_end2:
_tile_overlayer_lowered:
.L_overlay_start_2:
0x2ca: {  	(tag) =	ssettag $0x2  }
0x2cb: {  	s0 =	rddreg [dreg:$0x0];
	s2 =	stileid.u32  }
0x2cc: {  	s1 =	rddreg [dreg:$0x1];
	p0 =	sne.s32 s2, $0x0  }
0x2cd: {  	s3 =	rddreg [dreg:$0x2];
	[bflag:$0x3] =	sbarrier.arrive $0xFFFF;
	s2 =	simm.s32 @!p0 $0x1C03  }
0x2ce: {  	[timem:s3], [sflag:s2] =	dma.local @!p0 [hbm:s0], s1  }
0x2cf: {  	s0 =	simm.s32 @!p0 $0x3  }
0x2d0: {  	_ =	swait.ge @!p0 [sflag:s0], s1  }
0x2d1: {  	s1 =	ssub.s32 @!p0 $0x0, s1;
	[sflag:s0] =	ssyncset.done @!p0 $0x0  }
0x2d2: {  	[sflag:s0] =	ssyncadd.s32 @!p0 s1  }
0x2d3: {  	[bflag:$0x3] =	sbarrier.arrive $0xFFFF  }
0x2d4: {  	_ =	shalt  }

</sc_bundles>
